<compile_context>
chip_gen: v7x
topology: tpu7x:2x2x1
jax: 0.10.2.dev20260603
libtpu: 0.0.44.dev20260713+nightly
codegen_flags: <defaults>
</compile_context>

<pallas_src>
import functools

import jax
import jax.numpy as jnp
from jax import lax
from jax.experimental import pallas as pl
from jax.experimental.pallas import tpu as pltpu
from jax.experimental.pallas import tpu_sc as plsc

NC, NS, L = 2, 16, 16
NW = NC * NS

ROWS_PER_CHUNK = 4


@functools.lru_cache(maxsize=None)
def _gather_fn(B, S, D):
    n_b = B // NW
    n_chunks = n_b // ROWS_PER_CHUNK
    n_flat = n_b * S
    assert B == NW * n_b and n_b == n_chunks * ROWS_PER_CHUNK
    assert n_flat % L == 0 and (S % 8) == 0
    splits = []
    off = 0
    while off < S:
        g = min(128, S - off)
        splits.append((off, g))
        off += g
    mesh = plsc.VectorSubcoreMesh(core_axis_name="c", subcore_axis_name="s")

    @functools.partial(
        pl.kernel,
        mesh=mesh,
        compiler_params=pltpu.CompilerParams(use_tc_tiling_on_sc=False),
        out_type=jax.ShapeDtypeStruct((B, S, D), jnp.float32),
        scratch_types=[
            pltpu.VMEM((n_flat,), jnp.int32),
            pltpu.VMEM((ROWS_PER_CHUNK, S, 2 * D), jnp.float32),
            pltpu.VMEM((L,), jnp.int32),
            pltpu.SemaphoreType.DMA,
            pltpu.SemaphoreType.DMA,
        ],
    )
    def gather_kernel(table_hbm, idx_hbm, seqlen_hbm, out_hbm,
                      idx_v, rows_v, seql_v, sem, sem2):
        wid = lax.axis_index("s") * NC + lax.axis_index("c")
        b0 = wid * n_b
        stage = [pltpu.async_copy(idx_hbm.at[b0 + i],
                                  idx_v.at[pl.ds(i * S, S)], sem2)
                 for i in range(n_b)]
        pltpu.sync_copy(seqlen_hbm, seql_v)
        for h in stage:
            h.wait()
        seql = seql_v[...]
        lane = lax.iota(jnp.int32, L)

        def fix(k, carry):
            v = idx_v[pl.ds(k * L, L)]
            col = lax.rem(k * L + lane, S)
            idx_v[pl.ds(k * L, L)] = jnp.where(col < seql, v + 1,
                                               jnp.zeros_like(v))
            return carry

        lax.fori_loop(0, n_flat // L, fix, 0)

        for c in range(n_chunks):
            handles = []
            for i in range(ROWS_PER_CHUNK):
                flat0 = (c * ROWS_PER_CHUNK + i) * S
                for (off, g) in splits:
                    handles.append(pltpu.async_copy(
                        table_hbm.at[idx_v.at[pl.ds(flat0 + off, g)]],
                        rows_v.at[i, pl.ds(off, g)], sem))
            for h in handles:
                h.wait()
            pltpu.sync_copy(
                rows_v.at[:, :, pl.ds(0, D)],
                out_hbm.at[pl.ds(b0 + c * ROWS_PER_CHUNK, ROWS_PER_CHUNK)])

    return gather_kernel


def kernel(text, seq_len, text_embed_weight):
    B, S = text.shape
    D = text_embed_weight.shape[1]
    tpad = jnp.pad(text_embed_weight, ((0, 7), (0, D)))
    seql_vec = jnp.full((L,), seq_len, dtype=jnp.int32)
    return _gather_fn(B, S, D)(tpad, text, seql_vec)

# --- scband reference (transcript-rebuilt; emitter-appended) ---
"""Pipeline reference for scband-text-embedding-11836929868626 (READ-ONLY COPY).

The authoritative reference and input builder live on the scoring server;
editing this copy changes nothing except your own understanding.
"""

import jax, jax.numpy as jnp
import numpy as np

TEXT_NUM_EMBEDS = 1000000
TEXT_DIM = 64
BATCH = 1024
SEQ_LEN = 200

def setup_inputs(seed: int = 0) -> dict:
    key = jax.random.key(seed)
    k1, k2 = jax.random.split(key)
    text = jax.random.randint(k1, (BATCH, SEQ_LEN), 0, TEXT_NUM_EMBEDS, dtype=jnp.int32)
    # nn.Embedding(text_num_embeds + 1, text_dim), default init N(0, 1)
    text_embed_weight = jax.random.normal(k2, (TEXT_NUM_EMBEDS + 1, TEXT_DIM), dtype=jnp.float32)
    return {"text": text, "seq_len": SEQ_LEN, "text_embed_weight": text_embed_weight}

def reference(text, seq_len, text_embed_weight):
    # text = text + 1 (shift so 0 becomes padding id)
    t = text + 1
    # truncate to seq_len then pad with 0 up to seq_len; since the static width
    # equals text.shape[1], this is equivalent to zeroing positions >= seq_len
    col = jnp.arange(t.shape[1], dtype=jnp.int32)
    t = jnp.where(col[None, :] < seq_len, t, 0)
    # mask_padding=True computes text_mask = (t == 0), but with conv_layers=0 and
    # average_upsampling=False it is unused downstream.
    # drop_text=False, num_languages=None -> plain embedding lookup
    out = jnp.take(text_embed_weight, t, axis=0)
    return out

if __name__ == "__main__":
    import jax
    _d = setup_inputs()
    print(jax.jit(kernel)(*tuple(_d.values())))

</pallas_src>

<mosaic_0001>
#map = affine_map<(d0, d1) -> (0, 0)>
#map1 = affine_map<(d0, d1) -> (0)>
#map2 = affine_map<(d0, d1) -> (0, 0, 0)>
module attributes {stable_mosaic.version = 14 : i64} {
  func.func @gather_kernel(%arg0: i32, %arg1: i32, %arg2: memref<1000008x128xf32, #tpu.memory_space<hbm>>, %arg3: memref<1024x200xi32, #tpu.memory_space<hbm>>, %arg4: memref<16xi32, #tpu.memory_space<hbm>>, %arg5: memref<1024x200x64xf32, #tpu.memory_space<hbm>>, %arg6: memref<6400xi32, #tpu.memory_space<vmem>>, %arg7: memref<4x200x128xf32, #tpu.memory_space<vmem>>, %arg8: memref<16xi32, #tpu.memory_space<vmem>>, %arg9: memref<!tpu.dma_semaphore, #tpu.memory_space<semaphore_mem>>, %arg10: memref<!tpu.dma_semaphore, #tpu.memory_space<semaphore_mem>>) attributes {dimension_semantics = [#tpu.dimension_semantics<core_parallel>, #tpu.dimension_semantics<subcore_parallel>], iteration_bounds = array<i64: 2, 16>, scalar_prefetch = 0 : i64, scratch_operands = 5 : i64, tpu.core_type = #tpu.core_type<sc_vector_subcore>, window_params = [{transform_indices = #map}, {transform_indices = #map}, {transform_indices = #map1}, {transform_indices = #map2}]} {
    %mul3A = arith.constant 2 : i32
    %mul3A_0 = arith.muli %arg1, %mul3A : i32
    %add3A = arith.addi %mul3A_0, %arg0 : i32
    %mul3A_1 = arith.constant 32 : i32
    %mul3A_2 = arith.muli %add3A, %mul3A_1 : i32
    %add3A_3 = arith.constant 0 : i32
    %add3A_4 = arith.addi %mul3A_2, %add3A_3 : i32
    %dma_start3A = arith.constant 0 : i32
    %dma_start3A_5 = tpu.memref_slice %arg6[%dma_start3A] : memref<6400xi32, #tpu.memory_space<vmem>> -> memref<200xi32, #tpu.memory_space<vmem>>
    %dma_start3A_6 = arith.constant 0 : i32
    %dma_start3A_7 = tpu.memref_slice %arg3[%add3A_4, %dma_start3A_6] : memref<1024x200xi32, #tpu.memory_space<hbm>> -> memref<1x200xi32, #tpu.memory_space<hbm>>
    %dma_start3A_8 = tpu.memref_squeeze %dma_start3A_7 : memref<1x200xi32, #tpu.memory_space<hbm>> -> memref<200xi32, #tpu.memory_space<hbm>>
    %dma_start3A_9 = arith.constant 0 : i32
    %dma_start3A_10 = tpu.memref_slice %arg6[%dma_start3A_9] : memref<6400xi32, #tpu.memory_space<vmem>> -> memref<200xi32, #tpu.memory_space<vmem>>
    %dma_start3A_11 = arith.constant 0 : i32
    %dma_start3A_12 = tpu.memref_slice %arg3[%add3A_4, %dma_start3A_11] : memref<1024x200xi32, #tpu.memory_space<hbm>> -> memref<1x200xi32, #tpu.memory_space<hbm>>
    %dma_start3A_13 = tpu.memref_squeeze %dma_start3A_12 : memref<1x200xi32, #tpu.memory_space<hbm>> -> memref<200xi32, #tpu.memory_space<hbm>>
    tpu.enqueue_dma source(%dma_start3A_13 : memref<200xi32, #tpu.memory_space<hbm>>) target(%dma_start3A_10 : memref<200xi32, #tpu.memory_space<vmem>>) target_semaphore(%arg10 : memref<!tpu.dma_semaphore, #tpu.memory_space<semaphore_mem>>)
    %add3A_14 = arith.constant 1 : i32
    %add3A_15 = arith.addi %mul3A_2, %add3A_14 : i32
    %dma_start3A_16 = arith.constant 200 : i32
    %dma_start3A_17 = tpu.memref_slice %arg6[%dma_start3A_16] : memref<6400xi32, #tpu.memory_space<vmem>> -> memref<200xi32, #tpu.memory_space<vmem>>
    %dma_start3A_18 = arith.constant 0 : i32
    %dma_start3A_19 = tpu.memref_slice %arg3[%add3A_15, %dma_start3A_18] : memref<1024x200xi32, #tpu.memory_space<hbm>> -> memref<1x200xi32, #tpu.memory_space<hbm>>
    %dma_start3A_20 = tpu.memref_squeeze %dma_start3A_19 : memref<1x200xi32, #tpu.memory_space<hbm>> -> memref<200xi32, #tpu.memory_space<hbm>>
    %dma_start3A_21 = arith.constant 200 : i32
    %dma_start3A_22 = tpu.memref_slice %arg6[%dma_start3A_21] : memref<6400xi32, #tpu.memory_space<vmem>> -> memref<200xi32, #tpu.memory_space<vmem>>
    %dma_start3A_23 = arith.constant 0 : i32
    %dma_start3A_24 = tpu.memref_slice %arg3[%add3A_15, %dma_start3A_23] : memref<1024x200xi32, #tpu.memory_space<hbm>> -> memref<1x200xi32, #tpu.memory_space<hbm>>
    %dma_start3A_25 = tpu.memref_squeeze %dma_start3A_24 : memref<1x200xi32, #tpu.memory_space<hbm>> -> memref<200xi32, #tpu.memory_space<hbm>>
    tpu.enqueue_dma source(%dma_start3A_25 : memref<200xi32, #tpu.memory_space<hbm>>) target(%dma_start3A_22 : memref<200xi32, #tpu.memory_space<vmem>>) target_semaphore(%arg10 : memref<!tpu.dma_semaphore, #tpu.memory_space<semaphore_mem>>)
    %add3A_26 = arith.constant 2 : i32
    %add3A_27 = arith.addi %mul3A_2, %add3A_26 : i32
    %dma_start3A_28 = arith.constant 400 : i32
    %dma_start3A_29 = tpu.memref_slice %arg6[%dma_start3A_28] : memref<6400xi32, #tpu.memory_space<vmem>> -> memref<200xi32, #tpu.memory_space<vmem>>
    %dma_start3A_30 = arith.constant 0 : i32
    %dma_start3A_31 = tpu.memref_slice %arg3[%add3A_27, %dma_start3A_30] : memref<1024x200xi32, #tpu.memory_space<hbm>> -> memref<1x200xi32, #tpu.memory_space<hbm>>
    %dma_start3A_32 = tpu.memref_squeeze %dma_start3A_31 : memref<1x200xi32, #tpu.memory_space<hbm>> -> memref<200xi32, #tpu.memory_space<hbm>>
    %dma_start3A_33 = arith.constant 400 : i32
    %dma_start3A_34 = tpu.memref_slice %arg6[%dma_start3A_33] : memref<6400xi32, #tpu.memory_space<vmem>> -> memref<200xi32, #tpu.memory_space<vmem>>
    %dma_start3A_35 = arith.constant 0 : i32
    %dma_start3A_36 = tpu.memref_slice %arg3[%add3A_27, %dma_start3A_35] : memref<1024x200xi32, #tpu.memory_space<hbm>> -> memref<1x200xi32, #tpu.memory_space<hbm>>
    %dma_start3A_37 = tpu.memref_squeeze %dma_start3A_36 : memref<1x200xi32, #tpu.memory_space<hbm>> -> memref<200xi32, #tpu.memory_space<hbm>>
    tpu.enqueue_dma source(%dma_start3A_37 : memref<200xi32, #tpu.memory_space<hbm>>) target(%dma_start3A_34 : memref<200xi32, #tpu.memory_space<vmem>>) target_semaphore(%arg10 : memref<!tpu.dma_semaphore, #tpu.memory_space<semaphore_mem>>)
    %add3A_38 = arith.constant 3 : i32
    %add3A_39 = arith.addi %mul3A_2, %add3A_38 : i32
    %dma_start3A_40 = arith.constant 600 : i32
    %dma_start3A_41 = tpu.memref_slice %arg6[%dma_start3A_40] : memref<6400xi32, #tpu.memory_space<vmem>> -> memref<200xi32, #tpu.memory_space<vmem>>
    %dma_start3A_42 = arith.constant 0 : i32
    %dma_start3A_43 = tpu.memref_slice %arg3[%add3A_39, %dma_start3A_42] : memref<1024x200xi32, #tpu.memory_space<hbm>> -> memref<1x200xi32, #tpu.memory_space<hbm>>
    %dma_start3A_44 = tpu.memref_squeeze %dma_start3A_43 : memref<1x200xi32, #tpu.memory_space<hbm>> -> memref<200xi32, #tpu.memory_space<hbm>>
    %dma_start3A_45 = arith.constant 600 : i32
    %dma_start3A_46 = tpu.memref_slice %arg6[%dma_start3A_45] : memref<6400xi32, #tpu.memory_space<vmem>> -> memref<200xi32, #tpu.memory_space<vmem>>
    %dma_start3A_47 = arith.constant 0 : i32
    %dma_start3A_48 = tpu.memref_slice %arg3[%add3A_39, %dma_start3A_47] : memref<1024x200xi32, #tpu.memory_space<hbm>> -> memref<1x200xi32, #tpu.memory_space<hbm>>
    %dma_start3A_49 = tpu.memref_squeeze %dma_start3A_48 : memref<1x200xi32, #tpu.memory_space<hbm>> -> memref<200xi32, #tpu.memory_space<hbm>>
    tpu.enqueue_dma source(%dma_start3A_49 : memref<200xi32, #tpu.memory_space<hbm>>) target(%dma_start3A_46 : memref<200xi32, #tpu.memory_space<vmem>>) target_semaphore(%arg10 : memref<!tpu.dma_semaphore, #tpu.memory_space<semaphore_mem>>)
    %add3A_50 = arith.constant 4 : i32
    %add3A_51 = arith.addi %mul3A_2, %add3A_50 : i32
    %dma_start3A_52 = arith.constant 800 : i32
    %dma_start3A_53 = tpu.memref_slice %arg6[%dma_start3A_52] : memref<6400xi32, #tpu.memory_space<vmem>> -> memref<200xi32, #tpu.memory_space<vmem>>
    %dma_start3A_54 = arith.constant 0 : i32
    %dma_start3A_55 = tpu.memref_slice %arg3[%add3A_51, %dma_start3A_54] : memref<1024x200xi32, #tpu.memory_space<hbm>> -> memref<1x200xi32, #tpu.memory_space<hbm>>
    %dma_start3A_56 = tpu.memref_squeeze %dma_start3A_55 : memref<1x200xi32, #tpu.memory_space<hbm>> -> memref<200xi32, #tpu.memory_space<hbm>>
    %dma_start3A_57 = arith.constant 800 : i32
    %dma_start3A_58 = tpu.memref_slice %arg6[%dma_start3A_57] : memref<6400xi32, #tpu.memory_space<vmem>> -> memref<200xi32, #tpu.memory_space<vmem>>
    %dma_start3A_59 = arith.constant 0 : i32
    %dma_start3A_60 = tpu.memref_slice %arg3[%add3A_51, %dma_start3A_59] : memref<1024x200xi32, #tpu.memory_space<hbm>> -> memref<1x200xi32, #tpu.memory_space<hbm>>
    %dma_start3A_61 = tpu.memref_squeeze %dma_start3A_60 : memref<1x200xi32, #tpu.memory_space<hbm>> -> memref<200xi32, #tpu.memory_space<hbm>>
    tpu.enqueue_dma source(%dma_start3A_61 : memref<200xi32, #tpu.memory_space<hbm>>) target(%dma_start3A_58 : memref<200xi32, #tpu.memory_space<vmem>>) target_semaphore(%arg10 : memref<!tpu.dma_semaphore, #tpu.memory_space<semaphore_mem>>)
    %add3A_62 = arith.constant 5 : i32
    %add3A_63 = arith.addi %mul3A_2, %add3A_62 : i32
    %dma_start3A_64 = arith.constant 1000 : i32
    %dma_start3A_65 = tpu.memref_slice %arg6[%dma_start3A_64] : memref<6400xi32, #tpu.memory_space<vmem>> -> memref<200xi32, #tpu.memory_space<vmem>>
    %dma_start3A_66 = arith.constant 0 : i32
    %dma_start3A_67 = tpu.memref_slice %arg3[%add3A_63, %dma_start3A_66] : memref<1024x200xi32, #tpu.memory_space<hbm>> -> memref<1x200xi32, #tpu.memory_space<hbm>>
    %dma_start3A_68 = tpu.memref_squeeze %dma_start3A_67 : memref<1x200xi32, #tpu.memory_space<hbm>> -> memref<200xi32, #tpu.memory_space<hbm>>
    %dma_start3A_69 = arith.constant 1000 : i32
    %dma_start3A_70 = tpu.memref_slice %arg6[%dma_start3A_69] : memref<6400xi32, #tpu.memory_space<vmem>> -> memref<200xi32, #tpu.memory_space<vmem>>
    %dma_start3A_71 = arith.constant 0 : i32
    %dma_start3A_72 = tpu.memref_slice %arg3[%add3A_63, %dma_start3A_71] : memref<1024x200xi32, #tpu.memory_space<hbm>> -> memref<1x200xi32, #tpu.memory_space<hbm>>
    %dma_start3A_73 = tpu.memref_squeeze %dma_start3A_72 : memref<1x200xi32, #tpu.memory_space<hbm>> -> memref<200xi32, #tpu.memory_space<hbm>>
    tpu.enqueue_dma source(%dma_start3A_73 : memref<200xi32, #tpu.memory_space<hbm>>) target(%dma_start3A_70 : memref<200xi32, #tpu.memory_space<vmem>>) target_semaphore(%arg10 : memref<!tpu.dma_semaphore, #tpu.memory_space<semaphore_mem>>)
    %add3A_74 = arith.constant 6 : i32
    %add3A_75 = arith.addi %mul3A_2, %add3A_74 : i32
    %dma_start3A_76 = arith.constant 1200 : i32
    %dma_start3A_77 = tpu.memref_slice %arg6[%dma_start3A_76] : memref<6400xi32, #tpu.memory_space<vmem>> -> memref<200xi32, #tpu.memory_space<vmem>>
    %dma_start3A_78 = arith.constant 0 : i32
    %dma_start3A_79 = tpu.memref_slice %arg3[%add3A_75, %dma_start3A_78] : memref<1024x200xi32, #tpu.memory_space<hbm>> -> memref<1x200xi32, #tpu.memory_space<hbm>>
    %dma_start3A_80 = tpu.memref_squeeze %dma_start3A_79 : memref<1x200xi32, #tpu.memory_space<hbm>> -> memref<200xi32, #tpu.memory_space<hbm>>
    %dma_start3A_81 = arith.constant 1200 : i32
    %dma_start3A_82 = tpu.memref_slice %arg6[%dma_start3A_81] : memref<6400xi32, #tpu.memory_space<vmem>> -> memref<200xi32, #tpu.memory_space<vmem>>
    %dma_start3A_83 = arith.constant 0 : i32
    %dma_start3A_84 = tpu.memref_slice %arg3[%add3A_75, %dma_start3A_83] : memref<1024x200xi32, #tpu.memory_space<hbm>> -> memref<1x200xi32, #tpu.memory_space<hbm>>
    %dma_start3A_85 = tpu.memref_squeeze %dma_start3A_84 : memref<1x200xi32, #tpu.memory_space<hbm>> -> memref<200xi32, #tpu.memory_space<hbm>>
    tpu.enqueue_dma source(%dma_start3A_85 : memref<200xi32, #tpu.memory_space<hbm>>) target(%dma_start3A_82 : memref<200xi32, #tpu.memory_space<vmem>>) target_semaphore(%arg10 : memref<!tpu.dma_semaphore, #tpu.memory_space<semaphore_mem>>)
    %add3A_86 = arith.constant 7 : i32
    %add3A_87 = arith.addi %mul3A_2, %add3A_86 : i32
    %dma_start3A_88 = arith.constant 1400 : i32
    %dma_start3A_89 = tpu.memref_slice %arg6[%dma_start3A_88] : memref<6400xi32, #tpu.memory_space<vmem>> -> memref<200xi32, #tpu.memory_space<vmem>>
    %dma_start3A_90 = arith.constant 0 : i32
    %dma_start3A_91 = tpu.memref_slice %arg3[%add3A_87, %dma_start3A_90] : memref<1024x200xi32, #tpu.memory_space<hbm>> -> memref<1x200xi32, #tpu.memory_space<hbm>>
    %dma_start3A_92 = tpu.memref_squeeze %dma_start3A_91 : memref<1x200xi32, #tpu.memory_space<hbm>> -> memref<200xi32, #tpu.memory_space<hbm>>
    %dma_start3A_93 = arith.constant 1400 : i32
    %dma_start3A_94 = tpu.memref_slice %arg6[%dma_start3A_93] : memref<6400xi32, #tpu.memory_space<vmem>> -> memref<200xi32, #tpu.memory_space<vmem>>
    %dma_start3A_95 = arith.constant 0 : i32
    %dma_start3A_96 = tpu.memref_slice %arg3[%add3A_87, %dma_start3A_95] : memref<1024x200xi32, #tpu.memory_space<hbm>> -> memref<1x200xi32, #tpu.memory_space<hbm>>
    %dma_start3A_97 = tpu.memref_squeeze %dma_start3A_96 : memref<1x200xi32, #tpu.memory_space<hbm>> -> memref<200xi32, #tpu.memory_space<hbm>>
    tpu.enqueue_dma source(%dma_start3A_97 : memref<200xi32, #tpu.memory_space<hbm>>) target(%dma_start3A_94 : memref<200xi32, #tpu.memory_space<vmem>>) target_semaphore(%arg10 : memref<!tpu.dma_semaphore, #tpu.memory_space<semaphore_mem>>)
    %add3A_98 = arith.constant 8 : i32
    %add3A_99 = arith.addi %mul3A_2, %add3A_98 : i32
    %dma_start3A_100 = arith.constant 1600 : i32
    %dma_start3A_101 = tpu.memref_slice %arg6[%dma_start3A_100] : memref<6400xi32, #tpu.memory_space<vmem>> -> memref<200xi32, #tpu.memory_space<vmem>>
    %dma_start3A_102 = arith.constant 0 : i32
    %dma_start3A_103 = tpu.memref_slice %arg3[%add3A_99, %dma_start3A_102] : memref<1024x200xi32, #tpu.memory_space<hbm>> -> memref<1x200xi32, #tpu.memory_space<hbm>>
    %dma_start3A_104 = tpu.memref_squeeze %dma_start3A_103 : memref<1x200xi32, #tpu.memory_space<hbm>> -> memref<200xi32, #tpu.memory_space<hbm>>
    %dma_start3A_105 = arith.constant 1600 : i32
    %dma_start3A_106 = tpu.memref_slice %arg6[%dma_start3A_105] : memref<6400xi32, #tpu.memory_space<vmem>> -> memref<200xi32, #tpu.memory_space<vmem>>
    %dma_start3A_107 = arith.constant 0 : i32
    %dma_start3A_108 = tpu.memref_slice %arg3[%add3A_99, %dma_start3A_107] : memref<1024x200xi32, #tpu.memory_space<hbm>> -> memref<1x200xi32, #tpu.memory_space<hbm>>
    %dma_start3A_109 = tpu.memref_squeeze %dma_start3A_108 : memref<1x200xi32, #tpu.memory_space<hbm>> -> memref<200xi32, #tpu.memory_space<hbm>>
    tpu.enqueue_dma source(%dma_start3A_109 : memref<200xi32, #tpu.memory_space<hbm>>) target(%dma_start3A_106 : memref<200xi32, #tpu.memory_space<vmem>>) target_semaphore(%arg10 : memref<!tpu.dma_semaphore, #tpu.memory_space<semaphore_mem>>)
    %add3A_110 = arith.constant 9 : i32
    %add3A_111 = arith.addi %mul3A_2, %add3A_110 : i32
    %dma_start3A_112 = arith.constant 1800 : i32
    %dma_start3A_113 = tpu.memref_slice %arg6[%dma_start3A_112] : memref<6400xi32, #tpu.memory_space<vmem>> -> memref<200xi32, #tpu.memory_space<vmem>>
    %dma_start3A_114 = arith.constant 0 : i32
    %dma_start3A_115 = tpu.memref_slice %arg3[%add3A_111, %dma_start3A_114] : memref<1024x200xi32, #tpu.memory_space<hbm>> -> memref<1x200xi32, #tpu.memory_space<hbm>>
    %dma_start3A_116 = tpu.memref_squeeze %dma_start3A_115 : memref<1x200xi32, #tpu.memory_space<hbm>> -> memref<200xi32, #tpu.memory_space<hbm>>
    %dma_start3A_117 = arith.constant 1800 : i32
    %dma_start3A_118 = tpu.memref_slice %arg6[%dma_start3A_117] : memref<6400xi32, #tpu.memory_space<vmem>> -> memref<200xi32, #tpu.memory_space<vmem>>
    %dma_start3A_119 = arith.constant 0 : i32
    %dma_start3A_120 = tpu.memref_slice %arg3[%add3A_111, %dma_start3A_119] : memref<1024x200xi32, #tpu.memory_space<hbm>> -> memref<1x200xi32, #tpu.memory_space<hbm>>
    %dma_start3A_121 = tpu.memref_squeeze %dma_start3A_120 : memref<1x200xi32, #tpu.memory_space<hbm>> -> memref<200xi32, #tpu.memory_space<hbm>>
    tpu.enqueue_dma source(%dma_start3A_121 : memref<200xi32, #tpu.memory_space<hbm>>) target(%dma_start3A_118 : memref<200xi32, #tpu.memory_space<vmem>>) target_semaphore(%arg10 : memref<!tpu.dma_semaphore, #tpu.memory_space<semaphore_mem>>)
    %add3A_122 = arith.constant 10 : i32
    %add3A_123 = arith.addi %mul3A_2, %add3A_122 : i32
    %dma_start3A_124 = arith.constant 2000 : i32
    %dma_start3A_125 = tpu.memref_slice %arg6[%dma_start3A_124] : memref<6400xi32, #tpu.memory_space<vmem>> -> memref<200xi32, #tpu.memory_space<vmem>>
    %dma_start3A_126 = arith.constant 0 : i32
    %dma_start3A_127 = tpu.memref_slice %arg3[%add3A_123, %dma_start3A_126] : memref<1024x200xi32, #tpu.memory_space<hbm>> -> memref<1x200xi32, #tpu.memory_space<hbm>>
    %dma_start3A_128 = tpu.memref_squeeze %dma_start3A_127 : memref<1x200xi32, #tpu.memory_space<hbm>> -> memref<200xi32, #tpu.memory_space<hbm>>
    %dma_start3A_129 = arith.constant 2000 : i32
    %dma_start3A_130 = tpu.memref_slice %arg6[%dma_start3A_129] : memref<6400xi32, #tpu.memory_space<vmem>> -> memref<200xi32, #tpu.memory_space<vmem>>
    %dma_start3A_131 = arith.constant 0 : i32
    %dma_start3A_132 = tpu.memref_slice %arg3[%add3A_123, %dma_start3A_131] : memref<1024x200xi32, #tpu.memory_space<hbm>> -> memref<1x200xi32, #tpu.memory_space<hbm>>
    %dma_start3A_133 = tpu.memref_squeeze %dma_start3A_132 : memref<1x200xi32, #tpu.memory_space<hbm>> -> memref<200xi32, #tpu.memory_space<hbm>>
    tpu.enqueue_dma source(%dma_start3A_133 : memref<200xi32, #tpu.memory_space<hbm>>) target(%dma_start3A_130 : memref<200xi32, #tpu.memory_space<vmem>>) target_semaphore(%arg10 : memref<!tpu.dma_semaphore, #tpu.memory_space<semaphore_mem>>)
    %add3A_134 = arith.constant 11 : i32
    %add3A_135 = arith.addi %mul3A_2, %add3A_134 : i32
    %dma_start3A_136 = arith.constant 2200 : i32
    %dma_start3A_137 = tpu.memref_slice %arg6[%dma_start3A_136] : memref<6400xi32, #tpu.memory_space<vmem>> -> memref<200xi32, #tpu.memory_space<vmem>>
    %dma_start3A_138 = arith.constant 0 : i32
    %dma_start3A_139 = tpu.memref_slice %arg3[%add3A_135, %dma_start3A_138] : memref<1024x200xi32, #tpu.memory_space<hbm>> -> memref<1x200xi32, #tpu.memory_space<hbm>>
    %dma_start3A_140 = tpu.memref_squeeze %dma_start3A_139 : memref<1x200xi32, #tpu.memory_space<hbm>> -> memref<200xi32, #tpu.memory_space<hbm>>
    %dma_start3A_141 = arith.constant 2200 : i32
    %dma_start3A_142 = tpu.memref_slice %arg6[%dma_start3A_141] : memref<6400xi32, #tpu.memory_space<vmem>> -> memref<200xi32, #tpu.memory_space<vmem>>
    %dma_start3A_143 = arith.constant 0 : i32
    %dma_start3A_144 = tpu.memref_slice %arg3[%add3A_135, %dma_start3A_143] : memref<1024x200xi32, #tpu.memory_space<hbm>> -> memref<1x200xi32, #tpu.memory_space<hbm>>
    %dma_start3A_145 = tpu.memref_squeeze %dma_start3A_144 : memref<1x200xi32, #tpu.memory_space<hbm>> -> memref<200xi32, #tpu.memory_space<hbm>>
    tpu.enqueue_dma source(%dma_start3A_145 : memref<200xi32, #tpu.memory_space<hbm>>) target(%dma_start3A_142 : memref<200xi32, #tpu.memory_space<vmem>>) target_semaphore(%arg10 : memref<!tpu.dma_semaphore, #tpu.memory_space<semaphore_mem>>)
    %add3A_146 = arith.constant 12 : i32
    %add3A_147 = arith.addi %mul3A_2, %add3A_146 : i32
    %dma_start3A_148 = arith.constant 2400 : i32
    %dma_start3A_149 = tpu.memref_slice %arg6[%dma_start3A_148] : memref<6400xi32, #tpu.memory_space<vmem>> -> memref<200xi32, #tpu.memory_space<vmem>>
    %dma_start3A_150 = arith.constant 0 : i32
    %dma_start3A_151 = tpu.memref_slice %arg3[%add3A_147, %dma_start3A_150] : memref<1024x200xi32, #tpu.memory_space<hbm>> -> memref<1x200xi32, #tpu.memory_space<hbm>>
    %dma_start3A_152 = tpu.memref_squeeze %dma_start3A_151 : memref<1x200xi32, #tpu.memory_space<hbm>> -> memref<200xi32, #tpu.memory_space<hbm>>
    %dma_start3A_153 = arith.constant 2400 : i32
    %dma_start3A_154 = tpu.memref_slice %arg6[%dma_start3A_153] : memref<6400xi32, #tpu.memory_space<vmem>> -> memref<200xi32, #tpu.memory_space<vmem>>
    %dma_start3A_155 = arith.constant 0 : i32
    %dma_start3A_156 = tpu.memref_slice %arg3[%add3A_147, %dma_start3A_155] : memref<1024x200xi32, #tpu.memory_space<hbm>> -> memref<1x200xi32, #tpu.memory_space<hbm>>
    %dma_start3A_157 = tpu.memref_squeeze %dma_start3A_156 : memref<1x200xi32, #tpu.memory_space<hbm>> -> memref<200xi32, #tpu.memory_space<hbm>>
    tpu.enqueue_dma source(%dma_start3A_157 : memref<200xi32, #tpu.memory_space<hbm>>) target(%dma_start3A_154 : memref<200xi32, #tpu.memory_space<vmem>>) target_semaphore(%arg10 : memref<!tpu.dma_semaphore, #tpu.memory_space<semaphore_mem>>)
    %add3A_158 = arith.constant 13 : i32
    %add3A_159 = arith.addi %mul3A_2, %add3A_158 : i32
    %dma_start3A_160 = arith.constant 2600 : i32
    %dma_start3A_161 = tpu.memref_slice %arg6[%dma_start3A_160] : memref<6400xi32, #tpu.memory_space<vmem>> -> memref<200xi32, #tpu.memory_space<vmem>>
    %dma_start3A_162 = arith.constant 0 : i32
    %dma_start3A_163 = tpu.memref_slice %arg3[%add3A_159, %dma_start3A_162] : memref<1024x200xi32, #tpu.memory_space<hbm>> -> memref<1x200xi32, #tpu.memory_space<hbm>>
    %dma_start3A_164 = tpu.memref_squeeze %dma_start3A_163 : memref<1x200xi32, #tpu.memory_space<hbm>> -> memref<200xi32, #tpu.memory_space<hbm>>
    %dma_start3A_165 = arith.constant 2600 : i32
    %dma_start3A_166 = tpu.memref_slice %arg6[%dma_start3A_165] : memref<6400xi32, #tpu.memory_space<vmem>> -> memref<200xi32, #tpu.memory_space<vmem>>
    %dma_start3A_167 = arith.constant 0 : i32
    %dma_start3A_168 = tpu.memref_slice %arg3[%add3A_159, %dma_start3A_167] : memref<1024x200xi32, #tpu.memory_space<hbm>> -> memref<1x200xi32, #tpu.memory_space<hbm>>
    %dma_start3A_169 = tpu.memref_squeeze %dma_start3A_168 : memref<1x200xi32, #tpu.memory_space<hbm>> -> memref<200xi32, #tpu.memory_space<hbm>>
    tpu.enqueue_dma source(%dma_start3A_169 : memref<200xi32, #tpu.memory_space<hbm>>) target(%dma_start3A_166 : memref<200xi32, #tpu.memory_space<vmem>>) target_semaphore(%arg10 : memref<!tpu.dma_semaphore, #tpu.memory_space<semaphore_mem>>)
    %add3A_170 = arith.constant 14 : i32
    %add3A_171 = arith.addi %mul3A_2, %add3A_170 : i32
    %dma_start3A_172 = arith.constant 2800 : i32
    %dma_start3A_173 = tpu.memref_slice %arg6[%dma_start3A_172] : memref<6400xi32, #tpu.memory_space<vmem>> -> memref<200xi32, #tpu.memory_space<vmem>>
    %dma_start3A_174 = arith.constant 0 : i32
    %dma_start3A_175 = tpu.memref_slice %arg3[%add3A_171, %dma_start3A_174] : memref<1024x200xi32, #tpu.memory_space<hbm>> -> memref<1x200xi32, #tpu.memory_space<hbm>>
    %dma_start3A_176 = tpu.memref_squeeze %dma_start3A_175 : memref<1x200xi32, #tpu.memory_space<hbm>> -> memref<200xi32, #tpu.memory_space<hbm>>
    %dma_start3A_177 = arith.constant 2800 : i32
    %dma_start3A_178 = tpu.memref_slice %arg6[%dma_start3A_177] : memref<6400xi32, #tpu.memory_space<vmem>> -> memref<200xi32, #tpu.memory_space<vmem>>
    %dma_start3A_179 = arith.constant 0 : i32
    %dma_start3A_180 = tpu.memref_slice %arg3[%add3A_171, %dma_start3A_179] : memref<1024x200xi32, #tpu.memory_space<hbm>> -> memref<1x200xi32, #tpu.memory_space<hbm>>
    %dma_start3A_181 = tpu.memref_squeeze %dma_start3A_180 : memref<1x200xi32, #tpu.memory_space<hbm>> -> memref<200xi32, #tpu.memory_space<hbm>>
    tpu.enqueue_dma source(%dma_start3A_181 : memref<200xi32, #tpu.memory_space<hbm>>) target(%dma_start3A_178 : memref<200xi32, #tpu.memory_space<vmem>>) target_semaphore(%arg10 : memref<!tpu.dma_semaphore, #tpu.memory_space<semaphore_mem>>)
    %add3A_182 = arith.constant 15 : i32
    %add3A_183 = arith.addi %mul3A_2, %add3A_182 : i32
    %dma_start3A_184 = arith.constant 3000 : i32
    %dma_start3A_185 = tpu.memref_slice %arg6[%dma_start3A_184] : memref<6400xi32, #tpu.memory_space<vmem>> -> memref<200xi32, #tpu.memory_space<vmem>>
    %dma_start3A_186 = arith.constant 0 : i32
    %dma_start3A_187 = tpu.memref_slice %arg3[%add3A_183, %dma_start3A_186] : memref<1024x200xi32, #tpu.memory_space<hbm>> -> memref<1x200xi32, #tpu.memory_space<hbm>>
    %dma_start3A_188 = tpu.memref_squeeze %dma_start3A_187 : memref<1x200xi32, #tpu.memory_space<hbm>> -> memref<200xi32, #tpu.memory_space<hbm>>
    %dma_start3A_189 = arith.constant 3000 : i32
    %dma_start3A_190 = tpu.memref_slice %arg6[%dma_start3A_189] : memref<6400xi32, #tpu.memory_space<vmem>> -> memref<200xi32, #tpu.memory_space<vmem>>
    %dma_start3A_191 = arith.constant 0 : i32
    %dma_start3A_192 = tpu.memref_slice %arg3[%add3A_183, %dma_start3A_191] : memref<1024x200xi32, #tpu.memory_space<hbm>> -> memref<1x200xi32, #tpu.memory_space<hbm>>
    %dma_start3A_193 = tpu.memref_squeeze %dma_start3A_192 : memref<1x200xi32, #tpu.memory_space<hbm>> -> memref<200xi32, #tpu.memory_space<hbm>>
    tpu.enqueue_dma source(%dma_start3A_193 : memref<200xi32, #tpu.memory_space<hbm>>) target(%dma_start3A_190 : memref<200xi32, #tpu.memory_space<vmem>>) target_semaphore(%arg10 : memref<!tpu.dma_semaphore, #tpu.memory_space<semaphore_mem>>)
    %add3A_194 = arith.constant 16 : i32
    %add3A_195 = arith.addi %mul3A_2, %add3A_194 : i32
    %dma_start3A_196 = arith.constant 3200 : i32
    %dma_start3A_197 = tpu.memref_slice %arg6[%dma_start3A_196] : memref<6400xi32, #tpu.memory_space<vmem>> -> memref<200xi32, #tpu.memory_space<vmem>>
    %dma_start3A_198 = arith.constant 0 : i32
    %dma_start3A_199 = tpu.memref_slice %arg3[%add3A_195, %dma_start3A_198] : memref<1024x200xi32, #tpu.memory_space<hbm>> -> memref<1x200xi32, #tpu.memory_space<hbm>>
    %dma_start3A_200 = tpu.memref_squeeze %dma_start3A_199 : memref<1x200xi32, #tpu.memory_space<hbm>> -> memref<200xi32, #tpu.memory_space<hbm>>
    %dma_start3A_201 = arith.constant 3200 : i32
    %dma_start3A_202 = tpu.memref_slice %arg6[%dma_start3A_201] : memref<6400xi32, #tpu.memory_space<vmem>> -> memref<200xi32, #tpu.memory_space<vmem>>
    %dma_start3A_203 = arith.constant 0 : i32
    %dma_start3A_204 = tpu.memref_slice %arg3[%add3A_195, %dma_start3A_203] : memref<1024x200xi32, #tpu.memory_space<hbm>> -> memref<1x200xi32, #tpu.memory_space<hbm>>
    %dma_start3A_205 = tpu.memref_squeeze %dma_start3A_204 : memref<1x200xi32, #tpu.memory_space<hbm>> -> memref<200xi32, #tpu.memory_space<hbm>>
    tpu.enqueue_dma source(%dma_start3A_205 : memref<200xi32, #tpu.memory_space<hbm>>) target(%dma_start3A_202 : memref<200xi32, #tpu.memory_space<vmem>>) target_semaphore(%arg10 : memref<!tpu.dma_semaphore, #tpu.memory_space<semaphore_mem>>)
    %add3A_206 = arith.constant 17 : i32
    %add3A_207 = arith.addi %mul3A_2, %add3A_206 : i32
    %dma_start3A_208 = arith.constant 3400 : i32
    %dma_start3A_209 = tpu.memref_slice %arg6[%dma_start3A_208] : memref<6400xi32, #tpu.memory_space<vmem>> -> memref<200xi32, #tpu.memory_space<vmem>>
    %dma_start3A_210 = arith.constant 0 : i32
    %dma_start3A_211 = tpu.memref_slice %arg3[%add3A_207, %dma_start3A_210] : memref<1024x200xi32, #tpu.memory_space<hbm>> -> memref<1x200xi32, #tpu.memory_space<hbm>>
    %dma_start3A_212 = tpu.memref_squeeze %dma_start3A_211 : memref<1x200xi32, #tpu.memory_space<hbm>> -> memref<200xi32, #tpu.memory_space<hbm>>
    %dma_start3A_213 = arith.constant 3400 : i32
    %dma_start3A_214 = tpu.memref_slice %arg6[%dma_start3A_213] : memref<6400xi32, #tpu.memory_space<vmem>> -> memref<200xi32, #tpu.memory_space<vmem>>
    %dma_start3A_215 = arith.constant 0 : i32
    %dma_start3A_216 = tpu.memref_slice %arg3[%add3A_207, %dma_start3A_215] : memref<1024x200xi32, #tpu.memory_space<hbm>> -> memref<1x200xi32, #tpu.memory_space<hbm>>
    %dma_start3A_217 = tpu.memref_squeeze %dma_start3A_216 : memref<1x200xi32, #tpu.memory_space<hbm>> -> memref<200xi32, #tpu.memory_space<hbm>>
    tpu.enqueue_dma source(%dma_start3A_217 : memref<200xi32, #tpu.memory_space<hbm>>) target(%dma_start3A_214 : memref<200xi32, #tpu.memory_space<vmem>>) target_semaphore(%arg10 : memref<!tpu.dma_semaphore, #tpu.memory_space<semaphore_mem>>)
    %add3A_218 = arith.constant 18 : i32
    %add3A_219 = arith.addi %mul3A_2, %add3A_218 : i32
    %dma_start3A_220 = arith.constant 3600 : i32
    %dma_start3A_221 = tpu.memref_slice %arg6[%dma_start3A_220] : memref<6400xi32, #tpu.memory_space<vmem>> -> memref<200xi32, #tpu.memory_space<vmem>>
    %dma_start3A_222 = arith.constant 0 : i32
    %dma_start3A_223 = tpu.memref_slice %arg3[%add3A_219, %dma_start3A_222] : memref<1024x200xi32, #tpu.memory_space<hbm>> -> memref<1x200xi32, #tpu.memory_space<hbm>>
    %dma_start3A_224 = tpu.memref_squeeze %dma_start3A_223 : memref<1x200xi32, #tpu.memory_space<hbm>> -> memref<200xi32, #tpu.memory_space<hbm>>
    %dma_start3A_225 = arith.constant 3600 : i32
    %dma_start3A_226 = tpu.memref_slice %arg6[%dma_start3A_225] : memref<6400xi32, #tpu.memory_space<vmem>> -> memref<200xi32, #tpu.memory_space<vmem>>
    %dma_start3A_227 = arith.constant 0 : i32
    %dma_start3A_228 = tpu.memref_slice %arg3[%add3A_219, %dma_start3A_227] : memref<1024x200xi32, #tpu.memory_space<hbm>> -> memref<1x200xi32, #tpu.memory_space<hbm>>
    %dma_start3A_229 = tpu.memref_squeeze %dma_start3A_228 : memref<1x200xi32, #tpu.memory_space<hbm>> -> memref<200xi32, #tpu.memory_space<hbm>>
    tpu.enqueue_dma source(%dma_start3A_229 : memref<200xi32, #tpu.memory_space<hbm>>) target(%dma_start3A_226 : memref<200xi32, #tpu.memory_space<vmem>>) target_semaphore(%arg10 : memref<!tpu.dma_semaphore, #tpu.memory_space<semaphore_mem>>)
    %add3A_230 = arith.constant 19 : i32
    %add3A_231 = arith.addi %mul3A_2, %add3A_230 : i32
    %dma_start3A_232 = arith.constant 3800 : i32
    %dma_start3A_233 = tpu.memref_slice %arg6[%dma_start3A_232] : memref<6400xi32, #tpu.memory_space<vmem>> -> memref<200xi32, #tpu.memory_space<vmem>>
    %dma_start3A_234 = arith.constant 0 : i32
    %dma_start3A_235 = tpu.memref_slice %arg3[%add3A_231, %dma_start3A_234] : memref<1024x200xi32, #tpu.memory_space<hbm>> -> memref<1x200xi32, #tpu.memory_space<hbm>>
    %dma_start3A_236 = tpu.memref_squeeze %dma_start3A_235 : memref<1x200xi32, #tpu.memory_space<hbm>> -> memref<200xi32, #tpu.memory_space<hbm>>
    %dma_start3A_237 = arith.constant 3800 : i32
    %dma_start3A_238 = tpu.memref_slice %arg6[%dma_start3A_237] : memref<6400xi32, #tpu.memory_space<vmem>> -> memref<200xi32, #tpu.memory_space<vmem>>
    %dma_start3A_239 = arith.constant 0 : i32
    %dma_start3A_240 = tpu.memref_slice %arg3[%add3A_231, %dma_start3A_239] : memref<1024x200xi32, #tpu.memory_space<hbm>> -> memref<1x200xi32, #tpu.memory_space<hbm>>
    %dma_start3A_241 = tpu.memref_squeeze %dma_start3A_240 : memref<1x200xi32, #tpu.memory_space<hbm>> -> memref<200xi32, #tpu.memory_space<hbm>>
    tpu.enqueue_dma source(%dma_start3A_241 : memref<200xi32, #tpu.memory_space<hbm>>) target(%dma_start3A_238 : memref<200xi32, #tpu.memory_space<vmem>>) target_semaphore(%arg10 : memref<!tpu.dma_semaphore, #tpu.memory_space<semaphore_mem>>)
    %add3A_242 = arith.constant 20 : i32
    %add3A_243 = arith.addi %mul3A_2, %add3A_242 : i32
    %dma_start3A_244 = arith.constant 4000 : i32
    %dma_start3A_245 = tpu.memref_slice %arg6[%dma_start3A_244] : memref<6400xi32, #tpu.memory_space<vmem>> -> memref<200xi32, #tpu.memory_space<vmem>>
    %dma_start3A_246 = arith.constant 0 : i32
    %dma_start3A_247 = tpu.memref_slice %arg3[%add3A_243, %dma_start3A_246] : memref<1024x200xi32, #tpu.memory_space<hbm>> -> memref<1x200xi32, #tpu.memory_space<hbm>>
    %dma_start3A_248 = tpu.memref_squeeze %dma_start3A_247 : memref<1x200xi32, #tpu.memory_space<hbm>> -> memref<200xi32, #tpu.memory_space<hbm>>
    %dma_start3A_249 = arith.constant 4000 : i32
    %dma_start3A_250 = tpu.memref_slice %arg6[%dma_start3A_249] : memref<6400xi32, #tpu.memory_space<vmem>> -> memref<200xi32, #tpu.memory_space<vmem>>
    %dma_start3A_251 = arith.constant 0 : i32
    %dma_start3A_252 = tpu.memref_slice %arg3[%add3A_243, %dma_start3A_251] : memref<1024x200xi32, #tpu.memory_space<hbm>> -> memref<1x200xi32, #tpu.memory_space<hbm>>
    %dma_start3A_253 = tpu.memref_squeeze %dma_start3A_252 : memref<1x200xi32, #tpu.memory_space<hbm>> -> memref<200xi32, #tpu.memory_space<hbm>>
    tpu.enqueue_dma source(%dma_start3A_253 : memref<200xi32, #tpu.memory_space<hbm>>) target(%dma_start3A_250 : memref<200xi32, #tpu.memory_space<vmem>>) target_semaphore(%arg10 : memref<!tpu.dma_semaphore, #tpu.memory_space<semaphore_mem>>)
    %add3A_254 = arith.constant 21 : i32
    %add3A_255 = arith.addi %mul3A_2, %add3A_254 : i32
    %dma_start3A_256 = arith.constant 4200 : i32
    %dma_start3A_257 = tpu.memref_slice %arg6[%dma_start3A_256] : memref<6400xi32, #tpu.memory_space<vmem>> -> memref<200xi32, #tpu.memory_space<vmem>>
    %dma_start3A_258 = arith.constant 0 : i32
    %dma_start3A_259 = tpu.memref_slice %arg3[%add3A_255, %dma_start3A_258] : memref<1024x200xi32, #tpu.memory_space<hbm>> -> memref<1x200xi32, #tpu.memory_space<hbm>>
    %dma_start3A_260 = tpu.memref_squeeze %dma_start3A_259 : memref<1x200xi32, #tpu.memory_space<hbm>> -> memref<200xi32, #tpu.memory_space<hbm>>
    %dma_start3A_261 = arith.constant 4200 : i32
    %dma_start3A_262 = tpu.memref_slice %arg6[%dma_start3A_261] : memref<6400xi32, #tpu.memory_space<vmem>> -> memref<200xi32, #tpu.memory_space<vmem>>
    %dma_start3A_263 = arith.constant 0 : i32
    %dma_start3A_264 = tpu.memref_slice %arg3[%add3A_255, %dma_start3A_263] : memref<1024x200xi32, #tpu.memory_space<hbm>> -> memref<1x200xi32, #tpu.memory_space<hbm>>
    %dma_start3A_265 = tpu.memref_squeeze %dma_start3A_264 : memref<1x200xi32, #tpu.memory_space<hbm>> -> memref<200xi32, #tpu.memory_space<hbm>>
    tpu.enqueue_dma source(%dma_start3A_265 : memref<200xi32, #tpu.memory_space<hbm>>) target(%dma_start3A_262 : memref<200xi32, #tpu.memory_space<vmem>>) target_semaphore(%arg10 : memref<!tpu.dma_semaphore, #tpu.memory_space<semaphore_mem>>)
    %add3A_266 = arith.constant 22 : i32
    %add3A_267 = arith.addi %mul3A_2, %add3A_266 : i32
    %dma_start3A_268 = arith.constant 4400 : i32
    %dma_start3A_269 = tpu.memref_slice %arg6[%dma_start3A_268] : memref<6400xi32, #tpu.memory_space<vmem>> -> memref<200xi32, #tpu.memory_space<vmem>>
    %dma_start3A_270 = arith.constant 0 : i32
    %dma_start3A_271 = tpu.memref_slice %arg3[%add3A_267, %dma_start3A_270] : memref<1024x200xi32, #tpu.memory_space<hbm>> -> memref<1x200xi32, #tpu.memory_space<hbm>>
    %dma_start3A_272 = tpu.memref_squeeze %dma_start3A_271 : memref<1x200xi32, #tpu.memory_space<hbm>> -> memref<200xi32, #tpu.memory_space<hbm>>
    %dma_start3A_273 = arith.constant 4400 : i32
    %dma_start3A_274 = tpu.memref_slice %arg6[%dma_start3A_273] : memref<6400xi32, #tpu.memory_space<vmem>> -> memref<200xi32, #tpu.memory_space<vmem>>
    %dma_start3A_275 = arith.constant 0 : i32
    %dma_start3A_276 = tpu.memref_slice %arg3[%add3A_267, %dma_start3A_275] : memref<1024x200xi32, #tpu.memory_space<hbm>> -> memref<1x200xi32, #tpu.memory_space<hbm>>
    %dma_start3A_277 = tpu.memref_squeeze %dma_start3A_276 : memref<1x200xi32, #tpu.memory_space<hbm>> -> memref<200xi32, #tpu.memory_space<hbm>>
    tpu.enqueue_dma source(%dma_start3A_277 : memref<200xi32, #tpu.memory_space<hbm>>) target(%dma_start3A_274 : memref<200xi32, #tpu.memory_space<vmem>>) target_semaphore(%arg10 : memref<!tpu.dma_semaphore, #tpu.memory_space<semaphore_mem>>)
    %add3A_278 = arith.constant 23 : i32
    %add3A_279 = arith.addi %mul3A_2, %add3A_278 : i32
    %dma_start3A_280 = arith.constant 4600 : i32
    %dma_start3A_281 = tpu.memref_slice %arg6[%dma_start3A_280] : memref<6400xi32, #tpu.memory_space<vmem>> -> memref<200xi32, #tpu.memory_space<vmem>>
    %dma_start3A_282 = arith.constant 0 : i32
    %dma_start3A_283 = tpu.memref_slice %arg3[%add3A_279, %dma_start3A_282] : memref<1024x200xi32, #tpu.memory_space<hbm>> -> memref<1x200xi32, #tpu.memory_space<hbm>>
    %dma_start3A_284 = tpu.memref_squeeze %dma_start3A_283 : memref<1x200xi32, #tpu.memory_space<hbm>> -> memref<200xi32, #tpu.memory_space<hbm>>
    %dma_start3A_285 = arith.constant 4600 : i32
    %dma_start3A_286 = tpu.memref_slice %arg6[%dma_start3A_285] : memref<6400xi32, #tpu.memory_space<vmem>> -> memref<200xi32, #tpu.memory_space<vmem>>
    %dma_start3A_287 = arith.constant 0 : i32
    %dma_start3A_288 = tpu.memref_slice %arg3[%add3A_279, %dma_start3A_287] : memref<1024x200xi32, #tpu.memory_space<hbm>> -> memref<1x200xi32, #tpu.memory_space<hbm>>
    %dma_start3A_289 = tpu.memref_squeeze %dma_start3A_288 : memref<1x200xi32, #tpu.memory_space<hbm>> -> memref<200xi32, #tpu.memory_space<hbm>>
    tpu.enqueue_dma source(%dma_start3A_289 : memref<200xi32, #tpu.memory_space<hbm>>) target(%dma_start3A_286 : memref<200xi32, #tpu.memory_space<vmem>>) target_semaphore(%arg10 : memref<!tpu.dma_semaphore, #tpu.memory_space<semaphore_mem>>)
    %add3A_290 = arith.constant 24 : i32
    %add3A_291 = arith.addi %mul3A_2, %add3A_290 : i32
    %dma_start3A_292 = arith.constant 4800 : i32
    %dma_start3A_293 = tpu.memref_slice %arg6[%dma_start3A_292] : memref<6400xi32, #tpu.memory_space<vmem>> -> memref<200xi32, #tpu.memory_space<vmem>>
    %dma_start3A_294 = arith.constant 0 : i32
    %dma_start3A_295 = tpu.memref_slice %arg3[%add3A_291, %dma_start3A_294] : memref<1024x200xi32, #tpu.memory_space<hbm>> -> memref<1x200xi32, #tpu.memory_space<hbm>>
    %dma_start3A_296 = tpu.memref_squeeze %dma_start3A_295 : memref<1x200xi32, #tpu.memory_space<hbm>> -> memref<200xi32, #tpu.memory_space<hbm>>
    %dma_start3A_297 = arith.constant 4800 : i32
    %dma_start3A_298 = tpu.memref_slice %arg6[%dma_start3A_297] : memref<6400xi32, #tpu.memory_space<vmem>> -> memref<200xi32, #tpu.memory_space<vmem>>
    %dma_start3A_299 = arith.constant 0 : i32
    %dma_start3A_300 = tpu.memref_slice %arg3[%add3A_291, %dma_start3A_299] : memref<1024x200xi32, #tpu.memory_space<hbm>> -> memref<1x200xi32, #tpu.memory_space<hbm>>
    %dma_start3A_301 = tpu.memref_squeeze %dma_start3A_300 : memref<1x200xi32, #tpu.memory_space<hbm>> -> memref<200xi32, #tpu.memory_space<hbm>>
    tpu.enqueue_dma source(%dma_start3A_301 : memref<200xi32, #tpu.memory_space<hbm>>) target(%dma_start3A_298 : memref<200xi32, #tpu.memory_space<vmem>>) target_semaphore(%arg10 : memref<!tpu.dma_semaphore, #tpu.memory_space<semaphore_mem>>)
    %add3A_302 = arith.constant 25 : i32
    %add3A_303 = arith.addi %mul3A_2, %add3A_302 : i32
    %dma_start3A_304 = arith.constant 5000 : i32
    %dma_start3A_305 = tpu.memref_slice %arg6[%dma_start3A_304] : memref<6400xi32, #tpu.memory_space<vmem>> -> memref<200xi32, #tpu.memory_space<vmem>>
    %dma_start3A_306 = arith.constant 0 : i32
    %dma_start3A_307 = tpu.memref_slice %arg3[%add3A_303, %dma_start3A_306] : memref<1024x200xi32, #tpu.memory_space<hbm>> -> memref<1x200xi32, #tpu.memory_space<hbm>>
    %dma_start3A_308 = tpu.memref_squeeze %dma_start3A_307 : memref<1x200xi32, #tpu.memory_space<hbm>> -> memref<200xi32, #tpu.memory_space<hbm>>
    %dma_start3A_309 = arith.constant 5000 : i32
    %dma_start3A_310 = tpu.memref_slice %arg6[%dma_start3A_309] : memref<6400xi32, #tpu.memory_space<vmem>> -> memref<200xi32, #tpu.memory_space<vmem>>
    %dma_start3A_311 = arith.constant 0 : i32
    %dma_start3A_312 = tpu.memref_slice %arg3[%add3A_303, %dma_start3A_311] : memref<1024x200xi32, #tpu.memory_space<hbm>> -> memref<1x200xi32, #tpu.memory_space<hbm>>
    %dma_start3A_313 = tpu.memref_squeeze %dma_start3A_312 : memref<1x200xi32, #tpu.memory_space<hbm>> -> memref<200xi32, #tpu.memory_space<hbm>>
    tpu.enqueue_dma source(%dma_start3A_313 : memref<200xi32, #tpu.memory_space<hbm>>) target(%dma_start3A_310 : memref<200xi32, #tpu.memory_space<vmem>>) target_semaphore(%arg10 : memref<!tpu.dma_semaphore, #tpu.memory_space<semaphore_mem>>)
    %add3A_314 = arith.constant 26 : i32
    %add3A_315 = arith.addi %mul3A_2, %add3A_314 : i32
    %dma_start3A_316 = arith.constant 5200 : i32
    %dma_start3A_317 = tpu.memref_slice %arg6[%dma_start3A_316] : memref<6400xi32, #tpu.memory_space<vmem>> -> memref<200xi32, #tpu.memory_space<vmem>>
    %dma_start3A_318 = arith.constant 0 : i32
    %dma_start3A_319 = tpu.memref_slice %arg3[%add3A_315, %dma_start3A_318] : memref<1024x200xi32, #tpu.memory_space<hbm>> -> memref<1x200xi32, #tpu.memory_space<hbm>>
    %dma_start3A_320 = tpu.memref_squeeze %dma_start3A_319 : memref<1x200xi32, #tpu.memory_space<hbm>> -> memref<200xi32, #tpu.memory_space<hbm>>
    %dma_start3A_321 = arith.constant 5200 : i32
    %dma_start3A_322 = tpu.memref_slice %arg6[%dma_start3A_321] : memref<6400xi32, #tpu.memory_space<vmem>> -> memref<200xi32, #tpu.memory_space<vmem>>
    %dma_start3A_323 = arith.constant 0 : i32
    %dma_start3A_324 = tpu.memref_slice %arg3[%add3A_315, %dma_start3A_323] : memref<1024x200xi32, #tpu.memory_space<hbm>> -> memref<1x200xi32, #tpu.memory_space<hbm>>
    %dma_start3A_325 = tpu.memref_squeeze %dma_start3A_324 : memref<1x200xi32, #tpu.memory_space<hbm>> -> memref<200xi32, #tpu.memory_space<hbm>>
    tpu.enqueue_dma source(%dma_start3A_325 : memref<200xi32, #tpu.memory_space<hbm>>) target(%dma_start3A_322 : memref<200xi32, #tpu.memory_space<vmem>>) target_semaphore(%arg10 : memref<!tpu.dma_semaphore, #tpu.memory_space<semaphore_mem>>)
    %add3A_326 = arith.constant 27 : i32
    %add3A_327 = arith.addi %mul3A_2, %add3A_326 : i32
    %dma_start3A_328 = arith.constant 5400 : i32
    %dma_start3A_329 = tpu.memref_slice %arg6[%dma_start3A_328] : memref<6400xi32, #tpu.memory_space<vmem>> -> memref<200xi32, #tpu.memory_space<vmem>>
    %dma_start3A_330 = arith.constant 0 : i32
    %dma_start3A_331 = tpu.memref_slice %arg3[%add3A_327, %dma_start3A_330] : memref<1024x200xi32, #tpu.memory_space<hbm>> -> memref<1x200xi32, #tpu.memory_space<hbm>>
    %dma_start3A_332 = tpu.memref_squeeze %dma_start3A_331 : memref<1x200xi32, #tpu.memory_space<hbm>> -> memref<200xi32, #tpu.memory_space<hbm>>
    %dma_start3A_333 = arith.constant 5400 : i32
    %dma_start3A_334 = tpu.memref_slice %arg6[%dma_start3A_333] : memref<6400xi32, #tpu.memory_space<vmem>> -> memref<200xi32, #tpu.memory_space<vmem>>
    %dma_start3A_335 = arith.constant 0 : i32
    %dma_start3A_336 = tpu.memref_slice %arg3[%add3A_327, %dma_start3A_335] : memref<1024x200xi32, #tpu.memory_space<hbm>> -> memref<1x200xi32, #tpu.memory_space<hbm>>
    %dma_start3A_337 = tpu.memref_squeeze %dma_start3A_336 : memref<1x200xi32, #tpu.memory_space<hbm>> -> memref<200xi32, #tpu.memory_space<hbm>>
    tpu.enqueue_dma source(%dma_start3A_337 : memref<200xi32, #tpu.memory_space<hbm>>) target(%dma_start3A_334 : memref<200xi32, #tpu.memory_space<vmem>>) target_semaphore(%arg10 : memref<!tpu.dma_semaphore, #tpu.memory_space<semaphore_mem>>)
    %add3A_338 = arith.constant 28 : i32
    %add3A_339 = arith.addi %mul3A_2, %add3A_338 : i32
    %dma_start3A_340 = arith.constant 5600 : i32
    %dma_start3A_341 = tpu.memref_slice %arg6[%dma_start3A_340] : memref<6400xi32, #tpu.memory_space<vmem>> -> memref<200xi32, #tpu.memory_space<vmem>>
    %dma_start3A_342 = arith.constant 0 : i32
    %dma_start3A_343 = tpu.memref_slice %arg3[%add3A_339, %dma_start3A_342] : memref<1024x200xi32, #tpu.memory_space<hbm>> -> memref<1x200xi32, #tpu.memory_space<hbm>>
    %dma_start3A_344 = tpu.memref_squeeze %dma_start3A_343 : memref<1x200xi32, #tpu.memory_space<hbm>> -> memref<200xi32, #tpu.memory_space<hbm>>
    %dma_start3A_345 = arith.constant 5600 : i32
    %dma_start3A_346 = tpu.memref_slice %arg6[%dma_start3A_345] : memref<6400xi32, #tpu.memory_space<vmem>> -> memref<200xi32, #tpu.memory_space<vmem>>
    %dma_start3A_347 = arith.constant 0 : i32
    %dma_start3A_348 = tpu.memref_slice %arg3[%add3A_339, %dma_start3A_347] : memref<1024x200xi32, #tpu.memory_space<hbm>> -> memref<1x200xi32, #tpu.memory_space<hbm>>
    %dma_start3A_349 = tpu.memref_squeeze %dma_start3A_348 : memref<1x200xi32, #tpu.memory_space<hbm>> -> memref<200xi32, #tpu.memory_space<hbm>>
    tpu.enqueue_dma source(%dma_start3A_349 : memref<200xi32, #tpu.memory_space<hbm>>) target(%dma_start3A_346 : memref<200xi32, #tpu.memory_space<vmem>>) target_semaphore(%arg10 : memref<!tpu.dma_semaphore, #tpu.memory_space<semaphore_mem>>)
    %add3A_350 = arith.constant 29 : i32
    %add3A_351 = arith.addi %mul3A_2, %add3A_350 : i32
    %dma_start3A_352 = arith.constant 5800 : i32
    %dma_start3A_353 = tpu.memref_slice %arg6[%dma_start3A_352] : memref<6400xi32, #tpu.memory_space<vmem>> -> memref<200xi32, #tpu.memory_space<vmem>>
    %dma_start3A_354 = arith.constant 0 : i32
    %dma_start3A_355 = tpu.memref_slice %arg3[%add3A_351, %dma_start3A_354] : memref<1024x200xi32, #tpu.memory_space<hbm>> -> memref<1x200xi32, #tpu.memory_space<hbm>>
    %dma_start3A_356 = tpu.memref_squeeze %dma_start3A_355 : memref<1x200xi32, #tpu.memory_space<hbm>> -> memref<200xi32, #tpu.memory_space<hbm>>
    %dma_start3A_357 = arith.constant 5800 : i32
    %dma_start3A_358 = tpu.memref_slice %arg6[%dma_start3A_357] : memref<6400xi32, #tpu.memory_space<vmem>> -> memref<200xi32, #tpu.memory_space<vmem>>
    %dma_start3A_359 = arith.constant 0 : i32
    %dma_start3A_360 = tpu.memref_slice %arg3[%add3A_351, %dma_start3A_359] : memref<1024x200xi32, #tpu.memory_space<hbm>> -> memref<1x200xi32, #tpu.memory_space<hbm>>
    %dma_start3A_361 = tpu.memref_squeeze %dma_start3A_360 : memref<1x200xi32, #tpu.memory_space<hbm>> -> memref<200xi32, #tpu.memory_space<hbm>>
    tpu.enqueue_dma source(%dma_start3A_361 : memref<200xi32, #tpu.memory_space<hbm>>) target(%dma_start3A_358 : memref<200xi32, #tpu.memory_space<vmem>>) target_semaphore(%arg10 : memref<!tpu.dma_semaphore, #tpu.memory_space<semaphore_mem>>)
    %add3A_362 = arith.constant 30 : i32
    %add3A_363 = arith.addi %mul3A_2, %add3A_362 : i32
    %dma_start3A_364 = arith.constant 6000 : i32
    %dma_start3A_365 = tpu.memref_slice %arg6[%dma_start3A_364] : memref<6400xi32, #tpu.memory_space<vmem>> -> memref<200xi32, #tpu.memory_space<vmem>>
    %dma_start3A_366 = arith.constant 0 : i32
    %dma_start3A_367 = tpu.memref_slice %arg3[%add3A_363, %dma_start3A_366] : memref<1024x200xi32, #tpu.memory_space<hbm>> -> memref<1x200xi32, #tpu.memory_space<hbm>>
    %dma_start3A_368 = tpu.memref_squeeze %dma_start3A_367 : memref<1x200xi32, #tpu.memory_space<hbm>> -> memref<200xi32, #tpu.memory_space<hbm>>
    %dma_start3A_369 = arith.constant 6000 : i32
    %dma_start3A_370 = tpu.memref_slice %arg6[%dma_start3A_369] : memref<6400xi32, #tpu.memory_space<vmem>> -> memref<200xi32, #tpu.memory_space<vmem>>
    %dma_start3A_371 = arith.constant 0 : i32
    %dma_start3A_372 = tpu.memref_slice %arg3[%add3A_363, %dma_start3A_371] : memref<1024x200xi32, #tpu.memory_space<hbm>> -> memref<1x200xi32, #tpu.memory_space<hbm>>
    %dma_start3A_373 = tpu.memref_squeeze %dma_start3A_372 : memref<1x200xi32, #tpu.memory_space<hbm>> -> memref<200xi32, #tpu.memory_space<hbm>>
    tpu.enqueue_dma source(%dma_start3A_373 : memref<200xi32, #tpu.memory_space<hbm>>) target(%dma_start3A_370 : memref<200xi32, #tpu.memory_space<vmem>>) target_semaphore(%arg10 : memref<!tpu.dma_semaphore, #tpu.memory_space<semaphore_mem>>)
    %add3A_374 = arith.constant 31 : i32
    %add3A_375 = arith.addi %mul3A_2, %add3A_374 : i32
    %dma_start3A_376 = arith.constant 6200 : i32
    %dma_start3A_377 = tpu.memref_slice %arg6[%dma_start3A_376] : memref<6400xi32, #tpu.memory_space<vmem>> -> memref<200xi32, #tpu.memory_space<vmem>>
    %dma_start3A_378 = arith.constant 0 : i32
    %dma_start3A_379 = tpu.memref_slice %arg3[%add3A_375, %dma_start3A_378] : memref<1024x200xi32, #tpu.memory_space<hbm>> -> memref<1x200xi32, #tpu.memory_space<hbm>>
    %dma_start3A_380 = tpu.memref_squeeze %dma_start3A_379 : memref<1x200xi32, #tpu.memory_space<hbm>> -> memref<200xi32, #tpu.memory_space<hbm>>
    %dma_start3A_381 = arith.constant 6200 : i32
    %dma_start3A_382 = tpu.memref_slice %arg6[%dma_start3A_381] : memref<6400xi32, #tpu.memory_space<vmem>> -> memref<200xi32, #tpu.memory_space<vmem>>
    %dma_start3A_383 = arith.constant 0 : i32
    %dma_start3A_384 = tpu.memref_slice %arg3[%add3A_375, %dma_start3A_383] : memref<1024x200xi32, #tpu.memory_space<hbm>> -> memref<1x200xi32, #tpu.memory_space<hbm>>
    %dma_start3A_385 = tpu.memref_squeeze %dma_start3A_384 : memref<1x200xi32, #tpu.memory_space<hbm>> -> memref<200xi32, #tpu.memory_space<hbm>>
    tpu.enqueue_dma source(%dma_start3A_385 : memref<200xi32, #tpu.memory_space<hbm>>) target(%dma_start3A_382 : memref<200xi32, #tpu.memory_space<vmem>>) target_semaphore(%arg10 : memref<!tpu.dma_semaphore, #tpu.memory_space<semaphore_mem>>)
    "tpu.region"() ({
      %run_scoped3A = tpu.sem_alloc : memref<!tpu.dma_semaphore, #tpu.memory_space<semaphore_mem>>
      tpu.enqueue_dma source(%arg4 : memref<16xi32, #tpu.memory_space<hbm>>) target(%arg8 : memref<16xi32, #tpu.memory_space<vmem>>) target_semaphore(%run_scoped3A : memref<!tpu.dma_semaphore, #tpu.memory_space<semaphore_mem>>)
      tpu.wait_dma2 semaphore(%run_scoped3A : memref<!tpu.dma_semaphore, #tpu.memory_space<semaphore_mem>>) src(%arg4 : memref<16xi32, #tpu.memory_space<hbm>>) dst(%arg8 : memref<16xi32, #tpu.memory_space<vmem>>)
      tpu.yield
    }) : () -> ()
    %dma_wait3A = arith.constant 0 : i32
    %dma_wait3A_386 = tpu.memref_slice %arg6[%dma_wait3A] : memref<6400xi32, #tpu.memory_space<vmem>> -> memref<200xi32, #tpu.memory_space<vmem>>
    %dma_wait3A_387 = arith.constant 0 : i32
    %dma_wait3A_388 = tpu.memref_slice %arg3[%add3A_4, %dma_wait3A_387] : memref<1024x200xi32, #tpu.memory_space<hbm>> -> memref<1x200xi32, #tpu.memory_space<hbm>>
    %dma_wait3A_389 = tpu.memref_squeeze %dma_wait3A_388 : memref<1x200xi32, #tpu.memory_space<hbm>> -> memref<200xi32, #tpu.memory_space<hbm>>
    %dma_wait3A_390 = arith.constant 0 : i32
    %dma_wait3A_391 = tpu.memref_slice %arg6[%dma_wait3A_390] : memref<6400xi32, #tpu.memory_space<vmem>> -> memref<200xi32, #tpu.memory_space<vmem>>
    %dma_wait3A_392 = arith.constant 0 : i32
    %dma_wait3A_393 = tpu.memref_slice %arg3[%add3A_4, %dma_wait3A_392] : memref<1024x200xi32, #tpu.memory_space<hbm>> -> memref<1x200xi32, #tpu.memory_space<hbm>>
    %dma_wait3A_394 = tpu.memref_squeeze %dma_wait3A_393 : memref<1x200xi32, #tpu.memory_space<hbm>> -> memref<200xi32, #tpu.memory_space<hbm>>
    tpu.wait_dma2 semaphore(%arg10 : memref<!tpu.dma_semaphore, #tpu.memory_space<semaphore_mem>>) src(%dma_wait3A_394 : memref<200xi32, #tpu.memory_space<hbm>>) dst(%dma_wait3A_391 : memref<200xi32, #tpu.memory_space<vmem>>)
    %dma_wait3A_395 = arith.constant 200 : i32
    %dma_wait3A_396 = tpu.memref_slice %arg6[%dma_wait3A_395] : memref<6400xi32, #tpu.memory_space<vmem>> -> memref<200xi32, #tpu.memory_space<vmem>>
    %dma_wait3A_397 = arith.constant 0 : i32
    %dma_wait3A_398 = tpu.memref_slice %arg3[%add3A_15, %dma_wait3A_397] : memref<1024x200xi32, #tpu.memory_space<hbm>> -> memref<1x200xi32, #tpu.memory_space<hbm>>
    %dma_wait3A_399 = tpu.memref_squeeze %dma_wait3A_398 : memref<1x200xi32, #tpu.memory_space<hbm>> -> memref<200xi32, #tpu.memory_space<hbm>>
    %dma_wait3A_400 = arith.constant 200 : i32
    %dma_wait3A_401 = tpu.memref_slice %arg6[%dma_wait3A_400] : memref<6400xi32, #tpu.memory_space<vmem>> -> memref<200xi32, #tpu.memory_space<vmem>>
    %dma_wait3A_402 = arith.constant 0 : i32
    %dma_wait3A_403 = tpu.memref_slice %arg3[%add3A_15, %dma_wait3A_402] : memref<1024x200xi32, #tpu.memory_space<hbm>> -> memref<1x200xi32, #tpu.memory_space<hbm>>
    %dma_wait3A_404 = tpu.memref_squeeze %dma_wait3A_403 : memref<1x200xi32, #tpu.memory_space<hbm>> -> memref<200xi32, #tpu.memory_space<hbm>>
    tpu.wait_dma2 semaphore(%arg10 : memref<!tpu.dma_semaphore, #tpu.memory_space<semaphore_mem>>) src(%dma_wait3A_404 : memref<200xi32, #tpu.memory_space<hbm>>) dst(%dma_wait3A_401 : memref<200xi32, #tpu.memory_space<vmem>>)
    %dma_wait3A_405 = arith.constant 400 : i32
    %dma_wait3A_406 = tpu.memref_slice %arg6[%dma_wait3A_405] : memref<6400xi32, #tpu.memory_space<vmem>> -> memref<200xi32, #tpu.memory_space<vmem>>
    %dma_wait3A_407 = arith.constant 0 : i32
    %dma_wait3A_408 = tpu.memref_slice %arg3[%add3A_27, %dma_wait3A_407] : memref<1024x200xi32, #tpu.memory_space<hbm>> -> memref<1x200xi32, #tpu.memory_space<hbm>>
    %dma_wait3A_409 = tpu.memref_squeeze %dma_wait3A_408 : memref<1x200xi32, #tpu.memory_space<hbm>> -> memref<200xi32, #tpu.memory_space<hbm>>
    %dma_wait3A_410 = arith.constant 400 : i32
    %dma_wait3A_411 = tpu.memref_slice %arg6[%dma_wait3A_410] : memref<6400xi32, #tpu.memory_space<vmem>> -> memref<200xi32, #tpu.memory_space<vmem>>
    %dma_wait3A_412 = arith.constant 0 : i32
    %dma_wait3A_413 = tpu.memref_slice %arg3[%add3A_27, %dma_wait3A_412] : memref<1024x200xi32, #tpu.memory_space<hbm>> -> memref<1x200xi32, #tpu.memory_space<hbm>>
    %dma_wait3A_414 = tpu.memref_squeeze %dma_wait3A_413 : memref<1x200xi32, #tpu.memory_space<hbm>> -> memref<200xi32, #tpu.memory_space<hbm>>
    tpu.wait_dma2 semaphore(%arg10 : memref<!tpu.dma_semaphore, #tpu.memory_space<semaphore_mem>>) src(%dma_wait3A_414 : memref<200xi32, #tpu.memory_space<hbm>>) dst(%dma_wait3A_411 : memref<200xi32, #tpu.memory_space<vmem>>)
    %dma_wait3A_415 = arith.constant 600 : i32
    %dma_wait3A_416 = tpu.memref_slice %arg6[%dma_wait3A_415] : memref<6400xi32, #tpu.memory_space<vmem>> -> memref<200xi32, #tpu.memory_space<vmem>>
    %dma_wait3A_417 = arith.constant 0 : i32
    %dma_wait3A_418 = tpu.memref_slice %arg3[%add3A_39, %dma_wait3A_417] : memref<1024x200xi32, #tpu.memory_space<hbm>> -> memref<1x200xi32, #tpu.memory_space<hbm>>
    %dma_wait3A_419 = tpu.memref_squeeze %dma_wait3A_418 : memref<1x200xi32, #tpu.memory_space<hbm>> -> memref<200xi32, #tpu.memory_space<hbm>>
    %dma_wait3A_420 = arith.constant 600 : i32
    %dma_wait3A_421 = tpu.memref_slice %arg6[%dma_wait3A_420] : memref<6400xi32, #tpu.memory_space<vmem>> -> memref<200xi32, #tpu.memory_space<vmem>>
    %dma_wait3A_422 = arith.constant 0 : i32
    %dma_wait3A_423 = tpu.memref_slice %arg3[%add3A_39, %dma_wait3A_422] : memref<1024x200xi32, #tpu.memory_space<hbm>> -> memref<1x200xi32, #tpu.memory_space<hbm>>
    %dma_wait3A_424 = tpu.memref_squeeze %dma_wait3A_423 : memref<1x200xi32, #tpu.memory_space<hbm>> -> memref<200xi32, #tpu.memory_space<hbm>>
    tpu.wait_dma2 semaphore(%arg10 : memref<!tpu.dma_semaphore, #tpu.memory_space<semaphore_mem>>) src(%dma_wait3A_424 : memref<200xi32, #tpu.memory_space<hbm>>) dst(%dma_wait3A_421 : memref<200xi32, #tpu.memory_space<vmem>>)
    %dma_wait3A_425 = arith.constant 800 : i32
    %dma_wait3A_426 = tpu.memref_slice %arg6[%dma_wait3A_425] : memref<6400xi32, #tpu.memory_space<vmem>> -> memref<200xi32, #tpu.memory_space<vmem>>
    %dma_wait3A_427 = arith.constant 0 : i32
    %dma_wait3A_428 = tpu.memref_slice %arg3[%add3A_51, %dma_wait3A_427] : memref<1024x200xi32, #tpu.memory_space<hbm>> -> memref<1x200xi32, #tpu.memory_space<hbm>>
    %dma_wait3A_429 = tpu.memref_squeeze %dma_wait3A_428 : memref<1x200xi32, #tpu.memory_space<hbm>> -> memref<200xi32, #tpu.memory_space<hbm>>
    %dma_wait3A_430 = arith.constant 800 : i32
    %dma_wait3A_431 = tpu.memref_slice %arg6[%dma_wait3A_430] : memref<6400xi32, #tpu.memory_space<vmem>> -> memref<200xi32, #tpu.memory_space<vmem>>
    %dma_wait3A_432 = arith.constant 0 : i32
    %dma_wait3A_433 = tpu.memref_slice %arg3[%add3A_51, %dma_wait3A_432] : memref<1024x200xi32, #tpu.memory_space<hbm>> -> memref<1x200xi32, #tpu.memory_space<hbm>>
    %dma_wait3A_434 = tpu.memref_squeeze %dma_wait3A_433 : memref<1x200xi32, #tpu.memory_space<hbm>> -> memref<200xi32, #tpu.memory_space<hbm>>
    tpu.wait_dma2 semaphore(%arg10 : memref<!tpu.dma_semaphore, #tpu.memory_space<semaphore_mem>>) src(%dma_wait3A_434 : memref<200xi32, #tpu.memory_space<hbm>>) dst(%dma_wait3A_431 : memref<200xi32, #tpu.memory_space<vmem>>)
    %dma_wait3A_435 = arith.constant 1000 : i32
    %dma_wait3A_436 = tpu.memref_slice %arg6[%dma_wait3A_435] : memref<6400xi32, #tpu.memory_space<vmem>> -> memref<200xi32, #tpu.memory_space<vmem>>
    %dma_wait3A_437 = arith.constant 0 : i32
    %dma_wait3A_438 = tpu.memref_slice %arg3[%add3A_63, %dma_wait3A_437] : memref<1024x200xi32, #tpu.memory_space<hbm>> -> memref<1x200xi32, #tpu.memory_space<hbm>>
    %dma_wait3A_439 = tpu.memref_squeeze %dma_wait3A_438 : memref<1x200xi32, #tpu.memory_space<hbm>> -> memref<200xi32, #tpu.memory_space<hbm>>
    %dma_wait3A_440 = arith.constant 1000 : i32
    %dma_wait3A_441 = tpu.memref_slice %arg6[%dma_wait3A_440] : memref<6400xi32, #tpu.memory_space<vmem>> -> memref<200xi32, #tpu.memory_space<vmem>>
    %dma_wait3A_442 = arith.constant 0 : i32
    %dma_wait3A_443 = tpu.memref_slice %arg3[%add3A_63, %dma_wait3A_442] : memref<1024x200xi32, #tpu.memory_space<hbm>> -> memref<1x200xi32, #tpu.memory_space<hbm>>
    %dma_wait3A_444 = tpu.memref_squeeze %dma_wait3A_443 : memref<1x200xi32, #tpu.memory_space<hbm>> -> memref<200xi32, #tpu.memory_space<hbm>>
    tpu.wait_dma2 semaphore(%arg10 : memref<!tpu.dma_semaphore, #tpu.memory_space<semaphore_mem>>) src(%dma_wait3A_444 : memref<200xi32, #tpu.memory_space<hbm>>) dst(%dma_wait3A_441 : memref<200xi32, #tpu.memory_space<vmem>>)
    %dma_wait3A_445 = arith.constant 1200 : i32
    %dma_wait3A_446 = tpu.memref_slice %arg6[%dma_wait3A_445] : memref<6400xi32, #tpu.memory_space<vmem>> -> memref<200xi32, #tpu.memory_space<vmem>>
    %dma_wait3A_447 = arith.constant 0 : i32
    %dma_wait3A_448 = tpu.memref_slice %arg3[%add3A_75, %dma_wait3A_447] : memref<1024x200xi32, #tpu.memory_space<hbm>> -> memref<1x200xi32, #tpu.memory_space<hbm>>
    %dma_wait3A_449 = tpu.memref_squeeze %dma_wait3A_448 : memref<1x200xi32, #tpu.memory_space<hbm>> -> memref<200xi32, #tpu.memory_space<hbm>>
    %dma_wait3A_450 = arith.constant 1200 : i32
    %dma_wait3A_451 = tpu.memref_slice %arg6[%dma_wait3A_450] : memref<6400xi32, #tpu.memory_space<vmem>> -> memref<200xi32, #tpu.memory_space<vmem>>
    %dma_wait3A_452 = arith.constant 0 : i32
    %dma_wait3A_453 = tpu.memref_slice %arg3[%add3A_75, %dma_wait3A_452] : memref<1024x200xi32, #tpu.memory_space<hbm>> -> memref<1x200xi32, #tpu.memory_space<hbm>>
    %dma_wait3A_454 = tpu.memref_squeeze %dma_wait3A_453 : memref<1x200xi32, #tpu.memory_space<hbm>> -> memref<200xi32, #tpu.memory_space<hbm>>
    tpu.wait_dma2 semaphore(%arg10 : memref<!tpu.dma_semaphore, #tpu.memory_space<semaphore_mem>>) src(%dma_wait3A_454 : memref<200xi32, #tpu.memory_space<hbm>>) dst(%dma_wait3A_451 : memref<200xi32, #tpu.memory_space<vmem>>)
    %dma_wait3A_455 = arith.constant 1400 : i32
    %dma_wait3A_456 = tpu.memref_slice %arg6[%dma_wait3A_455] : memref<6400xi32, #tpu.memory_space<vmem>> -> memref<200xi32, #tpu.memory_space<vmem>>
    %dma_wait3A_457 = arith.constant 0 : i32
    %dma_wait3A_458 = tpu.memref_slice %arg3[%add3A_87, %dma_wait3A_457] : memref<1024x200xi32, #tpu.memory_space<hbm>> -> memref<1x200xi32, #tpu.memory_space<hbm>>
    %dma_wait3A_459 = tpu.memref_squeeze %dma_wait3A_458 : memref<1x200xi32, #tpu.memory_space<hbm>> -> memref<200xi32, #tpu.memory_space<hbm>>
    %dma_wait3A_460 = arith.constant 1400 : i32
    %dma_wait3A_461 = tpu.memref_slice %arg6[%dma_wait3A_460] : memref<6400xi32, #tpu.memory_space<vmem>> -> memref<200xi32, #tpu.memory_space<vmem>>
    %dma_wait3A_462 = arith.constant 0 : i32
    %dma_wait3A_463 = tpu.memref_slice %arg3[%add3A_87, %dma_wait3A_462] : memref<1024x200xi32, #tpu.memory_space<hbm>> -> memref<1x200xi32, #tpu.memory_space<hbm>>
    %dma_wait3A_464 = tpu.memref_squeeze %dma_wait3A_463 : memref<1x200xi32, #tpu.memory_space<hbm>> -> memref<200xi32, #tpu.memory_space<hbm>>
    tpu.wait_dma2 semaphore(%arg10 : memref<!tpu.dma_semaphore, #tpu.memory_space<semaphore_mem>>) src(%dma_wait3A_464 : memref<200xi32, #tpu.memory_space<hbm>>) dst(%dma_wait3A_461 : memref<200xi32, #tpu.memory_space<vmem>>)
    %dma_wait3A_465 = arith.constant 1600 : i32
    %dma_wait3A_466 = tpu.memref_slice %arg6[%dma_wait3A_465] : memref<6400xi32, #tpu.memory_space<vmem>> -> memref<200xi32, #tpu.memory_space<vmem>>
    %dma_wait3A_467 = arith.constant 0 : i32
    %dma_wait3A_468 = tpu.memref_slice %arg3[%add3A_99, %dma_wait3A_467] : memref<1024x200xi32, #tpu.memory_space<hbm>> -> memref<1x200xi32, #tpu.memory_space<hbm>>
    %dma_wait3A_469 = tpu.memref_squeeze %dma_wait3A_468 : memref<1x200xi32, #tpu.memory_space<hbm>> -> memref<200xi32, #tpu.memory_space<hbm>>
    %dma_wait3A_470 = arith.constant 1600 : i32
    %dma_wait3A_471 = tpu.memref_slice %arg6[%dma_wait3A_470] : memref<6400xi32, #tpu.memory_space<vmem>> -> memref<200xi32, #tpu.memory_space<vmem>>
    %dma_wait3A_472 = arith.constant 0 : i32
    %dma_wait3A_473 = tpu.memref_slice %arg3[%add3A_99, %dma_wait3A_472] : memref<1024x200xi32, #tpu.memory_space<hbm>> -> memref<1x200xi32, #tpu.memory_space<hbm>>
    %dma_wait3A_474 = tpu.memref_squeeze %dma_wait3A_473 : memref<1x200xi32, #tpu.memory_space<hbm>> -> memref<200xi32, #tpu.memory_space<hbm>>
    tpu.wait_dma2 semaphore(%arg10 : memref<!tpu.dma_semaphore, #tpu.memory_space<semaphore_mem>>) src(%dma_wait3A_474 : memref<200xi32, #tpu.memory_space<hbm>>) dst(%dma_wait3A_471 : memref<200xi32, #tpu.memory_space<vmem>>)
    %dma_wait3A_475 = arith.constant 1800 : i32
    %dma_wait3A_476 = tpu.memref_slice %arg6[%dma_wait3A_475] : memref<6400xi32, #tpu.memory_space<vmem>> -> memref<200xi32, #tpu.memory_space<vmem>>
    %dma_wait3A_477 = arith.constant 0 : i32
    %dma_wait3A_478 = tpu.memref_slice %arg3[%add3A_111, %dma_wait3A_477] : memref<1024x200xi32, #tpu.memory_space<hbm>> -> memref<1x200xi32, #tpu.memory_space<hbm>>
    %dma_wait3A_479 = tpu.memref_squeeze %dma_wait3A_478 : memref<1x200xi32, #tpu.memory_space<hbm>> -> memref<200xi32, #tpu.memory_space<hbm>>
    %dma_wait3A_480 = arith.constant 1800 : i32
    %dma_wait3A_481 = tpu.memref_slice %arg6[%dma_wait3A_480] : memref<6400xi32, #tpu.memory_space<vmem>> -> memref<200xi32, #tpu.memory_space<vmem>>
    %dma_wait3A_482 = arith.constant 0 : i32
    %dma_wait3A_483 = tpu.memref_slice %arg3[%add3A_111, %dma_wait3A_482] : memref<1024x200xi32, #tpu.memory_space<hbm>> -> memref<1x200xi32, #tpu.memory_space<hbm>>
    %dma_wait3A_484 = tpu.memref_squeeze %dma_wait3A_483 : memref<1x200xi32, #tpu.memory_space<hbm>> -> memref<200xi32, #tpu.memory_space<hbm>>
    tpu.wait_dma2 semaphore(%arg10 : memref<!tpu.dma_semaphore, #tpu.memory_space<semaphore_mem>>) src(%dma_wait3A_484 : memref<200xi32, #tpu.memory_space<hbm>>) dst(%dma_wait3A_481 : memref<200xi32, #tpu.memory_space<vmem>>)
    %dma_wait3A_485 = arith.constant 2000 : i32
    %dma_wait3A_486 = tpu.memref_slice %arg6[%dma_wait3A_485] : memref<6400xi32, #tpu.memory_space<vmem>> -> memref<200xi32, #tpu.memory_space<vmem>>
    %dma_wait3A_487 = arith.constant 0 : i32
    %dma_wait3A_488 = tpu.memref_slice %arg3[%add3A_123, %dma_wait3A_487] : memref<1024x200xi32, #tpu.memory_space<hbm>> -> memref<1x200xi32, #tpu.memory_space<hbm>>
    %dma_wait3A_489 = tpu.memref_squeeze %dma_wait3A_488 : memref<1x200xi32, #tpu.memory_space<hbm>> -> memref<200xi32, #tpu.memory_space<hbm>>
    %dma_wait3A_490 = arith.constant 2000 : i32
    %dma_wait3A_491 = tpu.memref_slice %arg6[%dma_wait3A_490] : memref<6400xi32, #tpu.memory_space<vmem>> -> memref<200xi32, #tpu.memory_space<vmem>>
    %dma_wait3A_492 = arith.constant 0 : i32
    %dma_wait3A_493 = tpu.memref_slice %arg3[%add3A_123, %dma_wait3A_492] : memref<1024x200xi32, #tpu.memory_space<hbm>> -> memref<1x200xi32, #tpu.memory_space<hbm>>
    %dma_wait3A_494 = tpu.memref_squeeze %dma_wait3A_493 : memref<1x200xi32, #tpu.memory_space<hbm>> -> memref<200xi32, #tpu.memory_space<hbm>>
    tpu.wait_dma2 semaphore(%arg10 : memref<!tpu.dma_semaphore, #tpu.memory_space<semaphore_mem>>) src(%dma_wait3A_494 : memref<200xi32, #tpu.memory_space<hbm>>) dst(%dma_wait3A_491 : memref<200xi32, #tpu.memory_space<vmem>>)
    %dma_wait3A_495 = arith.constant 2200 : i32
    %dma_wait3A_496 = tpu.memref_slice %arg6[%dma_wait3A_495] : memref<6400xi32, #tpu.memory_space<vmem>> -> memref<200xi32, #tpu.memory_space<vmem>>
    %dma_wait3A_497 = arith.constant 0 : i32
    %dma_wait3A_498 = tpu.memref_slice %arg3[%add3A_135, %dma_wait3A_497] : memref<1024x200xi32, #tpu.memory_space<hbm>> -> memref<1x200xi32, #tpu.memory_space<hbm>>
    %dma_wait3A_499 = tpu.memref_squeeze %dma_wait3A_498 : memref<1x200xi32, #tpu.memory_space<hbm>> -> memref<200xi32, #tpu.memory_space<hbm>>
    %dma_wait3A_500 = arith.constant 2200 : i32
    %dma_wait3A_501 = tpu.memref_slice %arg6[%dma_wait3A_500] : memref<6400xi32, #tpu.memory_space<vmem>> -> memref<200xi32, #tpu.memory_space<vmem>>
    %dma_wait3A_502 = arith.constant 0 : i32
    %dma_wait3A_503 = tpu.memref_slice %arg3[%add3A_135, %dma_wait3A_502] : memref<1024x200xi32, #tpu.memory_space<hbm>> -> memref<1x200xi32, #tpu.memory_space<hbm>>
    %dma_wait3A_504 = tpu.memref_squeeze %dma_wait3A_503 : memref<1x200xi32, #tpu.memory_space<hbm>> -> memref<200xi32, #tpu.memory_space<hbm>>
    tpu.wait_dma2 semaphore(%arg10 : memref<!tpu.dma_semaphore, #tpu.memory_space<semaphore_mem>>) src(%dma_wait3A_504 : memref<200xi32, #tpu.memory_space<hbm>>) dst(%dma_wait3A_501 : memref<200xi32, #tpu.memory_space<vmem>>)
    %dma_wait3A_505 = arith.constant 2400 : i32
    %dma_wait3A_506 = tpu.memref_slice %arg6[%dma_wait3A_505] : memref<6400xi32, #tpu.memory_space<vmem>> -> memref<200xi32, #tpu.memory_space<vmem>>
    %dma_wait3A_507 = arith.constant 0 : i32
    %dma_wait3A_508 = tpu.memref_slice %arg3[%add3A_147, %dma_wait3A_507] : memref<1024x200xi32, #tpu.memory_space<hbm>> -> memref<1x200xi32, #tpu.memory_space<hbm>>
    %dma_wait3A_509 = tpu.memref_squeeze %dma_wait3A_508 : memref<1x200xi32, #tpu.memory_space<hbm>> -> memref<200xi32, #tpu.memory_space<hbm>>
    %dma_wait3A_510 = arith.constant 2400 : i32
    %dma_wait3A_511 = tpu.memref_slice %arg6[%dma_wait3A_510] : memref<6400xi32, #tpu.memory_space<vmem>> -> memref<200xi32, #tpu.memory_space<vmem>>
    %dma_wait3A_512 = arith.constant 0 : i32
    %dma_wait3A_513 = tpu.memref_slice %arg3[%add3A_147, %dma_wait3A_512] : memref<1024x200xi32, #tpu.memory_space<hbm>> -> memref<1x200xi32, #tpu.memory_space<hbm>>
    %dma_wait3A_514 = tpu.memref_squeeze %dma_wait3A_513 : memref<1x200xi32, #tpu.memory_space<hbm>> -> memref<200xi32, #tpu.memory_space<hbm>>
    tpu.wait_dma2 semaphore(%arg10 : memref<!tpu.dma_semaphore, #tpu.memory_space<semaphore_mem>>) src(%dma_wait3A_514 : memref<200xi32, #tpu.memory_space<hbm>>) dst(%dma_wait3A_511 : memref<200xi32, #tpu.memory_space<vmem>>)
    %dma_wait3A_515 = arith.constant 2600 : i32
    %dma_wait3A_516 = tpu.memref_slice %arg6[%dma_wait3A_515] : memref<6400xi32, #tpu.memory_space<vmem>> -> memref<200xi32, #tpu.memory_space<vmem>>
    %dma_wait3A_517 = arith.constant 0 : i32
    %dma_wait3A_518 = tpu.memref_slice %arg3[%add3A_159, %dma_wait3A_517] : memref<1024x200xi32, #tpu.memory_space<hbm>> -> memref<1x200xi32, #tpu.memory_space<hbm>>
    %dma_wait3A_519 = tpu.memref_squeeze %dma_wait3A_518 : memref<1x200xi32, #tpu.memory_space<hbm>> -> memref<200xi32, #tpu.memory_space<hbm>>
    %dma_wait3A_520 = arith.constant 2600 : i32
    %dma_wait3A_521 = tpu.memref_slice %arg6[%dma_wait3A_520] : memref<6400xi32, #tpu.memory_space<vmem>> -> memref<200xi32, #tpu.memory_space<vmem>>
    %dma_wait3A_522 = arith.constant 0 : i32
    %dma_wait3A_523 = tpu.memref_slice %arg3[%add3A_159, %dma_wait3A_522] : memref<1024x200xi32, #tpu.memory_space<hbm>> -> memref<1x200xi32, #tpu.memory_space<hbm>>
    %dma_wait3A_524 = tpu.memref_squeeze %dma_wait3A_523 : memref<1x200xi32, #tpu.memory_space<hbm>> -> memref<200xi32, #tpu.memory_space<hbm>>
    tpu.wait_dma2 semaphore(%arg10 : memref<!tpu.dma_semaphore, #tpu.memory_space<semaphore_mem>>) src(%dma_wait3A_524 : memref<200xi32, #tpu.memory_space<hbm>>) dst(%dma_wait3A_521 : memref<200xi32, #tpu.memory_space<vmem>>)
    %dma_wait3A_525 = arith.constant 2800 : i32
    %dma_wait3A_526 = tpu.memref_slice %arg6[%dma_wait3A_525] : memref<6400xi32, #tpu.memory_space<vmem>> -> memref<200xi32, #tpu.memory_space<vmem>>
    %dma_wait3A_527 = arith.constant 0 : i32
    %dma_wait3A_528 = tpu.memref_slice %arg3[%add3A_171, %dma_wait3A_527] : memref<1024x200xi32, #tpu.memory_space<hbm>> -> memref<1x200xi32, #tpu.memory_space<hbm>>
    %dma_wait3A_529 = tpu.memref_squeeze %dma_wait3A_528 : memref<1x200xi32, #tpu.memory_space<hbm>> -> memref<200xi32, #tpu.memory_space<hbm>>
    %dma_wait3A_530 = arith.constant 2800 : i32
    %dma_wait3A_531 = tpu.memref_slice %arg6[%dma_wait3A_530] : memref<6400xi32, #tpu.memory_space<vmem>> -> memref<200xi32, #tpu.memory_space<vmem>>
    %dma_wait3A_532 = arith.constant 0 : i32
    %dma_wait3A_533 = tpu.memref_slice %arg3[%add3A_171, %dma_wait3A_532] : memref<1024x200xi32, #tpu.memory_space<hbm>> -> memref<1x200xi32, #tpu.memory_space<hbm>>
    %dma_wait3A_534 = tpu.memref_squeeze %dma_wait3A_533 : memref<1x200xi32, #tpu.memory_space<hbm>> -> memref<200xi32, #tpu.memory_space<hbm>>
    tpu.wait_dma2 semaphore(%arg10 : memref<!tpu.dma_semaphore, #tpu.memory_space<semaphore_mem>>) src(%dma_wait3A_534 : memref<200xi32, #tpu.memory_space<hbm>>) dst(%dma_wait3A_531 : memref<200xi32, #tpu.memory_space<vmem>>)
    %dma_wait3A_535 = arith.constant 3000 : i32
    %dma_wait3A_536 = tpu.memref_slice %arg6[%dma_wait3A_535] : memref<6400xi32, #tpu.memory_space<vmem>> -> memref<200xi32, #tpu.memory_space<vmem>>
    %dma_wait3A_537 = arith.constant 0 : i32
    %dma_wait3A_538 = tpu.memref_slice %arg3[%add3A_183, %dma_wait3A_537] : memref<1024x200xi32, #tpu.memory_space<hbm>> -> memref<1x200xi32, #tpu.memory_space<hbm>>
    %dma_wait3A_539 = tpu.memref_squeeze %dma_wait3A_538 : memref<1x200xi32, #tpu.memory_space<hbm>> -> memref<200xi32, #tpu.memory_space<hbm>>
    %dma_wait3A_540 = arith.constant 3000 : i32
    %dma_wait3A_541 = tpu.memref_slice %arg6[%dma_wait3A_540] : memref<6400xi32, #tpu.memory_space<vmem>> -> memref<200xi32, #tpu.memory_space<vmem>>
    %dma_wait3A_542 = arith.constant 0 : i32
    %dma_wait3A_543 = tpu.memref_slice %arg3[%add3A_183, %dma_wait3A_542] : memref<1024x200xi32, #tpu.memory_space<hbm>> -> memref<1x200xi32, #tpu.memory_space<hbm>>
    %dma_wait3A_544 = tpu.memref_squeeze %dma_wait3A_543 : memref<1x200xi32, #tpu.memory_space<hbm>> -> memref<200xi32, #tpu.memory_space<hbm>>
    tpu.wait_dma2 semaphore(%arg10 : memref<!tpu.dma_semaphore, #tpu.memory_space<semaphore_mem>>) src(%dma_wait3A_544 : memref<200xi32, #tpu.memory_space<hbm>>) dst(%dma_wait3A_541 : memref<200xi32, #tpu.memory_space<vmem>>)
    %dma_wait3A_545 = arith.constant 3200 : i32
    %dma_wait3A_546 = tpu.memref_slice %arg6[%dma_wait3A_545] : memref<6400xi32, #tpu.memory_space<vmem>> -> memref<200xi32, #tpu.memory_space<vmem>>
    %dma_wait3A_547 = arith.constant 0 : i32
    %dma_wait3A_548 = tpu.memref_slice %arg3[%add3A_195, %dma_wait3A_547] : memref<1024x200xi32, #tpu.memory_space<hbm>> -> memref<1x200xi32, #tpu.memory_space<hbm>>
    %dma_wait3A_549 = tpu.memref_squeeze %dma_wait3A_548 : memref<1x200xi32, #tpu.memory_space<hbm>> -> memref<200xi32, #tpu.memory_space<hbm>>
    %dma_wait3A_550 = arith.constant 3200 : i32
    %dma_wait3A_551 = tpu.memref_slice %arg6[%dma_wait3A_550] : memref<6400xi32, #tpu.memory_space<vmem>> -> memref<200xi32, #tpu.memory_space<vmem>>
    %dma_wait3A_552 = arith.constant 0 : i32
    %dma_wait3A_553 = tpu.memref_slice %arg3[%add3A_195, %dma_wait3A_552] : memref<1024x200xi32, #tpu.memory_space<hbm>> -> memref<1x200xi32, #tpu.memory_space<hbm>>
    %dma_wait3A_554 = tpu.memref_squeeze %dma_wait3A_553 : memref<1x200xi32, #tpu.memory_space<hbm>> -> memref<200xi32, #tpu.memory_space<hbm>>
    tpu.wait_dma2 semaphore(%arg10 : memref<!tpu.dma_semaphore, #tpu.memory_space<semaphore_mem>>) src(%dma_wait3A_554 : memref<200xi32, #tpu.memory_space<hbm>>) dst(%dma_wait3A_551 : memref<200xi32, #tpu.memory_space<vmem>>)
    %dma_wait3A_555 = arith.constant 3400 : i32
    %dma_wait3A_556 = tpu.memref_slice %arg6[%dma_wait3A_555] : memref<6400xi32, #tpu.memory_space<vmem>> -> memref<200xi32, #tpu.memory_space<vmem>>
    %dma_wait3A_557 = arith.constant 0 : i32
    %dma_wait3A_558 = tpu.memref_slice %arg3[%add3A_207, %dma_wait3A_557] : memref<1024x200xi32, #tpu.memory_space<hbm>> -> memref<1x200xi32, #tpu.memory_space<hbm>>
    %dma_wait3A_559 = tpu.memref_squeeze %dma_wait3A_558 : memref<1x200xi32, #tpu.memory_space<hbm>> -> memref<200xi32, #tpu.memory_space<hbm>>
    %dma_wait3A_560 = arith.constant 3400 : i32
    %dma_wait3A_561 = tpu.memref_slice %arg6[%dma_wait3A_560] : memref<6400xi32, #tpu.memory_space<vmem>> -> memref<200xi32, #tpu.memory_space<vmem>>
    %dma_wait3A_562 = arith.constant 0 : i32
    %dma_wait3A_563 = tpu.memref_slice %arg3[%add3A_207, %dma_wait3A_562] : memref<1024x200xi32, #tpu.memory_space<hbm>> -> memref<1x200xi32, #tpu.memory_space<hbm>>
    %dma_wait3A_564 = tpu.memref_squeeze %dma_wait3A_563 : memref<1x200xi32, #tpu.memory_space<hbm>> -> memref<200xi32, #tpu.memory_space<hbm>>
    tpu.wait_dma2 semaphore(%arg10 : memref<!tpu.dma_semaphore, #tpu.memory_space<semaphore_mem>>) src(%dma_wait3A_564 : memref<200xi32, #tpu.memory_space<hbm>>) dst(%dma_wait3A_561 : memref<200xi32, #tpu.memory_space<vmem>>)
    %dma_wait3A_565 = arith.constant 3600 : i32
    %dma_wait3A_566 = tpu.memref_slice %arg6[%dma_wait3A_565] : memref<6400xi32, #tpu.memory_space<vmem>> -> memref<200xi32, #tpu.memory_space<vmem>>
    %dma_wait3A_567 = arith.constant 0 : i32
    %dma_wait3A_568 = tpu.memref_slice %arg3[%add3A_219, %dma_wait3A_567] : memref<1024x200xi32, #tpu.memory_space<hbm>> -> memref<1x200xi32, #tpu.memory_space<hbm>>
    %dma_wait3A_569 = tpu.memref_squeeze %dma_wait3A_568 : memref<1x200xi32, #tpu.memory_space<hbm>> -> memref<200xi32, #tpu.memory_space<hbm>>
    %dma_wait3A_570 = arith.constant 3600 : i32
    %dma_wait3A_571 = tpu.memref_slice %arg6[%dma_wait3A_570] : memref<6400xi32, #tpu.memory_space<vmem>> -> memref<200xi32, #tpu.memory_space<vmem>>
    %dma_wait3A_572 = arith.constant 0 : i32
    %dma_wait3A_573 = tpu.memref_slice %arg3[%add3A_219, %dma_wait3A_572] : memref<1024x200xi32, #tpu.memory_space<hbm>> -> memref<1x200xi32, #tpu.memory_space<hbm>>
    %dma_wait3A_574 = tpu.memref_squeeze %dma_wait3A_573 : memref<1x200xi32, #tpu.memory_space<hbm>> -> memref<200xi32, #tpu.memory_space<hbm>>
    tpu.wait_dma2 semaphore(%arg10 : memref<!tpu.dma_semaphore, #tpu.memory_space<semaphore_mem>>) src(%dma_wait3A_574 : memref<200xi32, #tpu.memory_space<hbm>>) dst(%dma_wait3A_571 : memref<200xi32, #tpu.memory_space<vmem>>)
    %dma_wait3A_575 = arith.constant 3800 : i32
    %dma_wait3A_576 = tpu.memref_slice %arg6[%dma_wait3A_575] : memref<6400xi32, #tpu.memory_space<vmem>> -> memref<200xi32, #tpu.memory_space<vmem>>
    %dma_wait3A_577 = arith.constant 0 : i32
    %dma_wait3A_578 = tpu.memref_slice %arg3[%add3A_231, %dma_wait3A_577] : memref<1024x200xi32, #tpu.memory_space<hbm>> -> memref<1x200xi32, #tpu.memory_space<hbm>>
    %dma_wait3A_579 = tpu.memref_squeeze %dma_wait3A_578 : memref<1x200xi32, #tpu.memory_space<hbm>> -> memref<200xi32, #tpu.memory_space<hbm>>
    %dma_wait3A_580 = arith.constant 3800 : i32
    %dma_wait3A_581 = tpu.memref_slice %arg6[%dma_wait3A_580] : memref<6400xi32, #tpu.memory_space<vmem>> -> memref<200xi32, #tpu.memory_space<vmem>>
    %dma_wait3A_582 = arith.constant 0 : i32
    %dma_wait3A_583 = tpu.memref_slice %arg3[%add3A_231, %dma_wait3A_582] : memref<1024x200xi32, #tpu.memory_space<hbm>> -> memref<1x200xi32, #tpu.memory_space<hbm>>
    %dma_wait3A_584 = tpu.memref_squeeze %dma_wait3A_583 : memref<1x200xi32, #tpu.memory_space<hbm>> -> memref<200xi32, #tpu.memory_space<hbm>>
    tpu.wait_dma2 semaphore(%arg10 : memref<!tpu.dma_semaphore, #tpu.memory_space<semaphore_mem>>) src(%dma_wait3A_584 : memref<200xi32, #tpu.memory_space<hbm>>) dst(%dma_wait3A_581 : memref<200xi32, #tpu.memory_space<vmem>>)
    %dma_wait3A_585 = arith.constant 4000 : i32
    %dma_wait3A_586 = tpu.memref_slice %arg6[%dma_wait3A_585] : memref<6400xi32, #tpu.memory_space<vmem>> -> memref<200xi32, #tpu.memory_space<vmem>>
    %dma_wait3A_587 = arith.constant 0 : i32
    %dma_wait3A_588 = tpu.memref_slice %arg3[%add3A_243, %dma_wait3A_587] : memref<1024x200xi32, #tpu.memory_space<hbm>> -> memref<1x200xi32, #tpu.memory_space<hbm>>
    %dma_wait3A_589 = tpu.memref_squeeze %dma_wait3A_588 : memref<1x200xi32, #tpu.memory_space<hbm>> -> memref<200xi32, #tpu.memory_space<hbm>>
    %dma_wait3A_590 = arith.constant 4000 : i32
    %dma_wait3A_591 = tpu.memref_slice %arg6[%dma_wait3A_590] : memref<6400xi32, #tpu.memory_space<vmem>> -> memref<200xi32, #tpu.memory_space<vmem>>
    %dma_wait3A_592 = arith.constant 0 : i32
    %dma_wait3A_593 = tpu.memref_slice %arg3[%add3A_243, %dma_wait3A_592] : memref<1024x200xi32, #tpu.memory_space<hbm>> -> memref<1x200xi32, #tpu.memory_space<hbm>>
    %dma_wait3A_594 = tpu.memref_squeeze %dma_wait3A_593 : memref<1x200xi32, #tpu.memory_space<hbm>> -> memref<200xi32, #tpu.memory_space<hbm>>
    tpu.wait_dma2 semaphore(%arg10 : memref<!tpu.dma_semaphore, #tpu.memory_space<semaphore_mem>>) src(%dma_wait3A_594 : memref<200xi32, #tpu.memory_space<hbm>>) dst(%dma_wait3A_591 : memref<200xi32, #tpu.memory_space<vmem>>)
    %dma_wait3A_595 = arith.constant 4200 : i32
    %dma_wait3A_596 = tpu.memref_slice %arg6[%dma_wait3A_595] : memref<6400xi32, #tpu.memory_space<vmem>> -> memref<200xi32, #tpu.memory_space<vmem>>
    %dma_wait3A_597 = arith.constant 0 : i32
    %dma_wait3A_598 = tpu.memref_slice %arg3[%add3A_255, %dma_wait3A_597] : memref<1024x200xi32, #tpu.memory_space<hbm>> -> memref<1x200xi32, #tpu.memory_space<hbm>>
    %dma_wait3A_599 = tpu.memref_squeeze %dma_wait3A_598 : memref<1x200xi32, #tpu.memory_space<hbm>> -> memref<200xi32, #tpu.memory_space<hbm>>
    %dma_wait3A_600 = arith.constant 4200 : i32
    %dma_wait3A_601 = tpu.memref_slice %arg6[%dma_wait3A_600] : memref<6400xi32, #tpu.memory_space<vmem>> -> memref<200xi32, #tpu.memory_space<vmem>>
    %dma_wait3A_602 = arith.constant 0 : i32
    %dma_wait3A_603 = tpu.memref_slice %arg3[%add3A_255, %dma_wait3A_602] : memref<1024x200xi32, #tpu.memory_space<hbm>> -> memref<1x200xi32, #tpu.memory_space<hbm>>
    %dma_wait3A_604 = tpu.memref_squeeze %dma_wait3A_603 : memref<1x200xi32, #tpu.memory_space<hbm>> -> memref<200xi32, #tpu.memory_space<hbm>>
    tpu.wait_dma2 semaphore(%arg10 : memref<!tpu.dma_semaphore, #tpu.memory_space<semaphore_mem>>) src(%dma_wait3A_604 : memref<200xi32, #tpu.memory_space<hbm>>) dst(%dma_wait3A_601 : memref<200xi32, #tpu.memory_space<vmem>>)
    %dma_wait3A_605 = arith.constant 4400 : i32
    %dma_wait3A_606 = tpu.memref_slice %arg6[%dma_wait3A_605] : memref<6400xi32, #tpu.memory_space<vmem>> -> memref<200xi32, #tpu.memory_space<vmem>>
    %dma_wait3A_607 = arith.constant 0 : i32
    %dma_wait3A_608 = tpu.memref_slice %arg3[%add3A_267, %dma_wait3A_607] : memref<1024x200xi32, #tpu.memory_space<hbm>> -> memref<1x200xi32, #tpu.memory_space<hbm>>
    %dma_wait3A_609 = tpu.memref_squeeze %dma_wait3A_608 : memref<1x200xi32, #tpu.memory_space<hbm>> -> memref<200xi32, #tpu.memory_space<hbm>>
    %dma_wait3A_610 = arith.constant 4400 : i32
    %dma_wait3A_611 = tpu.memref_slice %arg6[%dma_wait3A_610] : memref<6400xi32, #tpu.memory_space<vmem>> -> memref<200xi32, #tpu.memory_space<vmem>>
    %dma_wait3A_612 = arith.constant 0 : i32
    %dma_wait3A_613 = tpu.memref_slice %arg3[%add3A_267, %dma_wait3A_612] : memref<1024x200xi32, #tpu.memory_space<hbm>> -> memref<1x200xi32, #tpu.memory_space<hbm>>
    %dma_wait3A_614 = tpu.memref_squeeze %dma_wait3A_613 : memref<1x200xi32, #tpu.memory_space<hbm>> -> memref<200xi32, #tpu.memory_space<hbm>>
    tpu.wait_dma2 semaphore(%arg10 : memref<!tpu.dma_semaphore, #tpu.memory_space<semaphore_mem>>) src(%dma_wait3A_614 : memref<200xi32, #tpu.memory_space<hbm>>) dst(%dma_wait3A_611 : memref<200xi32, #tpu.memory_space<vmem>>)
    %dma_wait3A_615 = arith.constant 4600 : i32
    %dma_wait3A_616 = tpu.memref_slice %arg6[%dma_wait3A_615] : memref<6400xi32, #tpu.memory_space<vmem>> -> memref<200xi32, #tpu.memory_space<vmem>>
    %dma_wait3A_617 = arith.constant 0 : i32
    %dma_wait3A_618 = tpu.memref_slice %arg3[%add3A_279, %dma_wait3A_617] : memref<1024x200xi32, #tpu.memory_space<hbm>> -> memref<1x200xi32, #tpu.memory_space<hbm>>
    %dma_wait3A_619 = tpu.memref_squeeze %dma_wait3A_618 : memref<1x200xi32, #tpu.memory_space<hbm>> -> memref<200xi32, #tpu.memory_space<hbm>>
    %dma_wait3A_620 = arith.constant 4600 : i32
    %dma_wait3A_621 = tpu.memref_slice %arg6[%dma_wait3A_620] : memref<6400xi32, #tpu.memory_space<vmem>> -> memref<200xi32, #tpu.memory_space<vmem>>
    %dma_wait3A_622 = arith.constant 0 : i32
    %dma_wait3A_623 = tpu.memref_slice %arg3[%add3A_279, %dma_wait3A_622] : memref<1024x200xi32, #tpu.memory_space<hbm>> -> memref<1x200xi32, #tpu.memory_space<hbm>>
    %dma_wait3A_624 = tpu.memref_squeeze %dma_wait3A_623 : memref<1x200xi32, #tpu.memory_space<hbm>> -> memref<200xi32, #tpu.memory_space<hbm>>
    tpu.wait_dma2 semaphore(%arg10 : memref<!tpu.dma_semaphore, #tpu.memory_space<semaphore_mem>>) src(%dma_wait3A_624 : memref<200xi32, #tpu.memory_space<hbm>>) dst(%dma_wait3A_621 : memref<200xi32, #tpu.memory_space<vmem>>)
    %dma_wait3A_625 = arith.constant 4800 : i32
    %dma_wait3A_626 = tpu.memref_slice %arg6[%dma_wait3A_625] : memref<6400xi32, #tpu.memory_space<vmem>> -> memref<200xi32, #tpu.memory_space<vmem>>
    %dma_wait3A_627 = arith.constant 0 : i32
    %dma_wait3A_628 = tpu.memref_slice %arg3[%add3A_291, %dma_wait3A_627] : memref<1024x200xi32, #tpu.memory_space<hbm>> -> memref<1x200xi32, #tpu.memory_space<hbm>>
    %dma_wait3A_629 = tpu.memref_squeeze %dma_wait3A_628 : memref<1x200xi32, #tpu.memory_space<hbm>> -> memref<200xi32, #tpu.memory_space<hbm>>
    %dma_wait3A_630 = arith.constant 4800 : i32
    %dma_wait3A_631 = tpu.memref_slice %arg6[%dma_wait3A_630] : memref<6400xi32, #tpu.memory_space<vmem>> -> memref<200xi32, #tpu.memory_space<vmem>>
    %dma_wait3A_632 = arith.constant 0 : i32
    %dma_wait3A_633 = tpu.memref_slice %arg3[%add3A_291, %dma_wait3A_632] : memref<1024x200xi32, #tpu.memory_space<hbm>> -> memref<1x200xi32, #tpu.memory_space<hbm>>
    %dma_wait3A_634 = tpu.memref_squeeze %dma_wait3A_633 : memref<1x200xi32, #tpu.memory_space<hbm>> -> memref<200xi32, #tpu.memory_space<hbm>>
    tpu.wait_dma2 semaphore(%arg10 : memref<!tpu.dma_semaphore, #tpu.memory_space<semaphore_mem>>) src(%dma_wait3A_634 : memref<200xi32, #tpu.memory_space<hbm>>) dst(%dma_wait3A_631 : memref<200xi32, #tpu.memory_space<vmem>>)
    %dma_wait3A_635 = arith.constant 5000 : i32
    %dma_wait3A_636 = tpu.memref_slice %arg6[%dma_wait3A_635] : memref<6400xi32, #tpu.memory_space<vmem>> -> memref<200xi32, #tpu.memory_space<vmem>>
    %dma_wait3A_637 = arith.constant 0 : i32
    %dma_wait3A_638 = tpu.memref_slice %arg3[%add3A_303, %dma_wait3A_637] : memref<1024x200xi32, #tpu.memory_space<hbm>> -> memref<1x200xi32, #tpu.memory_space<hbm>>
    %dma_wait3A_639 = tpu.memref_squeeze %dma_wait3A_638 : memref<1x200xi32, #tpu.memory_space<hbm>> -> memref<200xi32, #tpu.memory_space<hbm>>
    %dma_wait3A_640 = arith.constant 5000 : i32
    %dma_wait3A_641 = tpu.memref_slice %arg6[%dma_wait3A_640] : memref<6400xi32, #tpu.memory_space<vmem>> -> memref<200xi32, #tpu.memory_space<vmem>>
    %dma_wait3A_642 = arith.constant 0 : i32
    %dma_wait3A_643 = tpu.memref_slice %arg3[%add3A_303, %dma_wait3A_642] : memref<1024x200xi32, #tpu.memory_space<hbm>> -> memref<1x200xi32, #tpu.memory_space<hbm>>
    %dma_wait3A_644 = tpu.memref_squeeze %dma_wait3A_643 : memref<1x200xi32, #tpu.memory_space<hbm>> -> memref<200xi32, #tpu.memory_space<hbm>>
    tpu.wait_dma2 semaphore(%arg10 : memref<!tpu.dma_semaphore, #tpu.memory_space<semaphore_mem>>) src(%dma_wait3A_644 : memref<200xi32, #tpu.memory_space<hbm>>) dst(%dma_wait3A_641 : memref<200xi32, #tpu.memory_space<vmem>>)
    %dma_wait3A_645 = arith.constant 5200 : i32
    %dma_wait3A_646 = tpu.memref_slice %arg6[%dma_wait3A_645] : memref<6400xi32, #tpu.memory_space<vmem>> -> memref<200xi32, #tpu.memory_space<vmem>>
    %dma_wait3A_647 = arith.constant 0 : i32
    %dma_wait3A_648 = tpu.memref_slice %arg3[%add3A_315, %dma_wait3A_647] : memref<1024x200xi32, #tpu.memory_space<hbm>> -> memref<1x200xi32, #tpu.memory_space<hbm>>
    %dma_wait3A_649 = tpu.memref_squeeze %dma_wait3A_648 : memref<1x200xi32, #tpu.memory_space<hbm>> -> memref<200xi32, #tpu.memory_space<hbm>>
    %dma_wait3A_650 = arith.constant 5200 : i32
    %dma_wait3A_651 = tpu.memref_slice %arg6[%dma_wait3A_650] : memref<6400xi32, #tpu.memory_space<vmem>> -> memref<200xi32, #tpu.memory_space<vmem>>
    %dma_wait3A_652 = arith.constant 0 : i32
    %dma_wait3A_653 = tpu.memref_slice %arg3[%add3A_315, %dma_wait3A_652] : memref<1024x200xi32, #tpu.memory_space<hbm>> -> memref<1x200xi32, #tpu.memory_space<hbm>>
    %dma_wait3A_654 = tpu.memref_squeeze %dma_wait3A_653 : memref<1x200xi32, #tpu.memory_space<hbm>> -> memref<200xi32, #tpu.memory_space<hbm>>
    tpu.wait_dma2 semaphore(%arg10 : memref<!tpu.dma_semaphore, #tpu.memory_space<semaphore_mem>>) src(%dma_wait3A_654 : memref<200xi32, #tpu.memory_space<hbm>>) dst(%dma_wait3A_651 : memref<200xi32, #tpu.memory_space<vmem>>)
    %dma_wait3A_655 = arith.constant 5400 : i32
    %dma_wait3A_656 = tpu.memref_slice %arg6[%dma_wait3A_655] : memref<6400xi32, #tpu.memory_space<vmem>> -> memref<200xi32, #tpu.memory_space<vmem>>
    %dma_wait3A_657 = arith.constant 0 : i32
    %dma_wait3A_658 = tpu.memref_slice %arg3[%add3A_327, %dma_wait3A_657] : memref<1024x200xi32, #tpu.memory_space<hbm>> -> memref<1x200xi32, #tpu.memory_space<hbm>>
    %dma_wait3A_659 = tpu.memref_squeeze %dma_wait3A_658 : memref<1x200xi32, #tpu.memory_space<hbm>> -> memref<200xi32, #tpu.memory_space<hbm>>
    %dma_wait3A_660 = arith.constant 5400 : i32
    %dma_wait3A_661 = tpu.memref_slice %arg6[%dma_wait3A_660] : memref<6400xi32, #tpu.memory_space<vmem>> -> memref<200xi32, #tpu.memory_space<vmem>>
    %dma_wait3A_662 = arith.constant 0 : i32
    %dma_wait3A_663 = tpu.memref_slice %arg3[%add3A_327, %dma_wait3A_662] : memref<1024x200xi32, #tpu.memory_space<hbm>> -> memref<1x200xi32, #tpu.memory_space<hbm>>
    %dma_wait3A_664 = tpu.memref_squeeze %dma_wait3A_663 : memref<1x200xi32, #tpu.memory_space<hbm>> -> memref<200xi32, #tpu.memory_space<hbm>>
    tpu.wait_dma2 semaphore(%arg10 : memref<!tpu.dma_semaphore, #tpu.memory_space<semaphore_mem>>) src(%dma_wait3A_664 : memref<200xi32, #tpu.memory_space<hbm>>) dst(%dma_wait3A_661 : memref<200xi32, #tpu.memory_space<vmem>>)
    %dma_wait3A_665 = arith.constant 5600 : i32
    %dma_wait3A_666 = tpu.memref_slice %arg6[%dma_wait3A_665] : memref<6400xi32, #tpu.memory_space<vmem>> -> memref<200xi32, #tpu.memory_space<vmem>>
    %dma_wait3A_667 = arith.constant 0 : i32
    %dma_wait3A_668 = tpu.memref_slice %arg3[%add3A_339, %dma_wait3A_667] : memref<1024x200xi32, #tpu.memory_space<hbm>> -> memref<1x200xi32, #tpu.memory_space<hbm>>
    %dma_wait3A_669 = tpu.memref_squeeze %dma_wait3A_668 : memref<1x200xi32, #tpu.memory_space<hbm>> -> memref<200xi32, #tpu.memory_space<hbm>>
    %dma_wait3A_670 = arith.constant 5600 : i32
    %dma_wait3A_671 = tpu.memref_slice %arg6[%dma_wait3A_670] : memref<6400xi32, #tpu.memory_space<vmem>> -> memref<200xi32, #tpu.memory_space<vmem>>
    %dma_wait3A_672 = arith.constant 0 : i32
    %dma_wait3A_673 = tpu.memref_slice %arg3[%add3A_339, %dma_wait3A_672] : memref<1024x200xi32, #tpu.memory_space<hbm>> -> memref<1x200xi32, #tpu.memory_space<hbm>>
    %dma_wait3A_674 = tpu.memref_squeeze %dma_wait3A_673 : memref<1x200xi32, #tpu.memory_space<hbm>> -> memref<200xi32, #tpu.memory_space<hbm>>
    tpu.wait_dma2 semaphore(%arg10 : memref<!tpu.dma_semaphore, #tpu.memory_space<semaphore_mem>>) src(%dma_wait3A_674 : memref<200xi32, #tpu.memory_space<hbm>>) dst(%dma_wait3A_671 : memref<200xi32, #tpu.memory_space<vmem>>)
    %dma_wait3A_675 = arith.constant 5800 : i32
    %dma_wait3A_676 = tpu.memref_slice %arg6[%dma_wait3A_675] : memref<6400xi32, #tpu.memory_space<vmem>> -> memref<200xi32, #tpu.memory_space<vmem>>
    %dma_wait3A_677 = arith.constant 0 : i32
    %dma_wait3A_678 = tpu.memref_slice %arg3[%add3A_351, %dma_wait3A_677] : memref<1024x200xi32, #tpu.memory_space<hbm>> -> memref<1x200xi32, #tpu.memory_space<hbm>>
    %dma_wait3A_679 = tpu.memref_squeeze %dma_wait3A_678 : memref<1x200xi32, #tpu.memory_space<hbm>> -> memref<200xi32, #tpu.memory_space<hbm>>
    %dma_wait3A_680 = arith.constant 5800 : i32
    %dma_wait3A_681 = tpu.memref_slice %arg6[%dma_wait3A_680] : memref<6400xi32, #tpu.memory_space<vmem>> -> memref<200xi32, #tpu.memory_space<vmem>>
    %dma_wait3A_682 = arith.constant 0 : i32
    %dma_wait3A_683 = tpu.memref_slice %arg3[%add3A_351, %dma_wait3A_682] : memref<1024x200xi32, #tpu.memory_space<hbm>> -> memref<1x200xi32, #tpu.memory_space<hbm>>
    %dma_wait3A_684 = tpu.memref_squeeze %dma_wait3A_683 : memref<1x200xi32, #tpu.memory_space<hbm>> -> memref<200xi32, #tpu.memory_space<hbm>>
    tpu.wait_dma2 semaphore(%arg10 : memref<!tpu.dma_semaphore, #tpu.memory_space<semaphore_mem>>) src(%dma_wait3A_684 : memref<200xi32, #tpu.memory_space<hbm>>) dst(%dma_wait3A_681 : memref<200xi32, #tpu.memory_space<vmem>>)
    %dma_wait3A_685 = arith.constant 6000 : i32
    %dma_wait3A_686 = tpu.memref_slice %arg6[%dma_wait3A_685] : memref<6400xi32, #tpu.memory_space<vmem>> -> memref<200xi32, #tpu.memory_space<vmem>>
    %dma_wait3A_687 = arith.constant 0 : i32
    %dma_wait3A_688 = tpu.memref_slice %arg3[%add3A_363, %dma_wait3A_687] : memref<1024x200xi32, #tpu.memory_space<hbm>> -> memref<1x200xi32, #tpu.memory_space<hbm>>
    %dma_wait3A_689 = tpu.memref_squeeze %dma_wait3A_688 : memref<1x200xi32, #tpu.memory_space<hbm>> -> memref<200xi32, #tpu.memory_space<hbm>>
    %dma_wait3A_690 = arith.constant 6000 : i32
    %dma_wait3A_691 = tpu.memref_slice %arg6[%dma_wait3A_690] : memref<6400xi32, #tpu.memory_space<vmem>> -> memref<200xi32, #tpu.memory_space<vmem>>
    %dma_wait3A_692 = arith.constant 0 : i32
    %dma_wait3A_693 = tpu.memref_slice %arg3[%add3A_363, %dma_wait3A_692] : memref<1024x200xi32, #tpu.memory_space<hbm>> -> memref<1x200xi32, #tpu.memory_space<hbm>>
    %dma_wait3A_694 = tpu.memref_squeeze %dma_wait3A_693 : memref<1x200xi32, #tpu.memory_space<hbm>> -> memref<200xi32, #tpu.memory_space<hbm>>
    tpu.wait_dma2 semaphore(%arg10 : memref<!tpu.dma_semaphore, #tpu.memory_space<semaphore_mem>>) src(%dma_wait3A_694 : memref<200xi32, #tpu.memory_space<hbm>>) dst(%dma_wait3A_691 : memref<200xi32, #tpu.memory_space<vmem>>)
    %dma_wait3A_695 = arith.constant 6200 : i32
    %dma_wait3A_696 = tpu.memref_slice %arg6[%dma_wait3A_695] : memref<6400xi32, #tpu.memory_space<vmem>> -> memref<200xi32, #tpu.memory_space<vmem>>
    %dma_wait3A_697 = arith.constant 0 : i32
    %dma_wait3A_698 = tpu.memref_slice %arg3[%add3A_375, %dma_wait3A_697] : memref<1024x200xi32, #tpu.memory_space<hbm>> -> memref<1x200xi32, #tpu.memory_space<hbm>>
    %dma_wait3A_699 = tpu.memref_squeeze %dma_wait3A_698 : memref<1x200xi32, #tpu.memory_space<hbm>> -> memref<200xi32, #tpu.memory_space<hbm>>
    %dma_wait3A_700 = arith.constant 6200 : i32
    %dma_wait3A_701 = tpu.memref_slice %arg6[%dma_wait3A_700] : memref<6400xi32, #tpu.memory_space<vmem>> -> memref<200xi32, #tpu.memory_space<vmem>>
    %dma_wait3A_702 = arith.constant 0 : i32
    %dma_wait3A_703 = tpu.memref_slice %arg3[%add3A_375, %dma_wait3A_702] : memref<1024x200xi32, #tpu.memory_space<hbm>> -> memref<1x200xi32, #tpu.memory_space<hbm>>
    %dma_wait3A_704 = tpu.memref_squeeze %dma_wait3A_703 : memref<1x200xi32, #tpu.memory_space<hbm>> -> memref<200xi32, #tpu.memory_space<hbm>>
    tpu.wait_dma2 semaphore(%arg10 : memref<!tpu.dma_semaphore, #tpu.memory_space<semaphore_mem>>) src(%dma_wait3A_704 : memref<200xi32, #tpu.memory_space<hbm>>) dst(%dma_wait3A_701 : memref<200xi32, #tpu.memory_space<vmem>>)
    %get3A = arith.constant 0 : index
    %get3A_705 = tpu.vector_load %arg8[%get3A] {strides = array<i32>} : memref<16xi32, #tpu.memory_space<vmem>>, vector<16xi32>,
    %get3A_706 = vector.shape_cast %get3A_705 : vector<16xi32> to vector<16xi32>
    %iota3A = tpu.iota {dimensions = array<i32: 0>} : vector<16xi32>
    %scan3A = arith.constant 0 : i32
    %scan3A_707 = arith.constant 0 : i32
    %scan3A_708 = arith.constant 400 : i32
    %scan3A_709 = arith.addi %scan3A_707, %scan3A_708 : i32
    %scan3A_710 = arith.constant 1 : i32
    scf.for %scan3A_2008 = %scan3A_707 to %scan3A_709 step %scan3A_710  : i32 {
      %mul3A_2009 = arith.constant 16 : i32
      %mul3A_2010 = arith.muli %scan3A_2008, %mul3A_2009 : i32
      %get3A_2011 = arith.index_cast %mul3A_2010 : i32 to index
      %get3A_2012 = tpu.vector_load %arg6[%get3A_2011] {strides = array<i32>} : memref<6400xi32, #tpu.memory_space<vmem>>, vector<16xi32>,
      %get3A_2013 = vector.shape_cast %get3A_2012 : vector<16xi32> to vector<16xi32>
      %mul3A_2014 = arith.constant 16 : i32
      %mul3A_2015 = arith.muli %scan3A_2008, %mul3A_2014 : i32
      %add3A_2016 = vector.broadcast %mul3A_2015 : i32 to vector<16xi32>
      %add3A_2017 = arith.addi %add3A_2016, %iota3A : vector<16xi32>
      %rem3A = arith.constant 200 : i32
      %rem3A_2018 = vector.broadcast %rem3A : i32 to vector<16xi32>
      %rem3A_2019 = arith.remsi %add3A_2017, %rem3A_2018 : vector<16xi32>
      %lt3A = arith.cmpi slt, %rem3A_2019, %get3A_706 : vector<16xi32>
      %add3A_2020 = arith.constant 1 : i32
      %add3A_2021 = vector.broadcast %add3A_2020 : i32 to vector<16xi32>
      %add3A_2022 = arith.addi %get3A_2013, %add3A_2021 : vector<16xi32>
      %broadcast_in_dim3A = arith.constant 0 : i32
      %broadcast_in_dim3A_2023 = vector.broadcast %broadcast_in_dim3A : i32 to vector<16xi32>
      %select_n3A = arith.select %lt3A, %add3A_2022, %broadcast_in_dim3A_2023 : vector<16xi1>, vector<16xi32>
      %mul3A_2024 = arith.constant 16 : i32
      %mul3A_2025 = arith.muli %scan3A_2008, %mul3A_2024 : i32
      %swap3A = arith.index_cast %mul3A_2025 : i32 to index
      %swap3A_2026 = tpu.vector_load %arg6[%swap3A] {strides = array<i32>} : memref<6400xi32, #tpu.memory_space<vmem>>, vector<16xi32>,
      %swap3A_2027 = vector.shape_cast %swap3A_2026 : vector<16xi32> to vector<16xi32>
      %swap3A_2028 = vector.shape_cast %select_n3A : vector<16xi32> to vector<16xi32>
      tpu.vector_store %arg6[%swap3A], %swap3A_2028 {strides = array<i32>} : memref<6400xi32, #tpu.memory_space<vmem>>, vector<16xi32>,
    }
    %scan3A_711 = arith.constant 400 : i32
    %dma_start3A_712 = arith.constant 0 : i32
    %dma_start3A_713 = arith.constant 0 : i32
    %dma_start3A_714 = arith.constant 0 : i32
    %dma_start3A_715 = tpu.memref_slice %arg7[%dma_start3A_712, %dma_start3A_713, %dma_start3A_714] : memref<4x200x128xf32, #tpu.memory_space<vmem>> -> memref<1x128x128xf32, #tpu.memory_space<vmem>>
    %dma_start3A_716 = tpu.memref_squeeze %dma_start3A_715 : memref<1x128x128xf32, #tpu.memory_space<vmem>> -> memref<128x128xf32, #tpu.memory_space<vmem>>
    %dma_start3A_717 = arith.constant 0 : i32
    %dma_start3A_718 = tpu.memref_slice %arg6[%dma_start3A_717] : memref<6400xi32, #tpu.memory_space<vmem>> -> memref<128xi32, #tpu.memory_space<vmem>>
    %dma_start3A_719 = arith.constant 0 : i32
    %dma_start3A_720 = arith.constant 0 : i32
    %dma_start3A_721 = tpu.memref_slice %arg2[%dma_start3A_719, %dma_start3A_720] : memref<1000008x128xf32, #tpu.memory_space<hbm>> -> memref<1000008x128xf32, #tpu.memory_space<hbm>>
    tpu.enqueue_indirect_dma source(%dma_start3A_721 : memref<1000008x128xf32, #tpu.memory_space<hbm>>) target(%dma_start3A_716 : memref<128x128xf32, #tpu.memory_space<vmem>>) offsets(%dma_start3A_718 : memref<128xi32, #tpu.memory_space<vmem>>) semaphore(%arg9 : memref<!tpu.dma_semaphore, #tpu.memory_space<semaphore_mem>>)
    %dma_start3A_722 = arith.constant 0 : i32
    %dma_start3A_723 = arith.constant 128 : i32
    %dma_start3A_724 = arith.constant 0 : i32
    %dma_start3A_725 = tpu.memref_slice %arg7[%dma_start3A_722, %dma_start3A_723, %dma_start3A_724] : memref<4x200x128xf32, #tpu.memory_space<vmem>> -> memref<1x72x128xf32, #tpu.memory_space<vmem>>
    %dma_start3A_726 = tpu.memref_squeeze %dma_start3A_725 : memref<1x72x128xf32, #tpu.memory_space<vmem>> -> memref<72x128xf32, #tpu.memory_space<vmem>>
    %dma_start3A_727 = arith.constant 128 : i32
    %dma_start3A_728 = tpu.memref_slice %arg6[%dma_start3A_727] : memref<6400xi32, #tpu.memory_space<vmem>> -> memref<72xi32, #tpu.memory_space<vmem>>
    %dma_start3A_729 = arith.constant 0 : i32
    %dma_start3A_730 = arith.constant 0 : i32
    %dma_start3A_731 = tpu.memref_slice %arg2[%dma_start3A_729, %dma_start3A_730] : memref<1000008x128xf32, #tpu.memory_space<hbm>> -> memref<1000008x128xf32, #tpu.memory_space<hbm>>
    tpu.enqueue_indirect_dma source(%dma_start3A_731 : memref<1000008x128xf32, #tpu.memory_space<hbm>>) target(%dma_start3A_726 : memref<72x128xf32, #tpu.memory_space<vmem>>) offsets(%dma_start3A_728 : memref<72xi32, #tpu.memory_space<vmem>>) semaphore(%arg9 : memref<!tpu.dma_semaphore, #tpu.memory_space<semaphore_mem>>)
    %dma_start3A_732 = arith.constant 1 : i32
    %dma_start3A_733 = arith.constant 0 : i32
    %dma_start3A_734 = arith.constant 0 : i32
    %dma_start3A_735 = tpu.memref_slice %arg7[%dma_start3A_732, %dma_start3A_733, %dma_start3A_734] : memref<4x200x128xf32, #tpu.memory_space<vmem>> -> memref<1x128x128xf32, #tpu.memory_space<vmem>>
    %dma_start3A_736 = tpu.memref_squeeze %dma_start3A_735 : memref<1x128x128xf32, #tpu.memory_space<vmem>> -> memref<128x128xf32, #tpu.memory_space<vmem>>
    %dma_start3A_737 = arith.constant 200 : i32
    %dma_start3A_738 = tpu.memref_slice %arg6[%dma_start3A_737] : memref<6400xi32, #tpu.memory_space<vmem>> -> memref<128xi32, #tpu.memory_space<vmem>>
    %dma_start3A_739 = arith.constant 0 : i32
    %dma_start3A_740 = arith.constant 0 : i32
    %dma_start3A_741 = tpu.memref_slice %arg2[%dma_start3A_739, %dma_start3A_740] : memref<1000008x128xf32, #tpu.memory_space<hbm>> -> memref<1000008x128xf32, #tpu.memory_space<hbm>>
    tpu.enqueue_indirect_dma source(%dma_start3A_741 : memref<1000008x128xf32, #tpu.memory_space<hbm>>) target(%dma_start3A_736 : memref<128x128xf32, #tpu.memory_space<vmem>>) offsets(%dma_start3A_738 : memref<128xi32, #tpu.memory_space<vmem>>) semaphore(%arg9 : memref<!tpu.dma_semaphore, #tpu.memory_space<semaphore_mem>>)
    %dma_start3A_742 = arith.constant 1 : i32
    %dma_start3A_743 = arith.constant 128 : i32
    %dma_start3A_744 = arith.constant 0 : i32
    %dma_start3A_745 = tpu.memref_slice %arg7[%dma_start3A_742, %dma_start3A_743, %dma_start3A_744] : memref<4x200x128xf32, #tpu.memory_space<vmem>> -> memref<1x72x128xf32, #tpu.memory_space<vmem>>
    %dma_start3A_746 = tpu.memref_squeeze %dma_start3A_745 : memref<1x72x128xf32, #tpu.memory_space<vmem>> -> memref<72x128xf32, #tpu.memory_space<vmem>>
    %dma_start3A_747 = arith.constant 328 : i32
    %dma_start3A_748 = tpu.memref_slice %arg6[%dma_start3A_747] : memref<6400xi32, #tpu.memory_space<vmem>> -> memref<72xi32, #tpu.memory_space<vmem>>
    %dma_start3A_749 = arith.constant 0 : i32
    %dma_start3A_750 = arith.constant 0 : i32
    %dma_start3A_751 = tpu.memref_slice %arg2[%dma_start3A_749, %dma_start3A_750] : memref<1000008x128xf32, #tpu.memory_space<hbm>> -> memref<1000008x128xf32, #tpu.memory_space<hbm>>
    tpu.enqueue_indirect_dma source(%dma_start3A_751 : memref<1000008x128xf32, #tpu.memory_space<hbm>>) target(%dma_start3A_746 : memref<72x128xf32, #tpu.memory_space<vmem>>) offsets(%dma_start3A_748 : memref<72xi32, #tpu.memory_space<vmem>>) semaphore(%arg9 : memref<!tpu.dma_semaphore, #tpu.memory_space<semaphore_mem>>)
    %dma_start3A_752 = arith.constant 2 : i32
    %dma_start3A_753 = arith.constant 0 : i32
    %dma_start3A_754 = arith.constant 0 : i32
    %dma_start3A_755 = tpu.memref_slice %arg7[%dma_start3A_752, %dma_start3A_753, %dma_start3A_754] : memref<4x200x128xf32, #tpu.memory_space<vmem>> -> memref<1x128x128xf32, #tpu.memory_space<vmem>>
    %dma_start3A_756 = tpu.memref_squeeze %dma_start3A_755 : memref<1x128x128xf32, #tpu.memory_space<vmem>> -> memref<128x128xf32, #tpu.memory_space<vmem>>
    %dma_start3A_757 = arith.constant 400 : i32
    %dma_start3A_758 = tpu.memref_slice %arg6[%dma_start3A_757] : memref<6400xi32, #tpu.memory_space<vmem>> -> memref<128xi32, #tpu.memory_space<vmem>>
    %dma_start3A_759 = arith.constant 0 : i32
    %dma_start3A_760 = arith.constant 0 : i32
    %dma_start3A_761 = tpu.memref_slice %arg2[%dma_start3A_759, %dma_start3A_760] : memref<1000008x128xf32, #tpu.memory_space<hbm>> -> memref<1000008x128xf32, #tpu.memory_space<hbm>>
    tpu.enqueue_indirect_dma source(%dma_start3A_761 : memref<1000008x128xf32, #tpu.memory_space<hbm>>) target(%dma_start3A_756 : memref<128x128xf32, #tpu.memory_space<vmem>>) offsets(%dma_start3A_758 : memref<128xi32, #tpu.memory_space<vmem>>) semaphore(%arg9 : memref<!tpu.dma_semaphore, #tpu.memory_space<semaphore_mem>>)
    %dma_start3A_762 = arith.constant 2 : i32
    %dma_start3A_763 = arith.constant 128 : i32
    %dma_start3A_764 = arith.constant 0 : i32
    %dma_start3A_765 = tpu.memref_slice %arg7[%dma_start3A_762, %dma_start3A_763, %dma_start3A_764] : memref<4x200x128xf32, #tpu.memory_space<vmem>> -> memref<1x72x128xf32, #tpu.memory_space<vmem>>
    %dma_start3A_766 = tpu.memref_squeeze %dma_start3A_765 : memref<1x72x128xf32, #tpu.memory_space<vmem>> -> memref<72x128xf32, #tpu.memory_space<vmem>>
    %dma_start3A_767 = arith.constant 528 : i32
    %dma_start3A_768 = tpu.memref_slice %arg6[%dma_start3A_767] : memref<6400xi32, #tpu.memory_space<vmem>> -> memref<72xi32, #tpu.memory_space<vmem>>
    %dma_start3A_769 = arith.constant 0 : i32
    %dma_start3A_770 = arith.constant 0 : i32
    %dma_start3A_771 = tpu.memref_slice %arg2[%dma_start3A_769, %dma_start3A_770] : memref<1000008x128xf32, #tpu.memory_space<hbm>> -> memref<1000008x128xf32, #tpu.memory_space<hbm>>
    tpu.enqueue_indirect_dma source(%dma_start3A_771 : memref<1000008x128xf32, #tpu.memory_space<hbm>>) target(%dma_start3A_766 : memref<72x128xf32, #tpu.memory_space<vmem>>) offsets(%dma_start3A_768 : memref<72xi32, #tpu.memory_space<vmem>>) semaphore(%arg9 : memref<!tpu.dma_semaphore, #tpu.memory_space<semaphore_mem>>)
    %dma_start3A_772 = arith.constant 3 : i32
    %dma_start3A_773 = arith.constant 0 : i32
    %dma_start3A_774 = arith.constant 0 : i32
    %dma_start3A_775 = tpu.memref_slice %arg7[%dma_start3A_772, %dma_start3A_773, %dma_start3A_774] : memref<4x200x128xf32, #tpu.memory_space<vmem>> -> memref<1x128x128xf32, #tpu.memory_space<vmem>>
    %dma_start3A_776 = tpu.memref_squeeze %dma_start3A_775 : memref<1x128x128xf32, #tpu.memory_space<vmem>> -> memref<128x128xf32, #tpu.memory_space<vmem>>
    %dma_start3A_777 = arith.constant 600 : i32
    %dma_start3A_778 = tpu.memref_slice %arg6[%dma_start3A_777] : memref<6400xi32, #tpu.memory_space<vmem>> -> memref<128xi32, #tpu.memory_space<vmem>>
    %dma_start3A_779 = arith.constant 0 : i32
    %dma_start3A_780 = arith.constant 0 : i32
    %dma_start3A_781 = tpu.memref_slice %arg2[%dma_start3A_779, %dma_start3A_780] : memref<1000008x128xf32, #tpu.memory_space<hbm>> -> memref<1000008x128xf32, #tpu.memory_space<hbm>>
    tpu.enqueue_indirect_dma source(%dma_start3A_781 : memref<1000008x128xf32, #tpu.memory_space<hbm>>) target(%dma_start3A_776 : memref<128x128xf32, #tpu.memory_space<vmem>>) offsets(%dma_start3A_778 : memref<128xi32, #tpu.memory_space<vmem>>) semaphore(%arg9 : memref<!tpu.dma_semaphore, #tpu.memory_space<semaphore_mem>>)
    %dma_start3A_782 = arith.constant 3 : i32
    %dma_start3A_783 = arith.constant 128 : i32
    %dma_start3A_784 = arith.constant 0 : i32
    %dma_start3A_785 = tpu.memref_slice %arg7[%dma_start3A_782, %dma_start3A_783, %dma_start3A_784] : memref<4x200x128xf32, #tpu.memory_space<vmem>> -> memref<1x72x128xf32, #tpu.memory_space<vmem>>
    %dma_start3A_786 = tpu.memref_squeeze %dma_start3A_785 : memref<1x72x128xf32, #tpu.memory_space<vmem>> -> memref<72x128xf32, #tpu.memory_space<vmem>>
    %dma_start3A_787 = arith.constant 728 : i32
    %dma_start3A_788 = tpu.memref_slice %arg6[%dma_start3A_787] : memref<6400xi32, #tpu.memory_space<vmem>> -> memref<72xi32, #tpu.memory_space<vmem>>
    %dma_start3A_789 = arith.constant 0 : i32
    %dma_start3A_790 = arith.constant 0 : i32
    %dma_start3A_791 = tpu.memref_slice %arg2[%dma_start3A_789, %dma_start3A_790] : memref<1000008x128xf32, #tpu.memory_space<hbm>> -> memref<1000008x128xf32, #tpu.memory_space<hbm>>
    tpu.enqueue_indirect_dma source(%dma_start3A_791 : memref<1000008x128xf32, #tpu.memory_space<hbm>>) target(%dma_start3A_786 : memref<72x128xf32, #tpu.memory_space<vmem>>) offsets(%dma_start3A_788 : memref<72xi32, #tpu.memory_space<vmem>>) semaphore(%arg9 : memref<!tpu.dma_semaphore, #tpu.memory_space<semaphore_mem>>)
    %dma_wait3A_792 = arith.constant 0 : i32
    %dma_wait3A_793 = arith.constant 0 : i32
    %dma_wait3A_794 = arith.constant 0 : i32
    %dma_wait3A_795 = tpu.memref_slice %arg7[%dma_wait3A_792, %dma_wait3A_793, %dma_wait3A_794] : memref<4x200x128xf32, #tpu.memory_space<vmem>> -> memref<1x128x128xf32, #tpu.memory_space<vmem>>
    %dma_wait3A_796 = tpu.memref_squeeze %dma_wait3A_795 : memref<1x128x128xf32, #tpu.memory_space<vmem>> -> memref<128x128xf32, #tpu.memory_space<vmem>>
    %dma_wait3A_797 = arith.constant 0 : i32
    %dma_wait3A_798 = tpu.memref_slice %arg6[%dma_wait3A_797] : memref<6400xi32, #tpu.memory_space<vmem>> -> memref<128xi32, #tpu.memory_space<vmem>>
    %dma_wait3A_799 = arith.constant 0 : i32
    %dma_wait3A_800 = arith.constant 0 : i32
    %dma_wait3A_801 = tpu.memref_slice %arg2[%dma_wait3A_799, %dma_wait3A_800] : memref<1000008x128xf32, #tpu.memory_space<hbm>> -> memref<1000008x128xf32, #tpu.memory_space<hbm>>
    tpu.wait_indirect_dma semaphore(%arg9 : memref<!tpu.dma_semaphore, #tpu.memory_space<semaphore_mem>>) src(%dma_wait3A_801 : memref<1000008x128xf32, #tpu.memory_space<hbm>>) dst(%dma_wait3A_796 : memref<128x128xf32, #tpu.memory_space<vmem>>)
    %dma_wait3A_802 = arith.constant 0 : i32
    %dma_wait3A_803 = arith.constant 128 : i32
    %dma_wait3A_804 = arith.constant 0 : i32
    %dma_wait3A_805 = tpu.memref_slice %arg7[%dma_wait3A_802, %dma_wait3A_803, %dma_wait3A_804] : memref<4x200x128xf32, #tpu.memory_space<vmem>> -> memref<1x72x128xf32, #tpu.memory_space<vmem>>
    %dma_wait3A_806 = tpu.memref_squeeze %dma_wait3A_805 : memref<1x72x128xf32, #tpu.memory_space<vmem>> -> memref<72x128xf32, #tpu.memory_space<vmem>>
    %dma_wait3A_807 = arith.constant 128 : i32
    %dma_wait3A_808 = tpu.memref_slice %arg6[%dma_wait3A_807] : memref<6400xi32, #tpu.memory_space<vmem>> -> memref<72xi32, #tpu.memory_space<vmem>>
    %dma_wait3A_809 = arith.constant 0 : i32
    %dma_wait3A_810 = arith.constant 0 : i32
    %dma_wait3A_811 = tpu.memref_slice %arg2[%dma_wait3A_809, %dma_wait3A_810] : memref<1000008x128xf32, #tpu.memory_space<hbm>> -> memref<1000008x128xf32, #tpu.memory_space<hbm>>
    tpu.wait_indirect_dma semaphore(%arg9 : memref<!tpu.dma_semaphore, #tpu.memory_space<semaphore_mem>>) src(%dma_wait3A_811 : memref<1000008x128xf32, #tpu.memory_space<hbm>>) dst(%dma_wait3A_806 : memref<72x128xf32, #tpu.memory_space<vmem>>)
    %dma_wait3A_812 = arith.constant 1 : i32
    %dma_wait3A_813 = arith.constant 0 : i32
    %dma_wait3A_814 = arith.constant 0 : i32
    %dma_wait3A_815 = tpu.memref_slice %arg7[%dma_wait3A_812, %dma_wait3A_813, %dma_wait3A_814] : memref<4x200x128xf32, #tpu.memory_space<vmem>> -> memref<1x128x128xf32, #tpu.memory_space<vmem>>
    %dma_wait3A_816 = tpu.memref_squeeze %dma_wait3A_815 : memref<1x128x128xf32, #tpu.memory_space<vmem>> -> memref<128x128xf32, #tpu.memory_space<vmem>>
    %dma_wait3A_817 = arith.constant 200 : i32
    %dma_wait3A_818 = tpu.memref_slice %arg6[%dma_wait3A_817] : memref<6400xi32, #tpu.memory_space<vmem>> -> memref<128xi32, #tpu.memory_space<vmem>>
    %dma_wait3A_819 = arith.constant 0 : i32
    %dma_wait3A_820 = arith.constant 0 : i32
    %dma_wait3A_821 = tpu.memref_slice %arg2[%dma_wait3A_819, %dma_wait3A_820] : memref<1000008x128xf32, #tpu.memory_space<hbm>> -> memref<1000008x128xf32, #tpu.memory_space<hbm>>
    tpu.wait_indirect_dma semaphore(%arg9 : memref<!tpu.dma_semaphore, #tpu.memory_space<semaphore_mem>>) src(%dma_wait3A_821 : memref<1000008x128xf32, #tpu.memory_space<hbm>>) dst(%dma_wait3A_816 : memref<128x128xf32, #tpu.memory_space<vmem>>)
    %dma_wait3A_822 = arith.constant 1 : i32
    %dma_wait3A_823 = arith.constant 128 : i32
    %dma_wait3A_824 = arith.constant 0 : i32
    %dma_wait3A_825 = tpu.memref_slice %arg7[%dma_wait3A_822, %dma_wait3A_823, %dma_wait3A_824] : memref<4x200x128xf32, #tpu.memory_space<vmem>> -> memref<1x72x128xf32, #tpu.memory_space<vmem>>
    %dma_wait3A_826 = tpu.memref_squeeze %dma_wait3A_825 : memref<1x72x128xf32, #tpu.memory_space<vmem>> -> memref<72x128xf32, #tpu.memory_space<vmem>>
    %dma_wait3A_827 = arith.constant 328 : i32
    %dma_wait3A_828 = tpu.memref_slice %arg6[%dma_wait3A_827] : memref<6400xi32, #tpu.memory_space<vmem>> -> memref<72xi32, #tpu.memory_space<vmem>>
    %dma_wait3A_829 = arith.constant 0 : i32
    %dma_wait3A_830 = arith.constant 0 : i32
    %dma_wait3A_831 = tpu.memref_slice %arg2[%dma_wait3A_829, %dma_wait3A_830] : memref<1000008x128xf32, #tpu.memory_space<hbm>> -> memref<1000008x128xf32, #tpu.memory_space<hbm>>
    tpu.wait_indirect_dma semaphore(%arg9 : memref<!tpu.dma_semaphore, #tpu.memory_space<semaphore_mem>>) src(%dma_wait3A_831 : memref<1000008x128xf32, #tpu.memory_space<hbm>>) dst(%dma_wait3A_826 : memref<72x128xf32, #tpu.memory_space<vmem>>)
    %dma_wait3A_832 = arith.constant 2 : i32
    %dma_wait3A_833 = arith.constant 0 : i32
    %dma_wait3A_834 = arith.constant 0 : i32
    %dma_wait3A_835 = tpu.memref_slice %arg7[%dma_wait3A_832, %dma_wait3A_833, %dma_wait3A_834] : memref<4x200x128xf32, #tpu.memory_space<vmem>> -> memref<1x128x128xf32, #tpu.memory_space<vmem>>
    %dma_wait3A_836 = tpu.memref_squeeze %dma_wait3A_835 : memref<1x128x128xf32, #tpu.memory_space<vmem>> -> memref<128x128xf32, #tpu.memory_space<vmem>>
    %dma_wait3A_837 = arith.constant 400 : i32
    %dma_wait3A_838 = tpu.memref_slice %arg6[%dma_wait3A_837] : memref<6400xi32, #tpu.memory_space<vmem>> -> memref<128xi32, #tpu.memory_space<vmem>>
    %dma_wait3A_839 = arith.constant 0 : i32
    %dma_wait3A_840 = arith.constant 0 : i32
    %dma_wait3A_841 = tpu.memref_slice %arg2[%dma_wait3A_839, %dma_wait3A_840] : memref<1000008x128xf32, #tpu.memory_space<hbm>> -> memref<1000008x128xf32, #tpu.memory_space<hbm>>
    tpu.wait_indirect_dma semaphore(%arg9 : memref<!tpu.dma_semaphore, #tpu.memory_space<semaphore_mem>>) src(%dma_wait3A_841 : memref<1000008x128xf32, #tpu.memory_space<hbm>>) dst(%dma_wait3A_836 : memref<128x128xf32, #tpu.memory_space<vmem>>)
    %dma_wait3A_842 = arith.constant 2 : i32
    %dma_wait3A_843 = arith.constant 128 : i32
    %dma_wait3A_844 = arith.constant 0 : i32
    %dma_wait3A_845 = tpu.memref_slice %arg7[%dma_wait3A_842, %dma_wait3A_843, %dma_wait3A_844] : memref<4x200x128xf32, #tpu.memory_space<vmem>> -> memref<1x72x128xf32, #tpu.memory_space<vmem>>
    %dma_wait3A_846 = tpu.memref_squeeze %dma_wait3A_845 : memref<1x72x128xf32, #tpu.memory_space<vmem>> -> memref<72x128xf32, #tpu.memory_space<vmem>>
    %dma_wait3A_847 = arith.constant 528 : i32
    %dma_wait3A_848 = tpu.memref_slice %arg6[%dma_wait3A_847] : memref<6400xi32, #tpu.memory_space<vmem>> -> memref<72xi32, #tpu.memory_space<vmem>>
    %dma_wait3A_849 = arith.constant 0 : i32
    %dma_wait3A_850 = arith.constant 0 : i32
    %dma_wait3A_851 = tpu.memref_slice %arg2[%dma_wait3A_849, %dma_wait3A_850] : memref<1000008x128xf32, #tpu.memory_space<hbm>> -> memref<1000008x128xf32, #tpu.memory_space<hbm>>
    tpu.wait_indirect_dma semaphore(%arg9 : memref<!tpu.dma_semaphore, #tpu.memory_space<semaphore_mem>>) src(%dma_wait3A_851 : memref<1000008x128xf32, #tpu.memory_space<hbm>>) dst(%dma_wait3A_846 : memref<72x128xf32, #tpu.memory_space<vmem>>)
    %dma_wait3A_852 = arith.constant 3 : i32
    %dma_wait3A_853 = arith.constant 0 : i32
    %dma_wait3A_854 = arith.constant 0 : i32
    %dma_wait3A_855 = tpu.memref_slice %arg7[%dma_wait3A_852, %dma_wait3A_853, %dma_wait3A_854] : memref<4x200x128xf32, #tpu.memory_space<vmem>> -> memref<1x128x128xf32, #tpu.memory_space<vmem>>
    %dma_wait3A_856 = tpu.memref_squeeze %dma_wait3A_855 : memref<1x128x128xf32, #tpu.memory_space<vmem>> -> memref<128x128xf32, #tpu.memory_space<vmem>>
    %dma_wait3A_857 = arith.constant 600 : i32
    %dma_wait3A_858 = tpu.memref_slice %arg6[%dma_wait3A_857] : memref<6400xi32, #tpu.memory_space<vmem>> -> memref<128xi32, #tpu.memory_space<vmem>>
    %dma_wait3A_859 = arith.constant 0 : i32
    %dma_wait3A_860 = arith.constant 0 : i32
    %dma_wait3A_861 = tpu.memref_slice %arg2[%dma_wait3A_859, %dma_wait3A_860] : memref<1000008x128xf32, #tpu.memory_space<hbm>> -> memref<1000008x128xf32, #tpu.memory_space<hbm>>
    tpu.wait_indirect_dma semaphore(%arg9 : memref<!tpu.dma_semaphore, #tpu.memory_space<semaphore_mem>>) src(%dma_wait3A_861 : memref<1000008x128xf32, #tpu.memory_space<hbm>>) dst(%dma_wait3A_856 : memref<128x128xf32, #tpu.memory_space<vmem>>)
    %dma_wait3A_862 = arith.constant 3 : i32
    %dma_wait3A_863 = arith.constant 128 : i32
    %dma_wait3A_864 = arith.constant 0 : i32
    %dma_wait3A_865 = tpu.memref_slice %arg7[%dma_wait3A_862, %dma_wait3A_863, %dma_wait3A_864] : memref<4x200x128xf32, #tpu.memory_space<vmem>> -> memref<1x72x128xf32, #tpu.memory_space<vmem>>
    %dma_wait3A_866 = tpu.memref_squeeze %dma_wait3A_865 : memref<1x72x128xf32, #tpu.memory_space<vmem>> -> memref<72x128xf32, #tpu.memory_space<vmem>>
    %dma_wait3A_867 = arith.constant 728 : i32
    %dma_wait3A_868 = tpu.memref_slice %arg6[%dma_wait3A_867] : memref<6400xi32, #tpu.memory_space<vmem>> -> memref<72xi32, #tpu.memory_space<vmem>>
    %dma_wait3A_869 = arith.constant 0 : i32
    %dma_wait3A_870 = arith.constant 0 : i32
    %dma_wait3A_871 = tpu.memref_slice %arg2[%dma_wait3A_869, %dma_wait3A_870] : memref<1000008x128xf32, #tpu.memory_space<hbm>> -> memref<1000008x128xf32, #tpu.memory_space<hbm>>
    tpu.wait_indirect_dma semaphore(%arg9 : memref<!tpu.dma_semaphore, #tpu.memory_space<semaphore_mem>>) src(%dma_wait3A_871 : memref<1000008x128xf32, #tpu.memory_space<hbm>>) dst(%dma_wait3A_866 : memref<72x128xf32, #tpu.memory_space<vmem>>)
    %add3A_872 = arith.constant 0 : i32
    %add3A_873 = arith.addi %mul3A_2, %add3A_872 : i32
    "tpu.region"() ({
      %run_scoped3A = tpu.sem_alloc : memref<!tpu.dma_semaphore, #tpu.memory_space<semaphore_mem>>
      %dma_start3A_2008 = arith.constant 0 : i32
      %dma_start3A_2009 = arith.constant 0 : i32
      %dma_start3A_2010 = arith.constant 0 : i32
      %dma_start3A_2011 = tpu.memref_slice %arg7[%dma_start3A_2008, %dma_start3A_2009, %dma_start3A_2010] : memref<4x200x128xf32, #tpu.memory_space<vmem>> -> memref<4x200x64xf32, #tpu.memory_space<vmem>>
      %dma_start3A_2012 = arith.constant 0 : i32
      %dma_start3A_2013 = arith.constant 0 : i32
      %dma_start3A_2014 = tpu.memref_slice %arg5[%add3A_873, %dma_start3A_2012, %dma_start3A_2013] : memref<1024x200x64xf32, #tpu.memory_space<hbm>> -> memref<4x200x64xf32, #tpu.memory_space<hbm>>
      %dma_start3A_2015 = arith.constant 0 : i32
      %dma_start3A_2016 = arith.constant 0 : i32
      %dma_start3A_2017 = tpu.memref_slice %arg5[%add3A_873, %dma_start3A_2015, %dma_start3A_2016] : memref<1024x200x64xf32, #tpu.memory_space<hbm>> -> memref<4x200x64xf32, #tpu.memory_space<hbm>>
      %dma_start3A_2018 = arith.constant 0 : i32
      %dma_start3A_2019 = arith.constant 0 : i32
      %dma_start3A_2020 = arith.constant 0 : i32
      %dma_start3A_2021 = tpu.memref_slice %arg7[%dma_start3A_2018, %dma_start3A_2019, %dma_start3A_2020] : memref<4x200x128xf32, #tpu.memory_space<vmem>> -> memref<4x200x64xf32, #tpu.memory_space<vmem>>
      tpu.enqueue_dma source(%dma_start3A_2021 : memref<4x200x64xf32, #tpu.memory_space<vmem>>) target(%dma_start3A_2017 : memref<4x200x64xf32, #tpu.memory_space<hbm>>) target_semaphore(%run_scoped3A : memref<!tpu.dma_semaphore, #tpu.memory_space<semaphore_mem>>)
      %dma_wait3A_2022 = arith.constant 0 : i32
      %dma_wait3A_2023 = arith.constant 0 : i32
      %dma_wait3A_2024 = arith.constant 0 : i32
      %dma_wait3A_2025 = tpu.memref_slice %arg7[%dma_wait3A_2022, %dma_wait3A_2023, %dma_wait3A_2024] : memref<4x200x128xf32, #tpu.memory_space<vmem>> -> memref<4x200x64xf32, #tpu.memory_space<vmem>>
      %dma_wait3A_2026 = arith.constant 0 : i32
      %dma_wait3A_2027 = arith.constant 0 : i32
      %dma_wait3A_2028 = tpu.memref_slice %arg5[%add3A_873, %dma_wait3A_2026, %dma_wait3A_2027] : memref<1024x200x64xf32, #tpu.memory_space<hbm>> -> memref<4x200x64xf32, #tpu.memory_space<hbm>>
      %dma_wait3A_2029 = arith.constant 0 : i32
      %dma_wait3A_2030 = arith.constant 0 : i32
      %dma_wait3A_2031 = tpu.memref_slice %arg5[%add3A_873, %dma_wait3A_2029, %dma_wait3A_2030] : memref<1024x200x64xf32, #tpu.memory_space<hbm>> -> memref<4x200x64xf32, #tpu.memory_space<hbm>>
      %dma_wait3A_2032 = arith.constant 0 : i32
      %dma_wait3A_2033 = arith.constant 0 : i32
      %dma_wait3A_2034 = arith.constant 0 : i32
      %dma_wait3A_2035 = tpu.memref_slice %arg7[%dma_wait3A_2032, %dma_wait3A_2033, %dma_wait3A_2034] : memref<4x200x128xf32, #tpu.memory_space<vmem>> -> memref<4x200x64xf32, #tpu.memory_space<vmem>>
      tpu.wait_dma2 semaphore(%run_scoped3A : memref<!tpu.dma_semaphore, #tpu.memory_space<semaphore_mem>>) src(%dma_wait3A_2035 : memref<4x200x64xf32, #tpu.memory_space<vmem>>) dst(%dma_wait3A_2031 : memref<4x200x64xf32, #tpu.memory_space<hbm>>)
      tpu.yield
    }) : () -> ()
    %dma_start3A_874 = arith.constant 0 : i32
    %dma_start3A_875 = arith.constant 0 : i32
    %dma_start3A_876 = arith.constant 0 : i32
    %dma_start3A_877 = tpu.memref_slice %arg7[%dma_start3A_874, %dma_start3A_875, %dma_start3A_876] : memref<4x200x128xf32, #tpu.memory_space<vmem>> -> memref<1x128x128xf32, #tpu.memory_space<vmem>>
    %dma_start3A_878 = tpu.memref_squeeze %dma_start3A_877 : memref<1x128x128xf32, #tpu.memory_space<vmem>> -> memref<128x128xf32, #tpu.memory_space<vmem>>
    %dma_start3A_879 = arith.constant 800 : i32
    %dma_start3A_880 = tpu.memref_slice %arg6[%dma_start3A_879] : memref<6400xi32, #tpu.memory_space<vmem>> -> memref<128xi32, #tpu.memory_space<vmem>>
    %dma_start3A_881 = arith.constant 0 : i32
    %dma_start3A_882 = arith.constant 0 : i32
    %dma_start3A_883 = tpu.memref_slice %arg2[%dma_start3A_881, %dma_start3A_882] : memref<1000008x128xf32, #tpu.memory_space<hbm>> -> memref<1000008x128xf32, #tpu.memory_space<hbm>>
    tpu.enqueue_indirect_dma source(%dma_start3A_883 : memref<1000008x128xf32, #tpu.memory_space<hbm>>) target(%dma_start3A_878 : memref<128x128xf32, #tpu.memory_space<vmem>>) offsets(%dma_start3A_880 : memref<128xi32, #tpu.memory_space<vmem>>) semaphore(%arg9 : memref<!tpu.dma_semaphore, #tpu.memory_space<semaphore_mem>>)
    %dma_start3A_884 = arith.constant 0 : i32
    %dma_start3A_885 = arith.constant 128 : i32
    %dma_start3A_886 = arith.constant 0 : i32
    %dma_start3A_887 = tpu.memref_slice %arg7[%dma_start3A_884, %dma_start3A_885, %dma_start3A_886] : memref<4x200x128xf32, #tpu.memory_space<vmem>> -> memref<1x72x128xf32, #tpu.memory_space<vmem>>
    %dma_start3A_888 = tpu.memref_squeeze %dma_start3A_887 : memref<1x72x128xf32, #tpu.memory_space<vmem>> -> memref<72x128xf32, #tpu.memory_space<vmem>>
    %dma_start3A_889 = arith.constant 928 : i32
    %dma_start3A_890 = tpu.memref_slice %arg6[%dma_start3A_889] : memref<6400xi32, #tpu.memory_space<vmem>> -> memref<72xi32, #tpu.memory_space<vmem>>
    %dma_start3A_891 = arith.constant 0 : i32
    %dma_start3A_892 = arith.constant 0 : i32
    %dma_start3A_893 = tpu.memref_slice %arg2[%dma_start3A_891, %dma_start3A_892] : memref<1000008x128xf32, #tpu.memory_space<hbm>> -> memref<1000008x128xf32, #tpu.memory_space<hbm>>
    tpu.enqueue_indirect_dma source(%dma_start3A_893 : memref<1000008x128xf32, #tpu.memory_space<hbm>>) target(%dma_start3A_888 : memref<72x128xf32, #tpu.memory_space<vmem>>) offsets(%dma_start3A_890 : memref<72xi32, #tpu.memory_space<vmem>>) semaphore(%arg9 : memref<!tpu.dma_semaphore, #tpu.memory_space<semaphore_mem>>)
    %dma_start3A_894 = arith.constant 1 : i32
    %dma_start3A_895 = arith.constant 0 : i32
    %dma_start3A_896 = arith.constant 0 : i32
    %dma_start3A_897 = tpu.memref_slice %arg7[%dma_start3A_894, %dma_start3A_895, %dma_start3A_896] : memref<4x200x128xf32, #tpu.memory_space<vmem>> -> memref<1x128x128xf32, #tpu.memory_space<vmem>>
    %dma_start3A_898 = tpu.memref_squeeze %dma_start3A_897 : memref<1x128x128xf32, #tpu.memory_space<vmem>> -> memref<128x128xf32, #tpu.memory_space<vmem>>
    %dma_start3A_899 = arith.constant 1000 : i32
    %dma_start3A_900 = tpu.memref_slice %arg6[%dma_start3A_899] : memref<6400xi32, #tpu.memory_space<vmem>> -> memref<128xi32, #tpu.memory_space<vmem>>
    %dma_start3A_901 = arith.constant 0 : i32
    %dma_start3A_902 = arith.constant 0 : i32
    %dma_start3A_903 = tpu.memref_slice %arg2[%dma_start3A_901, %dma_start3A_902] : memref<1000008x128xf32, #tpu.memory_space<hbm>> -> memref<1000008x128xf32, #tpu.memory_space<hbm>>
    tpu.enqueue_indirect_dma source(%dma_start3A_903 : memref<1000008x128xf32, #tpu.memory_space<hbm>>) target(%dma_start3A_898 : memref<128x128xf32, #tpu.memory_space<vmem>>) offsets(%dma_start3A_900 : memref<128xi32, #tpu.memory_space<vmem>>) semaphore(%arg9 : memref<!tpu.dma_semaphore, #tpu.memory_space<semaphore_mem>>)
    %dma_start3A_904 = arith.constant 1 : i32
    %dma_start3A_905 = arith.constant 128 : i32
    %dma_start3A_906 = arith.constant 0 : i32
    %dma_start3A_907 = tpu.memref_slice %arg7[%dma_start3A_904, %dma_start3A_905, %dma_start3A_906] : memref<4x200x128xf32, #tpu.memory_space<vmem>> -> memref<1x72x128xf32, #tpu.memory_space<vmem>>
    %dma_start3A_908 = tpu.memref_squeeze %dma_start3A_907 : memref<1x72x128xf32, #tpu.memory_space<vmem>> -> memref<72x128xf32, #tpu.memory_space<vmem>>
    %dma_start3A_909 = arith.constant 1128 : i32
    %dma_start3A_910 = tpu.memref_slice %arg6[%dma_start3A_909] : memref<6400xi32, #tpu.memory_space<vmem>> -> memref<72xi32, #tpu.memory_space<vmem>>
    %dma_start3A_911 = arith.constant 0 : i32
    %dma_start3A_912 = arith.constant 0 : i32
    %dma_start3A_913 = tpu.memref_slice %arg2[%dma_start3A_911, %dma_start3A_912] : memref<1000008x128xf32, #tpu.memory_space<hbm>> -> memref<1000008x128xf32, #tpu.memory_space<hbm>>
    tpu.enqueue_indirect_dma source(%dma_start3A_913 : memref<1000008x128xf32, #tpu.memory_space<hbm>>) target(%dma_start3A_908 : memref<72x128xf32, #tpu.memory_space<vmem>>) offsets(%dma_start3A_910 : memref<72xi32, #tpu.memory_space<vmem>>) semaphore(%arg9 : memref<!tpu.dma_semaphore, #tpu.memory_space<semaphore_mem>>)
    %dma_start3A_914 = arith.constant 2 : i32
    %dma_start3A_915 = arith.constant 0 : i32
    %dma_start3A_916 = arith.constant 0 : i32
    %dma_start3A_917 = tpu.memref_slice %arg7[%dma_start3A_914, %dma_start3A_915, %dma_start3A_916] : memref<4x200x128xf32, #tpu.memory_space<vmem>> -> memref<1x128x128xf32, #tpu.memory_space<vmem>>
    %dma_start3A_918 = tpu.memref_squeeze %dma_start3A_917 : memref<1x128x128xf32, #tpu.memory_space<vmem>> -> memref<128x128xf32, #tpu.memory_space<vmem>>
    %dma_start3A_919 = arith.constant 1200 : i32
    %dma_start3A_920 = tpu.memref_slice %arg6[%dma_start3A_919] : memref<6400xi32, #tpu.memory_space<vmem>> -> memref<128xi32, #tpu.memory_space<vmem>>
    %dma_start3A_921 = arith.constant 0 : i32
    %dma_start3A_922 = arith.constant 0 : i32
    %dma_start3A_923 = tpu.memref_slice %arg2[%dma_start3A_921, %dma_start3A_922] : memref<1000008x128xf32, #tpu.memory_space<hbm>> -> memref<1000008x128xf32, #tpu.memory_space<hbm>>
    tpu.enqueue_indirect_dma source(%dma_start3A_923 : memref<1000008x128xf32, #tpu.memory_space<hbm>>) target(%dma_start3A_918 : memref<128x128xf32, #tpu.memory_space<vmem>>) offsets(%dma_start3A_920 : memref<128xi32, #tpu.memory_space<vmem>>) semaphore(%arg9 : memref<!tpu.dma_semaphore, #tpu.memory_space<semaphore_mem>>)
    %dma_start3A_924 = arith.constant 2 : i32
    %dma_start3A_925 = arith.constant 128 : i32
    %dma_start3A_926 = arith.constant 0 : i32
    %dma_start3A_927 = tpu.memref_slice %arg7[%dma_start3A_924, %dma_start3A_925, %dma_start3A_926] : memref<4x200x128xf32, #tpu.memory_space<vmem>> -> memref<1x72x128xf32, #tpu.memory_space<vmem>>
    %dma_start3A_928 = tpu.memref_squeeze %dma_start3A_927 : memref<1x72x128xf32, #tpu.memory_space<vmem>> -> memref<72x128xf32, #tpu.memory_space<vmem>>
    %dma_start3A_929 = arith.constant 1328 : i32
    %dma_start3A_930 = tpu.memref_slice %arg6[%dma_start3A_929] : memref<6400xi32, #tpu.memory_space<vmem>> -> memref<72xi32, #tpu.memory_space<vmem>>
    %dma_start3A_931 = arith.constant 0 : i32
    %dma_start3A_932 = arith.constant 0 : i32
    %dma_start3A_933 = tpu.memref_slice %arg2[%dma_start3A_931, %dma_start3A_932] : memref<1000008x128xf32, #tpu.memory_space<hbm>> -> memref<1000008x128xf32, #tpu.memory_space<hbm>>
    tpu.enqueue_indirect_dma source(%dma_start3A_933 : memref<1000008x128xf32, #tpu.memory_space<hbm>>) target(%dma_start3A_928 : memref<72x128xf32, #tpu.memory_space<vmem>>) offsets(%dma_start3A_930 : memref<72xi32, #tpu.memory_space<vmem>>) semaphore(%arg9 : memref<!tpu.dma_semaphore, #tpu.memory_space<semaphore_mem>>)
    %dma_start3A_934 = arith.constant 3 : i32
    %dma_start3A_935 = arith.constant 0 : i32
    %dma_start3A_936 = arith.constant 0 : i32
    %dma_start3A_937 = tpu.memref_slice %arg7[%dma_start3A_934, %dma_start3A_935, %dma_start3A_936] : memref<4x200x128xf32, #tpu.memory_space<vmem>> -> memref<1x128x128xf32, #tpu.memory_space<vmem>>
    %dma_start3A_938 = tpu.memref_squeeze %dma_start3A_937 : memref<1x128x128xf32, #tpu.memory_space<vmem>> -> memref<128x128xf32, #tpu.memory_space<vmem>>
    %dma_start3A_939 = arith.constant 1400 : i32
    %dma_start3A_940 = tpu.memref_slice %arg6[%dma_start3A_939] : memref<6400xi32, #tpu.memory_space<vmem>> -> memref<128xi32, #tpu.memory_space<vmem>>
    %dma_start3A_941 = arith.constant 0 : i32
    %dma_start3A_942 = arith.constant 0 : i32
    %dma_start3A_943 = tpu.memref_slice %arg2[%dma_start3A_941, %dma_start3A_942] : memref<1000008x128xf32, #tpu.memory_space<hbm>> -> memref<1000008x128xf32, #tpu.memory_space<hbm>>
    tpu.enqueue_indirect_dma source(%dma_start3A_943 : memref<1000008x128xf32, #tpu.memory_space<hbm>>) target(%dma_start3A_938 : memref<128x128xf32, #tpu.memory_space<vmem>>) offsets(%dma_start3A_940 : memref<128xi32, #tpu.memory_space<vmem>>) semaphore(%arg9 : memref<!tpu.dma_semaphore, #tpu.memory_space<semaphore_mem>>)
    %dma_start3A_944 = arith.constant 3 : i32
    %dma_start3A_945 = arith.constant 128 : i32
    %dma_start3A_946 = arith.constant 0 : i32
    %dma_start3A_947 = tpu.memref_slice %arg7[%dma_start3A_944, %dma_start3A_945, %dma_start3A_946] : memref<4x200x128xf32, #tpu.memory_space<vmem>> -> memref<1x72x128xf32, #tpu.memory_space<vmem>>
    %dma_start3A_948 = tpu.memref_squeeze %dma_start3A_947 : memref<1x72x128xf32, #tpu.memory_space<vmem>> -> memref<72x128xf32, #tpu.memory_space<vmem>>
    %dma_start3A_949 = arith.constant 1528 : i32
    %dma_start3A_950 = tpu.memref_slice %arg6[%dma_start3A_949] : memref<6400xi32, #tpu.memory_space<vmem>> -> memref<72xi32, #tpu.memory_space<vmem>>
    %dma_start3A_951 = arith.constant 0 : i32
    %dma_start3A_952 = arith.constant 0 : i32
    %dma_start3A_953 = tpu.memref_slice %arg2[%dma_start3A_951, %dma_start3A_952] : memref<1000008x128xf32, #tpu.memory_space<hbm>> -> memref<1000008x128xf32, #tpu.memory_space<hbm>>
    tpu.enqueue_indirect_dma source(%dma_start3A_953 : memref<1000008x128xf32, #tpu.memory_space<hbm>>) target(%dma_start3A_948 : memref<72x128xf32, #tpu.memory_space<vmem>>) offsets(%dma_start3A_950 : memref<72xi32, #tpu.memory_space<vmem>>) semaphore(%arg9 : memref<!tpu.dma_semaphore, #tpu.memory_space<semaphore_mem>>)
    %dma_wait3A_954 = arith.constant 0 : i32
    %dma_wait3A_955 = arith.constant 0 : i32
    %dma_wait3A_956 = arith.constant 0 : i32
    %dma_wait3A_957 = tpu.memref_slice %arg7[%dma_wait3A_954, %dma_wait3A_955, %dma_wait3A_956] : memref<4x200x128xf32, #tpu.memory_space<vmem>> -> memref<1x128x128xf32, #tpu.memory_space<vmem>>
    %dma_wait3A_958 = tpu.memref_squeeze %dma_wait3A_957 : memref<1x128x128xf32, #tpu.memory_space<vmem>> -> memref<128x128xf32, #tpu.memory_space<vmem>>
    %dma_wait3A_959 = arith.constant 800 : i32
    %dma_wait3A_960 = tpu.memref_slice %arg6[%dma_wait3A_959] : memref<6400xi32, #tpu.memory_space<vmem>> -> memref<128xi32, #tpu.memory_space<vmem>>
    %dma_wait3A_961 = arith.constant 0 : i32
    %dma_wait3A_962 = arith.constant 0 : i32
    %dma_wait3A_963 = tpu.memref_slice %arg2[%dma_wait3A_961, %dma_wait3A_962] : memref<1000008x128xf32, #tpu.memory_space<hbm>> -> memref<1000008x128xf32, #tpu.memory_space<hbm>>
    tpu.wait_indirect_dma semaphore(%arg9 : memref<!tpu.dma_semaphore, #tpu.memory_space<semaphore_mem>>) src(%dma_wait3A_963 : memref<1000008x128xf32, #tpu.memory_space<hbm>>) dst(%dma_wait3A_958 : memref<128x128xf32, #tpu.memory_space<vmem>>)
    %dma_wait3A_964 = arith.constant 0 : i32
    %dma_wait3A_965 = arith.constant 128 : i32
    %dma_wait3A_966 = arith.constant 0 : i32
    %dma_wait3A_967 = tpu.memref_slice %arg7[%dma_wait3A_964, %dma_wait3A_965, %dma_wait3A_966] : memref<4x200x128xf32, #tpu.memory_space<vmem>> -> memref<1x72x128xf32, #tpu.memory_space<vmem>>
    %dma_wait3A_968 = tpu.memref_squeeze %dma_wait3A_967 : memref<1x72x128xf32, #tpu.memory_space<vmem>> -> memref<72x128xf32, #tpu.memory_space<vmem>>
    %dma_wait3A_969 = arith.constant 928 : i32
    %dma_wait3A_970 = tpu.memref_slice %arg6[%dma_wait3A_969] : memref<6400xi32, #tpu.memory_space<vmem>> -> memref<72xi32, #tpu.memory_space<vmem>>
    %dma_wait3A_971 = arith.constant 0 : i32
    %dma_wait3A_972 = arith.constant 0 : i32
    %dma_wait3A_973 = tpu.memref_slice %arg2[%dma_wait3A_971, %dma_wait3A_972] : memref<1000008x128xf32, #tpu.memory_space<hbm>> -> memref<1000008x128xf32, #tpu.memory_space<hbm>>
    tpu.wait_indirect_dma semaphore(%arg9 : memref<!tpu.dma_semaphore, #tpu.memory_space<semaphore_mem>>) src(%dma_wait3A_973 : memref<1000008x128xf32, #tpu.memory_space<hbm>>) dst(%dma_wait3A_968 : memref<72x128xf32, #tpu.memory_space<vmem>>)
    %dma_wait3A_974 = arith.constant 1 : i32
    %dma_wait3A_975 = arith.constant 0 : i32
    %dma_wait3A_976 = arith.constant 0 : i32
    %dma_wait3A_977 = tpu.memref_slice %arg7[%dma_wait3A_974, %dma_wait3A_975, %dma_wait3A_976] : memref<4x200x128xf32, #tpu.memory_space<vmem>> -> memref<1x128x128xf32, #tpu.memory_space<vmem>>
    %dma_wait3A_978 = tpu.memref_squeeze %dma_wait3A_977 : memref<1x128x128xf32, #tpu.memory_space<vmem>> -> memref<128x128xf32, #tpu.memory_space<vmem>>
    %dma_wait3A_979 = arith.constant 1000 : i32
    %dma_wait3A_980 = tpu.memref_slice %arg6[%dma_wait3A_979] : memref<6400xi32, #tpu.memory_space<vmem>> -> memref<128xi32, #tpu.memory_space<vmem>>
    %dma_wait3A_981 = arith.constant 0 : i32
    %dma_wait3A_982 = arith.constant 0 : i32
    %dma_wait3A_983 = tpu.memref_slice %arg2[%dma_wait3A_981, %dma_wait3A_982] : memref<1000008x128xf32, #tpu.memory_space<hbm>> -> memref<1000008x128xf32, #tpu.memory_space<hbm>>
    tpu.wait_indirect_dma semaphore(%arg9 : memref<!tpu.dma_semaphore, #tpu.memory_space<semaphore_mem>>) src(%dma_wait3A_983 : memref<1000008x128xf32, #tpu.memory_space<hbm>>) dst(%dma_wait3A_978 : memref<128x128xf32, #tpu.memory_space<vmem>>)
    %dma_wait3A_984 = arith.constant 1 : i32
    %dma_wait3A_985 = arith.constant 128 : i32
    %dma_wait3A_986 = arith.constant 0 : i32
    %dma_wait3A_987 = tpu.memref_slice %arg7[%dma_wait3A_984, %dma_wait3A_985, %dma_wait3A_986] : memref<4x200x128xf32, #tpu.memory_space<vmem>> -> memref<1x72x128xf32, #tpu.memory_space<vmem>>
    %dma_wait3A_988 = tpu.memref_squeeze %dma_wait3A_987 : memref<1x72x128xf32, #tpu.memory_space<vmem>> -> memref<72x128xf32, #tpu.memory_space<vmem>>
    %dma_wait3A_989 = arith.constant 1128 : i32
    %dma_wait3A_990 = tpu.memref_slice %arg6[%dma_wait3A_989] : memref<6400xi32, #tpu.memory_space<vmem>> -> memref<72xi32, #tpu.memory_space<vmem>>
    %dma_wait3A_991 = arith.constant 0 : i32
    %dma_wait3A_992 = arith.constant 0 : i32
    %dma_wait3A_993 = tpu.memref_slice %arg2[%dma_wait3A_991, %dma_wait3A_992] : memref<1000008x128xf32, #tpu.memory_space<hbm>> -> memref<1000008x128xf32, #tpu.memory_space<hbm>>
    tpu.wait_indirect_dma semaphore(%arg9 : memref<!tpu.dma_semaphore, #tpu.memory_space<semaphore_mem>>) src(%dma_wait3A_993 : memref<1000008x128xf32, #tpu.memory_space<hbm>>) dst(%dma_wait3A_988 : memref<72x128xf32, #tpu.memory_space<vmem>>)
    %dma_wait3A_994 = arith.constant 2 : i32
    %dma_wait3A_995 = arith.constant 0 : i32
    %dma_wait3A_996 = arith.constant 0 : i32
    %dma_wait3A_997 = tpu.memref_slice %arg7[%dma_wait3A_994, %dma_wait3A_995, %dma_wait3A_996] : memref<4x200x128xf32, #tpu.memory_space<vmem>> -> memref<1x128x128xf32, #tpu.memory_space<vmem>>
    %dma_wait3A_998 = tpu.memref_squeeze %dma_wait3A_997 : memref<1x128x128xf32, #tpu.memory_space<vmem>> -> memref<128x128xf32, #tpu.memory_space<vmem>>
    %dma_wait3A_999 = arith.constant 1200 : i32
    %dma_wait3A_1000 = tpu.memref_slice %arg6[%dma_wait3A_999] : memref<6400xi32, #tpu.memory_space<vmem>> -> memref<128xi32, #tpu.memory_space<vmem>>
    %dma_wait3A_1001 = arith.constant 0 : i32
    %dma_wait3A_1002 = arith.constant 0 : i32
    %dma_wait3A_1003 = tpu.memref_slice %arg2[%dma_wait3A_1001, %dma_wait3A_1002] : memref<1000008x128xf32, #tpu.memory_space<hbm>> -> memref<1000008x128xf32, #tpu.memory_space<hbm>>
    tpu.wait_indirect_dma semaphore(%arg9 : memref<!tpu.dma_semaphore, #tpu.memory_space<semaphore_mem>>) src(%dma_wait3A_1003 : memref<1000008x128xf32, #tpu.memory_space<hbm>>) dst(%dma_wait3A_998 : memref<128x128xf32, #tpu.memory_space<vmem>>)
    %dma_wait3A_1004 = arith.constant 2 : i32
    %dma_wait3A_1005 = arith.constant 128 : i32
    %dma_wait3A_1006 = arith.constant 0 : i32
    %dma_wait3A_1007 = tpu.memref_slice %arg7[%dma_wait3A_1004, %dma_wait3A_1005, %dma_wait3A_1006] : memref<4x200x128xf32, #tpu.memory_space<vmem>> -> memref<1x72x128xf32, #tpu.memory_space<vmem>>
    %dma_wait3A_1008 = tpu.memref_squeeze %dma_wait3A_1007 : memref<1x72x128xf32, #tpu.memory_space<vmem>> -> memref<72x128xf32, #tpu.memory_space<vmem>>
    %dma_wait3A_1009 = arith.constant 1328 : i32
    %dma_wait3A_1010 = tpu.memref_slice %arg6[%dma_wait3A_1009] : memref<6400xi32, #tpu.memory_space<vmem>> -> memref<72xi32, #tpu.memory_space<vmem>>
    %dma_wait3A_1011 = arith.constant 0 : i32
    %dma_wait3A_1012 = arith.constant 0 : i32
    %dma_wait3A_1013 = tpu.memref_slice %arg2[%dma_wait3A_1011, %dma_wait3A_1012] : memref<1000008x128xf32, #tpu.memory_space<hbm>> -> memref<1000008x128xf32, #tpu.memory_space<hbm>>
    tpu.wait_indirect_dma semaphore(%arg9 : memref<!tpu.dma_semaphore, #tpu.memory_space<semaphore_mem>>) src(%dma_wait3A_1013 : memref<1000008x128xf32, #tpu.memory_space<hbm>>) dst(%dma_wait3A_1008 : memref<72x128xf32, #tpu.memory_space<vmem>>)
    %dma_wait3A_1014 = arith.constant 3 : i32
    %dma_wait3A_1015 = arith.constant 0 : i32
    %dma_wait3A_1016 = arith.constant 0 : i32
    %dma_wait3A_1017 = tpu.memref_slice %arg7[%dma_wait3A_1014, %dma_wait3A_1015, %dma_wait3A_1016] : memref<4x200x128xf32, #tpu.memory_space<vmem>> -> memref<1x128x128xf32, #tpu.memory_space<vmem>>
    %dma_wait3A_1018 = tpu.memref_squeeze %dma_wait3A_1017 : memref<1x128x128xf32, #tpu.memory_space<vmem>> -> memref<128x128xf32, #tpu.memory_space<vmem>>
    %dma_wait3A_1019 = arith.constant 1400 : i32
    %dma_wait3A_1020 = tpu.memref_slice %arg6[%dma_wait3A_1019] : memref<6400xi32, #tpu.memory_space<vmem>> -> memref<128xi32, #tpu.memory_space<vmem>>
    %dma_wait3A_1021 = arith.constant 0 : i32
    %dma_wait3A_1022 = arith.constant 0 : i32
    %dma_wait3A_1023 = tpu.memref_slice %arg2[%dma_wait3A_1021, %dma_wait3A_1022] : memref<1000008x128xf32, #tpu.memory_space<hbm>> -> memref<1000008x128xf32, #tpu.memory_space<hbm>>
    tpu.wait_indirect_dma semaphore(%arg9 : memref<!tpu.dma_semaphore, #tpu.memory_space<semaphore_mem>>) src(%dma_wait3A_1023 : memref<1000008x128xf32, #tpu.memory_space<hbm>>) dst(%dma_wait3A_1018 : memref<128x128xf32, #tpu.memory_space<vmem>>)
    %dma_wait3A_1024 = arith.constant 3 : i32
    %dma_wait3A_1025 = arith.constant 128 : i32
    %dma_wait3A_1026 = arith.constant 0 : i32
    %dma_wait3A_1027 = tpu.memref_slice %arg7[%dma_wait3A_1024, %dma_wait3A_1025, %dma_wait3A_1026] : memref<4x200x128xf32, #tpu.memory_space<vmem>> -> memref<1x72x128xf32, #tpu.memory_space<vmem>>
    %dma_wait3A_1028 = tpu.memref_squeeze %dma_wait3A_1027 : memref<1x72x128xf32, #tpu.memory_space<vmem>> -> memref<72x128xf32, #tpu.memory_space<vmem>>
    %dma_wait3A_1029 = arith.constant 1528 : i32
    %dma_wait3A_1030 = tpu.memref_slice %arg6[%dma_wait3A_1029] : memref<6400xi32, #tpu.memory_space<vmem>> -> memref<72xi32, #tpu.memory_space<vmem>>
    %dma_wait3A_1031 = arith.constant 0 : i32
    %dma_wait3A_1032 = arith.constant 0 : i32
    %dma_wait3A_1033 = tpu.memref_slice %arg2[%dma_wait3A_1031, %dma_wait3A_1032] : memref<1000008x128xf32, #tpu.memory_space<hbm>> -> memref<1000008x128xf32, #tpu.memory_space<hbm>>
    tpu.wait_indirect_dma semaphore(%arg9 : memref<!tpu.dma_semaphore, #tpu.memory_space<semaphore_mem>>) src(%dma_wait3A_1033 : memref<1000008x128xf32, #tpu.memory_space<hbm>>) dst(%dma_wait3A_1028 : memref<72x128xf32, #tpu.memory_space<vmem>>)
    %add3A_1034 = arith.constant 4 : i32
    %add3A_1035 = arith.addi %mul3A_2, %add3A_1034 : i32
    "tpu.region"() ({
      %run_scoped3A = tpu.sem_alloc : memref<!tpu.dma_semaphore, #tpu.memory_space<semaphore_mem>>
      %dma_start3A_2008 = arith.constant 0 : i32
      %dma_start3A_2009 = arith.constant 0 : i32
      %dma_start3A_2010 = arith.constant 0 : i32
      %dma_start3A_2011 = tpu.memref_slice %arg7[%dma_start3A_2008, %dma_start3A_2009, %dma_start3A_2010] : memref<4x200x128xf32, #tpu.memory_space<vmem>> -> memref<4x200x64xf32, #tpu.memory_space<vmem>>
      %dma_start3A_2012 = arith.constant 0 : i32
      %dma_start3A_2013 = arith.constant 0 : i32
      %dma_start3A_2014 = tpu.memref_slice %arg5[%add3A_1035, %dma_start3A_2012, %dma_start3A_2013] : memref<1024x200x64xf32, #tpu.memory_space<hbm>> -> memref<4x200x64xf32, #tpu.memory_space<hbm>>
      %dma_start3A_2015 = arith.constant 0 : i32
      %dma_start3A_2016 = arith.constant 0 : i32
      %dma_start3A_2017 = tpu.memref_slice %arg5[%add3A_1035, %dma_start3A_2015, %dma_start3A_2016] : memref<1024x200x64xf32, #tpu.memory_space<hbm>> -> memref<4x200x64xf32, #tpu.memory_space<hbm>>
      %dma_start3A_2018 = arith.constant 0 : i32
      %dma_start3A_2019 = arith.constant 0 : i32
      %dma_start3A_2020 = arith.constant 0 : i32
      %dma_start3A_2021 = tpu.memref_slice %arg7[%dma_start3A_2018, %dma_start3A_2019, %dma_start3A_2020] : memref<4x200x128xf32, #tpu.memory_space<vmem>> -> memref<4x200x64xf32, #tpu.memory_space<vmem>>
      tpu.enqueue_dma source(%dma_start3A_2021 : memref<4x200x64xf32, #tpu.memory_space<vmem>>) target(%dma_start3A_2017 : memref<4x200x64xf32, #tpu.memory_space<hbm>>) target_semaphore(%run_scoped3A : memref<!tpu.dma_semaphore, #tpu.memory_space<semaphore_mem>>)
      %dma_wait3A_2022 = arith.constant 0 : i32
      %dma_wait3A_2023 = arith.constant 0 : i32
      %dma_wait3A_2024 = arith.constant 0 : i32
      %dma_wait3A_2025 = tpu.memref_slice %arg7[%dma_wait3A_2022, %dma_wait3A_2023, %dma_wait3A_2024] : memref<4x200x128xf32, #tpu.memory_space<vmem>> -> memref<4x200x64xf32, #tpu.memory_space<vmem>>
      %dma_wait3A_2026 = arith.constant 0 : i32
      %dma_wait3A_2027 = arith.constant 0 : i32
      %dma_wait3A_2028 = tpu.memref_slice %arg5[%add3A_1035, %dma_wait3A_2026, %dma_wait3A_2027] : memref<1024x200x64xf32, #tpu.memory_space<hbm>> -> memref<4x200x64xf32, #tpu.memory_space<hbm>>
      %dma_wait3A_2029 = arith.constant 0 : i32
      %dma_wait3A_2030 = arith.constant 0 : i32
      %dma_wait3A_2031 = tpu.memref_slice %arg5[%add3A_1035, %dma_wait3A_2029, %dma_wait3A_2030] : memref<1024x200x64xf32, #tpu.memory_space<hbm>> -> memref<4x200x64xf32, #tpu.memory_space<hbm>>
      %dma_wait3A_2032 = arith.constant 0 : i32
      %dma_wait3A_2033 = arith.constant 0 : i32
      %dma_wait3A_2034 = arith.constant 0 : i32
      %dma_wait3A_2035 = tpu.memref_slice %arg7[%dma_wait3A_2032, %dma_wait3A_2033, %dma_wait3A_2034] : memref<4x200x128xf32, #tpu.memory_space<vmem>> -> memref<4x200x64xf32, #tpu.memory_space<vmem>>
      tpu.wait_dma2 semaphore(%run_scoped3A : memref<!tpu.dma_semaphore, #tpu.memory_space<semaphore_mem>>) src(%dma_wait3A_2035 : memref<4x200x64xf32, #tpu.memory_space<vmem>>) dst(%dma_wait3A_2031 : memref<4x200x64xf32, #tpu.memory_space<hbm>>)
      tpu.yield
    }) : () -> ()
    %dma_start3A_1036 = arith.constant 0 : i32
    %dma_start3A_1037 = arith.constant 0 : i32
    %dma_start3A_1038 = arith.constant 0 : i32
    %dma_start3A_1039 = tpu.memref_slice %arg7[%dma_start3A_1036, %dma_start3A_1037, %dma_start3A_1038] : memref<4x200x128xf32, #tpu.memory_space<vmem>> -> memref<1x128x128xf32, #tpu.memory_space<vmem>>
    %dma_start3A_1040 = tpu.memref_squeeze %dma_start3A_1039 : memref<1x128x128xf32, #tpu.memory_space<vmem>> -> memref<128x128xf32, #tpu.memory_space<vmem>>
    %dma_start3A_1041 = arith.constant 1600 : i32
    %dma_start3A_1042 = tpu.memref_slice %arg6[%dma_start3A_1041] : memref<6400xi32, #tpu.memory_space<vmem>> -> memref<128xi32, #tpu.memory_space<vmem>>
    %dma_start3A_1043 = arith.constant 0 : i32
    %dma_start3A_1044 = arith.constant 0 : i32
    %dma_start3A_1045 = tpu.memref_slice %arg2[%dma_start3A_1043, %dma_start3A_1044] : memref<1000008x128xf32, #tpu.memory_space<hbm>> -> memref<1000008x128xf32, #tpu.memory_space<hbm>>
    tpu.enqueue_indirect_dma source(%dma_start3A_1045 : memref<1000008x128xf32, #tpu.memory_space<hbm>>) target(%dma_start3A_1040 : memref<128x128xf32, #tpu.memory_space<vmem>>) offsets(%dma_start3A_1042 : memref<128xi32, #tpu.memory_space<vmem>>) semaphore(%arg9 : memref<!tpu.dma_semaphore, #tpu.memory_space<semaphore_mem>>)
    %dma_start3A_1046 = arith.constant 0 : i32
    %dma_start3A_1047 = arith.constant 128 : i32
    %dma_start3A_1048 = arith.constant 0 : i32
    %dma_start3A_1049 = tpu.memref_slice %arg7[%dma_start3A_1046, %dma_start3A_1047, %dma_start3A_1048] : memref<4x200x128xf32, #tpu.memory_space<vmem>> -> memref<1x72x128xf32, #tpu.memory_space<vmem>>
    %dma_start3A_1050 = tpu.memref_squeeze %dma_start3A_1049 : memref<1x72x128xf32, #tpu.memory_space<vmem>> -> memref<72x128xf32, #tpu.memory_space<vmem>>
    %dma_start3A_1051 = arith.constant 1728 : i32
    %dma_start3A_1052 = tpu.memref_slice %arg6[%dma_start3A_1051] : memref<6400xi32, #tpu.memory_space<vmem>> -> memref<72xi32, #tpu.memory_space<vmem>>
    %dma_start3A_1053 = arith.constant 0 : i32
    %dma_start3A_1054 = arith.constant 0 : i32
    %dma_start3A_1055 = tpu.memref_slice %arg2[%dma_start3A_1053, %dma_start3A_1054] : memref<1000008x128xf32, #tpu.memory_space<hbm>> -> memref<1000008x128xf32, #tpu.memory_space<hbm>>
    tpu.enqueue_indirect_dma source(%dma_start3A_1055 : memref<1000008x128xf32, #tpu.memory_space<hbm>>) target(%dma_start3A_1050 : memref<72x128xf32, #tpu.memory_space<vmem>>) offsets(%dma_start3A_1052 : memref<72xi32, #tpu.memory_space<vmem>>) semaphore(%arg9 : memref<!tpu.dma_semaphore, #tpu.memory_space<semaphore_mem>>)
    %dma_start3A_1056 = arith.constant 1 : i32
    %dma_start3A_1057 = arith.constant 0 : i32
    %dma_start3A_1058 = arith.constant 0 : i32
    %dma_start3A_1059 = tpu.memref_slice %arg7[%dma_start3A_1056, %dma_start3A_1057, %dma_start3A_1058] : memref<4x200x128xf32, #tpu.memory_space<vmem>> -> memref<1x128x128xf32, #tpu.memory_space<vmem>>
    %dma_start3A_1060 = tpu.memref_squeeze %dma_start3A_1059 : memref<1x128x128xf32, #tpu.memory_space<vmem>> -> memref<128x128xf32, #tpu.memory_space<vmem>>
    %dma_start3A_1061 = arith.constant 1800 : i32
    %dma_start3A_1062 = tpu.memref_slice %arg6[%dma_start3A_1061] : memref<6400xi32, #tpu.memory_space<vmem>> -> memref<128xi32, #tpu.memory_space<vmem>>
    %dma_start3A_1063 = arith.constant 0 : i32
    %dma_start3A_1064 = arith.constant 0 : i32
    %dma_start3A_1065 = tpu.memref_slice %arg2[%dma_start3A_1063, %dma_start3A_1064] : memref<1000008x128xf32, #tpu.memory_space<hbm>> -> memref<1000008x128xf32, #tpu.memory_space<hbm>>
    tpu.enqueue_indirect_dma source(%dma_start3A_1065 : memref<1000008x128xf32, #tpu.memory_space<hbm>>) target(%dma_start3A_1060 : memref<128x128xf32, #tpu.memory_space<vmem>>) offsets(%dma_start3A_1062 : memref<128xi32, #tpu.memory_space<vmem>>) semaphore(%arg9 : memref<!tpu.dma_semaphore, #tpu.memory_space<semaphore_mem>>)
    %dma_start3A_1066 = arith.constant 1 : i32
    %dma_start3A_1067 = arith.constant 128 : i32
    %dma_start3A_1068 = arith.constant 0 : i32
    %dma_start3A_1069 = tpu.memref_slice %arg7[%dma_start3A_1066, %dma_start3A_1067, %dma_start3A_1068] : memref<4x200x128xf32, #tpu.memory_space<vmem>> -> memref<1x72x128xf32, #tpu.memory_space<vmem>>
    %dma_start3A_1070 = tpu.memref_squeeze %dma_start3A_1069 : memref<1x72x128xf32, #tpu.memory_space<vmem>> -> memref<72x128xf32, #tpu.memory_space<vmem>>
    %dma_start3A_1071 = arith.constant 1928 : i32
    %dma_start3A_1072 = tpu.memref_slice %arg6[%dma_start3A_1071] : memref<6400xi32, #tpu.memory_space<vmem>> -> memref<72xi32, #tpu.memory_space<vmem>>
    %dma_start3A_1073 = arith.constant 0 : i32
    %dma_start3A_1074 = arith.constant 0 : i32
    %dma_start3A_1075 = tpu.memref_slice %arg2[%dma_start3A_1073, %dma_start3A_1074] : memref<1000008x128xf32, #tpu.memory_space<hbm>> -> memref<1000008x128xf32, #tpu.memory_space<hbm>>
    tpu.enqueue_indirect_dma source(%dma_start3A_1075 : memref<1000008x128xf32, #tpu.memory_space<hbm>>) target(%dma_start3A_1070 : memref<72x128xf32, #tpu.memory_space<vmem>>) offsets(%dma_start3A_1072 : memref<72xi32, #tpu.memory_space<vmem>>) semaphore(%arg9 : memref<!tpu.dma_semaphore, #tpu.memory_space<semaphore_mem>>)
    %dma_start3A_1076 = arith.constant 2 : i32
    %dma_start3A_1077 = arith.constant 0 : i32
    %dma_start3A_1078 = arith.constant 0 : i32
    %dma_start3A_1079 = tpu.memref_slice %arg7[%dma_start3A_1076, %dma_start3A_1077, %dma_start3A_1078] : memref<4x200x128xf32, #tpu.memory_space<vmem>> -> memref<1x128x128xf32, #tpu.memory_space<vmem>>
    %dma_start3A_1080 = tpu.memref_squeeze %dma_start3A_1079 : memref<1x128x128xf32, #tpu.memory_space<vmem>> -> memref<128x128xf32, #tpu.memory_space<vmem>>
    %dma_start3A_1081 = arith.constant 2000 : i32
    %dma_start3A_1082 = tpu.memref_slice %arg6[%dma_start3A_1081] : memref<6400xi32, #tpu.memory_space<vmem>> -> memref<128xi32, #tpu.memory_space<vmem>>
    %dma_start3A_1083 = arith.constant 0 : i32
    %dma_start3A_1084 = arith.constant 0 : i32
    %dma_start3A_1085 = tpu.memref_slice %arg2[%dma_start3A_1083, %dma_start3A_1084] : memref<1000008x128xf32, #tpu.memory_space<hbm>> -> memref<1000008x128xf32, #tpu.memory_space<hbm>>
    tpu.enqueue_indirect_dma source(%dma_start3A_1085 : memref<1000008x128xf32, #tpu.memory_space<hbm>>) target(%dma_start3A_1080 : memref<128x128xf32, #tpu.memory_space<vmem>>) offsets(%dma_start3A_1082 : memref<128xi32, #tpu.memory_space<vmem>>) semaphore(%arg9 : memref<!tpu.dma_semaphore, #tpu.memory_space<semaphore_mem>>)
    %dma_start3A_1086 = arith.constant 2 : i32
    %dma_start3A_1087 = arith.constant 128 : i32
    %dma_start3A_1088 = arith.constant 0 : i32
    %dma_start3A_1089 = tpu.memref_slice %arg7[%dma_start3A_1086, %dma_start3A_1087, %dma_start3A_1088] : memref<4x200x128xf32, #tpu.memory_space<vmem>> -> memref<1x72x128xf32, #tpu.memory_space<vmem>>
    %dma_start3A_1090 = tpu.memref_squeeze %dma_start3A_1089 : memref<1x72x128xf32, #tpu.memory_space<vmem>> -> memref<72x128xf32, #tpu.memory_space<vmem>>
    %dma_start3A_1091 = arith.constant 2128 : i32
    %dma_start3A_1092 = tpu.memref_slice %arg6[%dma_start3A_1091] : memref<6400xi32, #tpu.memory_space<vmem>> -> memref<72xi32, #tpu.memory_space<vmem>>
    %dma_start3A_1093 = arith.constant 0 : i32
    %dma_start3A_1094 = arith.constant 0 : i32
    %dma_start3A_1095 = tpu.memref_slice %arg2[%dma_start3A_1093, %dma_start3A_1094] : memref<1000008x128xf32, #tpu.memory_space<hbm>> -> memref<1000008x128xf32, #tpu.memory_space<hbm>>
    tpu.enqueue_indirect_dma source(%dma_start3A_1095 : memref<1000008x128xf32, #tpu.memory_space<hbm>>) target(%dma_start3A_1090 : memref<72x128xf32, #tpu.memory_space<vmem>>) offsets(%dma_start3A_1092 : memref<72xi32, #tpu.memory_space<vmem>>) semaphore(%arg9 : memref<!tpu.dma_semaphore, #tpu.memory_space<semaphore_mem>>)
    %dma_start3A_1096 = arith.constant 3 : i32
    %dma_start3A_1097 = arith.constant 0 : i32
    %dma_start3A_1098 = arith.constant 0 : i32
    %dma_start3A_1099 = tpu.memref_slice %arg7[%dma_start3A_1096, %dma_start3A_1097, %dma_start3A_1098] : memref<4x200x128xf32, #tpu.memory_space<vmem>> -> memref<1x128x128xf32, #tpu.memory_space<vmem>>
    %dma_start3A_1100 = tpu.memref_squeeze %dma_start3A_1099 : memref<1x128x128xf32, #tpu.memory_space<vmem>> -> memref<128x128xf32, #tpu.memory_space<vmem>>
    %dma_start3A_1101 = arith.constant 2200 : i32
    %dma_start3A_1102 = tpu.memref_slice %arg6[%dma_start3A_1101] : memref<6400xi32, #tpu.memory_space<vmem>> -> memref<128xi32, #tpu.memory_space<vmem>>
    %dma_start3A_1103 = arith.constant 0 : i32
    %dma_start3A_1104 = arith.constant 0 : i32
    %dma_start3A_1105 = tpu.memref_slice %arg2[%dma_start3A_1103, %dma_start3A_1104] : memref<1000008x128xf32, #tpu.memory_space<hbm>> -> memref<1000008x128xf32, #tpu.memory_space<hbm>>
    tpu.enqueue_indirect_dma source(%dma_start3A_1105 : memref<1000008x128xf32, #tpu.memory_space<hbm>>) target(%dma_start3A_1100 : memref<128x128xf32, #tpu.memory_space<vmem>>) offsets(%dma_start3A_1102 : memref<128xi32, #tpu.memory_space<vmem>>) semaphore(%arg9 : memref<!tpu.dma_semaphore, #tpu.memory_space<semaphore_mem>>)
    %dma_start3A_1106 = arith.constant 3 : i32
    %dma_start3A_1107 = arith.constant 128 : i32
    %dma_start3A_1108 = arith.constant 0 : i32
    %dma_start3A_1109 = tpu.memref_slice %arg7[%dma_start3A_1106, %dma_start3A_1107, %dma_start3A_1108] : memref<4x200x128xf32, #tpu.memory_space<vmem>> -> memref<1x72x128xf32, #tpu.memory_space<vmem>>
    %dma_start3A_1110 = tpu.memref_squeeze %dma_start3A_1109 : memref<1x72x128xf32, #tpu.memory_space<vmem>> -> memref<72x128xf32, #tpu.memory_space<vmem>>
    %dma_start3A_1111 = arith.constant 2328 : i32
    %dma_start3A_1112 = tpu.memref_slice %arg6[%dma_start3A_1111] : memref<6400xi32, #tpu.memory_space<vmem>> -> memref<72xi32, #tpu.memory_space<vmem>>
    %dma_start3A_1113 = arith.constant 0 : i32
    %dma_start3A_1114 = arith.constant 0 : i32
    %dma_start3A_1115 = tpu.memref_slice %arg2[%dma_start3A_1113, %dma_start3A_1114] : memref<1000008x128xf32, #tpu.memory_space<hbm>> -> memref<1000008x128xf32, #tpu.memory_space<hbm>>
    tpu.enqueue_indirect_dma source(%dma_start3A_1115 : memref<1000008x128xf32, #tpu.memory_space<hbm>>) target(%dma_start3A_1110 : memref<72x128xf32, #tpu.memory_space<vmem>>) offsets(%dma_start3A_1112 : memref<72xi32, #tpu.memory_space<vmem>>) semaphore(%arg9 : memref<!tpu.dma_semaphore, #tpu.memory_space<semaphore_mem>>)
    %dma_wait3A_1116 = arith.constant 0 : i32
    %dma_wait3A_1117 = arith.constant 0 : i32
    %dma_wait3A_1118 = arith.constant 0 : i32
    %dma_wait3A_1119 = tpu.memref_slice %arg7[%dma_wait3A_1116, %dma_wait3A_1117, %dma_wait3A_1118] : memref<4x200x128xf32, #tpu.memory_space<vmem>> -> memref<1x128x128xf32, #tpu.memory_space<vmem>>
    %dma_wait3A_1120 = tpu.memref_squeeze %dma_wait3A_1119 : memref<1x128x128xf32, #tpu.memory_space<vmem>> -> memref<128x128xf32, #tpu.memory_space<vmem>>
    %dma_wait3A_1121 = arith.constant 1600 : i32
    %dma_wait3A_1122 = tpu.memref_slice %arg6[%dma_wait3A_1121] : memref<6400xi32, #tpu.memory_space<vmem>> -> memref<128xi32, #tpu.memory_space<vmem>>
    %dma_wait3A_1123 = arith.constant 0 : i32
    %dma_wait3A_1124 = arith.constant 0 : i32
    %dma_wait3A_1125 = tpu.memref_slice %arg2[%dma_wait3A_1123, %dma_wait3A_1124] : memref<1000008x128xf32, #tpu.memory_space<hbm>> -> memref<1000008x128xf32, #tpu.memory_space<hbm>>
    tpu.wait_indirect_dma semaphore(%arg9 : memref<!tpu.dma_semaphore, #tpu.memory_space<semaphore_mem>>) src(%dma_wait3A_1125 : memref<1000008x128xf32, #tpu.memory_space<hbm>>) dst(%dma_wait3A_1120 : memref<128x128xf32, #tpu.memory_space<vmem>>)
    %dma_wait3A_1126 = arith.constant 0 : i32
    %dma_wait3A_1127 = arith.constant 128 : i32
    %dma_wait3A_1128 = arith.constant 0 : i32
    %dma_wait3A_1129 = tpu.memref_slice %arg7[%dma_wait3A_1126, %dma_wait3A_1127, %dma_wait3A_1128] : memref<4x200x128xf32, #tpu.memory_space<vmem>> -> memref<1x72x128xf32, #tpu.memory_space<vmem>>
    %dma_wait3A_1130 = tpu.memref_squeeze %dma_wait3A_1129 : memref<1x72x128xf32, #tpu.memory_space<vmem>> -> memref<72x128xf32, #tpu.memory_space<vmem>>
    %dma_wait3A_1131 = arith.constant 1728 : i32
    %dma_wait3A_1132 = tpu.memref_slice %arg6[%dma_wait3A_1131] : memref<6400xi32, #tpu.memory_space<vmem>> -> memref<72xi32, #tpu.memory_space<vmem>>
    %dma_wait3A_1133 = arith.constant 0 : i32
    %dma_wait3A_1134 = arith.constant 0 : i32
    %dma_wait3A_1135 = tpu.memref_slice %arg2[%dma_wait3A_1133, %dma_wait3A_1134] : memref<1000008x128xf32, #tpu.memory_space<hbm>> -> memref<1000008x128xf32, #tpu.memory_space<hbm>>
    tpu.wait_indirect_dma semaphore(%arg9 : memref<!tpu.dma_semaphore, #tpu.memory_space<semaphore_mem>>) src(%dma_wait3A_1135 : memref<1000008x128xf32, #tpu.memory_space<hbm>>) dst(%dma_wait3A_1130 : memref<72x128xf32, #tpu.memory_space<vmem>>)
    %dma_wait3A_1136 = arith.constant 1 : i32
    %dma_wait3A_1137 = arith.constant 0 : i32
    %dma_wait3A_1138 = arith.constant 0 : i32
    %dma_wait3A_1139 = tpu.memref_slice %arg7[%dma_wait3A_1136, %dma_wait3A_1137, %dma_wait3A_1138] : memref<4x200x128xf32, #tpu.memory_space<vmem>> -> memref<1x128x128xf32, #tpu.memory_space<vmem>>
    %dma_wait3A_1140 = tpu.memref_squeeze %dma_wait3A_1139 : memref<1x128x128xf32, #tpu.memory_space<vmem>> -> memref<128x128xf32, #tpu.memory_space<vmem>>
    %dma_wait3A_1141 = arith.constant 1800 : i32
    %dma_wait3A_1142 = tpu.memref_slice %arg6[%dma_wait3A_1141] : memref<6400xi32, #tpu.memory_space<vmem>> -> memref<128xi32, #tpu.memory_space<vmem>>
    %dma_wait3A_1143 = arith.constant 0 : i32
    %dma_wait3A_1144 = arith.constant 0 : i32
    %dma_wait3A_1145 = tpu.memref_slice %arg2[%dma_wait3A_1143, %dma_wait3A_1144] : memref<1000008x128xf32, #tpu.memory_space<hbm>> -> memref<1000008x128xf32, #tpu.memory_space<hbm>>
    tpu.wait_indirect_dma semaphore(%arg9 : memref<!tpu.dma_semaphore, #tpu.memory_space<semaphore_mem>>) src(%dma_wait3A_1145 : memref<1000008x128xf32, #tpu.memory_space<hbm>>) dst(%dma_wait3A_1140 : memref<128x128xf32, #tpu.memory_space<vmem>>)
    %dma_wait3A_1146 = arith.constant 1 : i32
    %dma_wait3A_1147 = arith.constant 128 : i32
    %dma_wait3A_1148 = arith.constant 0 : i32
    %dma_wait3A_1149 = tpu.memref_slice %arg7[%dma_wait3A_1146, %dma_wait3A_1147, %dma_wait3A_1148] : memref<4x200x128xf32, #tpu.memory_space<vmem>> -> memref<1x72x128xf32, #tpu.memory_space<vmem>>
    %dma_wait3A_1150 = tpu.memref_squeeze %dma_wait3A_1149 : memref<1x72x128xf32, #tpu.memory_space<vmem>> -> memref<72x128xf32, #tpu.memory_space<vmem>>
    %dma_wait3A_1151 = arith.constant 1928 : i32
    %dma_wait3A_1152 = tpu.memref_slice %arg6[%dma_wait3A_1151] : memref<6400xi32, #tpu.memory_space<vmem>> -> memref<72xi32, #tpu.memory_space<vmem>>
    %dma_wait3A_1153 = arith.constant 0 : i32
    %dma_wait3A_1154 = arith.constant 0 : i32
    %dma_wait3A_1155 = tpu.memref_slice %arg2[%dma_wait3A_1153, %dma_wait3A_1154] : memref<1000008x128xf32, #tpu.memory_space<hbm>> -> memref<1000008x128xf32, #tpu.memory_space<hbm>>
    tpu.wait_indirect_dma semaphore(%arg9 : memref<!tpu.dma_semaphore, #tpu.memory_space<semaphore_mem>>) src(%dma_wait3A_1155 : memref<1000008x128xf32, #tpu.memory_space<hbm>>) dst(%dma_wait3A_1150 : memref<72x128xf32, #tpu.memory_space<vmem>>)
    %dma_wait3A_1156 = arith.constant 2 : i32
    %dma_wait3A_1157 = arith.constant 0 : i32
    %dma_wait3A_1158 = arith.constant 0 : i32
    %dma_wait3A_1159 = tpu.memref_slice %arg7[%dma_wait3A_1156, %dma_wait3A_1157, %dma_wait3A_1158] : memref<4x200x128xf32, #tpu.memory_space<vmem>> -> memref<1x128x128xf32, #tpu.memory_space<vmem>>
    %dma_wait3A_1160 = tpu.memref_squeeze %dma_wait3A_1159 : memref<1x128x128xf32, #tpu.memory_space<vmem>> -> memref<128x128xf32, #tpu.memory_space<vmem>>
    %dma_wait3A_1161 = arith.constant 2000 : i32
    %dma_wait3A_1162 = tpu.memref_slice %arg6[%dma_wait3A_1161] : memref<6400xi32, #tpu.memory_space<vmem>> -> memref<128xi32, #tpu.memory_space<vmem>>
    %dma_wait3A_1163 = arith.constant 0 : i32
    %dma_wait3A_1164 = arith.constant 0 : i32
    %dma_wait3A_1165 = tpu.memref_slice %arg2[%dma_wait3A_1163, %dma_wait3A_1164] : memref<1000008x128xf32, #tpu.memory_space<hbm>> -> memref<1000008x128xf32, #tpu.memory_space<hbm>>
    tpu.wait_indirect_dma semaphore(%arg9 : memref<!tpu.dma_semaphore, #tpu.memory_space<semaphore_mem>>) src(%dma_wait3A_1165 : memref<1000008x128xf32, #tpu.memory_space<hbm>>) dst(%dma_wait3A_1160 : memref<128x128xf32, #tpu.memory_space<vmem>>)
    %dma_wait3A_1166 = arith.constant 2 : i32
    %dma_wait3A_1167 = arith.constant 128 : i32
    %dma_wait3A_1168 = arith.constant 0 : i32
    %dma_wait3A_1169 = tpu.memref_slice %arg7[%dma_wait3A_1166, %dma_wait3A_1167, %dma_wait3A_1168] : memref<4x200x128xf32, #tpu.memory_space<vmem>> -> memref<1x72x128xf32, #tpu.memory_space<vmem>>
    %dma_wait3A_1170 = tpu.memref_squeeze %dma_wait3A_1169 : memref<1x72x128xf32, #tpu.memory_space<vmem>> -> memref<72x128xf32, #tpu.memory_space<vmem>>
    %dma_wait3A_1171 = arith.constant 2128 : i32
    %dma_wait3A_1172 = tpu.memref_slice %arg6[%dma_wait3A_1171] : memref<6400xi32, #tpu.memory_space<vmem>> -> memref<72xi32, #tpu.memory_space<vmem>>
    %dma_wait3A_1173 = arith.constant 0 : i32
    %dma_wait3A_1174 = arith.constant 0 : i32
    %dma_wait3A_1175 = tpu.memref_slice %arg2[%dma_wait3A_1173, %dma_wait3A_1174] : memref<1000008x128xf32, #tpu.memory_space<hbm>> -> memref<1000008x128xf32, #tpu.memory_space<hbm>>
    tpu.wait_indirect_dma semaphore(%arg9 : memref<!tpu.dma_semaphore, #tpu.memory_space<semaphore_mem>>) src(%dma_wait3A_1175 : memref<1000008x128xf32, #tpu.memory_space<hbm>>) dst(%dma_wait3A_1170 : memref<72x128xf32, #tpu.memory_space<vmem>>)
    %dma_wait3A_1176 = arith.constant 3 : i32
    %dma_wait3A_1177 = arith.constant 0 : i32
    %dma_wait3A_1178 = arith.constant 0 : i32
    %dma_wait3A_1179 = tpu.memref_slice %arg7[%dma_wait3A_1176, %dma_wait3A_1177, %dma_wait3A_1178] : memref<4x200x128xf32, #tpu.memory_space<vmem>> -> memref<1x128x128xf32, #tpu.memory_space<vmem>>
    %dma_wait3A_1180 = tpu.memref_squeeze %dma_wait3A_1179 : memref<1x128x128xf32, #tpu.memory_space<vmem>> -> memref<128x128xf32, #tpu.memory_space<vmem>>
    %dma_wait3A_1181 = arith.constant 2200 : i32
    %dma_wait3A_1182 = tpu.memref_slice %arg6[%dma_wait3A_1181] : memref<6400xi32, #tpu.memory_space<vmem>> -> memref<128xi32, #tpu.memory_space<vmem>>
    %dma_wait3A_1183 = arith.constant 0 : i32
    %dma_wait3A_1184 = arith.constant 0 : i32
    %dma_wait3A_1185 = tpu.memref_slice %arg2[%dma_wait3A_1183, %dma_wait3A_1184] : memref<1000008x128xf32, #tpu.memory_space<hbm>> -> memref<1000008x128xf32, #tpu.memory_space<hbm>>
    tpu.wait_indirect_dma semaphore(%arg9 : memref<!tpu.dma_semaphore, #tpu.memory_space<semaphore_mem>>) src(%dma_wait3A_1185 : memref<1000008x128xf32, #tpu.memory_space<hbm>>) dst(%dma_wait3A_1180 : memref<128x128xf32, #tpu.memory_space<vmem>>)
    %dma_wait3A_1186 = arith.constant 3 : i32
    %dma_wait3A_1187 = arith.constant 128 : i32
    %dma_wait3A_1188 = arith.constant 0 : i32
    %dma_wait3A_1189 = tpu.memref_slice %arg7[%dma_wait3A_1186, %dma_wait3A_1187, %dma_wait3A_1188] : memref<4x200x128xf32, #tpu.memory_space<vmem>> -> memref<1x72x128xf32, #tpu.memory_space<vmem>>
    %dma_wait3A_1190 = tpu.memref_squeeze %dma_wait3A_1189 : memref<1x72x128xf32, #tpu.memory_space<vmem>> -> memref<72x128xf32, #tpu.memory_space<vmem>>
    %dma_wait3A_1191 = arith.constant 2328 : i32
    %dma_wait3A_1192 = tpu.memref_slice %arg6[%dma_wait3A_1191] : memref<6400xi32, #tpu.memory_space<vmem>> -> memref<72xi32, #tpu.memory_space<vmem>>
    %dma_wait3A_1193 = arith.constant 0 : i32
    %dma_wait3A_1194 = arith.constant 0 : i32
    %dma_wait3A_1195 = tpu.memref_slice %arg2[%dma_wait3A_1193, %dma_wait3A_1194] : memref<1000008x128xf32, #tpu.memory_space<hbm>> -> memref<1000008x128xf32, #tpu.memory_space<hbm>>
    tpu.wait_indirect_dma semaphore(%arg9 : memref<!tpu.dma_semaphore, #tpu.memory_space<semaphore_mem>>) src(%dma_wait3A_1195 : memref<1000008x128xf32, #tpu.memory_space<hbm>>) dst(%dma_wait3A_1190 : memref<72x128xf32, #tpu.memory_space<vmem>>)
    %add3A_1196 = arith.constant 8 : i32
    %add3A_1197 = arith.addi %mul3A_2, %add3A_1196 : i32
    "tpu.region"() ({
      %run_scoped3A = tpu.sem_alloc : memref<!tpu.dma_semaphore, #tpu.memory_space<semaphore_mem>>
      %dma_start3A_2008 = arith.constant 0 : i32
      %dma_start3A_2009 = arith.constant 0 : i32
      %dma_start3A_2010 = arith.constant 0 : i32
      %dma_start3A_2011 = tpu.memref_slice %arg7[%dma_start3A_2008, %dma_start3A_2009, %dma_start3A_2010] : memref<4x200x128xf32, #tpu.memory_space<vmem>> -> memref<4x200x64xf32, #tpu.memory_space<vmem>>
      %dma_start3A_2012 = arith.constant 0 : i32
      %dma_start3A_2013 = arith.constant 0 : i32
      %dma_start3A_2014 = tpu.memref_slice %arg5[%add3A_1197, %dma_start3A_2012, %dma_start3A_2013] : memref<1024x200x64xf32, #tpu.memory_space<hbm>> -> memref<4x200x64xf32, #tpu.memory_space<hbm>>
      %dma_start3A_2015 = arith.constant 0 : i32
      %dma_start3A_2016 = arith.constant 0 : i32
      %dma_start3A_2017 = tpu.memref_slice %arg5[%add3A_1197, %dma_start3A_2015, %dma_start3A_2016] : memref<1024x200x64xf32, #tpu.memory_space<hbm>> -> memref<4x200x64xf32, #tpu.memory_space<hbm>>
      %dma_start3A_2018 = arith.constant 0 : i32
      %dma_start3A_2019 = arith.constant 0 : i32
      %dma_start3A_2020 = arith.constant 0 : i32
      %dma_start3A_2021 = tpu.memref_slice %arg7[%dma_start3A_2018, %dma_start3A_2019, %dma_start3A_2020] : memref<4x200x128xf32, #tpu.memory_space<vmem>> -> memref<4x200x64xf32, #tpu.memory_space<vmem>>
      tpu.enqueue_dma source(%dma_start3A_2021 : memref<4x200x64xf32, #tpu.memory_space<vmem>>) target(%dma_start3A_2017 : memref<4x200x64xf32, #tpu.memory_space<hbm>>) target_semaphore(%run_scoped3A : memref<!tpu.dma_semaphore, #tpu.memory_space<semaphore_mem>>)
      %dma_wait3A_2022 = arith.constant 0 : i32
      %dma_wait3A_2023 = arith.constant 0 : i32
      %dma_wait3A_2024 = arith.constant 0 : i32
      %dma_wait3A_2025 = tpu.memref_slice %arg7[%dma_wait3A_2022, %dma_wait3A_2023, %dma_wait3A_2024] : memref<4x200x128xf32, #tpu.memory_space<vmem>> -> memref<4x200x64xf32, #tpu.memory_space<vmem>>
      %dma_wait3A_2026 = arith.constant 0 : i32
      %dma_wait3A_2027 = arith.constant 0 : i32
      %dma_wait3A_2028 = tpu.memref_slice %arg5[%add3A_1197, %dma_wait3A_2026, %dma_wait3A_2027] : memref<1024x200x64xf32, #tpu.memory_space<hbm>> -> memref<4x200x64xf32, #tpu.memory_space<hbm>>
      %dma_wait3A_2029 = arith.constant 0 : i32
      %dma_wait3A_2030 = arith.constant 0 : i32
      %dma_wait3A_2031 = tpu.memref_slice %arg5[%add3A_1197, %dma_wait3A_2029, %dma_wait3A_2030] : memref<1024x200x64xf32, #tpu.memory_space<hbm>> -> memref<4x200x64xf32, #tpu.memory_space<hbm>>
      %dma_wait3A_2032 = arith.constant 0 : i32
      %dma_wait3A_2033 = arith.constant 0 : i32
      %dma_wait3A_2034 = arith.constant 0 : i32
      %dma_wait3A_2035 = tpu.memref_slice %arg7[%dma_wait3A_2032, %dma_wait3A_2033, %dma_wait3A_2034] : memref<4x200x128xf32, #tpu.memory_space<vmem>> -> memref<4x200x64xf32, #tpu.memory_space<vmem>>
      tpu.wait_dma2 semaphore(%run_scoped3A : memref<!tpu.dma_semaphore, #tpu.memory_space<semaphore_mem>>) src(%dma_wait3A_2035 : memref<4x200x64xf32, #tpu.memory_space<vmem>>) dst(%dma_wait3A_2031 : memref<4x200x64xf32, #tpu.memory_space<hbm>>)
      tpu.yield
    }) : () -> ()
    %dma_start3A_1198 = arith.constant 0 : i32
    %dma_start3A_1199 = arith.constant 0 : i32
    %dma_start3A_1200 = arith.constant 0 : i32
    %dma_start3A_1201 = tpu.memref_slice %arg7[%dma_start3A_1198, %dma_start3A_1199, %dma_start3A_1200] : memref<4x200x128xf32, #tpu.memory_space<vmem>> -> memref<1x128x128xf32, #tpu.memory_space<vmem>>
    %dma_start3A_1202 = tpu.memref_squeeze %dma_start3A_1201 : memref<1x128x128xf32, #tpu.memory_space<vmem>> -> memref<128x128xf32, #tpu.memory_space<vmem>>
    %dma_start3A_1203 = arith.constant 2400 : i32
    %dma_start3A_1204 = tpu.memref_slice %arg6[%dma_start3A_1203] : memref<6400xi32, #tpu.memory_space<vmem>> -> memref<128xi32, #tpu.memory_space<vmem>>
    %dma_start3A_1205 = arith.constant 0 : i32
    %dma_start3A_1206 = arith.constant 0 : i32
    %dma_start3A_1207 = tpu.memref_slice %arg2[%dma_start3A_1205, %dma_start3A_1206] : memref<1000008x128xf32, #tpu.memory_space<hbm>> -> memref<1000008x128xf32, #tpu.memory_space<hbm>>
    tpu.enqueue_indirect_dma source(%dma_start3A_1207 : memref<1000008x128xf32, #tpu.memory_space<hbm>>) target(%dma_start3A_1202 : memref<128x128xf32, #tpu.memory_space<vmem>>) offsets(%dma_start3A_1204 : memref<128xi32, #tpu.memory_space<vmem>>) semaphore(%arg9 : memref<!tpu.dma_semaphore, #tpu.memory_space<semaphore_mem>>)
    %dma_start3A_1208 = arith.constant 0 : i32
    %dma_start3A_1209 = arith.constant 128 : i32
    %dma_start3A_1210 = arith.constant 0 : i32
    %dma_start3A_1211 = tpu.memref_slice %arg7[%dma_start3A_1208, %dma_start3A_1209, %dma_start3A_1210] : memref<4x200x128xf32, #tpu.memory_space<vmem>> -> memref<1x72x128xf32, #tpu.memory_space<vmem>>
    %dma_start3A_1212 = tpu.memref_squeeze %dma_start3A_1211 : memref<1x72x128xf32, #tpu.memory_space<vmem>> -> memref<72x128xf32, #tpu.memory_space<vmem>>
    %dma_start3A_1213 = arith.constant 2528 : i32
    %dma_start3A_1214 = tpu.memref_slice %arg6[%dma_start3A_1213] : memref<6400xi32, #tpu.memory_space<vmem>> -> memref<72xi32, #tpu.memory_space<vmem>>
    %dma_start3A_1215 = arith.constant 0 : i32
    %dma_start3A_1216 = arith.constant 0 : i32
    %dma_start3A_1217 = tpu.memref_slice %arg2[%dma_start3A_1215, %dma_start3A_1216] : memref<1000008x128xf32, #tpu.memory_space<hbm>> -> memref<1000008x128xf32, #tpu.memory_space<hbm>>
    tpu.enqueue_indirect_dma source(%dma_start3A_1217 : memref<1000008x128xf32, #tpu.memory_space<hbm>>) target(%dma_start3A_1212 : memref<72x128xf32, #tpu.memory_space<vmem>>) offsets(%dma_start3A_1214 : memref<72xi32, #tpu.memory_space<vmem>>) semaphore(%arg9 : memref<!tpu.dma_semaphore, #tpu.memory_space<semaphore_mem>>)
    %dma_start3A_1218 = arith.constant 1 : i32
    %dma_start3A_1219 = arith.constant 0 : i32
    %dma_start3A_1220 = arith.constant 0 : i32
    %dma_start3A_1221 = tpu.memref_slice %arg7[%dma_start3A_1218, %dma_start3A_1219, %dma_start3A_1220] : memref<4x200x128xf32, #tpu.memory_space<vmem>> -> memref<1x128x128xf32, #tpu.memory_space<vmem>>
    %dma_start3A_1222 = tpu.memref_squeeze %dma_start3A_1221 : memref<1x128x128xf32, #tpu.memory_space<vmem>> -> memref<128x128xf32, #tpu.memory_space<vmem>>
    %dma_start3A_1223 = arith.constant 2600 : i32
    %dma_start3A_1224 = tpu.memref_slice %arg6[%dma_start3A_1223] : memref<6400xi32, #tpu.memory_space<vmem>> -> memref<128xi32, #tpu.memory_space<vmem>>
    %dma_start3A_1225 = arith.constant 0 : i32
    %dma_start3A_1226 = arith.constant 0 : i32
    %dma_start3A_1227 = tpu.memref_slice %arg2[%dma_start3A_1225, %dma_start3A_1226] : memref<1000008x128xf32, #tpu.memory_space<hbm>> -> memref<1000008x128xf32, #tpu.memory_space<hbm>>
    tpu.enqueue_indirect_dma source(%dma_start3A_1227 : memref<1000008x128xf32, #tpu.memory_space<hbm>>) target(%dma_start3A_1222 : memref<128x128xf32, #tpu.memory_space<vmem>>) offsets(%dma_start3A_1224 : memref<128xi32, #tpu.memory_space<vmem>>) semaphore(%arg9 : memref<!tpu.dma_semaphore, #tpu.memory_space<semaphore_mem>>)
    %dma_start3A_1228 = arith.constant 1 : i32
    %dma_start3A_1229 = arith.constant 128 : i32
    %dma_start3A_1230 = arith.constant 0 : i32
    %dma_start3A_1231 = tpu.memref_slice %arg7[%dma_start3A_1228, %dma_start3A_1229, %dma_start3A_1230] : memref<4x200x128xf32, #tpu.memory_space<vmem>> -> memref<1x72x128xf32, #tpu.memory_space<vmem>>
    %dma_start3A_1232 = tpu.memref_squeeze %dma_start3A_1231 : memref<1x72x128xf32, #tpu.memory_space<vmem>> -> memref<72x128xf32, #tpu.memory_space<vmem>>
    %dma_start3A_1233 = arith.constant 2728 : i32
    %dma_start3A_1234 = tpu.memref_slice %arg6[%dma_start3A_1233] : memref<6400xi32, #tpu.memory_space<vmem>> -> memref<72xi32, #tpu.memory_space<vmem>>
    %dma_start3A_1235 = arith.constant 0 : i32
    %dma_start3A_1236 = arith.constant 0 : i32
    %dma_start3A_1237 = tpu.memref_slice %arg2[%dma_start3A_1235, %dma_start3A_1236] : memref<1000008x128xf32, #tpu.memory_space<hbm>> -> memref<1000008x128xf32, #tpu.memory_space<hbm>>
    tpu.enqueue_indirect_dma source(%dma_start3A_1237 : memref<1000008x128xf32, #tpu.memory_space<hbm>>) target(%dma_start3A_1232 : memref<72x128xf32, #tpu.memory_space<vmem>>) offsets(%dma_start3A_1234 : memref<72xi32, #tpu.memory_space<vmem>>) semaphore(%arg9 : memref<!tpu.dma_semaphore, #tpu.memory_space<semaphore_mem>>)
    %dma_start3A_1238 = arith.constant 2 : i32
    %dma_start3A_1239 = arith.constant 0 : i32
    %dma_start3A_1240 = arith.constant 0 : i32
    %dma_start3A_1241 = tpu.memref_slice %arg7[%dma_start3A_1238, %dma_start3A_1239, %dma_start3A_1240] : memref<4x200x128xf32, #tpu.memory_space<vmem>> -> memref<1x128x128xf32, #tpu.memory_space<vmem>>
    %dma_start3A_1242 = tpu.memref_squeeze %dma_start3A_1241 : memref<1x128x128xf32, #tpu.memory_space<vmem>> -> memref<128x128xf32, #tpu.memory_space<vmem>>
    %dma_start3A_1243 = arith.constant 2800 : i32
    %dma_start3A_1244 = tpu.memref_slice %arg6[%dma_start3A_1243] : memref<6400xi32, #tpu.memory_space<vmem>> -> memref<128xi32, #tpu.memory_space<vmem>>
    %dma_start3A_1245 = arith.constant 0 : i32
    %dma_start3A_1246 = arith.constant 0 : i32
    %dma_start3A_1247 = tpu.memref_slice %arg2[%dma_start3A_1245, %dma_start3A_1246] : memref<1000008x128xf32, #tpu.memory_space<hbm>> -> memref<1000008x128xf32, #tpu.memory_space<hbm>>
    tpu.enqueue_indirect_dma source(%dma_start3A_1247 : memref<1000008x128xf32, #tpu.memory_space<hbm>>) target(%dma_start3A_1242 : memref<128x128xf32, #tpu.memory_space<vmem>>) offsets(%dma_start3A_1244 : memref<128xi32, #tpu.memory_space<vmem>>) semaphore(%arg9 : memref<!tpu.dma_semaphore, #tpu.memory_space<semaphore_mem>>)
    %dma_start3A_1248 = arith.constant 2 : i32
    %dma_start3A_1249 = arith.constant 128 : i32
    %dma_start3A_1250 = arith.constant 0 : i32
    %dma_start3A_1251 = tpu.memref_slice %arg7[%dma_start3A_1248, %dma_start3A_1249, %dma_start3A_1250] : memref<4x200x128xf32, #tpu.memory_space<vmem>> -> memref<1x72x128xf32, #tpu.memory_space<vmem>>
    %dma_start3A_1252 = tpu.memref_squeeze %dma_start3A_1251 : memref<1x72x128xf32, #tpu.memory_space<vmem>> -> memref<72x128xf32, #tpu.memory_space<vmem>>
    %dma_start3A_1253 = arith.constant 2928 : i32
    %dma_start3A_1254 = tpu.memref_slice %arg6[%dma_start3A_1253] : memref<6400xi32, #tpu.memory_space<vmem>> -> memref<72xi32, #tpu.memory_space<vmem>>
    %dma_start3A_1255 = arith.constant 0 : i32
    %dma_start3A_1256 = arith.constant 0 : i32
    %dma_start3A_1257 = tpu.memref_slice %arg2[%dma_start3A_1255, %dma_start3A_1256] : memref<1000008x128xf32, #tpu.memory_space<hbm>> -> memref<1000008x128xf32, #tpu.memory_space<hbm>>
    tpu.enqueue_indirect_dma source(%dma_start3A_1257 : memref<1000008x128xf32, #tpu.memory_space<hbm>>) target(%dma_start3A_1252 : memref<72x128xf32, #tpu.memory_space<vmem>>) offsets(%dma_start3A_1254 : memref<72xi32, #tpu.memory_space<vmem>>) semaphore(%arg9 : memref<!tpu.dma_semaphore, #tpu.memory_space<semaphore_mem>>)
    %dma_start3A_1258 = arith.constant 3 : i32
    %dma_start3A_1259 = arith.constant 0 : i32
    %dma_start3A_1260 = arith.constant 0 : i32
    %dma_start3A_1261 = tpu.memref_slice %arg7[%dma_start3A_1258, %dma_start3A_1259, %dma_start3A_1260] : memref<4x200x128xf32, #tpu.memory_space<vmem>> -> memref<1x128x128xf32, #tpu.memory_space<vmem>>
    %dma_start3A_1262 = tpu.memref_squeeze %dma_start3A_1261 : memref<1x128x128xf32, #tpu.memory_space<vmem>> -> memref<128x128xf32, #tpu.memory_space<vmem>>
    %dma_start3A_1263 = arith.constant 3000 : i32
    %dma_start3A_1264 = tpu.memref_slice %arg6[%dma_start3A_1263] : memref<6400xi32, #tpu.memory_space<vmem>> -> memref<128xi32, #tpu.memory_space<vmem>>
    %dma_start3A_1265 = arith.constant 0 : i32
    %dma_start3A_1266 = arith.constant 0 : i32
    %dma_start3A_1267 = tpu.memref_slice %arg2[%dma_start3A_1265, %dma_start3A_1266] : memref<1000008x128xf32, #tpu.memory_space<hbm>> -> memref<1000008x128xf32, #tpu.memory_space<hbm>>
    tpu.enqueue_indirect_dma source(%dma_start3A_1267 : memref<1000008x128xf32, #tpu.memory_space<hbm>>) target(%dma_start3A_1262 : memref<128x128xf32, #tpu.memory_space<vmem>>) offsets(%dma_start3A_1264 : memref<128xi32, #tpu.memory_space<vmem>>) semaphore(%arg9 : memref<!tpu.dma_semaphore, #tpu.memory_space<semaphore_mem>>)
    %dma_start3A_1268 = arith.constant 3 : i32
    %dma_start3A_1269 = arith.constant 128 : i32
    %dma_start3A_1270 = arith.constant 0 : i32
    %dma_start3A_1271 = tpu.memref_slice %arg7[%dma_start3A_1268, %dma_start3A_1269, %dma_start3A_1270] : memref<4x200x128xf32, #tpu.memory_space<vmem>> -> memref<1x72x128xf32, #tpu.memory_space<vmem>>
    %dma_start3A_1272 = tpu.memref_squeeze %dma_start3A_1271 : memref<1x72x128xf32, #tpu.memory_space<vmem>> -> memref<72x128xf32, #tpu.memory_space<vmem>>
    %dma_start3A_1273 = arith.constant 3128 : i32
    %dma_start3A_1274 = tpu.memref_slice %arg6[%dma_start3A_1273] : memref<6400xi32, #tpu.memory_space<vmem>> -> memref<72xi32, #tpu.memory_space<vmem>>
    %dma_start3A_1275 = arith.constant 0 : i32
    %dma_start3A_1276 = arith.constant 0 : i32
    %dma_start3A_1277 = tpu.memref_slice %arg2[%dma_start3A_1275, %dma_start3A_1276] : memref<1000008x128xf32, #tpu.memory_space<hbm>> -> memref<1000008x128xf32, #tpu.memory_space<hbm>>
    tpu.enqueue_indirect_dma source(%dma_start3A_1277 : memref<1000008x128xf32, #tpu.memory_space<hbm>>) target(%dma_start3A_1272 : memref<72x128xf32, #tpu.memory_space<vmem>>) offsets(%dma_start3A_1274 : memref<72xi32, #tpu.memory_space<vmem>>) semaphore(%arg9 : memref<!tpu.dma_semaphore, #tpu.memory_space<semaphore_mem>>)
    %dma_wait3A_1278 = arith.constant 0 : i32
    %dma_wait3A_1279 = arith.constant 0 : i32
    %dma_wait3A_1280 = arith.constant 0 : i32
    %dma_wait3A_1281 = tpu.memref_slice %arg7[%dma_wait3A_1278, %dma_wait3A_1279, %dma_wait3A_1280] : memref<4x200x128xf32, #tpu.memory_space<vmem>> -> memref<1x128x128xf32, #tpu.memory_space<vmem>>
    %dma_wait3A_1282 = tpu.memref_squeeze %dma_wait3A_1281 : memref<1x128x128xf32, #tpu.memory_space<vmem>> -> memref<128x128xf32, #tpu.memory_space<vmem>>
    %dma_wait3A_1283 = arith.constant 2400 : i32
    %dma_wait3A_1284 = tpu.memref_slice %arg6[%dma_wait3A_1283] : memref<6400xi32, #tpu.memory_space<vmem>> -> memref<128xi32, #tpu.memory_space<vmem>>
    %dma_wait3A_1285 = arith.constant 0 : i32
    %dma_wait3A_1286 = arith.constant 0 : i32
    %dma_wait3A_1287 = tpu.memref_slice %arg2[%dma_wait3A_1285, %dma_wait3A_1286] : memref<1000008x128xf32, #tpu.memory_space<hbm>> -> memref<1000008x128xf32, #tpu.memory_space<hbm>>
    tpu.wait_indirect_dma semaphore(%arg9 : memref<!tpu.dma_semaphore, #tpu.memory_space<semaphore_mem>>) src(%dma_wait3A_1287 : memref<1000008x128xf32, #tpu.memory_space<hbm>>) dst(%dma_wait3A_1282 : memref<128x128xf32, #tpu.memory_space<vmem>>)
    %dma_wait3A_1288 = arith.constant 0 : i32
    %dma_wait3A_1289 = arith.constant 128 : i32
    %dma_wait3A_1290 = arith.constant 0 : i32
    %dma_wait3A_1291 = tpu.memref_slice %arg7[%dma_wait3A_1288, %dma_wait3A_1289, %dma_wait3A_1290] : memref<4x200x128xf32, #tpu.memory_space<vmem>> -> memref<1x72x128xf32, #tpu.memory_space<vmem>>
    %dma_wait3A_1292 = tpu.memref_squeeze %dma_wait3A_1291 : memref<1x72x128xf32, #tpu.memory_space<vmem>> -> memref<72x128xf32, #tpu.memory_space<vmem>>
    %dma_wait3A_1293 = arith.constant 2528 : i32
    %dma_wait3A_1294 = tpu.memref_slice %arg6[%dma_wait3A_1293] : memref<6400xi32, #tpu.memory_space<vmem>> -> memref<72xi32, #tpu.memory_space<vmem>>
    %dma_wait3A_1295 = arith.constant 0 : i32
    %dma_wait3A_1296 = arith.constant 0 : i32
    %dma_wait3A_1297 = tpu.memref_slice %arg2[%dma_wait3A_1295, %dma_wait3A_1296] : memref<1000008x128xf32, #tpu.memory_space<hbm>> -> memref<1000008x128xf32, #tpu.memory_space<hbm>>
    tpu.wait_indirect_dma semaphore(%arg9 : memref<!tpu.dma_semaphore, #tpu.memory_space<semaphore_mem>>) src(%dma_wait3A_1297 : memref<1000008x128xf32, #tpu.memory_space<hbm>>) dst(%dma_wait3A_1292 : memref<72x128xf32, #tpu.memory_space<vmem>>)
    %dma_wait3A_1298 = arith.constant 1 : i32
    %dma_wait3A_1299 = arith.constant 0 : i32
    %dma_wait3A_1300 = arith.constant 0 : i32
    %dma_wait3A_1301 = tpu.memref_slice %arg7[%dma_wait3A_1298, %dma_wait3A_1299, %dma_wait3A_1300] : memref<4x200x128xf32, #tpu.memory_space<vmem>> -> memref<1x128x128xf32, #tpu.memory_space<vmem>>
    %dma_wait3A_1302 = tpu.memref_squeeze %dma_wait3A_1301 : memref<1x128x128xf32, #tpu.memory_space<vmem>> -> memref<128x128xf32, #tpu.memory_space<vmem>>
    %dma_wait3A_1303 = arith.constant 2600 : i32
    %dma_wait3A_1304 = tpu.memref_slice %arg6[%dma_wait3A_1303] : memref<6400xi32, #tpu.memory_space<vmem>> -> memref<128xi32, #tpu.memory_space<vmem>>
    %dma_wait3A_1305 = arith.constant 0 : i32
    %dma_wait3A_1306 = arith.constant 0 : i32
    %dma_wait3A_1307 = tpu.memref_slice %arg2[%dma_wait3A_1305, %dma_wait3A_1306] : memref<1000008x128xf32, #tpu.memory_space<hbm>> -> memref<1000008x128xf32, #tpu.memory_space<hbm>>
    tpu.wait_indirect_dma semaphore(%arg9 : memref<!tpu.dma_semaphore, #tpu.memory_space<semaphore_mem>>) src(%dma_wait3A_1307 : memref<1000008x128xf32, #tpu.memory_space<hbm>>) dst(%dma_wait3A_1302 : memref<128x128xf32, #tpu.memory_space<vmem>>)
    %dma_wait3A_1308 = arith.constant 1 : i32
    %dma_wait3A_1309 = arith.constant 128 : i32
    %dma_wait3A_1310 = arith.constant 0 : i32
    %dma_wait3A_1311 = tpu.memref_slice %arg7[%dma_wait3A_1308, %dma_wait3A_1309, %dma_wait3A_1310] : memref<4x200x128xf32, #tpu.memory_space<vmem>> -> memref<1x72x128xf32, #tpu.memory_space<vmem>>
    %dma_wait3A_1312 = tpu.memref_squeeze %dma_wait3A_1311 : memref<1x72x128xf32, #tpu.memory_space<vmem>> -> memref<72x128xf32, #tpu.memory_space<vmem>>
    %dma_wait3A_1313 = arith.constant 2728 : i32
    %dma_wait3A_1314 = tpu.memref_slice %arg6[%dma_wait3A_1313] : memref<6400xi32, #tpu.memory_space<vmem>> -> memref<72xi32, #tpu.memory_space<vmem>>
    %dma_wait3A_1315 = arith.constant 0 : i32
    %dma_wait3A_1316 = arith.constant 0 : i32
    %dma_wait3A_1317 = tpu.memref_slice %arg2[%dma_wait3A_1315, %dma_wait3A_1316] : memref<1000008x128xf32, #tpu.memory_space<hbm>> -> memref<1000008x128xf32, #tpu.memory_space<hbm>>
    tpu.wait_indirect_dma semaphore(%arg9 : memref<!tpu.dma_semaphore, #tpu.memory_space<semaphore_mem>>) src(%dma_wait3A_1317 : memref<1000008x128xf32, #tpu.memory_space<hbm>>) dst(%dma_wait3A_1312 : memref<72x128xf32, #tpu.memory_space<vmem>>)
    %dma_wait3A_1318 = arith.constant 2 : i32
    %dma_wait3A_1319 = arith.constant 0 : i32
    %dma_wait3A_1320 = arith.constant 0 : i32
    %dma_wait3A_1321 = tpu.memref_slice %arg7[%dma_wait3A_1318, %dma_wait3A_1319, %dma_wait3A_1320] : memref<4x200x128xf32, #tpu.memory_space<vmem>> -> memref<1x128x128xf32, #tpu.memory_space<vmem>>
    %dma_wait3A_1322 = tpu.memref_squeeze %dma_wait3A_1321 : memref<1x128x128xf32, #tpu.memory_space<vmem>> -> memref<128x128xf32, #tpu.memory_space<vmem>>
    %dma_wait3A_1323 = arith.constant 2800 : i32
    %dma_wait3A_1324 = tpu.memref_slice %arg6[%dma_wait3A_1323] : memref<6400xi32, #tpu.memory_space<vmem>> -> memref<128xi32, #tpu.memory_space<vmem>>
    %dma_wait3A_1325 = arith.constant 0 : i32
    %dma_wait3A_1326 = arith.constant 0 : i32
    %dma_wait3A_1327 = tpu.memref_slice %arg2[%dma_wait3A_1325, %dma_wait3A_1326] : memref<1000008x128xf32, #tpu.memory_space<hbm>> -> memref<1000008x128xf32, #tpu.memory_space<hbm>>
    tpu.wait_indirect_dma semaphore(%arg9 : memref<!tpu.dma_semaphore, #tpu.memory_space<semaphore_mem>>) src(%dma_wait3A_1327 : memref<1000008x128xf32, #tpu.memory_space<hbm>>) dst(%dma_wait3A_1322 : memref<128x128xf32, #tpu.memory_space<vmem>>)
    %dma_wait3A_1328 = arith.constant 2 : i32
    %dma_wait3A_1329 = arith.constant 128 : i32
    %dma_wait3A_1330 = arith.constant 0 : i32
    %dma_wait3A_1331 = tpu.memref_slice %arg7[%dma_wait3A_1328, %dma_wait3A_1329, %dma_wait3A_1330] : memref<4x200x128xf32, #tpu.memory_space<vmem>> -> memref<1x72x128xf32, #tpu.memory_space<vmem>>
    %dma_wait3A_1332 = tpu.memref_squeeze %dma_wait3A_1331 : memref<1x72x128xf32, #tpu.memory_space<vmem>> -> memref<72x128xf32, #tpu.memory_space<vmem>>
    %dma_wait3A_1333 = arith.constant 2928 : i32
    %dma_wait3A_1334 = tpu.memref_slice %arg6[%dma_wait3A_1333] : memref<6400xi32, #tpu.memory_space<vmem>> -> memref<72xi32, #tpu.memory_space<vmem>>
    %dma_wait3A_1335 = arith.constant 0 : i32
    %dma_wait3A_1336 = arith.constant 0 : i32
    %dma_wait3A_1337 = tpu.memref_slice %arg2[%dma_wait3A_1335, %dma_wait3A_1336] : memref<1000008x128xf32, #tpu.memory_space<hbm>> -> memref<1000008x128xf32, #tpu.memory_space<hbm>>
    tpu.wait_indirect_dma semaphore(%arg9 : memref<!tpu.dma_semaphore, #tpu.memory_space<semaphore_mem>>) src(%dma_wait3A_1337 : memref<1000008x128xf32, #tpu.memory_space<hbm>>) dst(%dma_wait3A_1332 : memref<72x128xf32, #tpu.memory_space<vmem>>)
    %dma_wait3A_1338 = arith.constant 3 : i32
    %dma_wait3A_1339 = arith.constant 0 : i32
    %dma_wait3A_1340 = arith.constant 0 : i32
    %dma_wait3A_1341 = tpu.memref_slice %arg7[%dma_wait3A_1338, %dma_wait3A_1339, %dma_wait3A_1340] : memref<4x200x128xf32, #tpu.memory_space<vmem>> -> memref<1x128x128xf32, #tpu.memory_space<vmem>>
    %dma_wait3A_1342 = tpu.memref_squeeze %dma_wait3A_1341 : memref<1x128x128xf32, #tpu.memory_space<vmem>> -> memref<128x128xf32, #tpu.memory_space<vmem>>
    %dma_wait3A_1343 = arith.constant 3000 : i32
    %dma_wait3A_1344 = tpu.memref_slice %arg6[%dma_wait3A_1343] : memref<6400xi32, #tpu.memory_space<vmem>> -> memref<128xi32, #tpu.memory_space<vmem>>
    %dma_wait3A_1345 = arith.constant 0 : i32
    %dma_wait3A_1346 = arith.constant 0 : i32
    %dma_wait3A_1347 = tpu.memref_slice %arg2[%dma_wait3A_1345, %dma_wait3A_1346] : memref<1000008x128xf32, #tpu.memory_space<hbm>> -> memref<1000008x128xf32, #tpu.memory_space<hbm>>
    tpu.wait_indirect_dma semaphore(%arg9 : memref<!tpu.dma_semaphore, #tpu.memory_space<semaphore_mem>>) src(%dma_wait3A_1347 : memref<1000008x128xf32, #tpu.memory_space<hbm>>) dst(%dma_wait3A_1342 : memref<128x128xf32, #tpu.memory_space<vmem>>)
    %dma_wait3A_1348 = arith.constant 3 : i32
    %dma_wait3A_1349 = arith.constant 128 : i32
    %dma_wait3A_1350 = arith.constant 0 : i32
    %dma_wait3A_1351 = tpu.memref_slice %arg7[%dma_wait3A_1348, %dma_wait3A_1349, %dma_wait3A_1350] : memref<4x200x128xf32, #tpu.memory_space<vmem>> -> memref<1x72x128xf32, #tpu.memory_space<vmem>>
    %dma_wait3A_1352 = tpu.memref_squeeze %dma_wait3A_1351 : memref<1x72x128xf32, #tpu.memory_space<vmem>> -> memref<72x128xf32, #tpu.memory_space<vmem>>
    %dma_wait3A_1353 = arith.constant 3128 : i32
    %dma_wait3A_1354 = tpu.memref_slice %arg6[%dma_wait3A_1353] : memref<6400xi32, #tpu.memory_space<vmem>> -> memref<72xi32, #tpu.memory_space<vmem>>
    %dma_wait3A_1355 = arith.constant 0 : i32
    %dma_wait3A_1356 = arith.constant 0 : i32
    %dma_wait3A_1357 = tpu.memref_slice %arg2[%dma_wait3A_1355, %dma_wait3A_1356] : memref<1000008x128xf32, #tpu.memory_space<hbm>> -> memref<1000008x128xf32, #tpu.memory_space<hbm>>
    tpu.wait_indirect_dma semaphore(%arg9 : memref<!tpu.dma_semaphore, #tpu.memory_space<semaphore_mem>>) src(%dma_wait3A_1357 : memref<1000008x128xf32, #tpu.memory_space<hbm>>) dst(%dma_wait3A_1352 : memref<72x128xf32, #tpu.memory_space<vmem>>)
    %add3A_1358 = arith.constant 12 : i32
    %add3A_1359 = arith.addi %mul3A_2, %add3A_1358 : i32
    "tpu.region"() ({
      %run_scoped3A = tpu.sem_alloc : memref<!tpu.dma_semaphore, #tpu.memory_space<semaphore_mem>>
      %dma_start3A_2008 = arith.constant 0 : i32
      %dma_start3A_2009 = arith.constant 0 : i32
      %dma_start3A_2010 = arith.constant 0 : i32
      %dma_start3A_2011 = tpu.memref_slice %arg7[%dma_start3A_2008, %dma_start3A_2009, %dma_start3A_2010] : memref<4x200x128xf32, #tpu.memory_space<vmem>> -> memref<4x200x64xf32, #tpu.memory_space<vmem>>
      %dma_start3A_2012 = arith.constant 0 : i32
      %dma_start3A_2013 = arith.constant 0 : i32
      %dma_start3A_2014 = tpu.memref_slice %arg5[%add3A_1359, %dma_start3A_2012, %dma_start3A_2013] : memref<1024x200x64xf32, #tpu.memory_space<hbm>> -> memref<4x200x64xf32, #tpu.memory_space<hbm>>
      %dma_start3A_2015 = arith.constant 0 : i32
      %dma_start3A_2016 = arith.constant 0 : i32
      %dma_start3A_2017 = tpu.memref_slice %arg5[%add3A_1359, %dma_start3A_2015, %dma_start3A_2016] : memref<1024x200x64xf32, #tpu.memory_space<hbm>> -> memref<4x200x64xf32, #tpu.memory_space<hbm>>
      %dma_start3A_2018 = arith.constant 0 : i32
      %dma_start3A_2019 = arith.constant 0 : i32
      %dma_start3A_2020 = arith.constant 0 : i32
      %dma_start3A_2021 = tpu.memref_slice %arg7[%dma_start3A_2018, %dma_start3A_2019, %dma_start3A_2020] : memref<4x200x128xf32, #tpu.memory_space<vmem>> -> memref<4x200x64xf32, #tpu.memory_space<vmem>>
      tpu.enqueue_dma source(%dma_start3A_2021 : memref<4x200x64xf32, #tpu.memory_space<vmem>>) target(%dma_start3A_2017 : memref<4x200x64xf32, #tpu.memory_space<hbm>>) target_semaphore(%run_scoped3A : memref<!tpu.dma_semaphore, #tpu.memory_space<semaphore_mem>>)
      %dma_wait3A_2022 = arith.constant 0 : i32
      %dma_wait3A_2023 = arith.constant 0 : i32
      %dma_wait3A_2024 = arith.constant 0 : i32
      %dma_wait3A_2025 = tpu.memref_slice %arg7[%dma_wait3A_2022, %dma_wait3A_2023, %dma_wait3A_2024] : memref<4x200x128xf32, #tpu.memory_space<vmem>> -> memref<4x200x64xf32, #tpu.memory_space<vmem>>
      %dma_wait3A_2026 = arith.constant 0 : i32
      %dma_wait3A_2027 = arith.constant 0 : i32
      %dma_wait3A_2028 = tpu.memref_slice %arg5[%add3A_1359, %dma_wait3A_2026, %dma_wait3A_2027] : memref<1024x200x64xf32, #tpu.memory_space<hbm>> -> memref<4x200x64xf32, #tpu.memory_space<hbm>>
      %dma_wait3A_2029 = arith.constant 0 : i32
      %dma_wait3A_2030 = arith.constant 0 : i32
      %dma_wait3A_2031 = tpu.memref_slice %arg5[%add3A_1359, %dma_wait3A_2029, %dma_wait3A_2030] : memref<1024x200x64xf32, #tpu.memory_space<hbm>> -> memref<4x200x64xf32, #tpu.memory_space<hbm>>
      %dma_wait3A_2032 = arith.constant 0 : i32
      %dma_wait3A_2033 = arith.constant 0 : i32
      %dma_wait3A_2034 = arith.constant 0 : i32
      %dma_wait3A_2035 = tpu.memref_slice %arg7[%dma_wait3A_2032, %dma_wait3A_2033, %dma_wait3A_2034] : memref<4x200x128xf32, #tpu.memory_space<vmem>> -> memref<4x200x64xf32, #tpu.memory_space<vmem>>
      tpu.wait_dma2 semaphore(%run_scoped3A : memref<!tpu.dma_semaphore, #tpu.memory_space<semaphore_mem>>) src(%dma_wait3A_2035 : memref<4x200x64xf32, #tpu.memory_space<vmem>>) dst(%dma_wait3A_2031 : memref<4x200x64xf32, #tpu.memory_space<hbm>>)
      tpu.yield
    }) : () -> ()
    %dma_start3A_1360 = arith.constant 0 : i32
    %dma_start3A_1361 = arith.constant 0 : i32
    %dma_start3A_1362 = arith.constant 0 : i32
    %dma_start3A_1363 = tpu.memref_slice %arg7[%dma_start3A_1360, %dma_start3A_1361, %dma_start3A_1362] : memref<4x200x128xf32, #tpu.memory_space<vmem>> -> memref<1x128x128xf32, #tpu.memory_space<vmem>>
    %dma_start3A_1364 = tpu.memref_squeeze %dma_start3A_1363 : memref<1x128x128xf32, #tpu.memory_space<vmem>> -> memref<128x128xf32, #tpu.memory_space<vmem>>
    %dma_start3A_1365 = arith.constant 3200 : i32
    %dma_start3A_1366 = tpu.memref_slice %arg6[%dma_start3A_1365] : memref<6400xi32, #tpu.memory_space<vmem>> -> memref<128xi32, #tpu.memory_space<vmem>>
    %dma_start3A_1367 = arith.constant 0 : i32
    %dma_start3A_1368 = arith.constant 0 : i32
    %dma_start3A_1369 = tpu.memref_slice %arg2[%dma_start3A_1367, %dma_start3A_1368] : memref<1000008x128xf32, #tpu.memory_space<hbm>> -> memref<1000008x128xf32, #tpu.memory_space<hbm>>
    tpu.enqueue_indirect_dma source(%dma_start3A_1369 : memref<1000008x128xf32, #tpu.memory_space<hbm>>) target(%dma_start3A_1364 : memref<128x128xf32, #tpu.memory_space<vmem>>) offsets(%dma_start3A_1366 : memref<128xi32, #tpu.memory_space<vmem>>) semaphore(%arg9 : memref<!tpu.dma_semaphore, #tpu.memory_space<semaphore_mem>>)
    %dma_start3A_1370 = arith.constant 0 : i32
    %dma_start3A_1371 = arith.constant 128 : i32
    %dma_start3A_1372 = arith.constant 0 : i32
    %dma_start3A_1373 = tpu.memref_slice %arg7[%dma_start3A_1370, %dma_start3A_1371, %dma_start3A_1372] : memref<4x200x128xf32, #tpu.memory_space<vmem>> -> memref<1x72x128xf32, #tpu.memory_space<vmem>>
    %dma_start3A_1374 = tpu.memref_squeeze %dma_start3A_1373 : memref<1x72x128xf32, #tpu.memory_space<vmem>> -> memref<72x128xf32, #tpu.memory_space<vmem>>
    %dma_start3A_1375 = arith.constant 3328 : i32
    %dma_start3A_1376 = tpu.memref_slice %arg6[%dma_start3A_1375] : memref<6400xi32, #tpu.memory_space<vmem>> -> memref<72xi32, #tpu.memory_space<vmem>>
    %dma_start3A_1377 = arith.constant 0 : i32
    %dma_start3A_1378 = arith.constant 0 : i32
    %dma_start3A_1379 = tpu.memref_slice %arg2[%dma_start3A_1377, %dma_start3A_1378] : memref<1000008x128xf32, #tpu.memory_space<hbm>> -> memref<1000008x128xf32, #tpu.memory_space<hbm>>
    tpu.enqueue_indirect_dma source(%dma_start3A_1379 : memref<1000008x128xf32, #tpu.memory_space<hbm>>) target(%dma_start3A_1374 : memref<72x128xf32, #tpu.memory_space<vmem>>) offsets(%dma_start3A_1376 : memref<72xi32, #tpu.memory_space<vmem>>) semaphore(%arg9 : memref<!tpu.dma_semaphore, #tpu.memory_space<semaphore_mem>>)
    %dma_start3A_1380 = arith.constant 1 : i32
    %dma_start3A_1381 = arith.constant 0 : i32
    %dma_start3A_1382 = arith.constant 0 : i32
    %dma_start3A_1383 = tpu.memref_slice %arg7[%dma_start3A_1380, %dma_start3A_1381, %dma_start3A_1382] : memref<4x200x128xf32, #tpu.memory_space<vmem>> -> memref<1x128x128xf32, #tpu.memory_space<vmem>>
    %dma_start3A_1384 = tpu.memref_squeeze %dma_start3A_1383 : memref<1x128x128xf32, #tpu.memory_space<vmem>> -> memref<128x128xf32, #tpu.memory_space<vmem>>
    %dma_start3A_1385 = arith.constant 3400 : i32
    %dma_start3A_1386 = tpu.memref_slice %arg6[%dma_start3A_1385] : memref<6400xi32, #tpu.memory_space<vmem>> -> memref<128xi32, #tpu.memory_space<vmem>>
    %dma_start3A_1387 = arith.constant 0 : i32
    %dma_start3A_1388 = arith.constant 0 : i32
    %dma_start3A_1389 = tpu.memref_slice %arg2[%dma_start3A_1387, %dma_start3A_1388] : memref<1000008x128xf32, #tpu.memory_space<hbm>> -> memref<1000008x128xf32, #tpu.memory_space<hbm>>
    tpu.enqueue_indirect_dma source(%dma_start3A_1389 : memref<1000008x128xf32, #tpu.memory_space<hbm>>) target(%dma_start3A_1384 : memref<128x128xf32, #tpu.memory_space<vmem>>) offsets(%dma_start3A_1386 : memref<128xi32, #tpu.memory_space<vmem>>) semaphore(%arg9 : memref<!tpu.dma_semaphore, #tpu.memory_space<semaphore_mem>>)
    %dma_start3A_1390 = arith.constant 1 : i32
    %dma_start3A_1391 = arith.constant 128 : i32
    %dma_start3A_1392 = arith.constant 0 : i32
    %dma_start3A_1393 = tpu.memref_slice %arg7[%dma_start3A_1390, %dma_start3A_1391, %dma_start3A_1392] : memref<4x200x128xf32, #tpu.memory_space<vmem>> -> memref<1x72x128xf32, #tpu.memory_space<vmem>>
    %dma_start3A_1394 = tpu.memref_squeeze %dma_start3A_1393 : memref<1x72x128xf32, #tpu.memory_space<vmem>> -> memref<72x128xf32, #tpu.memory_space<vmem>>
    %dma_start3A_1395 = arith.constant 3528 : i32
    %dma_start3A_1396 = tpu.memref_slice %arg6[%dma_start3A_1395] : memref<6400xi32, #tpu.memory_space<vmem>> -> memref<72xi32, #tpu.memory_space<vmem>>
    %dma_start3A_1397 = arith.constant 0 : i32
    %dma_start3A_1398 = arith.constant 0 : i32
    %dma_start3A_1399 = tpu.memref_slice %arg2[%dma_start3A_1397, %dma_start3A_1398] : memref<1000008x128xf32, #tpu.memory_space<hbm>> -> memref<1000008x128xf32, #tpu.memory_space<hbm>>
    tpu.enqueue_indirect_dma source(%dma_start3A_1399 : memref<1000008x128xf32, #tpu.memory_space<hbm>>) target(%dma_start3A_1394 : memref<72x128xf32, #tpu.memory_space<vmem>>) offsets(%dma_start3A_1396 : memref<72xi32, #tpu.memory_space<vmem>>) semaphore(%arg9 : memref<!tpu.dma_semaphore, #tpu.memory_space<semaphore_mem>>)
    %dma_start3A_1400 = arith.constant 2 : i32
    %dma_start3A_1401 = arith.constant 0 : i32
    %dma_start3A_1402 = arith.constant 0 : i32
    %dma_start3A_1403 = tpu.memref_slice %arg7[%dma_start3A_1400, %dma_start3A_1401, %dma_start3A_1402] : memref<4x200x128xf32, #tpu.memory_space<vmem>> -> memref<1x128x128xf32, #tpu.memory_space<vmem>>
    %dma_start3A_1404 = tpu.memref_squeeze %dma_start3A_1403 : memref<1x128x128xf32, #tpu.memory_space<vmem>> -> memref<128x128xf32, #tpu.memory_space<vmem>>
    %dma_start3A_1405 = arith.constant 3600 : i32
    %dma_start3A_1406 = tpu.memref_slice %arg6[%dma_start3A_1405] : memref<6400xi32, #tpu.memory_space<vmem>> -> memref<128xi32, #tpu.memory_space<vmem>>
    %dma_start3A_1407 = arith.constant 0 : i32
    %dma_start3A_1408 = arith.constant 0 : i32
    %dma_start3A_1409 = tpu.memref_slice %arg2[%dma_start3A_1407, %dma_start3A_1408] : memref<1000008x128xf32, #tpu.memory_space<hbm>> -> memref<1000008x128xf32, #tpu.memory_space<hbm>>
    tpu.enqueue_indirect_dma source(%dma_start3A_1409 : memref<1000008x128xf32, #tpu.memory_space<hbm>>) target(%dma_start3A_1404 : memref<128x128xf32, #tpu.memory_space<vmem>>) offsets(%dma_start3A_1406 : memref<128xi32, #tpu.memory_space<vmem>>) semaphore(%arg9 : memref<!tpu.dma_semaphore, #tpu.memory_space<semaphore_mem>>)
    %dma_start3A_1410 = arith.constant 2 : i32
    %dma_start3A_1411 = arith.constant 128 : i32
    %dma_start3A_1412 = arith.constant 0 : i32
    %dma_start3A_1413 = tpu.memref_slice %arg7[%dma_start3A_1410, %dma_start3A_1411, %dma_start3A_1412] : memref<4x200x128xf32, #tpu.memory_space<vmem>> -> memref<1x72x128xf32, #tpu.memory_space<vmem>>
    %dma_start3A_1414 = tpu.memref_squeeze %dma_start3A_1413 : memref<1x72x128xf32, #tpu.memory_space<vmem>> -> memref<72x128xf32, #tpu.memory_space<vmem>>
    %dma_start3A_1415 = arith.constant 3728 : i32
    %dma_start3A_1416 = tpu.memref_slice %arg6[%dma_start3A_1415] : memref<6400xi32, #tpu.memory_space<vmem>> -> memref<72xi32, #tpu.memory_space<vmem>>
    %dma_start3A_1417 = arith.constant 0 : i32
    %dma_start3A_1418 = arith.constant 0 : i32
    %dma_start3A_1419 = tpu.memref_slice %arg2[%dma_start3A_1417, %dma_start3A_1418] : memref<1000008x128xf32, #tpu.memory_space<hbm>> -> memref<1000008x128xf32, #tpu.memory_space<hbm>>
    tpu.enqueue_indirect_dma source(%dma_start3A_1419 : memref<1000008x128xf32, #tpu.memory_space<hbm>>) target(%dma_start3A_1414 : memref<72x128xf32, #tpu.memory_space<vmem>>) offsets(%dma_start3A_1416 : memref<72xi32, #tpu.memory_space<vmem>>) semaphore(%arg9 : memref<!tpu.dma_semaphore, #tpu.memory_space<semaphore_mem>>)
    %dma_start3A_1420 = arith.constant 3 : i32
    %dma_start3A_1421 = arith.constant 0 : i32
    %dma_start3A_1422 = arith.constant 0 : i32
    %dma_start3A_1423 = tpu.memref_slice %arg7[%dma_start3A_1420, %dma_start3A_1421, %dma_start3A_1422] : memref<4x200x128xf32, #tpu.memory_space<vmem>> -> memref<1x128x128xf32, #tpu.memory_space<vmem>>
    %dma_start3A_1424 = tpu.memref_squeeze %dma_start3A_1423 : memref<1x128x128xf32, #tpu.memory_space<vmem>> -> memref<128x128xf32, #tpu.memory_space<vmem>>
    %dma_start3A_1425 = arith.constant 3800 : i32
    %dma_start3A_1426 = tpu.memref_slice %arg6[%dma_start3A_1425] : memref<6400xi32, #tpu.memory_space<vmem>> -> memref<128xi32, #tpu.memory_space<vmem>>
    %dma_start3A_1427 = arith.constant 0 : i32
    %dma_start3A_1428 = arith.constant 0 : i32
    %dma_start3A_1429 = tpu.memref_slice %arg2[%dma_start3A_1427, %dma_start3A_1428] : memref<1000008x128xf32, #tpu.memory_space<hbm>> -> memref<1000008x128xf32, #tpu.memory_space<hbm>>
    tpu.enqueue_indirect_dma source(%dma_start3A_1429 : memref<1000008x128xf32, #tpu.memory_space<hbm>>) target(%dma_start3A_1424 : memref<128x128xf32, #tpu.memory_space<vmem>>) offsets(%dma_start3A_1426 : memref<128xi32, #tpu.memory_space<vmem>>) semaphore(%arg9 : memref<!tpu.dma_semaphore, #tpu.memory_space<semaphore_mem>>)
    %dma_start3A_1430 = arith.constant 3 : i32
    %dma_start3A_1431 = arith.constant 128 : i32
    %dma_start3A_1432 = arith.constant 0 : i32
    %dma_start3A_1433 = tpu.memref_slice %arg7[%dma_start3A_1430, %dma_start3A_1431, %dma_start3A_1432] : memref<4x200x128xf32, #tpu.memory_space<vmem>> -> memref<1x72x128xf32, #tpu.memory_space<vmem>>
    %dma_start3A_1434 = tpu.memref_squeeze %dma_start3A_1433 : memref<1x72x128xf32, #tpu.memory_space<vmem>> -> memref<72x128xf32, #tpu.memory_space<vmem>>
    %dma_start3A_1435 = arith.constant 3928 : i32
    %dma_start3A_1436 = tpu.memref_slice %arg6[%dma_start3A_1435] : memref<6400xi32, #tpu.memory_space<vmem>> -> memref<72xi32, #tpu.memory_space<vmem>>
    %dma_start3A_1437 = arith.constant 0 : i32
    %dma_start3A_1438 = arith.constant 0 : i32
    %dma_start3A_1439 = tpu.memref_slice %arg2[%dma_start3A_1437, %dma_start3A_1438] : memref<1000008x128xf32, #tpu.memory_space<hbm>> -> memref<1000008x128xf32, #tpu.memory_space<hbm>>
    tpu.enqueue_indirect_dma source(%dma_start3A_1439 : memref<1000008x128xf32, #tpu.memory_space<hbm>>) target(%dma_start3A_1434 : memref<72x128xf32, #tpu.memory_space<vmem>>) offsets(%dma_start3A_1436 : memref<72xi32, #tpu.memory_space<vmem>>) semaphore(%arg9 : memref<!tpu.dma_semaphore, #tpu.memory_space<semaphore_mem>>)
    %dma_wait3A_1440 = arith.constant 0 : i32
    %dma_wait3A_1441 = arith.constant 0 : i32
    %dma_wait3A_1442 = arith.constant 0 : i32
    %dma_wait3A_1443 = tpu.memref_slice %arg7[%dma_wait3A_1440, %dma_wait3A_1441, %dma_wait3A_1442] : memref<4x200x128xf32, #tpu.memory_space<vmem>> -> memref<1x128x128xf32, #tpu.memory_space<vmem>>
    %dma_wait3A_1444 = tpu.memref_squeeze %dma_wait3A_1443 : memref<1x128x128xf32, #tpu.memory_space<vmem>> -> memref<128x128xf32, #tpu.memory_space<vmem>>
    %dma_wait3A_1445 = arith.constant 3200 : i32
    %dma_wait3A_1446 = tpu.memref_slice %arg6[%dma_wait3A_1445] : memref<6400xi32, #tpu.memory_space<vmem>> -> memref<128xi32, #tpu.memory_space<vmem>>
    %dma_wait3A_1447 = arith.constant 0 : i32
    %dma_wait3A_1448 = arith.constant 0 : i32
    %dma_wait3A_1449 = tpu.memref_slice %arg2[%dma_wait3A_1447, %dma_wait3A_1448] : memref<1000008x128xf32, #tpu.memory_space<hbm>> -> memref<1000008x128xf32, #tpu.memory_space<hbm>>
    tpu.wait_indirect_dma semaphore(%arg9 : memref<!tpu.dma_semaphore, #tpu.memory_space<semaphore_mem>>) src(%dma_wait3A_1449 : memref<1000008x128xf32, #tpu.memory_space<hbm>>) dst(%dma_wait3A_1444 : memref<128x128xf32, #tpu.memory_space<vmem>>)
    %dma_wait3A_1450 = arith.constant 0 : i32
    %dma_wait3A_1451 = arith.constant 128 : i32
    %dma_wait3A_1452 = arith.constant 0 : i32
    %dma_wait3A_1453 = tpu.memref_slice %arg7[%dma_wait3A_1450, %dma_wait3A_1451, %dma_wait3A_1452] : memref<4x200x128xf32, #tpu.memory_space<vmem>> -> memref<1x72x128xf32, #tpu.memory_space<vmem>>
    %dma_wait3A_1454 = tpu.memref_squeeze %dma_wait3A_1453 : memref<1x72x128xf32, #tpu.memory_space<vmem>> -> memref<72x128xf32, #tpu.memory_space<vmem>>
    %dma_wait3A_1455 = arith.constant 3328 : i32
    %dma_wait3A_1456 = tpu.memref_slice %arg6[%dma_wait3A_1455] : memref<6400xi32, #tpu.memory_space<vmem>> -> memref<72xi32, #tpu.memory_space<vmem>>
    %dma_wait3A_1457 = arith.constant 0 : i32
    %dma_wait3A_1458 = arith.constant 0 : i32
    %dma_wait3A_1459 = tpu.memref_slice %arg2[%dma_wait3A_1457, %dma_wait3A_1458] : memref<1000008x128xf32, #tpu.memory_space<hbm>> -> memref<1000008x128xf32, #tpu.memory_space<hbm>>
    tpu.wait_indirect_dma semaphore(%arg9 : memref<!tpu.dma_semaphore, #tpu.memory_space<semaphore_mem>>) src(%dma_wait3A_1459 : memref<1000008x128xf32, #tpu.memory_space<hbm>>) dst(%dma_wait3A_1454 : memref<72x128xf32, #tpu.memory_space<vmem>>)
    %dma_wait3A_1460 = arith.constant 1 : i32
    %dma_wait3A_1461 = arith.constant 0 : i32
    %dma_wait3A_1462 = arith.constant 0 : i32
    %dma_wait3A_1463 = tpu.memref_slice %arg7[%dma_wait3A_1460, %dma_wait3A_1461, %dma_wait3A_1462] : memref<4x200x128xf32, #tpu.memory_space<vmem>> -> memref<1x128x128xf32, #tpu.memory_space<vmem>>
    %dma_wait3A_1464 = tpu.memref_squeeze %dma_wait3A_1463 : memref<1x128x128xf32, #tpu.memory_space<vmem>> -> memref<128x128xf32, #tpu.memory_space<vmem>>
    %dma_wait3A_1465 = arith.constant 3400 : i32
    %dma_wait3A_1466 = tpu.memref_slice %arg6[%dma_wait3A_1465] : memref<6400xi32, #tpu.memory_space<vmem>> -> memref<128xi32, #tpu.memory_space<vmem>>
    %dma_wait3A_1467 = arith.constant 0 : i32
    %dma_wait3A_1468 = arith.constant 0 : i32
    %dma_wait3A_1469 = tpu.memref_slice %arg2[%dma_wait3A_1467, %dma_wait3A_1468] : memref<1000008x128xf32, #tpu.memory_space<hbm>> -> memref<1000008x128xf32, #tpu.memory_space<hbm>>
    tpu.wait_indirect_dma semaphore(%arg9 : memref<!tpu.dma_semaphore, #tpu.memory_space<semaphore_mem>>) src(%dma_wait3A_1469 : memref<1000008x128xf32, #tpu.memory_space<hbm>>) dst(%dma_wait3A_1464 : memref<128x128xf32, #tpu.memory_space<vmem>>)
    %dma_wait3A_1470 = arith.constant 1 : i32
    %dma_wait3A_1471 = arith.constant 128 : i32
    %dma_wait3A_1472 = arith.constant 0 : i32
    %dma_wait3A_1473 = tpu.memref_slice %arg7[%dma_wait3A_1470, %dma_wait3A_1471, %dma_wait3A_1472] : memref<4x200x128xf32, #tpu.memory_space<vmem>> -> memref<1x72x128xf32, #tpu.memory_space<vmem>>
    %dma_wait3A_1474 = tpu.memref_squeeze %dma_wait3A_1473 : memref<1x72x128xf32, #tpu.memory_space<vmem>> -> memref<72x128xf32, #tpu.memory_space<vmem>>
    %dma_wait3A_1475 = arith.constant 3528 : i32
    %dma_wait3A_1476 = tpu.memref_slice %arg6[%dma_wait3A_1475] : memref<6400xi32, #tpu.memory_space<vmem>> -> memref<72xi32, #tpu.memory_space<vmem>>
    %dma_wait3A_1477 = arith.constant 0 : i32
    %dma_wait3A_1478 = arith.constant 0 : i32
    %dma_wait3A_1479 = tpu.memref_slice %arg2[%dma_wait3A_1477, %dma_wait3A_1478] : memref<1000008x128xf32, #tpu.memory_space<hbm>> -> memref<1000008x128xf32, #tpu.memory_space<hbm>>
    tpu.wait_indirect_dma semaphore(%arg9 : memref<!tpu.dma_semaphore, #tpu.memory_space<semaphore_mem>>) src(%dma_wait3A_1479 : memref<1000008x128xf32, #tpu.memory_space<hbm>>) dst(%dma_wait3A_1474 : memref<72x128xf32, #tpu.memory_space<vmem>>)
    %dma_wait3A_1480 = arith.constant 2 : i32
    %dma_wait3A_1481 = arith.constant 0 : i32
    %dma_wait3A_1482 = arith.constant 0 : i32
    %dma_wait3A_1483 = tpu.memref_slice %arg7[%dma_wait3A_1480, %dma_wait3A_1481, %dma_wait3A_1482] : memref<4x200x128xf32, #tpu.memory_space<vmem>> -> memref<1x128x128xf32, #tpu.memory_space<vmem>>
    %dma_wait3A_1484 = tpu.memref_squeeze %dma_wait3A_1483 : memref<1x128x128xf32, #tpu.memory_space<vmem>> -> memref<128x128xf32, #tpu.memory_space<vmem>>
    %dma_wait3A_1485 = arith.constant 3600 : i32
    %dma_wait3A_1486 = tpu.memref_slice %arg6[%dma_wait3A_1485] : memref<6400xi32, #tpu.memory_space<vmem>> -> memref<128xi32, #tpu.memory_space<vmem>>
    %dma_wait3A_1487 = arith.constant 0 : i32
    %dma_wait3A_1488 = arith.constant 0 : i32
    %dma_wait3A_1489 = tpu.memref_slice %arg2[%dma_wait3A_1487, %dma_wait3A_1488] : memref<1000008x128xf32, #tpu.memory_space<hbm>> -> memref<1000008x128xf32, #tpu.memory_space<hbm>>
    tpu.wait_indirect_dma semaphore(%arg9 : memref<!tpu.dma_semaphore, #tpu.memory_space<semaphore_mem>>) src(%dma_wait3A_1489 : memref<1000008x128xf32, #tpu.memory_space<hbm>>) dst(%dma_wait3A_1484 : memref<128x128xf32, #tpu.memory_space<vmem>>)
    %dma_wait3A_1490 = arith.constant 2 : i32
    %dma_wait3A_1491 = arith.constant 128 : i32
    %dma_wait3A_1492 = arith.constant 0 : i32
    %dma_wait3A_1493 = tpu.memref_slice %arg7[%dma_wait3A_1490, %dma_wait3A_1491, %dma_wait3A_1492] : memref<4x200x128xf32, #tpu.memory_space<vmem>> -> memref<1x72x128xf32, #tpu.memory_space<vmem>>
    %dma_wait3A_1494 = tpu.memref_squeeze %dma_wait3A_1493 : memref<1x72x128xf32, #tpu.memory_space<vmem>> -> memref<72x128xf32, #tpu.memory_space<vmem>>
    %dma_wait3A_1495 = arith.constant 3728 : i32
    %dma_wait3A_1496 = tpu.memref_slice %arg6[%dma_wait3A_1495] : memref<6400xi32, #tpu.memory_space<vmem>> -> memref<72xi32, #tpu.memory_space<vmem>>
    %dma_wait3A_1497 = arith.constant 0 : i32
    %dma_wait3A_1498 = arith.constant 0 : i32
    %dma_wait3A_1499 = tpu.memref_slice %arg2[%dma_wait3A_1497, %dma_wait3A_1498] : memref<1000008x128xf32, #tpu.memory_space<hbm>> -> memref<1000008x128xf32, #tpu.memory_space<hbm>>
    tpu.wait_indirect_dma semaphore(%arg9 : memref<!tpu.dma_semaphore, #tpu.memory_space<semaphore_mem>>) src(%dma_wait3A_1499 : memref<1000008x128xf32, #tpu.memory_space<hbm>>) dst(%dma_wait3A_1494 : memref<72x128xf32, #tpu.memory_space<vmem>>)
    %dma_wait3A_1500 = arith.constant 3 : i32
    %dma_wait3A_1501 = arith.constant 0 : i32
    %dma_wait3A_1502 = arith.constant 0 : i32
    %dma_wait3A_1503 = tpu.memref_slice %arg7[%dma_wait3A_1500, %dma_wait3A_1501, %dma_wait3A_1502] : memref<4x200x128xf32, #tpu.memory_space<vmem>> -> memref<1x128x128xf32, #tpu.memory_space<vmem>>
    %dma_wait3A_1504 = tpu.memref_squeeze %dma_wait3A_1503 : memref<1x128x128xf32, #tpu.memory_space<vmem>> -> memref<128x128xf32, #tpu.memory_space<vmem>>
    %dma_wait3A_1505 = arith.constant 3800 : i32
    %dma_wait3A_1506 = tpu.memref_slice %arg6[%dma_wait3A_1505] : memref<6400xi32, #tpu.memory_space<vmem>> -> memref<128xi32, #tpu.memory_space<vmem>>
    %dma_wait3A_1507 = arith.constant 0 : i32
    %dma_wait3A_1508 = arith.constant 0 : i32
    %dma_wait3A_1509 = tpu.memref_slice %arg2[%dma_wait3A_1507, %dma_wait3A_1508] : memref<1000008x128xf32, #tpu.memory_space<hbm>> -> memref<1000008x128xf32, #tpu.memory_space<hbm>>
    tpu.wait_indirect_dma semaphore(%arg9 : memref<!tpu.dma_semaphore, #tpu.memory_space<semaphore_mem>>) src(%dma_wait3A_1509 : memref<1000008x128xf32, #tpu.memory_space<hbm>>) dst(%dma_wait3A_1504 : memref<128x128xf32, #tpu.memory_space<vmem>>)
    %dma_wait3A_1510 = arith.constant 3 : i32
    %dma_wait3A_1511 = arith.constant 128 : i32
    %dma_wait3A_1512 = arith.constant 0 : i32
    %dma_wait3A_1513 = tpu.memref_slice %arg7[%dma_wait3A_1510, %dma_wait3A_1511, %dma_wait3A_1512] : memref<4x200x128xf32, #tpu.memory_space<vmem>> -> memref<1x72x128xf32, #tpu.memory_space<vmem>>
    %dma_wait3A_1514 = tpu.memref_squeeze %dma_wait3A_1513 : memref<1x72x128xf32, #tpu.memory_space<vmem>> -> memref<72x128xf32, #tpu.memory_space<vmem>>
    %dma_wait3A_1515 = arith.constant 3928 : i32
    %dma_wait3A_1516 = tpu.memref_slice %arg6[%dma_wait3A_1515] : memref<6400xi32, #tpu.memory_space<vmem>> -> memref<72xi32, #tpu.memory_space<vmem>>
    %dma_wait3A_1517 = arith.constant 0 : i32
    %dma_wait3A_1518 = arith.constant 0 : i32
    %dma_wait3A_1519 = tpu.memref_slice %arg2[%dma_wait3A_1517, %dma_wait3A_1518] : memref<1000008x128xf32, #tpu.memory_space<hbm>> -> memref<1000008x128xf32, #tpu.memory_space<hbm>>
    tpu.wait_indirect_dma semaphore(%arg9 : memref<!tpu.dma_semaphore, #tpu.memory_space<semaphore_mem>>) src(%dma_wait3A_1519 : memref<1000008x128xf32, #tpu.memory_space<hbm>>) dst(%dma_wait3A_1514 : memref<72x128xf32, #tpu.memory_space<vmem>>)
    %add3A_1520 = arith.constant 16 : i32
    %add3A_1521 = arith.addi %mul3A_2, %add3A_1520 : i32
    "tpu.region"() ({
      %run_scoped3A = tpu.sem_alloc : memref<!tpu.dma_semaphore, #tpu.memory_space<semaphore_mem>>
      %dma_start3A_2008 = arith.constant 0 : i32
      %dma_start3A_2009 = arith.constant 0 : i32
      %dma_start3A_2010 = arith.constant 0 : i32
      %dma_start3A_2011 = tpu.memref_slice %arg7[%dma_start3A_2008, %dma_start3A_2009, %dma_start3A_2010] : memref<4x200x128xf32, #tpu.memory_space<vmem>> -> memref<4x200x64xf32, #tpu.memory_space<vmem>>
      %dma_start3A_2012 = arith.constant 0 : i32
      %dma_start3A_2013 = arith.constant 0 : i32
      %dma_start3A_2014 = tpu.memref_slice %arg5[%add3A_1521, %dma_start3A_2012, %dma_start3A_2013] : memref<1024x200x64xf32, #tpu.memory_space<hbm>> -> memref<4x200x64xf32, #tpu.memory_space<hbm>>
      %dma_start3A_2015 = arith.constant 0 : i32
      %dma_start3A_2016 = arith.constant 0 : i32
      %dma_start3A_2017 = tpu.memref_slice %arg5[%add3A_1521, %dma_start3A_2015, %dma_start3A_2016] : memref<1024x200x64xf32, #tpu.memory_space<hbm>> -> memref<4x200x64xf32, #tpu.memory_space<hbm>>
      %dma_start3A_2018 = arith.constant 0 : i32
      %dma_start3A_2019 = arith.constant 0 : i32
      %dma_start3A_2020 = arith.constant 0 : i32
      %dma_start3A_2021 = tpu.memref_slice %arg7[%dma_start3A_2018, %dma_start3A_2019, %dma_start3A_2020] : memref<4x200x128xf32, #tpu.memory_space<vmem>> -> memref<4x200x64xf32, #tpu.memory_space<vmem>>
      tpu.enqueue_dma source(%dma_start3A_2021 : memref<4x200x64xf32, #tpu.memory_space<vmem>>) target(%dma_start3A_2017 : memref<4x200x64xf32, #tpu.memory_space<hbm>>) target_semaphore(%run_scoped3A : memref<!tpu.dma_semaphore, #tpu.memory_space<semaphore_mem>>)
      %dma_wait3A_2022 = arith.constant 0 : i32
      %dma_wait3A_2023 = arith.constant 0 : i32
      %dma_wait3A_2024 = arith.constant 0 : i32
      %dma_wait3A_2025 = tpu.memref_slice %arg7[%dma_wait3A_2022, %dma_wait3A_2023, %dma_wait3A_2024] : memref<4x200x128xf32, #tpu.memory_space<vmem>> -> memref<4x200x64xf32, #tpu.memory_space<vmem>>
      %dma_wait3A_2026 = arith.constant 0 : i32
      %dma_wait3A_2027 = arith.constant 0 : i32
      %dma_wait3A_2028 = tpu.memref_slice %arg5[%add3A_1521, %dma_wait3A_2026, %dma_wait3A_2027] : memref<1024x200x64xf32, #tpu.memory_space<hbm>> -> memref<4x200x64xf32, #tpu.memory_space<hbm>>
      %dma_wait3A_2029 = arith.constant 0 : i32
      %dma_wait3A_2030 = arith.constant 0 : i32
      %dma_wait3A_2031 = tpu.memref_slice %arg5[%add3A_1521, %dma_wait3A_2029, %dma_wait3A_2030] : memref<1024x200x64xf32, #tpu.memory_space<hbm>> -> memref<4x200x64xf32, #tpu.memory_space<hbm>>
      %dma_wait3A_2032 = arith.constant 0 : i32
      %dma_wait3A_2033 = arith.constant 0 : i32
      %dma_wait3A_2034 = arith.constant 0 : i32
      %dma_wait3A_2035 = tpu.memref_slice %arg7[%dma_wait3A_2032, %dma_wait3A_2033, %dma_wait3A_2034] : memref<4x200x128xf32, #tpu.memory_space<vmem>> -> memref<4x200x64xf32, #tpu.memory_space<vmem>>
      tpu.wait_dma2 semaphore(%run_scoped3A : memref<!tpu.dma_semaphore, #tpu.memory_space<semaphore_mem>>) src(%dma_wait3A_2035 : memref<4x200x64xf32, #tpu.memory_space<vmem>>) dst(%dma_wait3A_2031 : memref<4x200x64xf32, #tpu.memory_space<hbm>>)
      tpu.yield
    }) : () -> ()
    %dma_start3A_1522 = arith.constant 0 : i32
    %dma_start3A_1523 = arith.constant 0 : i32
    %dma_start3A_1524 = arith.constant 0 : i32
    %dma_start3A_1525 = tpu.memref_slice %arg7[%dma_start3A_1522, %dma_start3A_1523, %dma_start3A_1524] : memref<4x200x128xf32, #tpu.memory_space<vmem>> -> memref<1x128x128xf32, #tpu.memory_space<vmem>>
    %dma_start3A_1526 = tpu.memref_squeeze %dma_start3A_1525 : memref<1x128x128xf32, #tpu.memory_space<vmem>> -> memref<128x128xf32, #tpu.memory_space<vmem>>
    %dma_start3A_1527 = arith.constant 4000 : i32
    %dma_start3A_1528 = tpu.memref_slice %arg6[%dma_start3A_1527] : memref<6400xi32, #tpu.memory_space<vmem>> -> memref<128xi32, #tpu.memory_space<vmem>>
    %dma_start3A_1529 = arith.constant 0 : i32
    %dma_start3A_1530 = arith.constant 0 : i32
    %dma_start3A_1531 = tpu.memref_slice %arg2[%dma_start3A_1529, %dma_start3A_1530] : memref<1000008x128xf32, #tpu.memory_space<hbm>> -> memref<1000008x128xf32, #tpu.memory_space<hbm>>
    tpu.enqueue_indirect_dma source(%dma_start3A_1531 : memref<1000008x128xf32, #tpu.memory_space<hbm>>) target(%dma_start3A_1526 : memref<128x128xf32, #tpu.memory_space<vmem>>) offsets(%dma_start3A_1528 : memref<128xi32, #tpu.memory_space<vmem>>) semaphore(%arg9 : memref<!tpu.dma_semaphore, #tpu.memory_space<semaphore_mem>>)
    %dma_start3A_1532 = arith.constant 0 : i32
    %dma_start3A_1533 = arith.constant 128 : i32
    %dma_start3A_1534 = arith.constant 0 : i32
    %dma_start3A_1535 = tpu.memref_slice %arg7[%dma_start3A_1532, %dma_start3A_1533, %dma_start3A_1534] : memref<4x200x128xf32, #tpu.memory_space<vmem>> -> memref<1x72x128xf32, #tpu.memory_space<vmem>>
    %dma_start3A_1536 = tpu.memref_squeeze %dma_start3A_1535 : memref<1x72x128xf32, #tpu.memory_space<vmem>> -> memref<72x128xf32, #tpu.memory_space<vmem>>
    %dma_start3A_1537 = arith.constant 4128 : i32
    %dma_start3A_1538 = tpu.memref_slice %arg6[%dma_start3A_1537] : memref<6400xi32, #tpu.memory_space<vmem>> -> memref<72xi32, #tpu.memory_space<vmem>>
    %dma_start3A_1539 = arith.constant 0 : i32
    %dma_start3A_1540 = arith.constant 0 : i32
    %dma_start3A_1541 = tpu.memref_slice %arg2[%dma_start3A_1539, %dma_start3A_1540] : memref<1000008x128xf32, #tpu.memory_space<hbm>> -> memref<1000008x128xf32, #tpu.memory_space<hbm>>
    tpu.enqueue_indirect_dma source(%dma_start3A_1541 : memref<1000008x128xf32, #tpu.memory_space<hbm>>) target(%dma_start3A_1536 : memref<72x128xf32, #tpu.memory_space<vmem>>) offsets(%dma_start3A_1538 : memref<72xi32, #tpu.memory_space<vmem>>) semaphore(%arg9 : memref<!tpu.dma_semaphore, #tpu.memory_space<semaphore_mem>>)
    %dma_start3A_1542 = arith.constant 1 : i32
    %dma_start3A_1543 = arith.constant 0 : i32
    %dma_start3A_1544 = arith.constant 0 : i32
    %dma_start3A_1545 = tpu.memref_slice %arg7[%dma_start3A_1542, %dma_start3A_1543, %dma_start3A_1544] : memref<4x200x128xf32, #tpu.memory_space<vmem>> -> memref<1x128x128xf32, #tpu.memory_space<vmem>>
    %dma_start3A_1546 = tpu.memref_squeeze %dma_start3A_1545 : memref<1x128x128xf32, #tpu.memory_space<vmem>> -> memref<128x128xf32, #tpu.memory_space<vmem>>
    %dma_start3A_1547 = arith.constant 4200 : i32
    %dma_start3A_1548 = tpu.memref_slice %arg6[%dma_start3A_1547] : memref<6400xi32, #tpu.memory_space<vmem>> -> memref<128xi32, #tpu.memory_space<vmem>>
    %dma_start3A_1549 = arith.constant 0 : i32
    %dma_start3A_1550 = arith.constant 0 : i32
    %dma_start3A_1551 = tpu.memref_slice %arg2[%dma_start3A_1549, %dma_start3A_1550] : memref<1000008x128xf32, #tpu.memory_space<hbm>> -> memref<1000008x128xf32, #tpu.memory_space<hbm>>
    tpu.enqueue_indirect_dma source(%dma_start3A_1551 : memref<1000008x128xf32, #tpu.memory_space<hbm>>) target(%dma_start3A_1546 : memref<128x128xf32, #tpu.memory_space<vmem>>) offsets(%dma_start3A_1548 : memref<128xi32, #tpu.memory_space<vmem>>) semaphore(%arg9 : memref<!tpu.dma_semaphore, #tpu.memory_space<semaphore_mem>>)
    %dma_start3A_1552 = arith.constant 1 : i32
    %dma_start3A_1553 = arith.constant 128 : i32
    %dma_start3A_1554 = arith.constant 0 : i32
    %dma_start3A_1555 = tpu.memref_slice %arg7[%dma_start3A_1552, %dma_start3A_1553, %dma_start3A_1554] : memref<4x200x128xf32, #tpu.memory_space<vmem>> -> memref<1x72x128xf32, #tpu.memory_space<vmem>>
    %dma_start3A_1556 = tpu.memref_squeeze %dma_start3A_1555 : memref<1x72x128xf32, #tpu.memory_space<vmem>> -> memref<72x128xf32, #tpu.memory_space<vmem>>
    %dma_start3A_1557 = arith.constant 4328 : i32
    %dma_start3A_1558 = tpu.memref_slice %arg6[%dma_start3A_1557] : memref<6400xi32, #tpu.memory_space<vmem>> -> memref<72xi32, #tpu.memory_space<vmem>>
    %dma_start3A_1559 = arith.constant 0 : i32
    %dma_start3A_1560 = arith.constant 0 : i32
    %dma_start3A_1561 = tpu.memref_slice %arg2[%dma_start3A_1559, %dma_start3A_1560] : memref<1000008x128xf32, #tpu.memory_space<hbm>> -> memref<1000008x128xf32, #tpu.memory_space<hbm>>
    tpu.enqueue_indirect_dma source(%dma_start3A_1561 : memref<1000008x128xf32, #tpu.memory_space<hbm>>) target(%dma_start3A_1556 : memref<72x128xf32, #tpu.memory_space<vmem>>) offsets(%dma_start3A_1558 : memref<72xi32, #tpu.memory_space<vmem>>) semaphore(%arg9 : memref<!tpu.dma_semaphore, #tpu.memory_space<semaphore_mem>>)
    %dma_start3A_1562 = arith.constant 2 : i32
    %dma_start3A_1563 = arith.constant 0 : i32
    %dma_start3A_1564 = arith.constant 0 : i32
    %dma_start3A_1565 = tpu.memref_slice %arg7[%dma_start3A_1562, %dma_start3A_1563, %dma_start3A_1564] : memref<4x200x128xf32, #tpu.memory_space<vmem>> -> memref<1x128x128xf32, #tpu.memory_space<vmem>>
    %dma_start3A_1566 = tpu.memref_squeeze %dma_start3A_1565 : memref<1x128x128xf32, #tpu.memory_space<vmem>> -> memref<128x128xf32, #tpu.memory_space<vmem>>
    %dma_start3A_1567 = arith.constant 4400 : i32
    %dma_start3A_1568 = tpu.memref_slice %arg6[%dma_start3A_1567] : memref<6400xi32, #tpu.memory_space<vmem>> -> memref<128xi32, #tpu.memory_space<vmem>>
    %dma_start3A_1569 = arith.constant 0 : i32
    %dma_start3A_1570 = arith.constant 0 : i32
    %dma_start3A_1571 = tpu.memref_slice %arg2[%dma_start3A_1569, %dma_start3A_1570] : memref<1000008x128xf32, #tpu.memory_space<hbm>> -> memref<1000008x128xf32, #tpu.memory_space<hbm>>
    tpu.enqueue_indirect_dma source(%dma_start3A_1571 : memref<1000008x128xf32, #tpu.memory_space<hbm>>) target(%dma_start3A_1566 : memref<128x128xf32, #tpu.memory_space<vmem>>) offsets(%dma_start3A_1568 : memref<128xi32, #tpu.memory_space<vmem>>) semaphore(%arg9 : memref<!tpu.dma_semaphore, #tpu.memory_space<semaphore_mem>>)
    %dma_start3A_1572 = arith.constant 2 : i32
    %dma_start3A_1573 = arith.constant 128 : i32
    %dma_start3A_1574 = arith.constant 0 : i32
    %dma_start3A_1575 = tpu.memref_slice %arg7[%dma_start3A_1572, %dma_start3A_1573, %dma_start3A_1574] : memref<4x200x128xf32, #tpu.memory_space<vmem>> -> memref<1x72x128xf32, #tpu.memory_space<vmem>>
    %dma_start3A_1576 = tpu.memref_squeeze %dma_start3A_1575 : memref<1x72x128xf32, #tpu.memory_space<vmem>> -> memref<72x128xf32, #tpu.memory_space<vmem>>
    %dma_start3A_1577 = arith.constant 4528 : i32
    %dma_start3A_1578 = tpu.memref_slice %arg6[%dma_start3A_1577] : memref<6400xi32, #tpu.memory_space<vmem>> -> memref<72xi32, #tpu.memory_space<vmem>>
    %dma_start3A_1579 = arith.constant 0 : i32
    %dma_start3A_1580 = arith.constant 0 : i32
    %dma_start3A_1581 = tpu.memref_slice %arg2[%dma_start3A_1579, %dma_start3A_1580] : memref<1000008x128xf32, #tpu.memory_space<hbm>> -> memref<1000008x128xf32, #tpu.memory_space<hbm>>
    tpu.enqueue_indirect_dma source(%dma_start3A_1581 : memref<1000008x128xf32, #tpu.memory_space<hbm>>) target(%dma_start3A_1576 : memref<72x128xf32, #tpu.memory_space<vmem>>) offsets(%dma_start3A_1578 : memref<72xi32, #tpu.memory_space<vmem>>) semaphore(%arg9 : memref<!tpu.dma_semaphore, #tpu.memory_space<semaphore_mem>>)
    %dma_start3A_1582 = arith.constant 3 : i32
    %dma_start3A_1583 = arith.constant 0 : i32
    %dma_start3A_1584 = arith.constant 0 : i32
    %dma_start3A_1585 = tpu.memref_slice %arg7[%dma_start3A_1582, %dma_start3A_1583, %dma_start3A_1584] : memref<4x200x128xf32, #tpu.memory_space<vmem>> -> memref<1x128x128xf32, #tpu.memory_space<vmem>>
    %dma_start3A_1586 = tpu.memref_squeeze %dma_start3A_1585 : memref<1x128x128xf32, #tpu.memory_space<vmem>> -> memref<128x128xf32, #tpu.memory_space<vmem>>
    %dma_start3A_1587 = arith.constant 4600 : i32
    %dma_start3A_1588 = tpu.memref_slice %arg6[%dma_start3A_1587] : memref<6400xi32, #tpu.memory_space<vmem>> -> memref<128xi32, #tpu.memory_space<vmem>>
    %dma_start3A_1589 = arith.constant 0 : i32
    %dma_start3A_1590 = arith.constant 0 : i32
    %dma_start3A_1591 = tpu.memref_slice %arg2[%dma_start3A_1589, %dma_start3A_1590] : memref<1000008x128xf32, #tpu.memory_space<hbm>> -> memref<1000008x128xf32, #tpu.memory_space<hbm>>
    tpu.enqueue_indirect_dma source(%dma_start3A_1591 : memref<1000008x128xf32, #tpu.memory_space<hbm>>) target(%dma_start3A_1586 : memref<128x128xf32, #tpu.memory_space<vmem>>) offsets(%dma_start3A_1588 : memref<128xi32, #tpu.memory_space<vmem>>) semaphore(%arg9 : memref<!tpu.dma_semaphore, #tpu.memory_space<semaphore_mem>>)
    %dma_start3A_1592 = arith.constant 3 : i32
    %dma_start3A_1593 = arith.constant 128 : i32
    %dma_start3A_1594 = arith.constant 0 : i32
    %dma_start3A_1595 = tpu.memref_slice %arg7[%dma_start3A_1592, %dma_start3A_1593, %dma_start3A_1594] : memref<4x200x128xf32, #tpu.memory_space<vmem>> -> memref<1x72x128xf32, #tpu.memory_space<vmem>>
    %dma_start3A_1596 = tpu.memref_squeeze %dma_start3A_1595 : memref<1x72x128xf32, #tpu.memory_space<vmem>> -> memref<72x128xf32, #tpu.memory_space<vmem>>
    %dma_start3A_1597 = arith.constant 4728 : i32
    %dma_start3A_1598 = tpu.memref_slice %arg6[%dma_start3A_1597] : memref<6400xi32, #tpu.memory_space<vmem>> -> memref<72xi32, #tpu.memory_space<vmem>>
    %dma_start3A_1599 = arith.constant 0 : i32
    %dma_start3A_1600 = arith.constant 0 : i32
    %dma_start3A_1601 = tpu.memref_slice %arg2[%dma_start3A_1599, %dma_start3A_1600] : memref<1000008x128xf32, #tpu.memory_space<hbm>> -> memref<1000008x128xf32, #tpu.memory_space<hbm>>
    tpu.enqueue_indirect_dma source(%dma_start3A_1601 : memref<1000008x128xf32, #tpu.memory_space<hbm>>) target(%dma_start3A_1596 : memref<72x128xf32, #tpu.memory_space<vmem>>) offsets(%dma_start3A_1598 : memref<72xi32, #tpu.memory_space<vmem>>) semaphore(%arg9 : memref<!tpu.dma_semaphore, #tpu.memory_space<semaphore_mem>>)
    %dma_wait3A_1602 = arith.constant 0 : i32
    %dma_wait3A_1603 = arith.constant 0 : i32
    %dma_wait3A_1604 = arith.constant 0 : i32
    %dma_wait3A_1605 = tpu.memref_slice %arg7[%dma_wait3A_1602, %dma_wait3A_1603, %dma_wait3A_1604] : memref<4x200x128xf32, #tpu.memory_space<vmem>> -> memref<1x128x128xf32, #tpu.memory_space<vmem>>
    %dma_wait3A_1606 = tpu.memref_squeeze %dma_wait3A_1605 : memref<1x128x128xf32, #tpu.memory_space<vmem>> -> memref<128x128xf32, #tpu.memory_space<vmem>>
    %dma_wait3A_1607 = arith.constant 4000 : i32
    %dma_wait3A_1608 = tpu.memref_slice %arg6[%dma_wait3A_1607] : memref<6400xi32, #tpu.memory_space<vmem>> -> memref<128xi32, #tpu.memory_space<vmem>>
    %dma_wait3A_1609 = arith.constant 0 : i32
    %dma_wait3A_1610 = arith.constant 0 : i32
    %dma_wait3A_1611 = tpu.memref_slice %arg2[%dma_wait3A_1609, %dma_wait3A_1610] : memref<1000008x128xf32, #tpu.memory_space<hbm>> -> memref<1000008x128xf32, #tpu.memory_space<hbm>>
    tpu.wait_indirect_dma semaphore(%arg9 : memref<!tpu.dma_semaphore, #tpu.memory_space<semaphore_mem>>) src(%dma_wait3A_1611 : memref<1000008x128xf32, #tpu.memory_space<hbm>>) dst(%dma_wait3A_1606 : memref<128x128xf32, #tpu.memory_space<vmem>>)
    %dma_wait3A_1612 = arith.constant 0 : i32
    %dma_wait3A_1613 = arith.constant 128 : i32
    %dma_wait3A_1614 = arith.constant 0 : i32
    %dma_wait3A_1615 = tpu.memref_slice %arg7[%dma_wait3A_1612, %dma_wait3A_1613, %dma_wait3A_1614] : memref<4x200x128xf32, #tpu.memory_space<vmem>> -> memref<1x72x128xf32, #tpu.memory_space<vmem>>
    %dma_wait3A_1616 = tpu.memref_squeeze %dma_wait3A_1615 : memref<1x72x128xf32, #tpu.memory_space<vmem>> -> memref<72x128xf32, #tpu.memory_space<vmem>>
    %dma_wait3A_1617 = arith.constant 4128 : i32
    %dma_wait3A_1618 = tpu.memref_slice %arg6[%dma_wait3A_1617] : memref<6400xi32, #tpu.memory_space<vmem>> -> memref<72xi32, #tpu.memory_space<vmem>>
    %dma_wait3A_1619 = arith.constant 0 : i32
    %dma_wait3A_1620 = arith.constant 0 : i32
    %dma_wait3A_1621 = tpu.memref_slice %arg2[%dma_wait3A_1619, %dma_wait3A_1620] : memref<1000008x128xf32, #tpu.memory_space<hbm>> -> memref<1000008x128xf32, #tpu.memory_space<hbm>>
    tpu.wait_indirect_dma semaphore(%arg9 : memref<!tpu.dma_semaphore, #tpu.memory_space<semaphore_mem>>) src(%dma_wait3A_1621 : memref<1000008x128xf32, #tpu.memory_space<hbm>>) dst(%dma_wait3A_1616 : memref<72x128xf32, #tpu.memory_space<vmem>>)
    %dma_wait3A_1622 = arith.constant 1 : i32
    %dma_wait3A_1623 = arith.constant 0 : i32
    %dma_wait3A_1624 = arith.constant 0 : i32
    %dma_wait3A_1625 = tpu.memref_slice %arg7[%dma_wait3A_1622, %dma_wait3A_1623, %dma_wait3A_1624] : memref<4x200x128xf32, #tpu.memory_space<vmem>> -> memref<1x128x128xf32, #tpu.memory_space<vmem>>
    %dma_wait3A_1626 = tpu.memref_squeeze %dma_wait3A_1625 : memref<1x128x128xf32, #tpu.memory_space<vmem>> -> memref<128x128xf32, #tpu.memory_space<vmem>>
    %dma_wait3A_1627 = arith.constant 4200 : i32
    %dma_wait3A_1628 = tpu.memref_slice %arg6[%dma_wait3A_1627] : memref<6400xi32, #tpu.memory_space<vmem>> -> memref<128xi32, #tpu.memory_space<vmem>>
    %dma_wait3A_1629 = arith.constant 0 : i32
    %dma_wait3A_1630 = arith.constant 0 : i32
    %dma_wait3A_1631 = tpu.memref_slice %arg2[%dma_wait3A_1629, %dma_wait3A_1630] : memref<1000008x128xf32, #tpu.memory_space<hbm>> -> memref<1000008x128xf32, #tpu.memory_space<hbm>>
    tpu.wait_indirect_dma semaphore(%arg9 : memref<!tpu.dma_semaphore, #tpu.memory_space<semaphore_mem>>) src(%dma_wait3A_1631 : memref<1000008x128xf32, #tpu.memory_space<hbm>>) dst(%dma_wait3A_1626 : memref<128x128xf32, #tpu.memory_space<vmem>>)
    %dma_wait3A_1632 = arith.constant 1 : i32
    %dma_wait3A_1633 = arith.constant 128 : i32
    %dma_wait3A_1634 = arith.constant 0 : i32
    %dma_wait3A_1635 = tpu.memref_slice %arg7[%dma_wait3A_1632, %dma_wait3A_1633, %dma_wait3A_1634] : memref<4x200x128xf32, #tpu.memory_space<vmem>> -> memref<1x72x128xf32, #tpu.memory_space<vmem>>
    %dma_wait3A_1636 = tpu.memref_squeeze %dma_wait3A_1635 : memref<1x72x128xf32, #tpu.memory_space<vmem>> -> memref<72x128xf32, #tpu.memory_space<vmem>>
    %dma_wait3A_1637 = arith.constant 4328 : i32
    %dma_wait3A_1638 = tpu.memref_slice %arg6[%dma_wait3A_1637] : memref<6400xi32, #tpu.memory_space<vmem>> -> memref<72xi32, #tpu.memory_space<vmem>>
    %dma_wait3A_1639 = arith.constant 0 : i32
    %dma_wait3A_1640 = arith.constant 0 : i32
    %dma_wait3A_1641 = tpu.memref_slice %arg2[%dma_wait3A_1639, %dma_wait3A_1640] : memref<1000008x128xf32, #tpu.memory_space<hbm>> -> memref<1000008x128xf32, #tpu.memory_space<hbm>>
    tpu.wait_indirect_dma semaphore(%arg9 : memref<!tpu.dma_semaphore, #tpu.memory_space<semaphore_mem>>) src(%dma_wait3A_1641 : memref<1000008x128xf32, #tpu.memory_space<hbm>>) dst(%dma_wait3A_1636 : memref<72x128xf32, #tpu.memory_space<vmem>>)
    %dma_wait3A_1642 = arith.constant 2 : i32
    %dma_wait3A_1643 = arith.constant 0 : i32
    %dma_wait3A_1644 = arith.constant 0 : i32
    %dma_wait3A_1645 = tpu.memref_slice %arg7[%dma_wait3A_1642, %dma_wait3A_1643, %dma_wait3A_1644] : memref<4x200x128xf32, #tpu.memory_space<vmem>> -> memref<1x128x128xf32, #tpu.memory_space<vmem>>
    %dma_wait3A_1646 = tpu.memref_squeeze %dma_wait3A_1645 : memref<1x128x128xf32, #tpu.memory_space<vmem>> -> memref<128x128xf32, #tpu.memory_space<vmem>>
    %dma_wait3A_1647 = arith.constant 4400 : i32
    %dma_wait3A_1648 = tpu.memref_slice %arg6[%dma_wait3A_1647] : memref<6400xi32, #tpu.memory_space<vmem>> -> memref<128xi32, #tpu.memory_space<vmem>>
    %dma_wait3A_1649 = arith.constant 0 : i32
    %dma_wait3A_1650 = arith.constant 0 : i32
    %dma_wait3A_1651 = tpu.memref_slice %arg2[%dma_wait3A_1649, %dma_wait3A_1650] : memref<1000008x128xf32, #tpu.memory_space<hbm>> -> memref<1000008x128xf32, #tpu.memory_space<hbm>>
    tpu.wait_indirect_dma semaphore(%arg9 : memref<!tpu.dma_semaphore, #tpu.memory_space<semaphore_mem>>) src(%dma_wait3A_1651 : memref<1000008x128xf32, #tpu.memory_space<hbm>>) dst(%dma_wait3A_1646 : memref<128x128xf32, #tpu.memory_space<vmem>>)
    %dma_wait3A_1652 = arith.constant 2 : i32
    %dma_wait3A_1653 = arith.constant 128 : i32
    %dma_wait3A_1654 = arith.constant 0 : i32
    %dma_wait3A_1655 = tpu.memref_slice %arg7[%dma_wait3A_1652, %dma_wait3A_1653, %dma_wait3A_1654] : memref<4x200x128xf32, #tpu.memory_space<vmem>> -> memref<1x72x128xf32, #tpu.memory_space<vmem>>
    %dma_wait3A_1656 = tpu.memref_squeeze %dma_wait3A_1655 : memref<1x72x128xf32, #tpu.memory_space<vmem>> -> memref<72x128xf32, #tpu.memory_space<vmem>>
    %dma_wait3A_1657 = arith.constant 4528 : i32
    %dma_wait3A_1658 = tpu.memref_slice %arg6[%dma_wait3A_1657] : memref<6400xi32, #tpu.memory_space<vmem>> -> memref<72xi32, #tpu.memory_space<vmem>>
    %dma_wait3A_1659 = arith.constant 0 : i32
    %dma_wait3A_1660 = arith.constant 0 : i32
    %dma_wait3A_1661 = tpu.memref_slice %arg2[%dma_wait3A_1659, %dma_wait3A_1660] : memref<1000008x128xf32, #tpu.memory_space<hbm>> -> memref<1000008x128xf32, #tpu.memory_space<hbm>>
    tpu.wait_indirect_dma semaphore(%arg9 : memref<!tpu.dma_semaphore, #tpu.memory_space<semaphore_mem>>) src(%dma_wait3A_1661 : memref<1000008x128xf32, #tpu.memory_space<hbm>>) dst(%dma_wait3A_1656 : memref<72x128xf32, #tpu.memory_space<vmem>>)
    %dma_wait3A_1662 = arith.constant 3 : i32
    %dma_wait3A_1663 = arith.constant 0 : i32
    %dma_wait3A_1664 = arith.constant 0 : i32
    %dma_wait3A_1665 = tpu.memref_slice %arg7[%dma_wait3A_1662, %dma_wait3A_1663, %dma_wait3A_1664] : memref<4x200x128xf32, #tpu.memory_space<vmem>> -> memref<1x128x128xf32, #tpu.memory_space<vmem>>
    %dma_wait3A_1666 = tpu.memref_squeeze %dma_wait3A_1665 : memref<1x128x128xf32, #tpu.memory_space<vmem>> -> memref<128x128xf32, #tpu.memory_space<vmem>>
    %dma_wait3A_1667 = arith.constant 4600 : i32
    %dma_wait3A_1668 = tpu.memref_slice %arg6[%dma_wait3A_1667] : memref<6400xi32, #tpu.memory_space<vmem>> -> memref<128xi32, #tpu.memory_space<vmem>>
    %dma_wait3A_1669 = arith.constant 0 : i32
    %dma_wait3A_1670 = arith.constant 0 : i32
    %dma_wait3A_1671 = tpu.memref_slice %arg2[%dma_wait3A_1669, %dma_wait3A_1670] : memref<1000008x128xf32, #tpu.memory_space<hbm>> -> memref<1000008x128xf32, #tpu.memory_space<hbm>>
    tpu.wait_indirect_dma semaphore(%arg9 : memref<!tpu.dma_semaphore, #tpu.memory_space<semaphore_mem>>) src(%dma_wait3A_1671 : memref<1000008x128xf32, #tpu.memory_space<hbm>>) dst(%dma_wait3A_1666 : memref<128x128xf32, #tpu.memory_space<vmem>>)
    %dma_wait3A_1672 = arith.constant 3 : i32
    %dma_wait3A_1673 = arith.constant 128 : i32
    %dma_wait3A_1674 = arith.constant 0 : i32
    %dma_wait3A_1675 = tpu.memref_slice %arg7[%dma_wait3A_1672, %dma_wait3A_1673, %dma_wait3A_1674] : memref<4x200x128xf32, #tpu.memory_space<vmem>> -> memref<1x72x128xf32, #tpu.memory_space<vmem>>
    %dma_wait3A_1676 = tpu.memref_squeeze %dma_wait3A_1675 : memref<1x72x128xf32, #tpu.memory_space<vmem>> -> memref<72x128xf32, #tpu.memory_space<vmem>>
    %dma_wait3A_1677 = arith.constant 4728 : i32
    %dma_wait3A_1678 = tpu.memref_slice %arg6[%dma_wait3A_1677] : memref<6400xi32, #tpu.memory_space<vmem>> -> memref<72xi32, #tpu.memory_space<vmem>>
    %dma_wait3A_1679 = arith.constant 0 : i32
    %dma_wait3A_1680 = arith.constant 0 : i32
    %dma_wait3A_1681 = tpu.memref_slice %arg2[%dma_wait3A_1679, %dma_wait3A_1680] : memref<1000008x128xf32, #tpu.memory_space<hbm>> -> memref<1000008x128xf32, #tpu.memory_space<hbm>>
    tpu.wait_indirect_dma semaphore(%arg9 : memref<!tpu.dma_semaphore, #tpu.memory_space<semaphore_mem>>) src(%dma_wait3A_1681 : memref<1000008x128xf32, #tpu.memory_space<hbm>>) dst(%dma_wait3A_1676 : memref<72x128xf32, #tpu.memory_space<vmem>>)
    %add3A_1682 = arith.constant 20 : i32
    %add3A_1683 = arith.addi %mul3A_2, %add3A_1682 : i32
    "tpu.region"() ({
      %run_scoped3A = tpu.sem_alloc : memref<!tpu.dma_semaphore, #tpu.memory_space<semaphore_mem>>
      %dma_start3A_2008 = arith.constant 0 : i32
      %dma_start3A_2009 = arith.constant 0 : i32
      %dma_start3A_2010 = arith.constant 0 : i32
      %dma_start3A_2011 = tpu.memref_slice %arg7[%dma_start3A_2008, %dma_start3A_2009, %dma_start3A_2010] : memref<4x200x128xf32, #tpu.memory_space<vmem>> -> memref<4x200x64xf32, #tpu.memory_space<vmem>>
      %dma_start3A_2012 = arith.constant 0 : i32
      %dma_start3A_2013 = arith.constant 0 : i32
      %dma_start3A_2014 = tpu.memref_slice %arg5[%add3A_1683, %dma_start3A_2012, %dma_start3A_2013] : memref<1024x200x64xf32, #tpu.memory_space<hbm>> -> memref<4x200x64xf32, #tpu.memory_space<hbm>>
      %dma_start3A_2015 = arith.constant 0 : i32
      %dma_start3A_2016 = arith.constant 0 : i32
      %dma_start3A_2017 = tpu.memref_slice %arg5[%add3A_1683, %dma_start3A_2015, %dma_start3A_2016] : memref<1024x200x64xf32, #tpu.memory_space<hbm>> -> memref<4x200x64xf32, #tpu.memory_space<hbm>>
      %dma_start3A_2018 = arith.constant 0 : i32
      %dma_start3A_2019 = arith.constant 0 : i32
      %dma_start3A_2020 = arith.constant 0 : i32
      %dma_start3A_2021 = tpu.memref_slice %arg7[%dma_start3A_2018, %dma_start3A_2019, %dma_start3A_2020] : memref<4x200x128xf32, #tpu.memory_space<vmem>> -> memref<4x200x64xf32, #tpu.memory_space<vmem>>
      tpu.enqueue_dma source(%dma_start3A_2021 : memref<4x200x64xf32, #tpu.memory_space<vmem>>) target(%dma_start3A_2017 : memref<4x200x64xf32, #tpu.memory_space<hbm>>) target_semaphore(%run_scoped3A : memref<!tpu.dma_semaphore, #tpu.memory_space<semaphore_mem>>)
      %dma_wait3A_2022 = arith.constant 0 : i32
      %dma_wait3A_2023 = arith.constant 0 : i32
      %dma_wait3A_2024 = arith.constant 0 : i32
      %dma_wait3A_2025 = tpu.memref_slice %arg7[%dma_wait3A_2022, %dma_wait3A_2023, %dma_wait3A_2024] : memref<4x200x128xf32, #tpu.memory_space<vmem>> -> memref<4x200x64xf32, #tpu.memory_space<vmem>>
      %dma_wait3A_2026 = arith.constant 0 : i32
      %dma_wait3A_2027 = arith.constant 0 : i32
      %dma_wait3A_2028 = tpu.memref_slice %arg5[%add3A_1683, %dma_wait3A_2026, %dma_wait3A_2027] : memref<1024x200x64xf32, #tpu.memory_space<hbm>> -> memref<4x200x64xf32, #tpu.memory_space<hbm>>
      %dma_wait3A_2029 = arith.constant 0 : i32
      %dma_wait3A_2030 = arith.constant 0 : i32
      %dma_wait3A_2031 = tpu.memref_slice %arg5[%add3A_1683, %dma_wait3A_2029, %dma_wait3A_2030] : memref<1024x200x64xf32, #tpu.memory_space<hbm>> -> memref<4x200x64xf32, #tpu.memory_space<hbm>>
      %dma_wait3A_2032 = arith.constant 0 : i32
      %dma_wait3A_2033 = arith.constant 0 : i32
      %dma_wait3A_2034 = arith.constant 0 : i32
      %dma_wait3A_2035 = tpu.memref_slice %arg7[%dma_wait3A_2032, %dma_wait3A_2033, %dma_wait3A_2034] : memref<4x200x128xf32, #tpu.memory_space<vmem>> -> memref<4x200x64xf32, #tpu.memory_space<vmem>>
      tpu.wait_dma2 semaphore(%run_scoped3A : memref<!tpu.dma_semaphore, #tpu.memory_space<semaphore_mem>>) src(%dma_wait3A_2035 : memref<4x200x64xf32, #tpu.memory_space<vmem>>) dst(%dma_wait3A_2031 : memref<4x200x64xf32, #tpu.memory_space<hbm>>)
      tpu.yield
    }) : () -> ()
    %dma_start3A_1684 = arith.constant 0 : i32
    %dma_start3A_1685 = arith.constant 0 : i32
    %dma_start3A_1686 = arith.constant 0 : i32
    %dma_start3A_1687 = tpu.memref_slice %arg7[%dma_start3A_1684, %dma_start3A_1685, %dma_start3A_1686] : memref<4x200x128xf32, #tpu.memory_space<vmem>> -> memref<1x128x128xf32, #tpu.memory_space<vmem>>
    %dma_start3A_1688 = tpu.memref_squeeze %dma_start3A_1687 : memref<1x128x128xf32, #tpu.memory_space<vmem>> -> memref<128x128xf32, #tpu.memory_space<vmem>>
    %dma_start3A_1689 = arith.constant 4800 : i32
    %dma_start3A_1690 = tpu.memref_slice %arg6[%dma_start3A_1689] : memref<6400xi32, #tpu.memory_space<vmem>> -> memref<128xi32, #tpu.memory_space<vmem>>
    %dma_start3A_1691 = arith.constant 0 : i32
    %dma_start3A_1692 = arith.constant 0 : i32
    %dma_start3A_1693 = tpu.memref_slice %arg2[%dma_start3A_1691, %dma_start3A_1692] : memref<1000008x128xf32, #tpu.memory_space<hbm>> -> memref<1000008x128xf32, #tpu.memory_space<hbm>>
    tpu.enqueue_indirect_dma source(%dma_start3A_1693 : memref<1000008x128xf32, #tpu.memory_space<hbm>>) target(%dma_start3A_1688 : memref<128x128xf32, #tpu.memory_space<vmem>>) offsets(%dma_start3A_1690 : memref<128xi32, #tpu.memory_space<vmem>>) semaphore(%arg9 : memref<!tpu.dma_semaphore, #tpu.memory_space<semaphore_mem>>)
    %dma_start3A_1694 = arith.constant 0 : i32
    %dma_start3A_1695 = arith.constant 128 : i32
    %dma_start3A_1696 = arith.constant 0 : i32
    %dma_start3A_1697 = tpu.memref_slice %arg7[%dma_start3A_1694, %dma_start3A_1695, %dma_start3A_1696] : memref<4x200x128xf32, #tpu.memory_space<vmem>> -> memref<1x72x128xf32, #tpu.memory_space<vmem>>
    %dma_start3A_1698 = tpu.memref_squeeze %dma_start3A_1697 : memref<1x72x128xf32, #tpu.memory_space<vmem>> -> memref<72x128xf32, #tpu.memory_space<vmem>>
    %dma_start3A_1699 = arith.constant 4928 : i32
    %dma_start3A_1700 = tpu.memref_slice %arg6[%dma_start3A_1699] : memref<6400xi32, #tpu.memory_space<vmem>> -> memref<72xi32, #tpu.memory_space<vmem>>
    %dma_start3A_1701 = arith.constant 0 : i32
    %dma_start3A_1702 = arith.constant 0 : i32
    %dma_start3A_1703 = tpu.memref_slice %arg2[%dma_start3A_1701, %dma_start3A_1702] : memref<1000008x128xf32, #tpu.memory_space<hbm>> -> memref<1000008x128xf32, #tpu.memory_space<hbm>>
    tpu.enqueue_indirect_dma source(%dma_start3A_1703 : memref<1000008x128xf32, #tpu.memory_space<hbm>>) target(%dma_start3A_1698 : memref<72x128xf32, #tpu.memory_space<vmem>>) offsets(%dma_start3A_1700 : memref<72xi32, #tpu.memory_space<vmem>>) semaphore(%arg9 : memref<!tpu.dma_semaphore, #tpu.memory_space<semaphore_mem>>)
    %dma_start3A_1704 = arith.constant 1 : i32
    %dma_start3A_1705 = arith.constant 0 : i32
    %dma_start3A_1706 = arith.constant 0 : i32
    %dma_start3A_1707 = tpu.memref_slice %arg7[%dma_start3A_1704, %dma_start3A_1705, %dma_start3A_1706] : memref<4x200x128xf32, #tpu.memory_space<vmem>> -> memref<1x128x128xf32, #tpu.memory_space<vmem>>
    %dma_start3A_1708 = tpu.memref_squeeze %dma_start3A_1707 : memref<1x128x128xf32, #tpu.memory_space<vmem>> -> memref<128x128xf32, #tpu.memory_space<vmem>>
    %dma_start3A_1709 = arith.constant 5000 : i32
    %dma_start3A_1710 = tpu.memref_slice %arg6[%dma_start3A_1709] : memref<6400xi32, #tpu.memory_space<vmem>> -> memref<128xi32, #tpu.memory_space<vmem>>
    %dma_start3A_1711 = arith.constant 0 : i32
    %dma_start3A_1712 = arith.constant 0 : i32
    %dma_start3A_1713 = tpu.memref_slice %arg2[%dma_start3A_1711, %dma_start3A_1712] : memref<1000008x128xf32, #tpu.memory_space<hbm>> -> memref<1000008x128xf32, #tpu.memory_space<hbm>>
    tpu.enqueue_indirect_dma source(%dma_start3A_1713 : memref<1000008x128xf32, #tpu.memory_space<hbm>>) target(%dma_start3A_1708 : memref<128x128xf32, #tpu.memory_space<vmem>>) offsets(%dma_start3A_1710 : memref<128xi32, #tpu.memory_space<vmem>>) semaphore(%arg9 : memref<!tpu.dma_semaphore, #tpu.memory_space<semaphore_mem>>)
    %dma_start3A_1714 = arith.constant 1 : i32
    %dma_start3A_1715 = arith.constant 128 : i32
    %dma_start3A_1716 = arith.constant 0 : i32
    %dma_start3A_1717 = tpu.memref_slice %arg7[%dma_start3A_1714, %dma_start3A_1715, %dma_start3A_1716] : memref<4x200x128xf32, #tpu.memory_space<vmem>> -> memref<1x72x128xf32, #tpu.memory_space<vmem>>
    %dma_start3A_1718 = tpu.memref_squeeze %dma_start3A_1717 : memref<1x72x128xf32, #tpu.memory_space<vmem>> -> memref<72x128xf32, #tpu.memory_space<vmem>>
    %dma_start3A_1719 = arith.constant 5128 : i32
    %dma_start3A_1720 = tpu.memref_slice %arg6[%dma_start3A_1719] : memref<6400xi32, #tpu.memory_space<vmem>> -> memref<72xi32, #tpu.memory_space<vmem>>
    %dma_start3A_1721 = arith.constant 0 : i32
    %dma_start3A_1722 = arith.constant 0 : i32
    %dma_start3A_1723 = tpu.memref_slice %arg2[%dma_start3A_1721, %dma_start3A_1722] : memref<1000008x128xf32, #tpu.memory_space<hbm>> -> memref<1000008x128xf32, #tpu.memory_space<hbm>>
    tpu.enqueue_indirect_dma source(%dma_start3A_1723 : memref<1000008x128xf32, #tpu.memory_space<hbm>>) target(%dma_start3A_1718 : memref<72x128xf32, #tpu.memory_space<vmem>>) offsets(%dma_start3A_1720 : memref<72xi32, #tpu.memory_space<vmem>>) semaphore(%arg9 : memref<!tpu.dma_semaphore, #tpu.memory_space<semaphore_mem>>)
    %dma_start3A_1724 = arith.constant 2 : i32
    %dma_start3A_1725 = arith.constant 0 : i32
    %dma_start3A_1726 = arith.constant 0 : i32
    %dma_start3A_1727 = tpu.memref_slice %arg7[%dma_start3A_1724, %dma_start3A_1725, %dma_start3A_1726] : memref<4x200x128xf32, #tpu.memory_space<vmem>> -> memref<1x128x128xf32, #tpu.memory_space<vmem>>
    %dma_start3A_1728 = tpu.memref_squeeze %dma_start3A_1727 : memref<1x128x128xf32, #tpu.memory_space<vmem>> -> memref<128x128xf32, #tpu.memory_space<vmem>>
    %dma_start3A_1729 = arith.constant 5200 : i32
    %dma_start3A_1730 = tpu.memref_slice %arg6[%dma_start3A_1729] : memref<6400xi32, #tpu.memory_space<vmem>> -> memref<128xi32, #tpu.memory_space<vmem>>
    %dma_start3A_1731 = arith.constant 0 : i32
    %dma_start3A_1732 = arith.constant 0 : i32
    %dma_start3A_1733 = tpu.memref_slice %arg2[%dma_start3A_1731, %dma_start3A_1732] : memref<1000008x128xf32, #tpu.memory_space<hbm>> -> memref<1000008x128xf32, #tpu.memory_space<hbm>>
    tpu.enqueue_indirect_dma source(%dma_start3A_1733 : memref<1000008x128xf32, #tpu.memory_space<hbm>>) target(%dma_start3A_1728 : memref<128x128xf32, #tpu.memory_space<vmem>>) offsets(%dma_start3A_1730 : memref<128xi32, #tpu.memory_space<vmem>>) semaphore(%arg9 : memref<!tpu.dma_semaphore, #tpu.memory_space<semaphore_mem>>)
    %dma_start3A_1734 = arith.constant 2 : i32
    %dma_start3A_1735 = arith.constant 128 : i32
    %dma_start3A_1736 = arith.constant 0 : i32
    %dma_start3A_1737 = tpu.memref_slice %arg7[%dma_start3A_1734, %dma_start3A_1735, %dma_start3A_1736] : memref<4x200x128xf32, #tpu.memory_space<vmem>> -> memref<1x72x128xf32, #tpu.memory_space<vmem>>
    %dma_start3A_1738 = tpu.memref_squeeze %dma_start3A_1737 : memref<1x72x128xf32, #tpu.memory_space<vmem>> -> memref<72x128xf32, #tpu.memory_space<vmem>>
    %dma_start3A_1739 = arith.constant 5328 : i32
    %dma_start3A_1740 = tpu.memref_slice %arg6[%dma_start3A_1739] : memref<6400xi32, #tpu.memory_space<vmem>> -> memref<72xi32, #tpu.memory_space<vmem>>
    %dma_start3A_1741 = arith.constant 0 : i32
    %dma_start3A_1742 = arith.constant 0 : i32
    %dma_start3A_1743 = tpu.memref_slice %arg2[%dma_start3A_1741, %dma_start3A_1742] : memref<1000008x128xf32, #tpu.memory_space<hbm>> -> memref<1000008x128xf32, #tpu.memory_space<hbm>>
    tpu.enqueue_indirect_dma source(%dma_start3A_1743 : memref<1000008x128xf32, #tpu.memory_space<hbm>>) target(%dma_start3A_1738 : memref<72x128xf32, #tpu.memory_space<vmem>>) offsets(%dma_start3A_1740 : memref<72xi32, #tpu.memory_space<vmem>>) semaphore(%arg9 : memref<!tpu.dma_semaphore, #tpu.memory_space<semaphore_mem>>)
    %dma_start3A_1744 = arith.constant 3 : i32
    %dma_start3A_1745 = arith.constant 0 : i32
    %dma_start3A_1746 = arith.constant 0 : i32
    %dma_start3A_1747 = tpu.memref_slice %arg7[%dma_start3A_1744, %dma_start3A_1745, %dma_start3A_1746] : memref<4x200x128xf32, #tpu.memory_space<vmem>> -> memref<1x128x128xf32, #tpu.memory_space<vmem>>
    %dma_start3A_1748 = tpu.memref_squeeze %dma_start3A_1747 : memref<1x128x128xf32, #tpu.memory_space<vmem>> -> memref<128x128xf32, #tpu.memory_space<vmem>>
    %dma_start3A_1749 = arith.constant 5400 : i32
    %dma_start3A_1750 = tpu.memref_slice %arg6[%dma_start3A_1749] : memref<6400xi32, #tpu.memory_space<vmem>> -> memref<128xi32, #tpu.memory_space<vmem>>
    %dma_start3A_1751 = arith.constant 0 : i32
    %dma_start3A_1752 = arith.constant 0 : i32
    %dma_start3A_1753 = tpu.memref_slice %arg2[%dma_start3A_1751, %dma_start3A_1752] : memref<1000008x128xf32, #tpu.memory_space<hbm>> -> memref<1000008x128xf32, #tpu.memory_space<hbm>>
    tpu.enqueue_indirect_dma source(%dma_start3A_1753 : memref<1000008x128xf32, #tpu.memory_space<hbm>>) target(%dma_start3A_1748 : memref<128x128xf32, #tpu.memory_space<vmem>>) offsets(%dma_start3A_1750 : memref<128xi32, #tpu.memory_space<vmem>>) semaphore(%arg9 : memref<!tpu.dma_semaphore, #tpu.memory_space<semaphore_mem>>)
    %dma_start3A_1754 = arith.constant 3 : i32
    %dma_start3A_1755 = arith.constant 128 : i32
    %dma_start3A_1756 = arith.constant 0 : i32
    %dma_start3A_1757 = tpu.memref_slice %arg7[%dma_start3A_1754, %dma_start3A_1755, %dma_start3A_1756] : memref<4x200x128xf32, #tpu.memory_space<vmem>> -> memref<1x72x128xf32, #tpu.memory_space<vmem>>
    %dma_start3A_1758 = tpu.memref_squeeze %dma_start3A_1757 : memref<1x72x128xf32, #tpu.memory_space<vmem>> -> memref<72x128xf32, #tpu.memory_space<vmem>>
    %dma_start3A_1759 = arith.constant 5528 : i32
    %dma_start3A_1760 = tpu.memref_slice %arg6[%dma_start3A_1759] : memref<6400xi32, #tpu.memory_space<vmem>> -> memref<72xi32, #tpu.memory_space<vmem>>
    %dma_start3A_1761 = arith.constant 0 : i32
    %dma_start3A_1762 = arith.constant 0 : i32
    %dma_start3A_1763 = tpu.memref_slice %arg2[%dma_start3A_1761, %dma_start3A_1762] : memref<1000008x128xf32, #tpu.memory_space<hbm>> -> memref<1000008x128xf32, #tpu.memory_space<hbm>>
    tpu.enqueue_indirect_dma source(%dma_start3A_1763 : memref<1000008x128xf32, #tpu.memory_space<hbm>>) target(%dma_start3A_1758 : memref<72x128xf32, #tpu.memory_space<vmem>>) offsets(%dma_start3A_1760 : memref<72xi32, #tpu.memory_space<vmem>>) semaphore(%arg9 : memref<!tpu.dma_semaphore, #tpu.memory_space<semaphore_mem>>)
    %dma_wait3A_1764 = arith.constant 0 : i32
    %dma_wait3A_1765 = arith.constant 0 : i32
    %dma_wait3A_1766 = arith.constant 0 : i32
    %dma_wait3A_1767 = tpu.memref_slice %arg7[%dma_wait3A_1764, %dma_wait3A_1765, %dma_wait3A_1766] : memref<4x200x128xf32, #tpu.memory_space<vmem>> -> memref<1x128x128xf32, #tpu.memory_space<vmem>>
    %dma_wait3A_1768 = tpu.memref_squeeze %dma_wait3A_1767 : memref<1x128x128xf32, #tpu.memory_space<vmem>> -> memref<128x128xf32, #tpu.memory_space<vmem>>
    %dma_wait3A_1769 = arith.constant 4800 : i32
    %dma_wait3A_1770 = tpu.memref_slice %arg6[%dma_wait3A_1769] : memref<6400xi32, #tpu.memory_space<vmem>> -> memref<128xi32, #tpu.memory_space<vmem>>
    %dma_wait3A_1771 = arith.constant 0 : i32
    %dma_wait3A_1772 = arith.constant 0 : i32
    %dma_wait3A_1773 = tpu.memref_slice %arg2[%dma_wait3A_1771, %dma_wait3A_1772] : memref<1000008x128xf32, #tpu.memory_space<hbm>> -> memref<1000008x128xf32, #tpu.memory_space<hbm>>
    tpu.wait_indirect_dma semaphore(%arg9 : memref<!tpu.dma_semaphore, #tpu.memory_space<semaphore_mem>>) src(%dma_wait3A_1773 : memref<1000008x128xf32, #tpu.memory_space<hbm>>) dst(%dma_wait3A_1768 : memref<128x128xf32, #tpu.memory_space<vmem>>)
    %dma_wait3A_1774 = arith.constant 0 : i32
    %dma_wait3A_1775 = arith.constant 128 : i32
    %dma_wait3A_1776 = arith.constant 0 : i32
    %dma_wait3A_1777 = tpu.memref_slice %arg7[%dma_wait3A_1774, %dma_wait3A_1775, %dma_wait3A_1776] : memref<4x200x128xf32, #tpu.memory_space<vmem>> -> memref<1x72x128xf32, #tpu.memory_space<vmem>>
    %dma_wait3A_1778 = tpu.memref_squeeze %dma_wait3A_1777 : memref<1x72x128xf32, #tpu.memory_space<vmem>> -> memref<72x128xf32, #tpu.memory_space<vmem>>
    %dma_wait3A_1779 = arith.constant 4928 : i32
    %dma_wait3A_1780 = tpu.memref_slice %arg6[%dma_wait3A_1779] : memref<6400xi32, #tpu.memory_space<vmem>> -> memref<72xi32, #tpu.memory_space<vmem>>
    %dma_wait3A_1781 = arith.constant 0 : i32
    %dma_wait3A_1782 = arith.constant 0 : i32
    %dma_wait3A_1783 = tpu.memref_slice %arg2[%dma_wait3A_1781, %dma_wait3A_1782] : memref<1000008x128xf32, #tpu.memory_space<hbm>> -> memref<1000008x128xf32, #tpu.memory_space<hbm>>
    tpu.wait_indirect_dma semaphore(%arg9 : memref<!tpu.dma_semaphore, #tpu.memory_space<semaphore_mem>>) src(%dma_wait3A_1783 : memref<1000008x128xf32, #tpu.memory_space<hbm>>) dst(%dma_wait3A_1778 : memref<72x128xf32, #tpu.memory_space<vmem>>)
    %dma_wait3A_1784 = arith.constant 1 : i32
    %dma_wait3A_1785 = arith.constant 0 : i32
    %dma_wait3A_1786 = arith.constant 0 : i32
    %dma_wait3A_1787 = tpu.memref_slice %arg7[%dma_wait3A_1784, %dma_wait3A_1785, %dma_wait3A_1786] : memref<4x200x128xf32, #tpu.memory_space<vmem>> -> memref<1x128x128xf32, #tpu.memory_space<vmem>>
    %dma_wait3A_1788 = tpu.memref_squeeze %dma_wait3A_1787 : memref<1x128x128xf32, #tpu.memory_space<vmem>> -> memref<128x128xf32, #tpu.memory_space<vmem>>
    %dma_wait3A_1789 = arith.constant 5000 : i32
    %dma_wait3A_1790 = tpu.memref_slice %arg6[%dma_wait3A_1789] : memref<6400xi32, #tpu.memory_space<vmem>> -> memref<128xi32, #tpu.memory_space<vmem>>
    %dma_wait3A_1791 = arith.constant 0 : i32
    %dma_wait3A_1792 = arith.constant 0 : i32
    %dma_wait3A_1793 = tpu.memref_slice %arg2[%dma_wait3A_1791, %dma_wait3A_1792] : memref<1000008x128xf32, #tpu.memory_space<hbm>> -> memref<1000008x128xf32, #tpu.memory_space<hbm>>
    tpu.wait_indirect_dma semaphore(%arg9 : memref<!tpu.dma_semaphore, #tpu.memory_space<semaphore_mem>>) src(%dma_wait3A_1793 : memref<1000008x128xf32, #tpu.memory_space<hbm>>) dst(%dma_wait3A_1788 : memref<128x128xf32, #tpu.memory_space<vmem>>)
    %dma_wait3A_1794 = arith.constant 1 : i32
    %dma_wait3A_1795 = arith.constant 128 : i32
    %dma_wait3A_1796 = arith.constant 0 : i32
    %dma_wait3A_1797 = tpu.memref_slice %arg7[%dma_wait3A_1794, %dma_wait3A_1795, %dma_wait3A_1796] : memref<4x200x128xf32, #tpu.memory_space<vmem>> -> memref<1x72x128xf32, #tpu.memory_space<vmem>>
    %dma_wait3A_1798 = tpu.memref_squeeze %dma_wait3A_1797 : memref<1x72x128xf32, #tpu.memory_space<vmem>> -> memref<72x128xf32, #tpu.memory_space<vmem>>
    %dma_wait3A_1799 = arith.constant 5128 : i32
    %dma_wait3A_1800 = tpu.memref_slice %arg6[%dma_wait3A_1799] : memref<6400xi32, #tpu.memory_space<vmem>> -> memref<72xi32, #tpu.memory_space<vmem>>
    %dma_wait3A_1801 = arith.constant 0 : i32
    %dma_wait3A_1802 = arith.constant 0 : i32
    %dma_wait3A_1803 = tpu.memref_slice %arg2[%dma_wait3A_1801, %dma_wait3A_1802] : memref<1000008x128xf32, #tpu.memory_space<hbm>> -> memref<1000008x128xf32, #tpu.memory_space<hbm>>
    tpu.wait_indirect_dma semaphore(%arg9 : memref<!tpu.dma_semaphore, #tpu.memory_space<semaphore_mem>>) src(%dma_wait3A_1803 : memref<1000008x128xf32, #tpu.memory_space<hbm>>) dst(%dma_wait3A_1798 : memref<72x128xf32, #tpu.memory_space<vmem>>)
    %dma_wait3A_1804 = arith.constant 2 : i32
    %dma_wait3A_1805 = arith.constant 0 : i32
    %dma_wait3A_1806 = arith.constant 0 : i32
    %dma_wait3A_1807 = tpu.memref_slice %arg7[%dma_wait3A_1804, %dma_wait3A_1805, %dma_wait3A_1806] : memref<4x200x128xf32, #tpu.memory_space<vmem>> -> memref<1x128x128xf32, #tpu.memory_space<vmem>>
    %dma_wait3A_1808 = tpu.memref_squeeze %dma_wait3A_1807 : memref<1x128x128xf32, #tpu.memory_space<vmem>> -> memref<128x128xf32, #tpu.memory_space<vmem>>
    %dma_wait3A_1809 = arith.constant 5200 : i32
    %dma_wait3A_1810 = tpu.memref_slice %arg6[%dma_wait3A_1809] : memref<6400xi32, #tpu.memory_space<vmem>> -> memref<128xi32, #tpu.memory_space<vmem>>
    %dma_wait3A_1811 = arith.constant 0 : i32
    %dma_wait3A_1812 = arith.constant 0 : i32
    %dma_wait3A_1813 = tpu.memref_slice %arg2[%dma_wait3A_1811, %dma_wait3A_1812] : memref<1000008x128xf32, #tpu.memory_space<hbm>> -> memref<1000008x128xf32, #tpu.memory_space<hbm>>
    tpu.wait_indirect_dma semaphore(%arg9 : memref<!tpu.dma_semaphore, #tpu.memory_space<semaphore_mem>>) src(%dma_wait3A_1813 : memref<1000008x128xf32, #tpu.memory_space<hbm>>) dst(%dma_wait3A_1808 : memref<128x128xf32, #tpu.memory_space<vmem>>)
    %dma_wait3A_1814 = arith.constant 2 : i32
    %dma_wait3A_1815 = arith.constant 128 : i32
    %dma_wait3A_1816 = arith.constant 0 : i32
    %dma_wait3A_1817 = tpu.memref_slice %arg7[%dma_wait3A_1814, %dma_wait3A_1815, %dma_wait3A_1816] : memref<4x200x128xf32, #tpu.memory_space<vmem>> -> memref<1x72x128xf32, #tpu.memory_space<vmem>>
    %dma_wait3A_1818 = tpu.memref_squeeze %dma_wait3A_1817 : memref<1x72x128xf32, #tpu.memory_space<vmem>> -> memref<72x128xf32, #tpu.memory_space<vmem>>
    %dma_wait3A_1819 = arith.constant 5328 : i32
    %dma_wait3A_1820 = tpu.memref_slice %arg6[%dma_wait3A_1819] : memref<6400xi32, #tpu.memory_space<vmem>> -> memref<72xi32, #tpu.memory_space<vmem>>
    %dma_wait3A_1821 = arith.constant 0 : i32
    %dma_wait3A_1822 = arith.constant 0 : i32
    %dma_wait3A_1823 = tpu.memref_slice %arg2[%dma_wait3A_1821, %dma_wait3A_1822] : memref<1000008x128xf32, #tpu.memory_space<hbm>> -> memref<1000008x128xf32, #tpu.memory_space<hbm>>
    tpu.wait_indirect_dma semaphore(%arg9 : memref<!tpu.dma_semaphore, #tpu.memory_space<semaphore_mem>>) src(%dma_wait3A_1823 : memref<1000008x128xf32, #tpu.memory_space<hbm>>) dst(%dma_wait3A_1818 : memref<72x128xf32, #tpu.memory_space<vmem>>)
    %dma_wait3A_1824 = arith.constant 3 : i32
    %dma_wait3A_1825 = arith.constant 0 : i32
    %dma_wait3A_1826 = arith.constant 0 : i32
    %dma_wait3A_1827 = tpu.memref_slice %arg7[%dma_wait3A_1824, %dma_wait3A_1825, %dma_wait3A_1826] : memref<4x200x128xf32, #tpu.memory_space<vmem>> -> memref<1x128x128xf32, #tpu.memory_space<vmem>>
    %dma_wait3A_1828 = tpu.memref_squeeze %dma_wait3A_1827 : memref<1x128x128xf32, #tpu.memory_space<vmem>> -> memref<128x128xf32, #tpu.memory_space<vmem>>
    %dma_wait3A_1829 = arith.constant 5400 : i32
    %dma_wait3A_1830 = tpu.memref_slice %arg6[%dma_wait3A_1829] : memref<6400xi32, #tpu.memory_space<vmem>> -> memref<128xi32, #tpu.memory_space<vmem>>
    %dma_wait3A_1831 = arith.constant 0 : i32
    %dma_wait3A_1832 = arith.constant 0 : i32
    %dma_wait3A_1833 = tpu.memref_slice %arg2[%dma_wait3A_1831, %dma_wait3A_1832] : memref<1000008x128xf32, #tpu.memory_space<hbm>> -> memref<1000008x128xf32, #tpu.memory_space<hbm>>
    tpu.wait_indirect_dma semaphore(%arg9 : memref<!tpu.dma_semaphore, #tpu.memory_space<semaphore_mem>>) src(%dma_wait3A_1833 : memref<1000008x128xf32, #tpu.memory_space<hbm>>) dst(%dma_wait3A_1828 : memref<128x128xf32, #tpu.memory_space<vmem>>)
    %dma_wait3A_1834 = arith.constant 3 : i32
    %dma_wait3A_1835 = arith.constant 128 : i32
    %dma_wait3A_1836 = arith.constant 0 : i32
    %dma_wait3A_1837 = tpu.memref_slice %arg7[%dma_wait3A_1834, %dma_wait3A_1835, %dma_wait3A_1836] : memref<4x200x128xf32, #tpu.memory_space<vmem>> -> memref<1x72x128xf32, #tpu.memory_space<vmem>>
    %dma_wait3A_1838 = tpu.memref_squeeze %dma_wait3A_1837 : memref<1x72x128xf32, #tpu.memory_space<vmem>> -> memref<72x128xf32, #tpu.memory_space<vmem>>
    %dma_wait3A_1839 = arith.constant 5528 : i32
    %dma_wait3A_1840 = tpu.memref_slice %arg6[%dma_wait3A_1839] : memref<6400xi32, #tpu.memory_space<vmem>> -> memref<72xi32, #tpu.memory_space<vmem>>
    %dma_wait3A_1841 = arith.constant 0 : i32
    %dma_wait3A_1842 = arith.constant 0 : i32
    %dma_wait3A_1843 = tpu.memref_slice %arg2[%dma_wait3A_1841, %dma_wait3A_1842] : memref<1000008x128xf32, #tpu.memory_space<hbm>> -> memref<1000008x128xf32, #tpu.memory_space<hbm>>
    tpu.wait_indirect_dma semaphore(%arg9 : memref<!tpu.dma_semaphore, #tpu.memory_space<semaphore_mem>>) src(%dma_wait3A_1843 : memref<1000008x128xf32, #tpu.memory_space<hbm>>) dst(%dma_wait3A_1838 : memref<72x128xf32, #tpu.memory_space<vmem>>)
    %add3A_1844 = arith.constant 24 : i32
    %add3A_1845 = arith.addi %mul3A_2, %add3A_1844 : i32
    "tpu.region"() ({
      %run_scoped3A = tpu.sem_alloc : memref<!tpu.dma_semaphore, #tpu.memory_space<semaphore_mem>>
      %dma_start3A_2008 = arith.constant 0 : i32
      %dma_start3A_2009 = arith.constant 0 : i32
      %dma_start3A_2010 = arith.constant 0 : i32
      %dma_start3A_2011 = tpu.memref_slice %arg7[%dma_start3A_2008, %dma_start3A_2009, %dma_start3A_2010] : memref<4x200x128xf32, #tpu.memory_space<vmem>> -> memref<4x200x64xf32, #tpu.memory_space<vmem>>
      %dma_start3A_2012 = arith.constant 0 : i32
      %dma_start3A_2013 = arith.constant 0 : i32
      %dma_start3A_2014 = tpu.memref_slice %arg5[%add3A_1845, %dma_start3A_2012, %dma_start3A_2013] : memref<1024x200x64xf32, #tpu.memory_space<hbm>> -> memref<4x200x64xf32, #tpu.memory_space<hbm>>
      %dma_start3A_2015 = arith.constant 0 : i32
      %dma_start3A_2016 = arith.constant 0 : i32
      %dma_start3A_2017 = tpu.memref_slice %arg5[%add3A_1845, %dma_start3A_2015, %dma_start3A_2016] : memref<1024x200x64xf32, #tpu.memory_space<hbm>> -> memref<4x200x64xf32, #tpu.memory_space<hbm>>
      %dma_start3A_2018 = arith.constant 0 : i32
      %dma_start3A_2019 = arith.constant 0 : i32
      %dma_start3A_2020 = arith.constant 0 : i32
      %dma_start3A_2021 = tpu.memref_slice %arg7[%dma_start3A_2018, %dma_start3A_2019, %dma_start3A_2020] : memref<4x200x128xf32, #tpu.memory_space<vmem>> -> memref<4x200x64xf32, #tpu.memory_space<vmem>>
      tpu.enqueue_dma source(%dma_start3A_2021 : memref<4x200x64xf32, #tpu.memory_space<vmem>>) target(%dma_start3A_2017 : memref<4x200x64xf32, #tpu.memory_space<hbm>>) target_semaphore(%run_scoped3A : memref<!tpu.dma_semaphore, #tpu.memory_space<semaphore_mem>>)
      %dma_wait3A_2022 = arith.constant 0 : i32
      %dma_wait3A_2023 = arith.constant 0 : i32
      %dma_wait3A_2024 = arith.constant 0 : i32
      %dma_wait3A_2025 = tpu.memref_slice %arg7[%dma_wait3A_2022, %dma_wait3A_2023, %dma_wait3A_2024] : memref<4x200x128xf32, #tpu.memory_space<vmem>> -> memref<4x200x64xf32, #tpu.memory_space<vmem>>
      %dma_wait3A_2026 = arith.constant 0 : i32
      %dma_wait3A_2027 = arith.constant 0 : i32
      %dma_wait3A_2028 = tpu.memref_slice %arg5[%add3A_1845, %dma_wait3A_2026, %dma_wait3A_2027] : memref<1024x200x64xf32, #tpu.memory_space<hbm>> -> memref<4x200x64xf32, #tpu.memory_space<hbm>>
      %dma_wait3A_2029 = arith.constant 0 : i32
      %dma_wait3A_2030 = arith.constant 0 : i32
      %dma_wait3A_2031 = tpu.memref_slice %arg5[%add3A_1845, %dma_wait3A_2029, %dma_wait3A_2030] : memref<1024x200x64xf32, #tpu.memory_space<hbm>> -> memref<4x200x64xf32, #tpu.memory_space<hbm>>
      %dma_wait3A_2032 = arith.constant 0 : i32
      %dma_wait3A_2033 = arith.constant 0 : i32
      %dma_wait3A_2034 = arith.constant 0 : i32
      %dma_wait3A_2035 = tpu.memref_slice %arg7[%dma_wait3A_2032, %dma_wait3A_2033, %dma_wait3A_2034] : memref<4x200x128xf32, #tpu.memory_space<vmem>> -> memref<4x200x64xf32, #tpu.memory_space<vmem>>
      tpu.wait_dma2 semaphore(%run_scoped3A : memref<!tpu.dma_semaphore, #tpu.memory_space<semaphore_mem>>) src(%dma_wait3A_2035 : memref<4x200x64xf32, #tpu.memory_space<vmem>>) dst(%dma_wait3A_2031 : memref<4x200x64xf32, #tpu.memory_space<hbm>>)
      tpu.yield
    }) : () -> ()
    %dma_start3A_1846 = arith.constant 0 : i32
    %dma_start3A_1847 = arith.constant 0 : i32
    %dma_start3A_1848 = arith.constant 0 : i32
    %dma_start3A_1849 = tpu.memref_slice %arg7[%dma_start3A_1846, %dma_start3A_1847, %dma_start3A_1848] : memref<4x200x128xf32, #tpu.memory_space<vmem>> -> memref<1x128x128xf32, #tpu.memory_space<vmem>>
    %dma_start3A_1850 = tpu.memref_squeeze %dma_start3A_1849 : memref<1x128x128xf32, #tpu.memory_space<vmem>> -> memref<128x128xf32, #tpu.memory_space<vmem>>
    %dma_start3A_1851 = arith.constant 5600 : i32
    %dma_start3A_1852 = tpu.memref_slice %arg6[%dma_start3A_1851] : memref<6400xi32, #tpu.memory_space<vmem>> -> memref<128xi32, #tpu.memory_space<vmem>>
    %dma_start3A_1853 = arith.constant 0 : i32
    %dma_start3A_1854 = arith.constant 0 : i32
    %dma_start3A_1855 = tpu.memref_slice %arg2[%dma_start3A_1853, %dma_start3A_1854] : memref<1000008x128xf32, #tpu.memory_space<hbm>> -> memref<1000008x128xf32, #tpu.memory_space<hbm>>
    tpu.enqueue_indirect_dma source(%dma_start3A_1855 : memref<1000008x128xf32, #tpu.memory_space<hbm>>) target(%dma_start3A_1850 : memref<128x128xf32, #tpu.memory_space<vmem>>) offsets(%dma_start3A_1852 : memref<128xi32, #tpu.memory_space<vmem>>) semaphore(%arg9 : memref<!tpu.dma_semaphore, #tpu.memory_space<semaphore_mem>>)
    %dma_start3A_1856 = arith.constant 0 : i32
    %dma_start3A_1857 = arith.constant 128 : i32
    %dma_start3A_1858 = arith.constant 0 : i32
    %dma_start3A_1859 = tpu.memref_slice %arg7[%dma_start3A_1856, %dma_start3A_1857, %dma_start3A_1858] : memref<4x200x128xf32, #tpu.memory_space<vmem>> -> memref<1x72x128xf32, #tpu.memory_space<vmem>>
    %dma_start3A_1860 = tpu.memref_squeeze %dma_start3A_1859 : memref<1x72x128xf32, #tpu.memory_space<vmem>> -> memref<72x128xf32, #tpu.memory_space<vmem>>
    %dma_start3A_1861 = arith.constant 5728 : i32
    %dma_start3A_1862 = tpu.memref_slice %arg6[%dma_start3A_1861] : memref<6400xi32, #tpu.memory_space<vmem>> -> memref<72xi32, #tpu.memory_space<vmem>>
    %dma_start3A_1863 = arith.constant 0 : i32
    %dma_start3A_1864 = arith.constant 0 : i32
    %dma_start3A_1865 = tpu.memref_slice %arg2[%dma_start3A_1863, %dma_start3A_1864] : memref<1000008x128xf32, #tpu.memory_space<hbm>> -> memref<1000008x128xf32, #tpu.memory_space<hbm>>
    tpu.enqueue_indirect_dma source(%dma_start3A_1865 : memref<1000008x128xf32, #tpu.memory_space<hbm>>) target(%dma_start3A_1860 : memref<72x128xf32, #tpu.memory_space<vmem>>) offsets(%dma_start3A_1862 : memref<72xi32, #tpu.memory_space<vmem>>) semaphore(%arg9 : memref<!tpu.dma_semaphore, #tpu.memory_space<semaphore_mem>>)
    %dma_start3A_1866 = arith.constant 1 : i32
    %dma_start3A_1867 = arith.constant 0 : i32
    %dma_start3A_1868 = arith.constant 0 : i32
    %dma_start3A_1869 = tpu.memref_slice %arg7[%dma_start3A_1866, %dma_start3A_1867, %dma_start3A_1868] : memref<4x200x128xf32, #tpu.memory_space<vmem>> -> memref<1x128x128xf32, #tpu.memory_space<vmem>>
    %dma_start3A_1870 = tpu.memref_squeeze %dma_start3A_1869 : memref<1x128x128xf32, #tpu.memory_space<vmem>> -> memref<128x128xf32, #tpu.memory_space<vmem>>
    %dma_start3A_1871 = arith.constant 5800 : i32
    %dma_start3A_1872 = tpu.memref_slice %arg6[%dma_start3A_1871] : memref<6400xi32, #tpu.memory_space<vmem>> -> memref<128xi32, #tpu.memory_space<vmem>>
    %dma_start3A_1873 = arith.constant 0 : i32
    %dma_start3A_1874 = arith.constant 0 : i32
    %dma_start3A_1875 = tpu.memref_slice %arg2[%dma_start3A_1873, %dma_start3A_1874] : memref<1000008x128xf32, #tpu.memory_space<hbm>> -> memref<1000008x128xf32, #tpu.memory_space<hbm>>
    tpu.enqueue_indirect_dma source(%dma_start3A_1875 : memref<1000008x128xf32, #tpu.memory_space<hbm>>) target(%dma_start3A_1870 : memref<128x128xf32, #tpu.memory_space<vmem>>) offsets(%dma_start3A_1872 : memref<128xi32, #tpu.memory_space<vmem>>) semaphore(%arg9 : memref<!tpu.dma_semaphore, #tpu.memory_space<semaphore_mem>>)
    %dma_start3A_1876 = arith.constant 1 : i32
    %dma_start3A_1877 = arith.constant 128 : i32
    %dma_start3A_1878 = arith.constant 0 : i32
    %dma_start3A_1879 = tpu.memref_slice %arg7[%dma_start3A_1876, %dma_start3A_1877, %dma_start3A_1878] : memref<4x200x128xf32, #tpu.memory_space<vmem>> -> memref<1x72x128xf32, #tpu.memory_space<vmem>>
    %dma_start3A_1880 = tpu.memref_squeeze %dma_start3A_1879 : memref<1x72x128xf32, #tpu.memory_space<vmem>> -> memref<72x128xf32, #tpu.memory_space<vmem>>
    %dma_start3A_1881 = arith.constant 5928 : i32
    %dma_start3A_1882 = tpu.memref_slice %arg6[%dma_start3A_1881] : memref<6400xi32, #tpu.memory_space<vmem>> -> memref<72xi32, #tpu.memory_space<vmem>>
    %dma_start3A_1883 = arith.constant 0 : i32
    %dma_start3A_1884 = arith.constant 0 : i32
    %dma_start3A_1885 = tpu.memref_slice %arg2[%dma_start3A_1883, %dma_start3A_1884] : memref<1000008x128xf32, #tpu.memory_space<hbm>> -> memref<1000008x128xf32, #tpu.memory_space<hbm>>
    tpu.enqueue_indirect_dma source(%dma_start3A_1885 : memref<1000008x128xf32, #tpu.memory_space<hbm>>) target(%dma_start3A_1880 : memref<72x128xf32, #tpu.memory_space<vmem>>) offsets(%dma_start3A_1882 : memref<72xi32, #tpu.memory_space<vmem>>) semaphore(%arg9 : memref<!tpu.dma_semaphore, #tpu.memory_space<semaphore_mem>>)
    %dma_start3A_1886 = arith.constant 2 : i32
    %dma_start3A_1887 = arith.constant 0 : i32
    %dma_start3A_1888 = arith.constant 0 : i32
    %dma_start3A_1889 = tpu.memref_slice %arg7[%dma_start3A_1886, %dma_start3A_1887, %dma_start3A_1888] : memref<4x200x128xf32, #tpu.memory_space<vmem>> -> memref<1x128x128xf32, #tpu.memory_space<vmem>>
    %dma_start3A_1890 = tpu.memref_squeeze %dma_start3A_1889 : memref<1x128x128xf32, #tpu.memory_space<vmem>> -> memref<128x128xf32, #tpu.memory_space<vmem>>
    %dma_start3A_1891 = arith.constant 6000 : i32
    %dma_start3A_1892 = tpu.memref_slice %arg6[%dma_start3A_1891] : memref<6400xi32, #tpu.memory_space<vmem>> -> memref<128xi32, #tpu.memory_space<vmem>>
    %dma_start3A_1893 = arith.constant 0 : i32
    %dma_start3A_1894 = arith.constant 0 : i32
    %dma_start3A_1895 = tpu.memref_slice %arg2[%dma_start3A_1893, %dma_start3A_1894] : memref<1000008x128xf32, #tpu.memory_space<hbm>> -> memref<1000008x128xf32, #tpu.memory_space<hbm>>
    tpu.enqueue_indirect_dma source(%dma_start3A_1895 : memref<1000008x128xf32, #tpu.memory_space<hbm>>) target(%dma_start3A_1890 : memref<128x128xf32, #tpu.memory_space<vmem>>) offsets(%dma_start3A_1892 : memref<128xi32, #tpu.memory_space<vmem>>) semaphore(%arg9 : memref<!tpu.dma_semaphore, #tpu.memory_space<semaphore_mem>>)
    %dma_start3A_1896 = arith.constant 2 : i32
    %dma_start3A_1897 = arith.constant 128 : i32
    %dma_start3A_1898 = arith.constant 0 : i32
    %dma_start3A_1899 = tpu.memref_slice %arg7[%dma_start3A_1896, %dma_start3A_1897, %dma_start3A_1898] : memref<4x200x128xf32, #tpu.memory_space<vmem>> -> memref<1x72x128xf32, #tpu.memory_space<vmem>>
    %dma_start3A_1900 = tpu.memref_squeeze %dma_start3A_1899 : memref<1x72x128xf32, #tpu.memory_space<vmem>> -> memref<72x128xf32, #tpu.memory_space<vmem>>
    %dma_start3A_1901 = arith.constant 6128 : i32
    %dma_start3A_1902 = tpu.memref_slice %arg6[%dma_start3A_1901] : memref<6400xi32, #tpu.memory_space<vmem>> -> memref<72xi32, #tpu.memory_space<vmem>>
    %dma_start3A_1903 = arith.constant 0 : i32
    %dma_start3A_1904 = arith.constant 0 : i32
    %dma_start3A_1905 = tpu.memref_slice %arg2[%dma_start3A_1903, %dma_start3A_1904] : memref<1000008x128xf32, #tpu.memory_space<hbm>> -> memref<1000008x128xf32, #tpu.memory_space<hbm>>
    tpu.enqueue_indirect_dma source(%dma_start3A_1905 : memref<1000008x128xf32, #tpu.memory_space<hbm>>) target(%dma_start3A_1900 : memref<72x128xf32, #tpu.memory_space<vmem>>) offsets(%dma_start3A_1902 : memref<72xi32, #tpu.memory_space<vmem>>) semaphore(%arg9 : memref<!tpu.dma_semaphore, #tpu.memory_space<semaphore_mem>>)
    %dma_start3A_1906 = arith.constant 3 : i32
    %dma_start3A_1907 = arith.constant 0 : i32
    %dma_start3A_1908 = arith.constant 0 : i32
    %dma_start3A_1909 = tpu.memref_slice %arg7[%dma_start3A_1906, %dma_start3A_1907, %dma_start3A_1908] : memref<4x200x128xf32, #tpu.memory_space<vmem>> -> memref<1x128x128xf32, #tpu.memory_space<vmem>>
    %dma_start3A_1910 = tpu.memref_squeeze %dma_start3A_1909 : memref<1x128x128xf32, #tpu.memory_space<vmem>> -> memref<128x128xf32, #tpu.memory_space<vmem>>
    %dma_start3A_1911 = arith.constant 6200 : i32
    %dma_start3A_1912 = tpu.memref_slice %arg6[%dma_start3A_1911] : memref<6400xi32, #tpu.memory_space<vmem>> -> memref<128xi32, #tpu.memory_space<vmem>>
    %dma_start3A_1913 = arith.constant 0 : i32
    %dma_start3A_1914 = arith.constant 0 : i32
    %dma_start3A_1915 = tpu.memref_slice %arg2[%dma_start3A_1913, %dma_start3A_1914] : memref<1000008x128xf32, #tpu.memory_space<hbm>> -> memref<1000008x128xf32, #tpu.memory_space<hbm>>
    tpu.enqueue_indirect_dma source(%dma_start3A_1915 : memref<1000008x128xf32, #tpu.memory_space<hbm>>) target(%dma_start3A_1910 : memref<128x128xf32, #tpu.memory_space<vmem>>) offsets(%dma_start3A_1912 : memref<128xi32, #tpu.memory_space<vmem>>) semaphore(%arg9 : memref<!tpu.dma_semaphore, #tpu.memory_space<semaphore_mem>>)
    %dma_start3A_1916 = arith.constant 3 : i32
    %dma_start3A_1917 = arith.constant 128 : i32
    %dma_start3A_1918 = arith.constant 0 : i32
    %dma_start3A_1919 = tpu.memref_slice %arg7[%dma_start3A_1916, %dma_start3A_1917, %dma_start3A_1918] : memref<4x200x128xf32, #tpu.memory_space<vmem>> -> memref<1x72x128xf32, #tpu.memory_space<vmem>>
    %dma_start3A_1920 = tpu.memref_squeeze %dma_start3A_1919 : memref<1x72x128xf32, #tpu.memory_space<vmem>> -> memref<72x128xf32, #tpu.memory_space<vmem>>
    %dma_start3A_1921 = arith.constant 6328 : i32
    %dma_start3A_1922 = tpu.memref_slice %arg6[%dma_start3A_1921] : memref<6400xi32, #tpu.memory_space<vmem>> -> memref<72xi32, #tpu.memory_space<vmem>>
    %dma_start3A_1923 = arith.constant 0 : i32
    %dma_start3A_1924 = arith.constant 0 : i32
    %dma_start3A_1925 = tpu.memref_slice %arg2[%dma_start3A_1923, %dma_start3A_1924] : memref<1000008x128xf32, #tpu.memory_space<hbm>> -> memref<1000008x128xf32, #tpu.memory_space<hbm>>
    tpu.enqueue_indirect_dma source(%dma_start3A_1925 : memref<1000008x128xf32, #tpu.memory_space<hbm>>) target(%dma_start3A_1920 : memref<72x128xf32, #tpu.memory_space<vmem>>) offsets(%dma_start3A_1922 : memref<72xi32, #tpu.memory_space<vmem>>) semaphore(%arg9 : memref<!tpu.dma_semaphore, #tpu.memory_space<semaphore_mem>>)
    %dma_wait3A_1926 = arith.constant 0 : i32
    %dma_wait3A_1927 = arith.constant 0 : i32
    %dma_wait3A_1928 = arith.constant 0 : i32
    %dma_wait3A_1929 = tpu.memref_slice %arg7[%dma_wait3A_1926, %dma_wait3A_1927, %dma_wait3A_1928] : memref<4x200x128xf32, #tpu.memory_space<vmem>> -> memref<1x128x128xf32, #tpu.memory_space<vmem>>
    %dma_wait3A_1930 = tpu.memref_squeeze %dma_wait3A_1929 : memref<1x128x128xf32, #tpu.memory_space<vmem>> -> memref<128x128xf32, #tpu.memory_space<vmem>>
    %dma_wait3A_1931 = arith.constant 5600 : i32
    %dma_wait3A_1932 = tpu.memref_slice %arg6[%dma_wait3A_1931] : memref<6400xi32, #tpu.memory_space<vmem>> -> memref<128xi32, #tpu.memory_space<vmem>>
    %dma_wait3A_1933 = arith.constant 0 : i32
    %dma_wait3A_1934 = arith.constant 0 : i32
    %dma_wait3A_1935 = tpu.memref_slice %arg2[%dma_wait3A_1933, %dma_wait3A_1934] : memref<1000008x128xf32, #tpu.memory_space<hbm>> -> memref<1000008x128xf32, #tpu.memory_space<hbm>>
    tpu.wait_indirect_dma semaphore(%arg9 : memref<!tpu.dma_semaphore, #tpu.memory_space<semaphore_mem>>) src(%dma_wait3A_1935 : memref<1000008x128xf32, #tpu.memory_space<hbm>>) dst(%dma_wait3A_1930 : memref<128x128xf32, #tpu.memory_space<vmem>>)
    %dma_wait3A_1936 = arith.constant 0 : i32
    %dma_wait3A_1937 = arith.constant 128 : i32
    %dma_wait3A_1938 = arith.constant 0 : i32
    %dma_wait3A_1939 = tpu.memref_slice %arg7[%dma_wait3A_1936, %dma_wait3A_1937, %dma_wait3A_1938] : memref<4x200x128xf32, #tpu.memory_space<vmem>> -> memref<1x72x128xf32, #tpu.memory_space<vmem>>
    %dma_wait3A_1940 = tpu.memref_squeeze %dma_wait3A_1939 : memref<1x72x128xf32, #tpu.memory_space<vmem>> -> memref<72x128xf32, #tpu.memory_space<vmem>>
    %dma_wait3A_1941 = arith.constant 5728 : i32
    %dma_wait3A_1942 = tpu.memref_slice %arg6[%dma_wait3A_1941] : memref<6400xi32, #tpu.memory_space<vmem>> -> memref<72xi32, #tpu.memory_space<vmem>>
    %dma_wait3A_1943 = arith.constant 0 : i32
    %dma_wait3A_1944 = arith.constant 0 : i32
    %dma_wait3A_1945 = tpu.memref_slice %arg2[%dma_wait3A_1943, %dma_wait3A_1944] : memref<1000008x128xf32, #tpu.memory_space<hbm>> -> memref<1000008x128xf32, #tpu.memory_space<hbm>>
    tpu.wait_indirect_dma semaphore(%arg9 : memref<!tpu.dma_semaphore, #tpu.memory_space<semaphore_mem>>) src(%dma_wait3A_1945 : memref<1000008x128xf32, #tpu.memory_space<hbm>>) dst(%dma_wait3A_1940 : memref<72x128xf32, #tpu.memory_space<vmem>>)
    %dma_wait3A_1946 = arith.constant 1 : i32
    %dma_wait3A_1947 = arith.constant 0 : i32
    %dma_wait3A_1948 = arith.constant 0 : i32
    %dma_wait3A_1949 = tpu.memref_slice %arg7[%dma_wait3A_1946, %dma_wait3A_1947, %dma_wait3A_1948] : memref<4x200x128xf32, #tpu.memory_space<vmem>> -> memref<1x128x128xf32, #tpu.memory_space<vmem>>
    %dma_wait3A_1950 = tpu.memref_squeeze %dma_wait3A_1949 : memref<1x128x128xf32, #tpu.memory_space<vmem>> -> memref<128x128xf32, #tpu.memory_space<vmem>>
    %dma_wait3A_1951 = arith.constant 5800 : i32
    %dma_wait3A_1952 = tpu.memref_slice %arg6[%dma_wait3A_1951] : memref<6400xi32, #tpu.memory_space<vmem>> -> memref<128xi32, #tpu.memory_space<vmem>>
    %dma_wait3A_1953 = arith.constant 0 : i32
    %dma_wait3A_1954 = arith.constant 0 : i32
    %dma_wait3A_1955 = tpu.memref_slice %arg2[%dma_wait3A_1953, %dma_wait3A_1954] : memref<1000008x128xf32, #tpu.memory_space<hbm>> -> memref<1000008x128xf32, #tpu.memory_space<hbm>>
    tpu.wait_indirect_dma semaphore(%arg9 : memref<!tpu.dma_semaphore, #tpu.memory_space<semaphore_mem>>) src(%dma_wait3A_1955 : memref<1000008x128xf32, #tpu.memory_space<hbm>>) dst(%dma_wait3A_1950 : memref<128x128xf32, #tpu.memory_space<vmem>>)
    %dma_wait3A_1956 = arith.constant 1 : i32
    %dma_wait3A_1957 = arith.constant 128 : i32
    %dma_wait3A_1958 = arith.constant 0 : i32
    %dma_wait3A_1959 = tpu.memref_slice %arg7[%dma_wait3A_1956, %dma_wait3A_1957, %dma_wait3A_1958] : memref<4x200x128xf32, #tpu.memory_space<vmem>> -> memref<1x72x128xf32, #tpu.memory_space<vmem>>
    %dma_wait3A_1960 = tpu.memref_squeeze %dma_wait3A_1959 : memref<1x72x128xf32, #tpu.memory_space<vmem>> -> memref<72x128xf32, #tpu.memory_space<vmem>>
    %dma_wait3A_1961 = arith.constant 5928 : i32
    %dma_wait3A_1962 = tpu.memref_slice %arg6[%dma_wait3A_1961] : memref<6400xi32, #tpu.memory_space<vmem>> -> memref<72xi32, #tpu.memory_space<vmem>>
    %dma_wait3A_1963 = arith.constant 0 : i32
    %dma_wait3A_1964 = arith.constant 0 : i32
    %dma_wait3A_1965 = tpu.memref_slice %arg2[%dma_wait3A_1963, %dma_wait3A_1964] : memref<1000008x128xf32, #tpu.memory_space<hbm>> -> memref<1000008x128xf32, #tpu.memory_space<hbm>>
    tpu.wait_indirect_dma semaphore(%arg9 : memref<!tpu.dma_semaphore, #tpu.memory_space<semaphore_mem>>) src(%dma_wait3A_1965 : memref<1000008x128xf32, #tpu.memory_space<hbm>>) dst(%dma_wait3A_1960 : memref<72x128xf32, #tpu.memory_space<vmem>>)
    %dma_wait3A_1966 = arith.constant 2 : i32
    %dma_wait3A_1967 = arith.constant 0 : i32
    %dma_wait3A_1968 = arith.constant 0 : i32
    %dma_wait3A_1969 = tpu.memref_slice %arg7[%dma_wait3A_1966, %dma_wait3A_1967, %dma_wait3A_1968] : memref<4x200x128xf32, #tpu.memory_space<vmem>> -> memref<1x128x128xf32, #tpu.memory_space<vmem>>
    %dma_wait3A_1970 = tpu.memref_squeeze %dma_wait3A_1969 : memref<1x128x128xf32, #tpu.memory_space<vmem>> -> memref<128x128xf32, #tpu.memory_space<vmem>>
    %dma_wait3A_1971 = arith.constant 6000 : i32
    %dma_wait3A_1972 = tpu.memref_slice %arg6[%dma_wait3A_1971] : memref<6400xi32, #tpu.memory_space<vmem>> -> memref<128xi32, #tpu.memory_space<vmem>>
    %dma_wait3A_1973 = arith.constant 0 : i32
    %dma_wait3A_1974 = arith.constant 0 : i32
    %dma_wait3A_1975 = tpu.memref_slice %arg2[%dma_wait3A_1973, %dma_wait3A_1974] : memref<1000008x128xf32, #tpu.memory_space<hbm>> -> memref<1000008x128xf32, #tpu.memory_space<hbm>>
    tpu.wait_indirect_dma semaphore(%arg9 : memref<!tpu.dma_semaphore, #tpu.memory_space<semaphore_mem>>) src(%dma_wait3A_1975 : memref<1000008x128xf32, #tpu.memory_space<hbm>>) dst(%dma_wait3A_1970 : memref<128x128xf32, #tpu.memory_space<vmem>>)
    %dma_wait3A_1976 = arith.constant 2 : i32
    %dma_wait3A_1977 = arith.constant 128 : i32
    %dma_wait3A_1978 = arith.constant 0 : i32
    %dma_wait3A_1979 = tpu.memref_slice %arg7[%dma_wait3A_1976, %dma_wait3A_1977, %dma_wait3A_1978] : memref<4x200x128xf32, #tpu.memory_space<vmem>> -> memref<1x72x128xf32, #tpu.memory_space<vmem>>
    %dma_wait3A_1980 = tpu.memref_squeeze %dma_wait3A_1979 : memref<1x72x128xf32, #tpu.memory_space<vmem>> -> memref<72x128xf32, #tpu.memory_space<vmem>>
    %dma_wait3A_1981 = arith.constant 6128 : i32
    %dma_wait3A_1982 = tpu.memref_slice %arg6[%dma_wait3A_1981] : memref<6400xi32, #tpu.memory_space<vmem>> -> memref<72xi32, #tpu.memory_space<vmem>>
    %dma_wait3A_1983 = arith.constant 0 : i32
    %dma_wait3A_1984 = arith.constant 0 : i32
    %dma_wait3A_1985 = tpu.memref_slice %arg2[%dma_wait3A_1983, %dma_wait3A_1984] : memref<1000008x128xf32, #tpu.memory_space<hbm>> -> memref<1000008x128xf32, #tpu.memory_space<hbm>>
    tpu.wait_indirect_dma semaphore(%arg9 : memref<!tpu.dma_semaphore, #tpu.memory_space<semaphore_mem>>) src(%dma_wait3A_1985 : memref<1000008x128xf32, #tpu.memory_space<hbm>>) dst(%dma_wait3A_1980 : memref<72x128xf32, #tpu.memory_space<vmem>>)
    %dma_wait3A_1986 = arith.constant 3 : i32
    %dma_wait3A_1987 = arith.constant 0 : i32
    %dma_wait3A_1988 = arith.constant 0 : i32
    %dma_wait3A_1989 = tpu.memref_slice %arg7[%dma_wait3A_1986, %dma_wait3A_1987, %dma_wait3A_1988] : memref<4x200x128xf32, #tpu.memory_space<vmem>> -> memref<1x128x128xf32, #tpu.memory_space<vmem>>
    %dma_wait3A_1990 = tpu.memref_squeeze %dma_wait3A_1989 : memref<1x128x128xf32, #tpu.memory_space<vmem>> -> memref<128x128xf32, #tpu.memory_space<vmem>>
    %dma_wait3A_1991 = arith.constant 6200 : i32
    %dma_wait3A_1992 = tpu.memref_slice %arg6[%dma_wait3A_1991] : memref<6400xi32, #tpu.memory_space<vmem>> -> memref<128xi32, #tpu.memory_space<vmem>>
    %dma_wait3A_1993 = arith.constant 0 : i32
    %dma_wait3A_1994 = arith.constant 0 : i32
    %dma_wait3A_1995 = tpu.memref_slice %arg2[%dma_wait3A_1993, %dma_wait3A_1994] : memref<1000008x128xf32, #tpu.memory_space<hbm>> -> memref<1000008x128xf32, #tpu.memory_space<hbm>>
    tpu.wait_indirect_dma semaphore(%arg9 : memref<!tpu.dma_semaphore, #tpu.memory_space<semaphore_mem>>) src(%dma_wait3A_1995 : memref<1000008x128xf32, #tpu.memory_space<hbm>>) dst(%dma_wait3A_1990 : memref<128x128xf32, #tpu.memory_space<vmem>>)
    %dma_wait3A_1996 = arith.constant 3 : i32
    %dma_wait3A_1997 = arith.constant 128 : i32
    %dma_wait3A_1998 = arith.constant 0 : i32
    %dma_wait3A_1999 = tpu.memref_slice %arg7[%dma_wait3A_1996, %dma_wait3A_1997, %dma_wait3A_1998] : memref<4x200x128xf32, #tpu.memory_space<vmem>> -> memref<1x72x128xf32, #tpu.memory_space<vmem>>
    %dma_wait3A_2000 = tpu.memref_squeeze %dma_wait3A_1999 : memref<1x72x128xf32, #tpu.memory_space<vmem>> -> memref<72x128xf32, #tpu.memory_space<vmem>>
    %dma_wait3A_2001 = arith.constant 6328 : i32
    %dma_wait3A_2002 = tpu.memref_slice %arg6[%dma_wait3A_2001] : memref<6400xi32, #tpu.memory_space<vmem>> -> memref<72xi32, #tpu.memory_space<vmem>>
    %dma_wait3A_2003 = arith.constant 0 : i32
    %dma_wait3A_2004 = arith.constant 0 : i32
    %dma_wait3A_2005 = tpu.memref_slice %arg2[%dma_wait3A_2003, %dma_wait3A_2004] : memref<1000008x128xf32, #tpu.memory_space<hbm>> -> memref<1000008x128xf32, #tpu.memory_space<hbm>>
    tpu.wait_indirect_dma semaphore(%arg9 : memref<!tpu.dma_semaphore, #tpu.memory_space<semaphore_mem>>) src(%dma_wait3A_2005 : memref<1000008x128xf32, #tpu.memory_space<hbm>>) dst(%dma_wait3A_2000 : memref<72x128xf32, #tpu.memory_space<vmem>>)
    %add3A_2006 = arith.constant 28 : i32
    %add3A_2007 = arith.addi %mul3A_2, %add3A_2006 : i32
    "tpu.region"() ({
      %run_scoped3A = tpu.sem_alloc : memref<!tpu.dma_semaphore, #tpu.memory_space<semaphore_mem>>
      %dma_start3A_2008 = arith.constant 0 : i32
      %dma_start3A_2009 = arith.constant 0 : i32
      %dma_start3A_2010 = arith.constant 0 : i32
      %dma_start3A_2011 = tpu.memref_slice %arg7[%dma_start3A_2008, %dma_start3A_2009, %dma_start3A_2010] : memref<4x200x128xf32, #tpu.memory_space<vmem>> -> memref<4x200x64xf32, #tpu.memory_space<vmem>>
      %dma_start3A_2012 = arith.constant 0 : i32
      %dma_start3A_2013 = arith.constant 0 : i32
      %dma_start3A_2014 = tpu.memref_slice %arg5[%add3A_2007, %dma_start3A_2012, %dma_start3A_2013] : memref<1024x200x64xf32, #tpu.memory_space<hbm>> -> memref<4x200x64xf32, #tpu.memory_space<hbm>>
      %dma_start3A_2015 = arith.constant 0 : i32
      %dma_start3A_2016 = arith.constant 0 : i32
      %dma_start3A_2017 = tpu.memref_slice %arg5[%add3A_2007, %dma_start3A_2015, %dma_start3A_2016] : memref<1024x200x64xf32, #tpu.memory_space<hbm>> -> memref<4x200x64xf32, #tpu.memory_space<hbm>>
      %dma_start3A_2018 = arith.constant 0 : i32
      %dma_start3A_2019 = arith.constant 0 : i32
      %dma_start3A_2020 = arith.constant 0 : i32
      %dma_start3A_2021 = tpu.memref_slice %arg7[%dma_start3A_2018, %dma_start3A_2019, %dma_start3A_2020] : memref<4x200x128xf32, #tpu.memory_space<vmem>> -> memref<4x200x64xf32, #tpu.memory_space<vmem>>
      tpu.enqueue_dma source(%dma_start3A_2021 : memref<4x200x64xf32, #tpu.memory_space<vmem>>) target(%dma_start3A_2017 : memref<4x200x64xf32, #tpu.memory_space<hbm>>) target_semaphore(%run_scoped3A : memref<!tpu.dma_semaphore, #tpu.memory_space<semaphore_mem>>)
      %dma_wait3A_2022 = arith.constant 0 : i32
      %dma_wait3A_2023 = arith.constant 0 : i32
      %dma_wait3A_2024 = arith.constant 0 : i32
      %dma_wait3A_2025 = tpu.memref_slice %arg7[%dma_wait3A_2022, %dma_wait3A_2023, %dma_wait3A_2024] : memref<4x200x128xf32, #tpu.memory_space<vmem>> -> memref<4x200x64xf32, #tpu.memory_space<vmem>>
      %dma_wait3A_2026 = arith.constant 0 : i32
      %dma_wait3A_2027 = arith.constant 0 : i32
      %dma_wait3A_2028 = tpu.memref_slice %arg5[%add3A_2007, %dma_wait3A_2026, %dma_wait3A_2027] : memref<1024x200x64xf32, #tpu.memory_space<hbm>> -> memref<4x200x64xf32, #tpu.memory_space<hbm>>
      %dma_wait3A_2029 = arith.constant 0 : i32
      %dma_wait3A_2030 = arith.constant 0 : i32
      %dma_wait3A_2031 = tpu.memref_slice %arg5[%add3A_2007, %dma_wait3A_2029, %dma_wait3A_2030] : memref<1024x200x64xf32, #tpu.memory_space<hbm>> -> memref<4x200x64xf32, #tpu.memory_space<hbm>>
      %dma_wait3A_2032 = arith.constant 0 : i32
      %dma_wait3A_2033 = arith.constant 0 : i32
      %dma_wait3A_2034 = arith.constant 0 : i32
      %dma_wait3A_2035 = tpu.memref_slice %arg7[%dma_wait3A_2032, %dma_wait3A_2033, %dma_wait3A_2034] : memref<4x200x128xf32, #tpu.memory_space<vmem>> -> memref<4x200x64xf32, #tpu.memory_space<vmem>>
      tpu.wait_dma2 semaphore(%run_scoped3A : memref<!tpu.dma_semaphore, #tpu.memory_space<semaphore_mem>>) src(%dma_wait3A_2035 : memref<4x200x64xf32, #tpu.memory_space<vmem>>) dst(%dma_wait3A_2031 : memref<4x200x64xf32, #tpu.memory_space<hbm>>)
      tpu.yield
    }) : () -> ()
    return
  }
}

</mosaic_0001>

<sc_bundles>
// kernel: kernel.3.cloned.1.call-start
scs
__scs_entry_jumppad:
0x0: {  	(pc) =	sbr.rel $0x88, $3  }
0x1: {  	(tag) =	ssettag $0x0;
	lr =	simm.s32 $0x1  }
0x2: {  	[smem:$0x3F9E] =	sst lr;
	_ =	strace $0xD0000000  }
0x3: {  	_ = 	snop  }
0x4: {  	_ = 	snop  }
0x5: {  	_ = 	snop  }
0x6: {  	_ = 	snop  }
0x7: {  	_ = 	snop  }
__scs_overlays_trampoline_lowered:
0x8: {  	[smem:$0x3FAD] =	sst s0  }
0x9: {  	[smem:$0x3FAE] =	sst s1  }
0xa: {  	[smem:$0x3FAF] =	sst s2  }
0xb: {  	[smem:$0x3FB0] =	sst s3  }
0xc: {  	[smem:$0x3FB1] =	sst s4  }
0xd: {  	[smem:$0x3FB2] =	sst s5  }
0xe: {  	[smem:$0x3FB3] =	sst s6  }
0xf: {  	[smem:$0x3FB4] =	sst s7  }
0x10: {  	[smem:$0x3FB5] =	sst s8  }
0x11: {  	[smem:$0x3FB6] =	sst s9;
	s0 =	simm.s32 @!p0 $0x0  }
0x12: {  	s1 =	sld [smem:$0x3F9C];
	s0 =	simm.s32 @p0 $0x1  }
0x13: {  	[smem:$0x3FB7] =	sst s0;
	s0 =	simm.s32 @!p1 $0x0  }
0x14: {  	s2 =	sld [smem:$0x3F9B];
	s0 =	simm.s32 @p1 $0x1  }
0x15: {  	[smem:$0x3FB8] =	sst s0;
	s0 =	simm.s32 @!p2 $0x0  }
0x16: {  	s3 =	sld [smem:$0x3FDB];
	s0 =	simm.s32 @p2 $0x1  }
0x17: {  	s4 =	simm.s32 $0x1BF5;
	[smem:$0x3FBA] =	sst s0  }
0x18: {  	s0 =	sld [smem:$0x3F9D];
	_ =	swait.ge [sflag:s4], $0x0  }
0x19: {  	s7 =	sld [smem:$0x3F9E]  }
0x1a: {  	s8 =	sadd.s32 $0xFFFFE003, lr  }
0x1b: {  	s9 =	sadd.s32 $0xFFFFFEF7, lr;
	s5 =	simm.s32 $0xFFFFFFFF;
	p2 =	slt.u32 s8, $0xFFFFF086  }
0x1c: {  	p1 =	slt.u32 s9, $0xF7A;
	s5 =	simm.s32 @!p2 $0x0  }
0x1d: {  	s5 =	simm.s32 @p1 $0x1;
	p0 =	seq.s32 s7, s2  }
0x1e: {  	s7 =	smul.u32 @!p0 $0xF7A, s2;
	p2 =	seq.s32 @!p0 s5, $0x0  }
0x1f: {  	s9 =	smul.u32 $0xF7A, s1;
	s8 =	simm.s32 @!p0 $0x1BF5;
	p2 =	por !p2, p0  }
0x20: {  	[sflag:s8] =	ssyncset.s32 @!p0 $0xFFFFF086;
	s6 =	sadd.s32 @!p0 s3, s7;
	s7 =	simm.s32 @!p0 $0x108  }
0x21: {  	s3 =	sadd.s32 s3, s9;
	s6 =	sadd.s32 @!p0 $0x88, s6;
	s7 =	simm.s32 @p2 $0x1082  }
0x22: {  	[simem:s7], [sflag:s8] =	dma.local @!p0 [hbm:s6], $0xF7A  }
0x23: {  	s9 =	sor.u32 $0xD0000000, s2;
	s6 =	simm.s32 $0x108;
	_ =	swait.ge @!p0 [sflag:s8], $0x0  }
0x24: {  	s3 =	sadd.s32 $0x88, s3;
	s6 =	simm.s32 @!p1 $0x1082;
	[sflag:s4] =	ssyncset.s32 $0xFFFFF086  }
0x25: {  	[simem:s6], [sflag:s4] =	dma.local [hbm:s3], $0xF7A  }
0x26: {  	[smem:$0x3F9E] =	sst s1;
	(tag) =	ssettag s2;
	_ =	strace s9  }
0x27: {  	s1 =	sld [smem:$0x3FAE]  }
0x28: {  	s2 =	sld [smem:$0x3FAF]  }
0x29: {  	s4 =	sld [smem:$0x3FB1]  }
0x2a: {  	p0 =	seq.s32 s5, $0x0;
	s5 =	sld [smem:$0x3FB2]  }
0x2b: {  	s6 =	sld [smem:$0x3FB3]  }
0x2c: {  	s7 =	sld [smem:$0x3FB4]  }
0x2d: {  	s3 =	simm.s32 $0x108;
	s8 =	sld [smem:$0x3FB5]  }
0x2e: {  	s3 =	simm.s32 @!p0 $0x1082;
	s9 =	sld [smem:$0x3FB6]  }
0x2f: {  	lr =	sadd.s32 s0, s3;
	s0 =	sld [smem:$0x3FAD]  }
0x30: {  	s3 =	sld [smem:$0x3FB0]  }
0x31: {  	[smem:$0x3FB9] =	sst s10  }
0x32: {  	s10 =	sld [smem:$0x3FB7];
	_ =	sdelay $0x3  }
0x33: {  	p0 =	seq.s32 s10, $0x1;
	s10 =	sld [smem:$0x3FB9];
	_ =	sdelay $0x3  }
0x34: {  	[smem:$0x3FB9] =	sst s10  }
0x35: {  	s10 =	sld [smem:$0x3FB8];
	_ =	sdelay $0x3  }
0x36: {  	p1 =	seq.s32 s10, $0x1;
	s10 =	sld [smem:$0x3FB9];
	_ =	sdelay $0x3  }
0x37: {  	[smem:$0x3FB9] =	sst s10  }
0x38: {  	s10 =	sld [smem:$0x3FBA]  }
0x39: {  	_ = 	snop;
	(pc) =	sbr.ind lr, $3  }
0x3a: {  	_ = 	snop  }
0x3b: {  	_ = 	snop  }
0x3c: {  	p2 =	seq.s32 s10, $0x1;
	s10 =	sld [smem:$0x3FB9]  }
0x3d: {  	_ =	shalt  }
0x3e: {  	_ =	shalt  }
0x3f: {  	_ =	shalt  }
0x40: {  	_ =	shalt  }
0x41: {  	_ =	shalt  }
0x42: {  	_ =	shalt  }
0x43: {  	_ =	shalt  }
0x44: {  	_ =	shalt  }
0x45: {  	_ =	shalt  }
0x46: {  	_ =	shalt  }
0x47: {  	_ =	shalt  }
0x48: {  	_ =	shalt  }
0x49: {  	_ =	shalt  }
0x4a: {  	_ =	shalt  }
0x4b: {  	_ =	shalt  }
0x4c: {  	_ =	shalt  }
0x4d: {  	_ =	shalt  }
0x4e: {  	_ =	shalt  }
0x4f: {  	_ =	shalt  }
0x50: {  	_ =	shalt  }
0x51: {  	_ =	shalt  }
0x52: {  	_ =	shalt  }
0x53: {  	_ =	shalt  }
0x54: {  	_ =	shalt  }
0x55: {  	_ =	shalt  }
0x56: {  	_ =	shalt  }
0x57: {  	_ =	shalt  }
0x58: {  	_ =	shalt  }
0x59: {  	_ =	shalt  }
0x5a: {  	_ =	shalt  }
0x5b: {  	_ =	shalt  }
0x5c: {  	_ =	shalt  }
0x5d: {  	_ =	shalt  }
0x5e: {  	_ =	shalt  }
0x5f: {  	_ =	shalt  }
0x60: {  	_ =	shalt  }
0x61: {  	_ =	shalt  }
0x62: {  	_ =	shalt  }
0x63: {  	_ =	shalt  }
0x64: {  	_ =	shalt  }
0x65: {  	_ =	shalt  }
0x66: {  	_ =	shalt  }
0x67: {  	_ =	shalt  }
0x68: {  	_ =	shalt  }
0x69: {  	_ =	shalt  }
0x6a: {  	_ =	shalt  }
0x6b: {  	_ =	shalt  }
0x6c: {  	_ =	shalt  }
0x6d: {  	_ =	shalt  }
0x6e: {  	_ =	shalt  }
0x6f: {  	_ =	shalt  }
0x70: {  	_ =	shalt  }
0x71: {  	_ =	shalt  }
0x72: {  	_ =	shalt  }
0x73: {  	_ =	shalt  }
0x74: {  	_ =	shalt  }
0x75: {  	_ =	shalt  }
0x76: {  	_ =	shalt  }
0x77: {  	_ =	shalt  }
0x78: {  	_ =	shalt  }
0x79: {  	_ =	shalt  }
0x7a: {  	_ =	shalt  }
0x7b: {  	_ =	shalt  }
0x7c: {  	_ =	shalt  }
0x7d: {  	_ =	shalt  }
0x7e: {  	_ =	shalt  }
0x7f: {  	_ =	shalt  }
0x80: {  	_ =	shalt  }
0x81: {  	_ =	shalt  }
0x82: {  	_ =	shalt  }
0x83: {  	_ =	shalt  }
0x84: {  	_ =	shalt  }
0x85: {  	_ =	shalt  }
0x86: {  	_ =	shalt  }
0x87: {  	_ =	shalt  }
.Lfunc_end0:
.L_simem_size_0:
called_computation.1_lowered:
.L_overlay_start_0:
0x88: {  	s2 =	sld [smem:$0x3FD9]  }
0x89: {  	s3 =	sld [smem:$0x3FFE];
	_ =	sdelay $0x1  }
0x8a: {  	s1 =	srdreg.scid  }
0x8b: {  	s0 =	sand.u32 $0x1, s1  }
0x8c: {  	s17 =	sshll.u32 s0, $0xA;
	s2 =	sadd.s32 s3, s2  }
0x8d: {  	s2 =	sadd.s32 s2, s17  }
0x8e: {  	[smem:$0x3FC5] =	sst s2  }
0x8f: {  	_ = 	snop  }
0x90: {  	s2 =	sld [smem:$0x3FD0];
	(tm) =	ssettm $0x1  }
0x91: {  	s18 =	sld [smem:$0x3FFB];
	_ =	sdelay $0x3  }
0x92: {  	_ =	strace s18  }
0x93: {  	s3 =	sld [smem:$0x3FFC];
	_ =	sdelay $0x3  }
0x94: {  	_ =	strace s3  }
0x95: {  	s3 =	sld [smem:$0x3FFD];
	_ =	sdelay $0x3  }
0x96: {  	_ =	strace s3  }
0x97: {  	_ =	strace $0x8FFFFFFF  }
0x98: {  	s19 =	sld [smem:$0x3FDB];
	_ =	sdelay $0x1  }
0x99: {  	s4 =	simm.s32 $_scs_section_size  }
0x9a: {  	s5 =	simm.s32 $_size__tile_overlayer_lowered;
	s6 =	simm.s32 $_tile_overlayer_lowered  }
0x9b: {  	s22 =	simm.s32 $0x1BFF;
	s21 =	sshll.u32 s6, $0x1;
	s3 =	sadd.s32 s4, s19  }
0x9c: {  	s7 =	simm.s32 $0x0;
	s20 =	sshll.u32 s5, $0x1;
	s5 =	sadd.s32 s21, s3  }
0x9d: {  	[timem:s7], [sflag:s22] =	dma.local [hbm:s5], s20  }
0x9e: {  	_ =	swait.ge [sflag:s22], s20  }
0x9f: {  	s4 =	ssub.s32 $0x0, s20;
	[sflag:s22] =	ssyncset.done $0x0  }
0xa0: {  	[sflag:s22] =	ssyncadd.s32 s4;
	_ =	sdelay $0x1  }
0xa1: {  	s23 =	simm.s32 $0x1B8B  }
0xa2: {  	_ =	swait.ge [sflag:s23], $0x1  }
0xa3: {  	[sflag:s23] =	ssyncset.done $0x0  }
0xa4: {  	s25 =	simm.s32 $0x1B8E;
	s24 =	sld [smem:$0x3FFE];
	[sflag:s23] =	ssyncadd.s32 $0xFFFFFFFF  }
0xa5: {  	s26 =	simm.s32 $execute0_lowered;
	[smem:$0x3FD2] =	sst s25  }
0xa6: {  	s5 =	sshll.u32 s26, $0x1;
	_ =	strace $0x80000046;
	[dreg:$0x1] =	wrdreg $0xFFFFFFFF  }
0xa7: {  	s28 =	simm.s32 $_size_execute0_lowered;
	s3 =	sadd.s32 s3, s5;
	[dreg:$0x0] =	wrdreg $0x0  }
0xa8: {  	s5 =	sshll.u32 s28, $0x1;
	[dreg:$0x2] =	wrdreg s3  }
0xa9: {  	[dreg:$0x3] =	wrdreg s5  }
0xaa: {  	[dreg:$0x4] =	wrdreg $0xC0  }
0xab: {  	_ =	task [dreg:s7], $0x5FFFF  }
0xac: {  	[dreg:$0x1] =	wrdreg $0xFFFFFFFF  }
0xad: {  	[dreg:$0x0] =	wrdreg $0x60  }
0xae: {  	[dreg:$0x2] =	wrdreg s24  }
0xaf: {  	[dreg:$0x3] =	wrdreg s2  }
0xb0: {  	[dreg:$0x4] =	wrdreg $0x9  }
0xb1: {  	_ =	task.clear_ibuf [dreg:s7], $0x5FFFF;
	_ =	strace $0x90000046  }
0xb2: {  	s29 =	simm.s32 $0x9;
	_ =	strace $0x80000048  }
0xb3: {  	_ =	swait.ge [sflag:s29], $0x1  }
0xb4: {  	[sflag:s29] =	ssyncadd.s32 $0xFFFFFFFF  }
0xb5: {  	_ =	strace $0x90000048  }
0xb6: {  	_ =	sfence  }
0xb7: {  	s30 =	sld [smem:$0x0];
	_ =	sdelay $0x2  }
0xb8: {  	s31 =	sshll.u32 s1, $0xD;
	s1 =	sshrl.u32 s1, $0x2  }
0xb9: {  	s3 =	sand.u32 $0x4000, s31;
	s1 =	sadd.s32 s1, s30  }
0xba: {  	s0 =	sor.u32 s3, s0;
	s1 =	sshll.u32 s1, $0x11  }
0xbb: {  	s0 =	sor.u32 s1, s0  }
0xbc: {  	s0 =	sadd.s32 $0x8F2B, s0  }
0xbd: {  	[sflag:s0] =	ssyncadd.remote.s32 $0x1  }
0xbe: {  	_ =	sfence.sel $0xFFFF  }
0xbf: {  	[dreg:$0x0] =	wrdreg $0xFFFFFFFF;
	(pc) =	sbr.abs _section_cstart, $3  }
0xc0: {  	[dreg:$0x1] =	wrdreg $0xFFFFFFFF  }
0xc1: {  	_ =	task.clear_ibuf [dreg:s7], $0x2FFFF;
	_ =	strace $0x9FFFFFFF  }
0xc2: {  	(tm) =	ssettm $0x7FFFFFFF  }
0xc3: {  	_ =	shalt  }
tec
execute0_lowered:
.L_overlay_start_1:
0x0: {  	(tag) =	ssettag $0x1  }
0x1: {  	s0 =	srdreg.scid  }
0x2: {  	s1 =	stileid.u32;
	s0 =	sand.u32 $0x1, s0  }
0x3: {  	s1 =	sshll.u32 s1, $0x6;
	s2 =	sshll.u32 s0, $0x5  }
0x4: {  	s2 =	sor.u32 s2, s1  }
0x5: {  	s3 =	smul.u32 $0xC8, s2  }
0x6: {  	s5 =	ssub.s32 $0x2, s0;
	s26 =	smul.u32 $0x19, s2;
	s6 =	sor.u32 $0x4, s2  }
0x7: {  	s4 =	rddreg [dreg:$0x0];
	s25 =	sshrl.u32 s5, $0x1;
	s9 =	smul.u32 $0x19, s6  }
0x8: {  	s0 =	sadd.s32 $0xF43000, s4;
	s1 =	ssub.s32 s5, s25;
	s6 =	smul.u32 $0x640, s6  }
0x9: {  	s1 =	smax.u32 s1, $0x1;
	s7 =	sshrl.u32 s3, $0x3;
	s8 =	sadd.s32 $0x258, s3  }
0xa: {  	s17 =	sadd.s32 s0, s26;
	s12 =	sadd.s32 $0x3E8, s3;
	s13 =	sadd.s32 $0x578, s3  }
0xb: {  	s16 =	sadd.s32 $0x708, s3;
	s21 =	sadd.s32 $0xA28, s3;
	s25 =	sadd.s32 $0xD48, s3  }
0xc: {  	s26 =	sadd.s32 $0xED8, s3;
	s5 =	sadd.s32 s0, s7;
	s10 =	sshrl.u32 s8, $0x3  }
0xd: {  	s11 =	sadd.s32 s0, s9;
	s9 =	sor.u32 $0x8, s2;
	s14 =	sshrl.u32 s13, $0x3  }
0xe: {  	s7 =	sadd.s32 s0, s10;
	[dreg:$0x5] =	wrdreg s11;
	s15 =	smul.u32 $0x19, s9  }
0xf: {  	s10 =	sadd.s32 $0x898, s3;
	s11 =	sor.u32 $0x10, s2;
	s9 =	smul.u32 $0x640, s9  }
0x10: {  	[dreg:$0x4] =	wrdreg s7;
	s7 =	sshrl.u32 s12, $0x3;
	s18 =	sshrl.u32 s10, $0x3  }
0x11: {  	s10 =	sshrl.u32 s21, $0x3;
	s12 =	sadd.s32 $0xBB8, s3;
	s7 =	sadd.s32 s0, s7  }
0x12: {  	s13 =	smul.u32 $0x19, s11;
	s8 =	sadd.s32 s0, s15;
	[dreg:$0x6] =	wrdreg s7  }
0x13: {  	s19 =	sadd.s32 s0, s18;
	s22 =	sadd.s32 s0, s10;
	[dreg:$0x8] =	wrdreg s8  }
0x14: {  	s23 =	sshrl.u32 s12, $0x3;
	s12 =	sor.u32 $0x14, s2;
	[dreg:$0xa] =	wrdreg s19  }
0x15: {  	s15 =	sadd.s32 $0x1068, s3;
	s7 =	sadd.s32 s0, s14;
	[dreg:$0xc] =	wrdreg s22  }
0x16: {  	s24 =	sadd.s32 s0, s13;
	s13 =	sshrl.u32 s26, $0x3;
	s14 =	smul.u32 $0x19, s12  }
0x17: {  	s22 =	sadd.s32 $0x1388, s3;
	[dreg:$0x7] =	wrdreg s7;
	s7 =	sshrl.u32 s16, $0x3  }
0x18: {  	[dreg:$0xe] =	wrdreg s24;
	s16 =	sadd.s32 $0x11F8, s3;
	s7 =	sadd.s32 s0, s7  }
0x19: {  	s10 =	sadd.s32 s0, s14;
	[dreg:$0x9] =	wrdreg s7;
	s7 =	sor.u32 $0xC, s2  }
0x1a: {  	s18 =	sshrl.u32 s16, $0x3;
	s14 =	sor.u32 $0x1C, s2;
	s20 =	smul.u32 $0x19, s7  }
0x1b: {  	[dreg:$0x11] =	wrdreg s10;
	s19 =	sadd.s32 s0, s18;
	s16 =	smul.u32 $0x19, s14  }
0x1c: {  	[dreg:$0x13] =	wrdreg s19;
	s8 =	sadd.s32 s0, s20;
	s20 =	sor.u32 $0x18, s2  }
0x1d: {  	[dreg:$0xb] =	wrdreg s8;
	s8 =	sadd.s32 s0, s23;
	s21 =	smul.u32 $0x19, s20  }
0x1e: {  	[dreg:$0xd] =	wrdreg s8;
	s8 =	sshrl.u32 s25, $0x3;
	s25 =	sadd.s32 s0, s16  }
0x1f: {  	s26 =	sadd.s32 $0x16A8, s3;
	s8 =	sadd.s32 s0, s8;
	[dreg:$0x17] =	wrdreg s25  }
0x20: {  	s18 =	sadd.s32 $0x15E, s5;
	s10 =	sadd.s32 s0, s21;
	[dreg:$0xf] =	wrdreg s8  }
0x21: {  	s19 =	sadd.s32 $0x1C2, s5;
	s8 =	sadd.s32 s0, s13;
	[dreg:$0x14] =	wrdreg s10  }
0x22: {  	s2 =	smul.u32 $0x640, s2;
	s13 =	sshrl.u32 s22, $0x3;
	[dreg:$0x10] =	wrdreg s8  }
0x23: {  	s8 =	sshrl.u32 s15, $0x3;
	s15 =	sadd.s32 $0x1518, s3;
	s23 =	sadd.s32 s0, s13  }
0x24: {  	s8 =	sadd.s32 s0, s8;
	[dreg:$0x15] =	wrdreg s23;
	s24 =	sshrl.u32 s15, $0x3  }
0x25: {  	s3 =	sadd.s32 $0x1838, s3;
	[dreg:$0x12] =	wrdreg s8;
	s10 =	sadd.s32 s0, s24  }
0x26: {  	s24 =	simm.s32 $0x0;
	[dreg:$0x16] =	wrdreg s10;
	s10 =	sshrl.u32 s26, $0x3  }
0x27: {  	s3 =	sshrl.u32 s3, $0x3;
	[smem:$0x7FF] =	sst s24;
	s10 =	sadd.s32 s0, s10  }
0x28: {  	s16 =	sadd.s32 $0xFA, s5;
	s0 =	sadd.s32 s0, s3;
	[dreg:$0x18] =	wrdreg s10  }
0x29: {  	s21 =	sadd.s32 $0x28A, s5;
	s13 =	smul.u32 $0x640, s14;
	[dreg:$0x19] =	wrdreg s0  }
0x2a: {  	s14 =	sadd.s32 $0x32, s5;
	s15 =	sadd.s32 $0x96, s5;
	s10 =	rddreg [dreg:$0x1]  }
0x2b: {  	s3 =	smul.u32 $0x640, s7;
	_ =	strace $0x80000047;
	[dreg:$0x1b] =	wrdreg s14  }
0x2c: {  	s22 =	sadd.s32 $0x2EE, s5;
	s7 =	smul.u32 $0x640, s11;
	[dreg:$0x1c] =	wrdreg s15  }
0x2d: {  	s23 =	sadd.s32 $0x19, s17;
	s11 =	smul.u32 $0x640, s12;
	[dreg:$0x1d] =	wrdreg s16  }
0x2e: {  	s8 =	simm.s32 $0x14500;
	s12 =	smul.u32 $0x640, s20;
	[dreg:$0x1e] =	wrdreg s18  }
0x2f: {  	s20 =	sadd.s32 $0x226, s5;
	s5 =	simm.s32 $0x48;
	[dreg:$0x1f] =	wrdreg s19  }
0x30: {  	s25 =	sadd.s32 s10, s2;
	s26 =	sadd.s32 s10, s6;
	[smem:$0x7F9] =	sst s20  }
0x31: {  	s28 =	sadd.s32 s10, s9;
	s30 =	sadd.s32 s10, s3;
	[smem:$0x7FA] =	sst s21  }
0x32: {  	s31 =	sadd.s32 s10, s7;
	s29 =	sadd.s32 s10, s11;
	[smem:$0x7FB] =	sst s22  }
0x33: {  	s0 =	sadd.s32 s10, s12;
	s2 =	sadd.s32 s10, s13;
	[smem:$0x7FC] =	sst s1  }
0x34: {  	s3 =	sadd.s32 $0xF49400, s4;
	s4 =	sadd.s32 $0xA00, s4;
	[dreg:$0x3] =	wrdreg s17  }
0x35: {  	[smem:$0x7FD] =	sst s23;
	s22 =	simm.s32 $0xC8;
	s11 =	simm.s32 $0x15E0  }
0x36: {  	s23 =	simm.s32 $0x16A8;
	s12 =	simm.s32 $0x1770;
	s14 =	simm.s32 $0x1838  }
0x37: {  	s13 =	simm.s32 $0x3;
	s15 =	simm.s32 $0x80;
	s16 =	simm.s32 $0x5900  }
0x38: {  	s6 =	simm.s32 $0x7D00;
	s17 =	simm.s32 $0xBD00;
	s7 =	simm.s32 $0xE100  }
0x39: {  	s18 =	simm.s32 $0x12100;
	s19 =	simm.s32 $0x18500;
	s1 =	simm.s32 $0x1  }
0x3a: {  	v0 =	vlaneseq.u32;
	s20 =	simm.s32 $0x0;
	[dreg:$0x1a] =	wrdreg s4;
	s4 =	simm.s32 $0x2  }
.LBB2_1:
0x3b: {  	s9 =	rddreg [dreg:$0x3]  }
0x3c: {  	s10 =	sld [smem:$0x7FD]  }
0x3d: {  	[tilespmem:s24], [sflag:$0x2] =	stream.linear.gather [hbm4b:s9+s24], $0xC8, $0x38;
	[tilespmem:$0x1A910] =	vst v63  }
0x3e: {  	_ = 	snop  }
0x3f: {  	[tilespmem:s22], [sflag:$0x2] =	stream.linear.gather [hbm4b:s10+s24], $0xC8, $0x38;
	[tilespmem:$0x1A910] =	vst v63  }
0x40: {  	s21 =	rddreg [dreg:$0x1b];
	s10 =	simm.s32 $0x190  }
0x41: {  	[tilespmem:s10], [sflag:$0x2] =	stream.linear.gather [hbm4b:s21+s24], $0xC8, $0x38;
	[tilespmem:$0x1A910] =	vst v63  }
0x42: {  	s10 =	rddreg [dreg:$0x4];
	s21 =	simm.s32 $0x258  }
0x43: {  	[tilespmem:s21], [sflag:$0x2] =	stream.linear.gather [hbm4b:s10+s24], $0xC8, $0x38;
	[tilespmem:$0x1A910] =	vst v63  }
0x44: {  	s10 =	rddreg [dreg:$0x5];
	s21 =	simm.s32 $0x320  }
0x45: {  	[tilespmem:s21], [sflag:$0x2] =	stream.linear.gather [hbm4b:s10+s24], $0xC8, $0x38;
	[tilespmem:$0x1A910] =	vst v63  }
0x46: {  	s10 =	rddreg [dreg:$0x6];
	s21 =	simm.s32 $0x3E8  }
0x47: {  	[tilespmem:s21], [sflag:$0x2] =	stream.linear.gather [hbm4b:s10+s24], $0xC8, $0x38;
	[tilespmem:$0x1A910] =	vst v63  }
0x48: {  	s10 =	rddreg [dreg:$0x1c];
	s21 =	simm.s32 $0x4B0  }
0x49: {  	[tilespmem:s21], [sflag:$0x2] =	stream.linear.gather [hbm4b:s10+s24], $0xC8, $0x38;
	[tilespmem:$0x1A910] =	vst v63  }
0x4a: {  	s10 =	rddreg [dreg:$0x7];
	s21 =	simm.s32 $0x578  }
0x4b: {  	[tilespmem:s21], [sflag:$0x2] =	stream.linear.gather [hbm4b:s10+s24], $0xC8, $0x38;
	[tilespmem:$0x1A910] =	vst v63  }
0x4c: {  	s10 =	rddreg [dreg:$0x8];
	s21 =	simm.s32 $0x640  }
0x4d: {  	[tilespmem:s21], [sflag:$0x2] =	stream.linear.gather [hbm4b:s10+s24], $0xC8, $0x38;
	[tilespmem:$0x1A910] =	vst v63  }
0x4e: {  	s10 =	rddreg [dreg:$0x9];
	s21 =	simm.s32 $0x708  }
0x4f: {  	[tilespmem:s21], [sflag:$0x2] =	stream.linear.gather [hbm4b:s10+s24], $0xC8, $0x38;
	[tilespmem:$0x1A910] =	vst v63  }
0x50: {  	s10 =	rddreg [dreg:$0x1d];
	s21 =	simm.s32 $0x7D0  }
0x51: {  	[tilespmem:s21], [sflag:$0x2] =	stream.linear.gather [hbm4b:s10+s24], $0xC8, $0x38;
	[tilespmem:$0x1A910] =	vst v63  }
0x52: {  	s10 =	rddreg [dreg:$0xa];
	s21 =	simm.s32 $0x898  }
0x53: {  	[tilespmem:s21], [sflag:$0x2] =	stream.linear.gather [hbm4b:s10+s24], $0xC8, $0x38;
	[tilespmem:$0x1A910] =	vst v63  }
0x54: {  	s10 =	rddreg [dreg:$0xb];
	s21 =	simm.s32 $0x960  }
0x55: {  	[tilespmem:s21], [sflag:$0x2] =	stream.linear.gather [hbm4b:s10+s24], $0xC8, $0x38;
	[tilespmem:$0x1A910] =	vst v63  }
0x56: {  	s10 =	rddreg [dreg:$0xc];
	s21 =	simm.s32 $0xA28  }
0x57: {  	[tilespmem:s21], [sflag:$0x2] =	stream.linear.gather [hbm4b:s10+s24], $0xC8, $0x38;
	[tilespmem:$0x1A910] =	vst v63  }
0x58: {  	s10 =	rddreg [dreg:$0x1e];
	s21 =	simm.s32 $0xAF0  }
0x59: {  	[tilespmem:s21], [sflag:$0x2] =	stream.linear.gather [hbm4b:s10+s24], $0xC8, $0x38;
	[tilespmem:$0x1A910] =	vst v63  }
0x5a: {  	s10 =	rddreg [dreg:$0xd];
	s21 =	simm.s32 $0xBB8  }
0x5b: {  	[tilespmem:s21], [sflag:$0x2] =	stream.linear.gather [hbm4b:s10+s24], $0xC8, $0x38;
	[tilespmem:$0x1A910] =	vst v63  }
0x5c: {  	s10 =	rddreg [dreg:$0xe];
	s21 =	simm.s32 $0xC80  }
0x5d: {  	[tilespmem:s21], [sflag:$0x2] =	stream.linear.gather [hbm4b:s10+s24], $0xC8, $0x38;
	[tilespmem:$0x1A910] =	vst v63  }
0x5e: {  	s10 =	rddreg [dreg:$0xf];
	s21 =	simm.s32 $0xD48  }
0x5f: {  	[tilespmem:s21], [sflag:$0x2] =	stream.linear.gather [hbm4b:s10+s24], $0xC8, $0x38;
	[tilespmem:$0x1A910] =	vst v63  }
0x60: {  	s10 =	rddreg [dreg:$0x1f];
	s21 =	simm.s32 $0xE10  }
0x61: {  	[tilespmem:s21], [sflag:$0x2] =	stream.linear.gather [hbm4b:s10+s24], $0xC8, $0x38;
	[tilespmem:$0x1A910] =	vst v63  }
0x62: {  	s10 =	rddreg [dreg:$0x10];
	s21 =	simm.s32 $0xED8  }
0x63: {  	[tilespmem:s21], [sflag:$0x2] =	stream.linear.gather [hbm4b:s10+s24], $0xC8, $0x38;
	[tilespmem:$0x1A910] =	vst v63  }
0x64: {  	s10 =	rddreg [dreg:$0x11];
	s21 =	simm.s32 $0xFA0  }
0x65: {  	[tilespmem:s21], [sflag:$0x2] =	stream.linear.gather [hbm4b:s10+s24], $0xC8, $0x38;
	[tilespmem:$0x1A910] =	vst v63  }
0x66: {  	s10 =	rddreg [dreg:$0x12];
	s21 =	simm.s32 $0x1068  }
0x67: {  	[tilespmem:s21], [sflag:$0x2] =	stream.linear.gather [hbm4b:s10+s24], $0xC8, $0x38;
	[tilespmem:$0x1A910] =	vst v63  }
0x68: {  	s10 =	sld [smem:$0x7F9];
	_ =	sdelay $0x1  }
0x69: {  	s21 =	simm.s32 $0x1130  }
0x6a: {  	[tilespmem:s21], [sflag:$0x2] =	stream.linear.gather [hbm4b:s10+s24], $0xC8, $0x38;
	[tilespmem:$0x1A910] =	vst v63  }
0x6b: {  	s10 =	rddreg [dreg:$0x13];
	s21 =	simm.s32 $0x11F8  }
0x6c: {  	[tilespmem:s21], [sflag:$0x2] =	stream.linear.gather [hbm4b:s10+s24], $0xC8, $0x38;
	[tilespmem:$0x1A910] =	vst v63  }
0x6d: {  	s10 =	rddreg [dreg:$0x14];
	s21 =	simm.s32 $0x12C0  }
0x6e: {  	[tilespmem:s21], [sflag:$0x2] =	stream.linear.gather [hbm4b:s10+s24], $0xC8, $0x38;
	[tilespmem:$0x1A910] =	vst v63  }
0x6f: {  	s10 =	rddreg [dreg:$0x15];
	s21 =	simm.s32 $0x1388  }
0x70: {  	[tilespmem:s21], [sflag:$0x2] =	stream.linear.gather [hbm4b:s10+s24], $0xC8, $0x38;
	[tilespmem:$0x1A910] =	vst v63  }
0x71: {  	s10 =	sld [smem:$0x7FA];
	_ =	sdelay $0x1  }
0x72: {  	s21 =	simm.s32 $0x1450  }
0x73: {  	[tilespmem:s21], [sflag:$0x2] =	stream.linear.gather [hbm4b:s10+s24], $0xC8, $0x38;
	[tilespmem:$0x1A910] =	vst v63  }
0x74: {  	s10 =	rddreg [dreg:$0x16];
	s21 =	simm.s32 $0x1518  }
0x75: {  	[tilespmem:s21], [sflag:$0x2] =	stream.linear.gather [hbm4b:s10+s24], $0xC8, $0x38;
	[tilespmem:$0x1A910] =	vst v63  }
0x76: {  	s10 =	rddreg [dreg:$0x17]  }
0x77: {  	s21 =	rddreg [dreg:$0x18]  }
0x78: {  	[tilespmem:s11], [sflag:$0x2] =	stream.linear.gather [hbm4b:s10+s24], $0xC8, $0x38;
	[tilespmem:$0x1A910] =	vst v63  }
0x79: {  	s10 =	sld [smem:$0x7FB]  }
0x7a: {  	[tilespmem:s23], [sflag:$0x2] =	stream.linear.gather [hbm4b:s21+s24], $0xC8, $0x38;
	[tilespmem:$0x1A910] =	vst v63  }
0x7b: {  	_ = 	snop  }
0x7c: {  	[tilespmem:s12], [sflag:$0x2] =	stream.linear.gather [hbm4b:s10+s24], $0xC8, $0x38;
	[tilespmem:$0x1A910] =	vst v63  }
0x7d: {  	s21 =	rddreg [dreg:$0x19]  }
0x7e: {  	[tilespmem:s14], [sflag:$0x2] =	stream.linear.gather [hbm4b:s21+s24], $0xC8, $0x38;
	[tilespmem:$0x1A910] =	vst v63  }
0x7f: {  	s10 =	rddreg [dreg:$0x1a];
	s21 =	simm.s32 $0x1A900  }
0x80: {  	[tilespmem:s21], [sflag:$0x3] =	stream.linear.gather [hbm4b:s10+s24], $0x10, $0x38;
	[tilespmem:$0x1A910] =	vst v63  }
0x81: {  	_ =	swait.ge [sflag:s13], $0x10  }
0x82: {  	[sflag:s13] =	ssyncset.done $0x0  }
0x83: {  	[sflag:s13] =	ssyncadd.s32 $0xFFFFFFF0  }
0x84: {  	_ =	swait.ge [sflag:s4], $0xC8  }
0x85: {  	[sflag:s4] =	ssyncset.done $0x0  }
0x86: {  	[sflag:s4] =	ssyncadd.s32 $0xFFFFFF38  }
0x87: {  	_ =	swait.ge [sflag:s4], $0xC8  }
0x88: {  	[sflag:s4] =	ssyncset.done $0x0  }
0x89: {  	[sflag:s4] =	ssyncadd.s32 $0xFFFFFF38  }
0x8a: {  	_ =	swait.ge [sflag:s4], $0xC8  }
0x8b: {  	[sflag:s4] =	ssyncset.done $0x0  }
0x8c: {  	[sflag:s4] =	ssyncadd.s32 $0xFFFFFF38  }
0x8d: {  	_ =	swait.ge [sflag:s4], $0xC8  }
0x8e: {  	[sflag:s4] =	ssyncset.done $0x0  }
0x8f: {  	[sflag:s4] =	ssyncadd.s32 $0xFFFFFF38  }
0x90: {  	_ =	swait.ge [sflag:s4], $0xC8  }
0x91: {  	[sflag:s4] =	ssyncset.done $0x0  }
0x92: {  	[sflag:s4] =	ssyncadd.s32 $0xFFFFFF38  }
0x93: {  	_ =	swait.ge [sflag:s4], $0xC8  }
0x94: {  	[sflag:s4] =	ssyncset.done $0x0  }
0x95: {  	[sflag:s4] =	ssyncadd.s32 $0xFFFFFF38  }
0x96: {  	_ =	swait.ge [sflag:s4], $0xC8  }
0x97: {  	[sflag:s4] =	ssyncset.done $0x0  }
0x98: {  	[sflag:s4] =	ssyncadd.s32 $0xFFFFFF38  }
0x99: {  	_ =	swait.ge [sflag:s4], $0xC8  }
0x9a: {  	[sflag:s4] =	ssyncset.done $0x0  }
0x9b: {  	[sflag:s4] =	ssyncadd.s32 $0xFFFFFF38  }
0x9c: {  	_ =	swait.ge [sflag:s4], $0xC8  }
0x9d: {  	[sflag:s4] =	ssyncset.done $0x0  }
0x9e: {  	[sflag:s4] =	ssyncadd.s32 $0xFFFFFF38  }
0x9f: {  	_ =	swait.ge [sflag:s4], $0xC8  }
0xa0: {  	[sflag:s4] =	ssyncset.done $0x0  }
0xa1: {  	[sflag:s4] =	ssyncadd.s32 $0xFFFFFF38  }
0xa2: {  	_ =	swait.ge [sflag:s4], $0xC8  }
0xa3: {  	[sflag:s4] =	ssyncset.done $0x0  }
0xa4: {  	[sflag:s4] =	ssyncadd.s32 $0xFFFFFF38  }
0xa5: {  	_ =	swait.ge [sflag:s4], $0xC8  }
0xa6: {  	[sflag:s4] =	ssyncset.done $0x0  }
0xa7: {  	[sflag:s4] =	ssyncadd.s32 $0xFFFFFF38  }
0xa8: {  	_ =	swait.ge [sflag:s4], $0xC8  }
0xa9: {  	[sflag:s4] =	ssyncset.done $0x0  }
0xaa: {  	[sflag:s4] =	ssyncadd.s32 $0xFFFFFF38  }
0xab: {  	_ =	swait.ge [sflag:s4], $0xC8  }
0xac: {  	[sflag:s4] =	ssyncset.done $0x0  }
0xad: {  	[sflag:s4] =	ssyncadd.s32 $0xFFFFFF38  }
0xae: {  	_ =	swait.ge [sflag:s4], $0xC8  }
0xaf: {  	[sflag:s4] =	ssyncset.done $0x0  }
0xb0: {  	[sflag:s4] =	ssyncadd.s32 $0xFFFFFF38  }
0xb1: {  	_ =	swait.ge [sflag:s4], $0xC8  }
0xb2: {  	[sflag:s4] =	ssyncset.done $0x0  }
0xb3: {  	[sflag:s4] =	ssyncadd.s32 $0xFFFFFF38  }
0xb4: {  	_ =	swait.ge [sflag:s4], $0xC8  }
0xb5: {  	[sflag:s4] =	ssyncset.done $0x0  }
0xb6: {  	[sflag:s4] =	ssyncadd.s32 $0xFFFFFF38  }
0xb7: {  	_ =	swait.ge [sflag:s4], $0xC8  }
0xb8: {  	[sflag:s4] =	ssyncset.done $0x0  }
0xb9: {  	[sflag:s4] =	ssyncadd.s32 $0xFFFFFF38  }
0xba: {  	_ =	swait.ge [sflag:s4], $0xC8  }
0xbb: {  	[sflag:s4] =	ssyncset.done $0x0  }
0xbc: {  	[sflag:s4] =	ssyncadd.s32 $0xFFFFFF38  }
0xbd: {  	_ =	swait.ge [sflag:s4], $0xC8  }
0xbe: {  	[sflag:s4] =	ssyncset.done $0x0  }
0xbf: {  	[sflag:s4] =	ssyncadd.s32 $0xFFFFFF38  }
0xc0: {  	_ =	swait.ge [sflag:s4], $0xC8  }
0xc1: {  	[sflag:s4] =	ssyncset.done $0x0  }
0xc2: {  	[sflag:s4] =	ssyncadd.s32 $0xFFFFFF38  }
0xc3: {  	_ =	swait.ge [sflag:s4], $0xC8  }
0xc4: {  	[sflag:s4] =	ssyncset.done $0x0  }
0xc5: {  	[sflag:s4] =	ssyncadd.s32 $0xFFFFFF38  }
0xc6: {  	_ =	swait.ge [sflag:s4], $0xC8  }
0xc7: {  	[sflag:s4] =	ssyncset.done $0x0  }
0xc8: {  	[sflag:s4] =	ssyncadd.s32 $0xFFFFFF38  }
0xc9: {  	_ =	swait.ge [sflag:s4], $0xC8  }
0xca: {  	[sflag:s4] =	ssyncset.done $0x0  }
0xcb: {  	[sflag:s4] =	ssyncadd.s32 $0xFFFFFF38  }
0xcc: {  	_ =	swait.ge [sflag:s4], $0xC8  }
0xcd: {  	[sflag:s4] =	ssyncset.done $0x0  }
0xce: {  	[sflag:s4] =	ssyncadd.s32 $0xFFFFFF38  }
0xcf: {  	_ =	swait.ge [sflag:s4], $0xC8  }
0xd0: {  	[sflag:s4] =	ssyncset.done $0x0  }
0xd1: {  	[sflag:s4] =	ssyncadd.s32 $0xFFFFFF38  }
0xd2: {  	_ =	swait.ge [sflag:s4], $0xC8  }
0xd3: {  	[sflag:s4] =	ssyncset.done $0x0  }
0xd4: {  	[sflag:s4] =	ssyncadd.s32 $0xFFFFFF38  }
0xd5: {  	_ =	swait.ge [sflag:s4], $0xC8  }
0xd6: {  	[sflag:s4] =	ssyncset.done $0x0  }
0xd7: {  	[sflag:s4] =	ssyncadd.s32 $0xFFFFFF38  }
0xd8: {  	_ =	swait.ge [sflag:s4], $0xC8  }
0xd9: {  	[sflag:s4] =	ssyncset.done $0x0  }
0xda: {  	[sflag:s4] =	ssyncadd.s32 $0xFFFFFF38  }
0xdb: {  	_ =	swait.ge [sflag:s4], $0xC8  }
0xdc: {  	[sflag:s4] =	ssyncset.done $0x0  }
0xdd: {  	[sflag:s4] =	ssyncadd.s32 $0xFFFFFF38  }
0xde: {  	_ =	swait.ge [sflag:s4], $0xC8  }
0xdf: {  	[sflag:s4] =	ssyncset.done $0x0  }
0xe0: {  	[sflag:s4] =	ssyncadd.s32 $0xFFFFFF38  }
0xe1: {  	_ =	swait.ge [sflag:s4], $0xC8  }
0xe2: {  	[sflag:s4] =	ssyncset.done $0x0  }
0xe3: {  	v2 =	vor.u32 s24, v0;
	[sflag:s4] =	ssyncadd.s32 $0xFFFFFF38  }
0xe4: {  	v3 =	vmulhi.u32 $0x51EB851F, v2;
	v1 =	vld [tilespmem:$0x1A900]  }
0xe5: {  	v4 =	vld [tilespmem:s24+$0x0]  }
0xe6: {  	v3 =	vshrl.u32 v3, $0x6  }
0xe7: {  	v3 =	vmul.u32 $0xC8, v3;
	_ =	sdelay $0x1  }
0xe8: {  	v2 =	vsub.s32 v2, v3  }
0xe9: {  	s21 =	simm.s32 $0x10;
	vm0 =	vlt.s32 v2, v1;
	v3 =	vadd.s32 $0x1, v4  }
0xea: {  	s9 =	simm.s32 $0x0;
	v2 =	vor.u32 s21, v0;
	s21 =	simm.s32 $0x20;
	v3 =	vnsel vm0, $0x0, v3  }
.LBB2_2:
0xeb: {  	p0 =	sne.s32 s21, $0x18F0;
	v4 =	vmulhi.u32 $0x51EB851F, v2;
	[tilespmem:s9+$0x0] =	vst v3;
	s9 =	sadd.s32 $0x10, s9  }
0xec: {  	v3 =	vld [tilespmem:s9+$0x0]  }
0xed: {  	v4 =	vshrl.u32 v4, $0x6  }
.Ltmp0:
0xee: {  	v4 =	vmul.u32 $0xC8, v4;
	(pc) =	sbr.rel @p0 .LBB2_2-.Ltmp0, $4  }
0xef: {  	_ = 	snop  }
0xf0: {  	v2 =	vsub.s32 v2, v4  }
0xf1: {  	vm0 =	vlt.s32 v2, v1;
	v3 =	vadd.s32 $0x1, v3  }
0xf2: {  	v2 =	vor.u32 s21, v0;
	s21 =	sadd.s32 $0x10, s21;
	v3 =	vnsel vm0, $0x0, v3  }
0xf3: {  	v4 =	vmulhi.u32 $0x51EB851F, v2;
	[tilespmem:s9+$0x0] =	vst v3;
	s21 =	sadd.s32 $0x10, s9  }
0xf4: {  	v3 =	vld [tilespmem:s21+$0x0]  }
0xf5: {  	v4 =	vshrl.u32 v4, $0x6  }
0xf6: {  	v4 =	vmul.u32 $0xC8, v4;
	_ =	sdelay $0x1  }
0xf7: {  	v2 =	vsub.s32 v2, v4  }
0xf8: {  	vm0 =	vlt.s32 v2, v1;
	v1 =	vadd.s32 $0x1, v3  }
0xf9: {  	v1 =	vnsel vm0, $0x0, v1  }
0xfa: {  	s10 =	simm.s32 $0x0;
	s9 =	simm.s32 $0x1900;
	[tilespmem:s21+$0x0] =	vst v1  }
0xfb: {  	[tilespmem:s9], [sflag:$0x1] =	stream.indirect.gather [hbm4b:s3+s15], $0x80, s10, s15, $0xb8;
	[tilespmem:$0x1A910] =	vst v63  }
0xfc: {  	_ = 	snop  }
0xfd: {  	[tilespmem:s16], [sflag:$0x1] =	stream.indirect.gather [hbm4b:s3+s5], $0x80, s15, s5, $0xb8;
	[tilespmem:$0x1A910] =	vst v63  }
0xfe: {  	_ = 	snop  }
0xff: {  	[tilespmem:s6], [sflag:$0x1] =	stream.indirect.gather [hbm4b:s3+s15], $0x80, s22, s15, $0xb8;
	[tilespmem:$0x1A910] =	vst v63  }
0x100: {  	s22 =	simm.s32 $0x148  }
0x101: {  	[tilespmem:s17], [sflag:$0x1] =	stream.indirect.gather [hbm4b:s3+s5], $0x80, s22, s5, $0xb8;
	[tilespmem:$0x1A910] =	vst v63  }
0x102: {  	s21 =	simm.s32 $0x190  }
0x103: {  	[tilespmem:s7], [sflag:$0x1] =	stream.indirect.gather [hbm4b:s3+s15], $0x80, s21, s15, $0xb8;
	[tilespmem:$0x1A910] =	vst v63  }
0x104: {  	s22 =	simm.s32 $0x210  }
0x105: {  	[tilespmem:s18], [sflag:$0x1] =	stream.indirect.gather [hbm4b:s3+s5], $0x80, s22, s5, $0xb8;
	[tilespmem:$0x1A910] =	vst v63  }
0x106: {  	s21 =	simm.s32 $0x258  }
0x107: {  	[tilespmem:s8], [sflag:$0x1] =	stream.indirect.gather [hbm4b:s3+s15], $0x80, s21, s15, $0xb8;
	[tilespmem:$0x1A910] =	vst v63  }
0x108: {  	s22 =	simm.s32 $0x2D8  }
0x109: {  	[tilespmem:s19], [sflag:$0x1] =	stream.indirect.gather [hbm4b:s3+s5], $0x80, s22, s5, $0xb8;
	[tilespmem:$0x1A910] =	vst v63  }
0x10a: {  	_ =	swait.ge [sflag:s1], $0x4000  }
0x10b: {  	[sflag:s1] =	ssyncset.done $0x0  }
0x10c: {  	[sflag:s1] =	ssyncadd.s32 $0xFFFFC000  }
0x10d: {  	_ =	swait.ge [sflag:s1], $0x2400  }
0x10e: {  	[sflag:s1] =	ssyncset.done $0x0  }
0x10f: {  	[sflag:s1] =	ssyncadd.s32 $0xFFFFDC00  }
0x110: {  	_ =	swait.ge [sflag:s1], $0x4000  }
0x111: {  	[sflag:s1] =	ssyncset.done $0x0  }
0x112: {  	[sflag:s1] =	ssyncadd.s32 $0xFFFFC000  }
0x113: {  	_ =	swait.ge [sflag:s1], $0x2400  }
0x114: {  	[sflag:s1] =	ssyncset.done $0x0  }
0x115: {  	[sflag:s1] =	ssyncadd.s32 $0xFFFFDC00  }
0x116: {  	_ =	swait.ge [sflag:s1], $0x4000  }
0x117: {  	[sflag:s1] =	ssyncset.done $0x0  }
0x118: {  	[sflag:s1] =	ssyncadd.s32 $0xFFFFC000  }
0x119: {  	_ =	swait.ge [sflag:s1], $0x2400  }
0x11a: {  	[sflag:s1] =	ssyncset.done $0x0  }
0x11b: {  	[sflag:s1] =	ssyncadd.s32 $0xFFFFDC00  }
0x11c: {  	_ =	swait.ge [sflag:s1], $0x4000  }
0x11d: {  	[sflag:s1] =	ssyncset.done $0x0  }
0x11e: {  	[sflag:s1] =	ssyncadd.s32 $0xFFFFC000  }
0x11f: {  	_ =	swait.ge [sflag:s1], $0x2400  }
0x120: {  	s10 =	simm.s32 $0x1980;
	[sflag:s1] =	ssyncset.done $0x0  }
0x121: {  	s21 =	simm.s32 $0x8;
	s22 =	sadd.s32 $0x0, s25;
	[sflag:s1] =	ssyncadd.s32 $0xFFFFDC00  }
.LBB2_4:
0x122: {  	[hbm4b:s22+s24] =	stream.linear.scatter [tilespmem:s9], [sflag:$0x3], $0x40, $0x38;
	[tilespmem:$0x1A910] =	vst v63  }
0x123: {  	s22 =	smov.u32 s21;
	s9 =	smov.u32 s10;
	p0 =	sne.s32 s21, $0x18F8  }
.Ltmp1:
0x124: {  	s21 =	sadd.s32 $0x8, s21;
	(pc) =	sbr.rel @p0 .LBB2_4-.Ltmp1, $2  }
0x125: {  	_ =	sdelay $0x2  }
0x126: {  	s10 =	sadd.s32 $0x80, s10;
	s22 =	sadd.s32 s22, s25  }
0x127: {  	[hbm4b:s22+s24] =	stream.linear.scatter [tilespmem:s9], [sflag:$0x3], $0x40, $0x38;
	[tilespmem:$0x1A910] =	vst v63  }
0x128: {  	_ =	swait.ge [sflag:s13], $0xC800  }
0x129: {  	[sflag:s13] =	ssyncset.done $0x0  }
0x12a: {  	s9 =	simm.s32 $0x1900;
	s10 =	simm.s32 $0x320;
	[sflag:s13] =	ssyncadd.s32 $0xFFFF3800  }
0x12b: {  	[tilespmem:s9], [sflag:$0x1] =	stream.indirect.gather [hbm4b:s3+s15], $0x80, s10, s15, $0xb8;
	[tilespmem:$0x1A910] =	vst v63  }
0x12c: {  	s22 =	simm.s32 $0x3A0  }
0x12d: {  	[tilespmem:s16], [sflag:$0x1] =	stream.indirect.gather [hbm4b:s3+s5], $0x80, s22, s5, $0xb8;
	[tilespmem:$0x1A910] =	vst v63  }
0x12e: {  	s21 =	simm.s32 $0x3E8  }
0x12f: {  	[tilespmem:s6], [sflag:$0x1] =	stream.indirect.gather [hbm4b:s3+s15], $0x80, s21, s15, $0xb8;
	[tilespmem:$0x1A910] =	vst v63  }
0x130: {  	s22 =	simm.s32 $0x468  }
0x131: {  	[tilespmem:s17], [sflag:$0x1] =	stream.indirect.gather [hbm4b:s3+s5], $0x80, s22, s5, $0xb8;
	[tilespmem:$0x1A910] =	vst v63  }
0x132: {  	s21 =	simm.s32 $0x4B0  }
0x133: {  	[tilespmem:s7], [sflag:$0x1] =	stream.indirect.gather [hbm4b:s3+s15], $0x80, s21, s15, $0xb8;
	[tilespmem:$0x1A910] =	vst v63  }
0x134: {  	s22 =	simm.s32 $0x530  }
0x135: {  	[tilespmem:s18], [sflag:$0x1] =	stream.indirect.gather [hbm4b:s3+s5], $0x80, s22, s5, $0xb8;
	[tilespmem:$0x1A910] =	vst v63  }
0x136: {  	s21 =	simm.s32 $0x578  }
0x137: {  	[tilespmem:s8], [sflag:$0x1] =	stream.indirect.gather [hbm4b:s3+s15], $0x80, s21, s15, $0xb8;
	[tilespmem:$0x1A910] =	vst v63  }
0x138: {  	s22 =	simm.s32 $0x5F8  }
0x139: {  	[tilespmem:s19], [sflag:$0x1] =	stream.indirect.gather [hbm4b:s3+s5], $0x80, s22, s5, $0xb8;
	[tilespmem:$0x1A910] =	vst v63  }
0x13a: {  	_ =	swait.ge [sflag:s1], $0x4000  }
0x13b: {  	[sflag:s1] =	ssyncset.done $0x0  }
0x13c: {  	[sflag:s1] =	ssyncadd.s32 $0xFFFFC000  }
0x13d: {  	_ =	swait.ge [sflag:s1], $0x2400  }
0x13e: {  	[sflag:s1] =	ssyncset.done $0x0  }
0x13f: {  	[sflag:s1] =	ssyncadd.s32 $0xFFFFDC00  }
0x140: {  	_ =	swait.ge [sflag:s1], $0x4000  }
0x141: {  	[sflag:s1] =	ssyncset.done $0x0  }
0x142: {  	[sflag:s1] =	ssyncadd.s32 $0xFFFFC000  }
0x143: {  	_ =	swait.ge [sflag:s1], $0x2400  }
0x144: {  	[sflag:s1] =	ssyncset.done $0x0  }
0x145: {  	[sflag:s1] =	ssyncadd.s32 $0xFFFFDC00  }
0x146: {  	_ =	swait.ge [sflag:s1], $0x4000  }
0x147: {  	[sflag:s1] =	ssyncset.done $0x0  }
0x148: {  	[sflag:s1] =	ssyncadd.s32 $0xFFFFC000  }
0x149: {  	_ =	swait.ge [sflag:s1], $0x2400  }
0x14a: {  	[sflag:s1] =	ssyncset.done $0x0  }
0x14b: {  	[sflag:s1] =	ssyncadd.s32 $0xFFFFDC00  }
0x14c: {  	_ =	swait.ge [sflag:s1], $0x4000  }
0x14d: {  	[sflag:s1] =	ssyncset.done $0x0  }
0x14e: {  	[sflag:s1] =	ssyncadd.s32 $0xFFFFC000  }
0x14f: {  	_ =	swait.ge [sflag:s1], $0x2400  }
0x150: {  	s10 =	simm.s32 $0x1980;
	[sflag:s1] =	ssyncset.done $0x0  }
0x151: {  	s21 =	simm.s32 $0x8;
	s22 =	sadd.s32 $0x0, s26;
	[sflag:s1] =	ssyncadd.s32 $0xFFFFDC00  }
.LBB2_6:
0x152: {  	[hbm4b:s22+s24] =	stream.linear.scatter [tilespmem:s9], [sflag:$0x3], $0x40, $0x38;
	[tilespmem:$0x1A910] =	vst v63  }
0x153: {  	s22 =	smov.u32 s21;
	s9 =	smov.u32 s10;
	p0 =	sne.s32 s21, $0x18F8  }
.Ltmp2:
0x154: {  	s21 =	sadd.s32 $0x8, s21;
	(pc) =	sbr.rel @p0 .LBB2_6-.Ltmp2, $2  }
0x155: {  	_ =	sdelay $0x2  }
0x156: {  	s10 =	sadd.s32 $0x80, s10;
	s22 =	sadd.s32 s22, s26  }
0x157: {  	[hbm4b:s22+s24] =	stream.linear.scatter [tilespmem:s9], [sflag:$0x3], $0x40, $0x38;
	[tilespmem:$0x1A910] =	vst v63  }
0x158: {  	_ =	swait.ge [sflag:s13], $0xC800  }
0x159: {  	[sflag:s13] =	ssyncset.done $0x0  }
0x15a: {  	s9 =	simm.s32 $0x1900;
	s10 =	simm.s32 $0x640;
	[sflag:s13] =	ssyncadd.s32 $0xFFFF3800  }
0x15b: {  	[tilespmem:s9], [sflag:$0x1] =	stream.indirect.gather [hbm4b:s3+s15], $0x80, s10, s15, $0xb8;
	[tilespmem:$0x1A910] =	vst v63  }
0x15c: {  	s22 =	simm.s32 $0x6C0  }
0x15d: {  	[tilespmem:s16], [sflag:$0x1] =	stream.indirect.gather [hbm4b:s3+s5], $0x80, s22, s5, $0xb8;
	[tilespmem:$0x1A910] =	vst v63  }
0x15e: {  	s21 =	simm.s32 $0x708  }
0x15f: {  	[tilespmem:s6], [sflag:$0x1] =	stream.indirect.gather [hbm4b:s3+s15], $0x80, s21, s15, $0xb8;
	[tilespmem:$0x1A910] =	vst v63  }
0x160: {  	s22 =	simm.s32 $0x788  }
0x161: {  	[tilespmem:s17], [sflag:$0x1] =	stream.indirect.gather [hbm4b:s3+s5], $0x80, s22, s5, $0xb8;
	[tilespmem:$0x1A910] =	vst v63  }
0x162: {  	s21 =	simm.s32 $0x7D0  }
0x163: {  	[tilespmem:s7], [sflag:$0x1] =	stream.indirect.gather [hbm4b:s3+s15], $0x80, s21, s15, $0xb8;
	[tilespmem:$0x1A910] =	vst v63  }
0x164: {  	s22 =	simm.s32 $0x850  }
0x165: {  	[tilespmem:s18], [sflag:$0x1] =	stream.indirect.gather [hbm4b:s3+s5], $0x80, s22, s5, $0xb8;
	[tilespmem:$0x1A910] =	vst v63  }
0x166: {  	s21 =	simm.s32 $0x898  }
0x167: {  	[tilespmem:s8], [sflag:$0x1] =	stream.indirect.gather [hbm4b:s3+s15], $0x80, s21, s15, $0xb8;
	[tilespmem:$0x1A910] =	vst v63  }
0x168: {  	s22 =	simm.s32 $0x918  }
0x169: {  	[tilespmem:s19], [sflag:$0x1] =	stream.indirect.gather [hbm4b:s3+s5], $0x80, s22, s5, $0xb8;
	[tilespmem:$0x1A910] =	vst v63  }
0x16a: {  	_ =	swait.ge [sflag:s1], $0x4000  }
0x16b: {  	[sflag:s1] =	ssyncset.done $0x0  }
0x16c: {  	[sflag:s1] =	ssyncadd.s32 $0xFFFFC000  }
0x16d: {  	_ =	swait.ge [sflag:s1], $0x2400  }
0x16e: {  	[sflag:s1] =	ssyncset.done $0x0  }
0x16f: {  	[sflag:s1] =	ssyncadd.s32 $0xFFFFDC00  }
0x170: {  	_ =	swait.ge [sflag:s1], $0x4000  }
0x171: {  	[sflag:s1] =	ssyncset.done $0x0  }
0x172: {  	[sflag:s1] =	ssyncadd.s32 $0xFFFFC000  }
0x173: {  	_ =	swait.ge [sflag:s1], $0x2400  }
0x174: {  	[sflag:s1] =	ssyncset.done $0x0  }
0x175: {  	[sflag:s1] =	ssyncadd.s32 $0xFFFFDC00  }
0x176: {  	_ =	swait.ge [sflag:s1], $0x4000  }
0x177: {  	[sflag:s1] =	ssyncset.done $0x0  }
0x178: {  	[sflag:s1] =	ssyncadd.s32 $0xFFFFC000  }
0x179: {  	_ =	swait.ge [sflag:s1], $0x2400  }
0x17a: {  	[sflag:s1] =	ssyncset.done $0x0  }
0x17b: {  	[sflag:s1] =	ssyncadd.s32 $0xFFFFDC00  }
0x17c: {  	_ =	swait.ge [sflag:s1], $0x4000  }
0x17d: {  	[sflag:s1] =	ssyncset.done $0x0  }
0x17e: {  	[sflag:s1] =	ssyncadd.s32 $0xFFFFC000  }
0x17f: {  	_ =	swait.ge [sflag:s1], $0x2400  }
0x180: {  	s10 =	simm.s32 $0x1980;
	[sflag:s1] =	ssyncset.done $0x0  }
0x181: {  	s21 =	simm.s32 $0x8;
	s22 =	sadd.s32 $0x0, s28;
	[sflag:s1] =	ssyncadd.s32 $0xFFFFDC00  }
.LBB2_8:
0x182: {  	[hbm4b:s22+s24] =	stream.linear.scatter [tilespmem:s9], [sflag:$0x3], $0x40, $0x38;
	[tilespmem:$0x1A910] =	vst v63  }
0x183: {  	s22 =	smov.u32 s21;
	s9 =	smov.u32 s10;
	p0 =	sne.s32 s21, $0x18F8  }
.Ltmp3:
0x184: {  	s21 =	sadd.s32 $0x8, s21;
	(pc) =	sbr.rel @p0 .LBB2_8-.Ltmp3, $2  }
0x185: {  	_ =	sdelay $0x2  }
0x186: {  	s10 =	sadd.s32 $0x80, s10;
	s22 =	sadd.s32 s22, s28  }
0x187: {  	[hbm4b:s22+s24] =	stream.linear.scatter [tilespmem:s9], [sflag:$0x3], $0x40, $0x38;
	[tilespmem:$0x1A910] =	vst v63  }
0x188: {  	_ =	swait.ge [sflag:s13], $0xC800  }
0x189: {  	[sflag:s13] =	ssyncset.done $0x0  }
0x18a: {  	s9 =	simm.s32 $0x1900;
	s10 =	simm.s32 $0x960;
	[sflag:s13] =	ssyncadd.s32 $0xFFFF3800  }
0x18b: {  	[tilespmem:s9], [sflag:$0x1] =	stream.indirect.gather [hbm4b:s3+s15], $0x80, s10, s15, $0xb8;
	[tilespmem:$0x1A910] =	vst v63  }
0x18c: {  	s22 =	simm.s32 $0x9E0  }
0x18d: {  	[tilespmem:s16], [sflag:$0x1] =	stream.indirect.gather [hbm4b:s3+s5], $0x80, s22, s5, $0xb8;
	[tilespmem:$0x1A910] =	vst v63  }
0x18e: {  	s21 =	simm.s32 $0xA28  }
0x18f: {  	[tilespmem:s6], [sflag:$0x1] =	stream.indirect.gather [hbm4b:s3+s15], $0x80, s21, s15, $0xb8;
	[tilespmem:$0x1A910] =	vst v63  }
0x190: {  	s22 =	simm.s32 $0xAA8  }
0x191: {  	[tilespmem:s17], [sflag:$0x1] =	stream.indirect.gather [hbm4b:s3+s5], $0x80, s22, s5, $0xb8;
	[tilespmem:$0x1A910] =	vst v63  }
0x192: {  	s21 =	simm.s32 $0xAF0  }
0x193: {  	[tilespmem:s7], [sflag:$0x1] =	stream.indirect.gather [hbm4b:s3+s15], $0x80, s21, s15, $0xb8;
	[tilespmem:$0x1A910] =	vst v63  }
0x194: {  	s22 =	simm.s32 $0xB70  }
0x195: {  	[tilespmem:s18], [sflag:$0x1] =	stream.indirect.gather [hbm4b:s3+s5], $0x80, s22, s5, $0xb8;
	[tilespmem:$0x1A910] =	vst v63  }
0x196: {  	s21 =	simm.s32 $0xBB8  }
0x197: {  	[tilespmem:s8], [sflag:$0x1] =	stream.indirect.gather [hbm4b:s3+s15], $0x80, s21, s15, $0xb8;
	[tilespmem:$0x1A910] =	vst v63  }
0x198: {  	s22 =	simm.s32 $0xC38  }
0x199: {  	[tilespmem:s19], [sflag:$0x1] =	stream.indirect.gather [hbm4b:s3+s5], $0x80, s22, s5, $0xb8;
	[tilespmem:$0x1A910] =	vst v63  }
0x19a: {  	_ =	swait.ge [sflag:s1], $0x4000  }
0x19b: {  	[sflag:s1] =	ssyncset.done $0x0  }
0x19c: {  	[sflag:s1] =	ssyncadd.s32 $0xFFFFC000  }
0x19d: {  	_ =	swait.ge [sflag:s1], $0x2400  }
0x19e: {  	[sflag:s1] =	ssyncset.done $0x0  }
0x19f: {  	[sflag:s1] =	ssyncadd.s32 $0xFFFFDC00  }
0x1a0: {  	_ =	swait.ge [sflag:s1], $0x4000  }
0x1a1: {  	[sflag:s1] =	ssyncset.done $0x0  }
0x1a2: {  	[sflag:s1] =	ssyncadd.s32 $0xFFFFC000  }
0x1a3: {  	_ =	swait.ge [sflag:s1], $0x2400  }
0x1a4: {  	[sflag:s1] =	ssyncset.done $0x0  }
0x1a5: {  	[sflag:s1] =	ssyncadd.s32 $0xFFFFDC00  }
0x1a6: {  	_ =	swait.ge [sflag:s1], $0x4000  }
0x1a7: {  	[sflag:s1] =	ssyncset.done $0x0  }
0x1a8: {  	[sflag:s1] =	ssyncadd.s32 $0xFFFFC000  }
0x1a9: {  	_ =	swait.ge [sflag:s1], $0x2400  }
0x1aa: {  	[sflag:s1] =	ssyncset.done $0x0  }
0x1ab: {  	[sflag:s1] =	ssyncadd.s32 $0xFFFFDC00  }
0x1ac: {  	_ =	swait.ge [sflag:s1], $0x4000  }
0x1ad: {  	[sflag:s1] =	ssyncset.done $0x0  }
0x1ae: {  	[sflag:s1] =	ssyncadd.s32 $0xFFFFC000  }
0x1af: {  	_ =	swait.ge [sflag:s1], $0x2400  }
0x1b0: {  	s10 =	simm.s32 $0x1980;
	[sflag:s1] =	ssyncset.done $0x0  }
0x1b1: {  	s21 =	simm.s32 $0x8;
	s22 =	sadd.s32 $0x0, s30;
	[sflag:s1] =	ssyncadd.s32 $0xFFFFDC00  }
.LBB2_10:
0x1b2: {  	[hbm4b:s22+s24] =	stream.linear.scatter [tilespmem:s9], [sflag:$0x3], $0x40, $0x38;
	[tilespmem:$0x1A910] =	vst v63  }
0x1b3: {  	s22 =	smov.u32 s21;
	s9 =	smov.u32 s10;
	p0 =	sne.s32 s21, $0x18F8  }
.Ltmp4:
0x1b4: {  	s21 =	sadd.s32 $0x8, s21;
	(pc) =	sbr.rel @p0 .LBB2_10-.Ltmp4, $2  }
0x1b5: {  	_ =	sdelay $0x2  }
0x1b6: {  	s10 =	sadd.s32 $0x80, s10;
	s22 =	sadd.s32 s22, s30  }
0x1b7: {  	[hbm4b:s22+s24] =	stream.linear.scatter [tilespmem:s9], [sflag:$0x3], $0x40, $0x38;
	[tilespmem:$0x1A910] =	vst v63  }
0x1b8: {  	_ =	swait.ge [sflag:s13], $0xC800  }
0x1b9: {  	[sflag:s13] =	ssyncset.done $0x0  }
0x1ba: {  	s9 =	simm.s32 $0x1900;
	s10 =	simm.s32 $0xC80;
	[sflag:s13] =	ssyncadd.s32 $0xFFFF3800  }
0x1bb: {  	[tilespmem:s9], [sflag:$0x1] =	stream.indirect.gather [hbm4b:s3+s15], $0x80, s10, s15, $0xb8;
	[tilespmem:$0x1A910] =	vst v63  }
0x1bc: {  	s22 =	simm.s32 $0xD00  }
0x1bd: {  	[tilespmem:s16], [sflag:$0x1] =	stream.indirect.gather [hbm4b:s3+s5], $0x80, s22, s5, $0xb8;
	[tilespmem:$0x1A910] =	vst v63  }
0x1be: {  	s21 =	simm.s32 $0xD48  }
0x1bf: {  	[tilespmem:s6], [sflag:$0x1] =	stream.indirect.gather [hbm4b:s3+s15], $0x80, s21, s15, $0xb8;
	[tilespmem:$0x1A910] =	vst v63  }
0x1c0: {  	s22 =	simm.s32 $0xDC8  }
0x1c1: {  	[tilespmem:s17], [sflag:$0x1] =	stream.indirect.gather [hbm4b:s3+s5], $0x80, s22, s5, $0xb8;
	[tilespmem:$0x1A910] =	vst v63  }
0x1c2: {  	s21 =	simm.s32 $0xE10  }
0x1c3: {  	[tilespmem:s7], [sflag:$0x1] =	stream.indirect.gather [hbm4b:s3+s15], $0x80, s21, s15, $0xb8;
	[tilespmem:$0x1A910] =	vst v63  }
0x1c4: {  	s22 =	simm.s32 $0xE90  }
0x1c5: {  	[tilespmem:s18], [sflag:$0x1] =	stream.indirect.gather [hbm4b:s3+s5], $0x80, s22, s5, $0xb8;
	[tilespmem:$0x1A910] =	vst v63  }
0x1c6: {  	s21 =	simm.s32 $0xED8  }
0x1c7: {  	[tilespmem:s8], [sflag:$0x1] =	stream.indirect.gather [hbm4b:s3+s15], $0x80, s21, s15, $0xb8;
	[tilespmem:$0x1A910] =	vst v63  }
0x1c8: {  	s22 =	simm.s32 $0xF58  }
0x1c9: {  	[tilespmem:s19], [sflag:$0x1] =	stream.indirect.gather [hbm4b:s3+s5], $0x80, s22, s5, $0xb8;
	[tilespmem:$0x1A910] =	vst v63  }
0x1ca: {  	_ =	swait.ge [sflag:s1], $0x4000  }
0x1cb: {  	[sflag:s1] =	ssyncset.done $0x0  }
0x1cc: {  	[sflag:s1] =	ssyncadd.s32 $0xFFFFC000  }
0x1cd: {  	_ =	swait.ge [sflag:s1], $0x2400  }
0x1ce: {  	[sflag:s1] =	ssyncset.done $0x0  }
0x1cf: {  	[sflag:s1] =	ssyncadd.s32 $0xFFFFDC00  }
0x1d0: {  	_ =	swait.ge [sflag:s1], $0x4000  }
0x1d1: {  	[sflag:s1] =	ssyncset.done $0x0  }
0x1d2: {  	[sflag:s1] =	ssyncadd.s32 $0xFFFFC000  }
0x1d3: {  	_ =	swait.ge [sflag:s1], $0x2400  }
0x1d4: {  	[sflag:s1] =	ssyncset.done $0x0  }
0x1d5: {  	[sflag:s1] =	ssyncadd.s32 $0xFFFFDC00  }
0x1d6: {  	_ =	swait.ge [sflag:s1], $0x4000  }
0x1d7: {  	[sflag:s1] =	ssyncset.done $0x0  }
0x1d8: {  	[sflag:s1] =	ssyncadd.s32 $0xFFFFC000  }
0x1d9: {  	_ =	swait.ge [sflag:s1], $0x2400  }
0x1da: {  	[sflag:s1] =	ssyncset.done $0x0  }
0x1db: {  	[sflag:s1] =	ssyncadd.s32 $0xFFFFDC00  }
0x1dc: {  	_ =	swait.ge [sflag:s1], $0x4000  }
0x1dd: {  	[sflag:s1] =	ssyncset.done $0x0  }
0x1de: {  	[sflag:s1] =	ssyncadd.s32 $0xFFFFC000  }
0x1df: {  	_ =	swait.ge [sflag:s1], $0x2400  }
0x1e0: {  	s10 =	simm.s32 $0x1980;
	[sflag:s1] =	ssyncset.done $0x0  }
0x1e1: {  	s21 =	simm.s32 $0x8;
	s22 =	sadd.s32 $0x0, s31;
	[sflag:s1] =	ssyncadd.s32 $0xFFFFDC00  }
.LBB2_12:
0x1e2: {  	[hbm4b:s22+s24] =	stream.linear.scatter [tilespmem:s9], [sflag:$0x3], $0x40, $0x38;
	[tilespmem:$0x1A910] =	vst v63  }
0x1e3: {  	s22 =	smov.u32 s21;
	s9 =	smov.u32 s10;
	p0 =	sne.s32 s21, $0x18F8  }
.Ltmp5:
0x1e4: {  	s21 =	sadd.s32 $0x8, s21;
	(pc) =	sbr.rel @p0 .LBB2_12-.Ltmp5, $2  }
0x1e5: {  	_ =	sdelay $0x2  }
0x1e6: {  	s10 =	sadd.s32 $0x80, s10;
	s22 =	sadd.s32 s22, s31  }
0x1e7: {  	[hbm4b:s22+s24] =	stream.linear.scatter [tilespmem:s9], [sflag:$0x3], $0x40, $0x38;
	[tilespmem:$0x1A910] =	vst v63  }
0x1e8: {  	_ =	swait.ge [sflag:s13], $0xC800  }
0x1e9: {  	[sflag:s13] =	ssyncset.done $0x0  }
0x1ea: {  	s9 =	simm.s32 $0x1900;
	s10 =	simm.s32 $0xFA0;
	[sflag:s13] =	ssyncadd.s32 $0xFFFF3800  }
0x1eb: {  	[tilespmem:s9], [sflag:$0x1] =	stream.indirect.gather [hbm4b:s3+s15], $0x80, s10, s15, $0xb8;
	[tilespmem:$0x1A910] =	vst v63  }
0x1ec: {  	s22 =	simm.s32 $0x1020  }
0x1ed: {  	[tilespmem:s16], [sflag:$0x1] =	stream.indirect.gather [hbm4b:s3+s5], $0x80, s22, s5, $0xb8;
	[tilespmem:$0x1A910] =	vst v63  }
0x1ee: {  	s21 =	simm.s32 $0x1068  }
0x1ef: {  	[tilespmem:s6], [sflag:$0x1] =	stream.indirect.gather [hbm4b:s3+s15], $0x80, s21, s15, $0xb8;
	[tilespmem:$0x1A910] =	vst v63  }
0x1f0: {  	s22 =	simm.s32 $0x10E8  }
0x1f1: {  	[tilespmem:s17], [sflag:$0x1] =	stream.indirect.gather [hbm4b:s3+s5], $0x80, s22, s5, $0xb8;
	[tilespmem:$0x1A910] =	vst v63  }
0x1f2: {  	s21 =	simm.s32 $0x1130  }
0x1f3: {  	[tilespmem:s7], [sflag:$0x1] =	stream.indirect.gather [hbm4b:s3+s15], $0x80, s21, s15, $0xb8;
	[tilespmem:$0x1A910] =	vst v63  }
0x1f4: {  	s22 =	simm.s32 $0x11B0  }
0x1f5: {  	[tilespmem:s18], [sflag:$0x1] =	stream.indirect.gather [hbm4b:s3+s5], $0x80, s22, s5, $0xb8;
	[tilespmem:$0x1A910] =	vst v63  }
0x1f6: {  	s21 =	simm.s32 $0x11F8  }
0x1f7: {  	[tilespmem:s8], [sflag:$0x1] =	stream.indirect.gather [hbm4b:s3+s15], $0x80, s21, s15, $0xb8;
	[tilespmem:$0x1A910] =	vst v63  }
0x1f8: {  	s22 =	simm.s32 $0x1278  }
0x1f9: {  	[tilespmem:s19], [sflag:$0x1] =	stream.indirect.gather [hbm4b:s3+s5], $0x80, s22, s5, $0xb8;
	[tilespmem:$0x1A910] =	vst v63  }
0x1fa: {  	_ =	swait.ge [sflag:s1], $0x4000  }
0x1fb: {  	[sflag:s1] =	ssyncset.done $0x0  }
0x1fc: {  	[sflag:s1] =	ssyncadd.s32 $0xFFFFC000  }
0x1fd: {  	_ =	swait.ge [sflag:s1], $0x2400  }
0x1fe: {  	[sflag:s1] =	ssyncset.done $0x0  }
0x1ff: {  	[sflag:s1] =	ssyncadd.s32 $0xFFFFDC00  }
0x200: {  	_ =	swait.ge [sflag:s1], $0x4000  }
0x201: {  	[sflag:s1] =	ssyncset.done $0x0  }
0x202: {  	[sflag:s1] =	ssyncadd.s32 $0xFFFFC000  }
0x203: {  	_ =	swait.ge [sflag:s1], $0x2400  }
0x204: {  	[sflag:s1] =	ssyncset.done $0x0  }
0x205: {  	[sflag:s1] =	ssyncadd.s32 $0xFFFFDC00  }
0x206: {  	_ =	swait.ge [sflag:s1], $0x4000  }
0x207: {  	[sflag:s1] =	ssyncset.done $0x0  }
0x208: {  	[sflag:s1] =	ssyncadd.s32 $0xFFFFC000  }
0x209: {  	_ =	swait.ge [sflag:s1], $0x2400  }
0x20a: {  	[sflag:s1] =	ssyncset.done $0x0  }
0x20b: {  	[sflag:s1] =	ssyncadd.s32 $0xFFFFDC00  }
0x20c: {  	_ =	swait.ge [sflag:s1], $0x4000  }
0x20d: {  	[sflag:s1] =	ssyncset.done $0x0  }
0x20e: {  	[sflag:s1] =	ssyncadd.s32 $0xFFFFC000  }
0x20f: {  	_ =	swait.ge [sflag:s1], $0x2400  }
0x210: {  	s10 =	simm.s32 $0x1980;
	[sflag:s1] =	ssyncset.done $0x0  }
0x211: {  	s21 =	simm.s32 $0x8;
	s22 =	sadd.s32 $0x0, s29;
	[sflag:s1] =	ssyncadd.s32 $0xFFFFDC00  }
.LBB2_14:
0x212: {  	[hbm4b:s22+s24] =	stream.linear.scatter [tilespmem:s9], [sflag:$0x3], $0x40, $0x38;
	[tilespmem:$0x1A910] =	vst v63  }
0x213: {  	s22 =	smov.u32 s21;
	s9 =	smov.u32 s10;
	p0 =	sne.s32 s21, $0x18F8  }
.Ltmp6:
0x214: {  	s21 =	sadd.s32 $0x8, s21;
	(pc) =	sbr.rel @p0 .LBB2_14-.Ltmp6, $2  }
0x215: {  	_ =	sdelay $0x2  }
0x216: {  	s10 =	sadd.s32 $0x80, s10;
	s22 =	sadd.s32 s22, s29  }
0x217: {  	[hbm4b:s22+s24] =	stream.linear.scatter [tilespmem:s9], [sflag:$0x3], $0x40, $0x38;
	[tilespmem:$0x1A910] =	vst v63  }
0x218: {  	_ =	swait.ge [sflag:s13], $0xC800  }
0x219: {  	[sflag:s13] =	ssyncset.done $0x0  }
0x21a: {  	s9 =	simm.s32 $0x1900;
	s10 =	simm.s32 $0x12C0;
	[sflag:s13] =	ssyncadd.s32 $0xFFFF3800  }
0x21b: {  	[tilespmem:s9], [sflag:$0x1] =	stream.indirect.gather [hbm4b:s3+s15], $0x80, s10, s15, $0xb8;
	[tilespmem:$0x1A910] =	vst v63  }
0x21c: {  	s22 =	simm.s32 $0x1340  }
0x21d: {  	[tilespmem:s16], [sflag:$0x1] =	stream.indirect.gather [hbm4b:s3+s5], $0x80, s22, s5, $0xb8;
	[tilespmem:$0x1A910] =	vst v63  }
0x21e: {  	s21 =	simm.s32 $0x1388  }
0x21f: {  	[tilespmem:s6], [sflag:$0x1] =	stream.indirect.gather [hbm4b:s3+s15], $0x80, s21, s15, $0xb8;
	[tilespmem:$0x1A910] =	vst v63  }
0x220: {  	s22 =	simm.s32 $0x1408  }
0x221: {  	[tilespmem:s17], [sflag:$0x1] =	stream.indirect.gather [hbm4b:s3+s5], $0x80, s22, s5, $0xb8;
	[tilespmem:$0x1A910] =	vst v63  }
0x222: {  	s21 =	simm.s32 $0x1450  }
0x223: {  	[tilespmem:s7], [sflag:$0x1] =	stream.indirect.gather [hbm4b:s3+s15], $0x80, s21, s15, $0xb8;
	[tilespmem:$0x1A910] =	vst v63  }
0x224: {  	s22 =	simm.s32 $0x14D0  }
0x225: {  	[tilespmem:s18], [sflag:$0x1] =	stream.indirect.gather [hbm4b:s3+s5], $0x80, s22, s5, $0xb8;
	[tilespmem:$0x1A910] =	vst v63  }
0x226: {  	s21 =	simm.s32 $0x1518  }
0x227: {  	[tilespmem:s8], [sflag:$0x1] =	stream.indirect.gather [hbm4b:s3+s15], $0x80, s21, s15, $0xb8;
	[tilespmem:$0x1A910] =	vst v63  }
0x228: {  	s22 =	simm.s32 $0x1598  }
0x229: {  	[tilespmem:s19], [sflag:$0x1] =	stream.indirect.gather [hbm4b:s3+s5], $0x80, s22, s5, $0xb8;
	[tilespmem:$0x1A910] =	vst v63  }
0x22a: {  	_ =	swait.ge [sflag:s1], $0x4000  }
0x22b: {  	[sflag:s1] =	ssyncset.done $0x0  }
0x22c: {  	[sflag:s1] =	ssyncadd.s32 $0xFFFFC000  }
0x22d: {  	_ =	swait.ge [sflag:s1], $0x2400  }
0x22e: {  	[sflag:s1] =	ssyncset.done $0x0  }
0x22f: {  	[sflag:s1] =	ssyncadd.s32 $0xFFFFDC00  }
0x230: {  	_ =	swait.ge [sflag:s1], $0x4000  }
0x231: {  	[sflag:s1] =	ssyncset.done $0x0  }
0x232: {  	[sflag:s1] =	ssyncadd.s32 $0xFFFFC000  }
0x233: {  	_ =	swait.ge [sflag:s1], $0x2400  }
0x234: {  	[sflag:s1] =	ssyncset.done $0x0  }
0x235: {  	[sflag:s1] =	ssyncadd.s32 $0xFFFFDC00  }
0x236: {  	_ =	swait.ge [sflag:s1], $0x4000  }
0x237: {  	[sflag:s1] =	ssyncset.done $0x0  }
0x238: {  	[sflag:s1] =	ssyncadd.s32 $0xFFFFC000  }
0x239: {  	_ =	swait.ge [sflag:s1], $0x2400  }
0x23a: {  	[sflag:s1] =	ssyncset.done $0x0  }
0x23b: {  	[sflag:s1] =	ssyncadd.s32 $0xFFFFDC00  }
0x23c: {  	_ =	swait.ge [sflag:s1], $0x4000  }
0x23d: {  	[sflag:s1] =	ssyncset.done $0x0  }
0x23e: {  	[sflag:s1] =	ssyncadd.s32 $0xFFFFC000  }
0x23f: {  	_ =	swait.ge [sflag:s1], $0x2400  }
0x240: {  	s10 =	simm.s32 $0x1980;
	[sflag:s1] =	ssyncset.done $0x0  }
0x241: {  	s21 =	simm.s32 $0x8;
	s22 =	sadd.s32 $0x0, s0;
	[sflag:s1] =	ssyncadd.s32 $0xFFFFDC00  }
.LBB2_16:
0x242: {  	[hbm4b:s22+s24] =	stream.linear.scatter [tilespmem:s9], [sflag:$0x3], $0x40, $0x38;
	[tilespmem:$0x1A910] =	vst v63  }
0x243: {  	s22 =	smov.u32 s21;
	s9 =	smov.u32 s10;
	p0 =	sne.s32 s21, $0x18F8  }
.Ltmp7:
0x244: {  	s21 =	sadd.s32 $0x8, s21;
	(pc) =	sbr.rel @p0 .LBB2_16-.Ltmp7, $2  }
0x245: {  	_ =	sdelay $0x2  }
0x246: {  	s10 =	sadd.s32 $0x80, s10;
	s22 =	sadd.s32 s22, s0  }
0x247: {  	[hbm4b:s22+s24] =	stream.linear.scatter [tilespmem:s9], [sflag:$0x3], $0x40, $0x38;
	[tilespmem:$0x1A910] =	vst v63  }
0x248: {  	_ =	swait.ge [sflag:s13], $0xC800  }
0x249: {  	[sflag:s13] =	ssyncset.done $0x0  }
0x24a: {  	s9 =	simm.s32 $0x1900;
	[sflag:s13] =	ssyncadd.s32 $0xFFFF3800  }
0x24b: {  	[tilespmem:s9], [sflag:$0x1] =	stream.indirect.gather [hbm4b:s3+s15], $0x80, s11, s15, $0xb8;
	[tilespmem:$0x1A910] =	vst v63  }
0x24c: {  	s10 =	simm.s32 $0x1660  }
0x24d: {  	[tilespmem:s16], [sflag:$0x1] =	stream.indirect.gather [hbm4b:s3+s5], $0x80, s10, s5, $0xb8;
	[tilespmem:$0x1A910] =	vst v63  }
0x24e: {  	_ = 	snop  }
0x24f: {  	[tilespmem:s6], [sflag:$0x1] =	stream.indirect.gather [hbm4b:s3+s15], $0x80, s23, s15, $0xb8;
	[tilespmem:$0x1A910] =	vst v63  }
0x250: {  	s22 =	simm.s32 $0x1728  }
0x251: {  	[tilespmem:s17], [sflag:$0x1] =	stream.indirect.gather [hbm4b:s3+s5], $0x80, s22, s5, $0xb8;
	[tilespmem:$0x1A910] =	vst v63  }
0x252: {  	_ = 	snop  }
0x253: {  	[tilespmem:s7], [sflag:$0x1] =	stream.indirect.gather [hbm4b:s3+s15], $0x80, s12, s15, $0xb8;
	[tilespmem:$0x1A910] =	vst v63  }
0x254: {  	s21 =	simm.s32 $0x17F0  }
0x255: {  	[tilespmem:s18], [sflag:$0x1] =	stream.indirect.gather [hbm4b:s3+s5], $0x80, s21, s5, $0xb8;
	[tilespmem:$0x1A910] =	vst v63  }
0x256: {  	_ = 	snop  }
0x257: {  	[tilespmem:s8], [sflag:$0x1] =	stream.indirect.gather [hbm4b:s3+s15], $0x80, s14, s15, $0xb8;
	[tilespmem:$0x1A910] =	vst v63  }
0x258: {  	s22 =	simm.s32 $0x18B8  }
0x259: {  	[tilespmem:s19], [sflag:$0x1] =	stream.indirect.gather [hbm4b:s3+s5], $0x80, s22, s5, $0xb8;
	[tilespmem:$0x1A910] =	vst v63  }
0x25a: {  	_ =	swait.ge [sflag:s1], $0x4000  }
0x25b: {  	[sflag:s1] =	ssyncset.done $0x0  }
0x25c: {  	[sflag:s1] =	ssyncadd.s32 $0xFFFFC000  }
0x25d: {  	_ =	swait.ge [sflag:s1], $0x2400  }
0x25e: {  	[sflag:s1] =	ssyncset.done $0x0  }
0x25f: {  	[sflag:s1] =	ssyncadd.s32 $0xFFFFDC00  }
0x260: {  	_ =	swait.ge [sflag:s1], $0x4000  }
0x261: {  	[sflag:s1] =	ssyncset.done $0x0  }
0x262: {  	[sflag:s1] =	ssyncadd.s32 $0xFFFFC000  }
0x263: {  	_ =	swait.ge [sflag:s1], $0x2400  }
0x264: {  	[sflag:s1] =	ssyncset.done $0x0  }
0x265: {  	[sflag:s1] =	ssyncadd.s32 $0xFFFFDC00  }
0x266: {  	_ =	swait.ge [sflag:s1], $0x4000  }
0x267: {  	[sflag:s1] =	ssyncset.done $0x0  }
0x268: {  	[sflag:s1] =	ssyncadd.s32 $0xFFFFC000  }
0x269: {  	_ =	swait.ge [sflag:s1], $0x2400  }
0x26a: {  	[sflag:s1] =	ssyncset.done $0x0  }
0x26b: {  	[sflag:s1] =	ssyncadd.s32 $0xFFFFDC00  }
0x26c: {  	_ =	swait.ge [sflag:s1], $0x4000  }
0x26d: {  	[sflag:s1] =	ssyncset.done $0x0  }
0x26e: {  	[sflag:s1] =	ssyncadd.s32 $0xFFFFC000  }
0x26f: {  	_ =	swait.ge [sflag:s1], $0x2400  }
0x270: {  	s10 =	simm.s32 $0x1980;
	[sflag:s1] =	ssyncset.done $0x0  }
0x271: {  	s21 =	simm.s32 $0x8;
	s22 =	sadd.s32 $0x0, s2;
	[sflag:s1] =	ssyncadd.s32 $0xFFFFDC00  }
.LBB2_18:
0x272: {  	[hbm4b:s22+s24] =	stream.linear.scatter [tilespmem:s9], [sflag:$0x3], $0x40, $0x38;
	[tilespmem:$0x1A910] =	vst v63  }
0x273: {  	s22 =	smov.u32 s21;
	s9 =	smov.u32 s10;
	p0 =	sne.s32 s21, $0x18F8  }
.Ltmp8:
0x274: {  	s21 =	sadd.s32 $0x8, s21;
	(pc) =	sbr.rel @p0 .LBB2_18-.Ltmp8, $2  }
0x275: {  	_ =	sdelay $0x2  }
0x276: {  	s10 =	sadd.s32 $0x80, s10;
	s22 =	sadd.s32 s22, s2  }
0x277: {  	[hbm4b:s22+s24] =	stream.linear.scatter [tilespmem:s9], [sflag:$0x3], $0x40, $0x38;
	[tilespmem:$0x1A910] =	vst v63  }
0x278: {  	_ =	swait.ge [sflag:s13], $0xC800  }
0x279: {  	s22 =	sld [smem:$0x7FC];
	_ =	sdelay $0x1  }
0x27a: {  	s20 =	sadd.s32 $0x1, s20  }
0x27b: {  	p0 =	sne.s32 s20, s22  }
.Ltmp9:
0x27c: {  	_ = 	snop;
	(pc) =	sbr.rel @p0 .LBB2_1-.Ltmp9, $3  }
0x27d: {  	_ =	sdelay $0x1  }
0x27e: {  	[sflag:s13] =	ssyncset.done $0x0  }
0x27f: {  	[sflag:s13] =	ssyncadd.s32 $0xFFFF3800;
	s22 =	simm.s32 $0xC8  }
0x280: {  	_ =	sfence.sel $0x180000  }
0x281: {  	[bflag:$0x0] =	sbarrier.arrive $0xFFFF  }
0x282: {  	_ =	strace $0x90000047  }
0x283: {  	s0 =	stileid.u32;
	[bflag:$0x2] =	sbarrier.arrive $0xFFFF  }
0x284: {  	p0 =	sne.s32 s0, $0x0;
	s0 =	rddreg [dreg:$0x2]  }
0x285: {  	s0 =	sadd.s32 @!p0 $0x100000, s0  }
0x286: {  	[sflag:s0] =	ssyncadd.tile.s32 @!p0 $0x1;
	_ =	shalt  }
.Lfunc_end2:
_tile_overlayer_lowered:
.L_overlay_start_2:
0x287: {  	(tag) =	ssettag $0x2  }
0x288: {  	s0 =	rddreg [dreg:$0x0];
	s2 =	stileid.u32  }
0x289: {  	s1 =	rddreg [dreg:$0x1];
	p0 =	sne.s32 s2, $0x0  }
0x28a: {  	s3 =	rddreg [dreg:$0x2];
	[bflag:$0x3] =	sbarrier.arrive $0xFFFF;
	s2 =	simm.s32 @!p0 $0x1C03  }
0x28b: {  	[timem:s3], [sflag:s2] =	dma.local @!p0 [hbm:s0], s1  }
0x28c: {  	s0 =	simm.s32 @!p0 $0x3  }
0x28d: {  	_ =	swait.ge @!p0 [sflag:s0], s1  }
0x28e: {  	s1 =	ssub.s32 @!p0 $0x0, s1;
	[sflag:s0] =	ssyncset.done @!p0 $0x0  }
0x28f: {  	[sflag:s0] =	ssyncadd.s32 @!p0 s1  }
0x290: {  	[bflag:$0x3] =	sbarrier.arrive $0xFFFF  }
0x291: {  	_ =	shalt  }

// kernel: sparse-core-data-format-call.cloned.1.call-start
scs
called_computation_lowered:
.L_overlay_start_0:
0x0: {  	s2 =	sld [smem:$0x3FD9]  }
0x1: {  	s3 =	sld [smem:$0x3FFE];
	_ =	sdelay $0x1  }
0x2: {  	s1 =	srdreg.scid  }
0x3: {  	s0 =	sand.u32 $0x1, s1  }
0x4: {  	s18 =	sshll.u32 s0, $0xA;
	s2 =	sadd.s32 s3, s2  }
0x5: {  	s2 =	sadd.s32 s2, s18  }
0x6: {  	[smem:$0x3FC5] =	sst s2  }
0x7: {  	_ = 	snop  }
0x8: {  	s2 =	sld [smem:$0x3FD0];
	(tm) =	ssettm $0x1  }
0x9: {  	s19 =	sld [smem:$0x3FFB];
	_ =	sdelay $0x3  }
0xa: {  	_ =	strace s19  }
0xb: {  	s3 =	sld [smem:$0x3FFC];
	_ =	sdelay $0x3  }
0xc: {  	_ =	strace s3  }
0xd: {  	s3 =	sld [smem:$0x3FFD];
	_ =	sdelay $0x3  }
0xe: {  	_ =	strace s3  }
0xf: {  	_ =	strace $0x8FFFFFFF  }
0x10: {  	s20 =	sld [smem:$0x3FDB];
	_ =	sdelay $0x1  }
0x11: {  	s4 =	simm.s32 $_scs_section_size  }
0x12: {  	s5 =	simm.s32 $_size__tile_overlayer_lowered;
	s6 =	simm.s32 $_tile_overlayer_lowered  }
0x13: {  	s23 =	simm.s32 $0x1BFF;
	s22 =	sshll.u32 s6, $0x1;
	s3 =	sadd.s32 s4, s20  }
0x14: {  	s7 =	simm.s32 $0x0;
	s21 =	sshll.u32 s5, $0x1;
	s5 =	sadd.s32 s22, s3  }
0x15: {  	[timem:s7], [sflag:s23] =	dma.local [hbm:s5], s21  }
0x16: {  	_ =	swait.ge [sflag:s23], s21  }
0x17: {  	s4 =	ssub.s32 $0x0, s21;
	[sflag:s23] =	ssyncset.done $0x0  }
0x18: {  	[sflag:s23] =	ssyncadd.s32 s4;
	_ =	sdelay $0x1  }
0x19: {  	s24 =	simm.s32 $0x1B8B  }
0x1a: {  	_ =	swait.ge [sflag:s24], $0x1  }
0x1b: {  	[sflag:s24] =	ssyncset.done $0x0  }
0x1c: {  	s26 =	simm.s32 $0x1B8E;
	s25 =	sld [smem:$0x3FFE];
	[sflag:s24] =	ssyncadd.s32 $0xFFFFFFFF  }
0x1d: {  	s27 =	simm.s32 $execute0_lowered;
	[smem:$0x3FD2] =	sst s26  }
0x1e: {  	s5 =	sshll.u32 s27, $0x1;
	_ =	strace $0x80000049;
	[dreg:$0x1] =	wrdreg $0xFFFFFFFF  }
0x1f: {  	s28 =	simm.s32 $_size_execute0_lowered;
	s3 =	sadd.s32 s3, s5;
	[dreg:$0x0] =	wrdreg $0x0  }
0x20: {  	s5 =	sshll.u32 s28, $0x1;
	[dreg:$0x2] =	wrdreg s3  }
0x21: {  	[dreg:$0x3] =	wrdreg s5  }
0x22: {  	[dreg:$0x4] =	wrdreg $0xC0  }
0x23: {  	_ =	task [dreg:s7], $0x5FFFF  }
0x24: {  	[dreg:$0x1] =	wrdreg $0xFFFFFFFF  }
0x25: {  	[dreg:$0x0] =	wrdreg $0x60  }
0x26: {  	[dreg:$0x2] =	wrdreg s25  }
0x27: {  	[dreg:$0x3] =	wrdreg s2  }
0x28: {  	[dreg:$0x4] =	wrdreg $0x9  }
0x29: {  	_ =	task.clear_ibuf [dreg:s7], $0x5FFFF;
	_ =	strace $0x90000049  }
0x2a: {  	s29 =	simm.s32 $0x9;
	_ =	strace $0x8000004B  }
0x2b: {  	_ =	swait.ge [sflag:s29], $0x1  }
0x2c: {  	[sflag:s29] =	ssyncadd.s32 $0xFFFFFFFF  }
0x2d: {  	_ =	strace $0x9000004B  }
0x2e: {  	_ =	sfence  }
0x2f: {  	s30 =	sld [smem:$0x0];
	_ =	sdelay $0x2  }
0x30: {  	s31 =	sshll.u32 s1, $0xD;
	s1 =	sshrl.u32 s1, $0x2  }
0x31: {  	s3 =	sand.u32 $0x4000, s31;
	s1 =	sadd.s32 s1, s30  }
0x32: {  	s0 =	sor.u32 s3, s0;
	s1 =	sshll.u32 s1, $0x11  }
0x33: {  	s0 =	sor.u32 s1, s0  }
0x34: {  	s0 =	sadd.s32 $0x8F2B, s0  }
0x35: {  	[sflag:s0] =	ssyncadd.remote.s32 $0x1  }
0x36: {  	_ =	sfence.sel $0xFFFF  }
0x37: {  	[dreg:$0x0] =	wrdreg $0xFFFFFFFF;
	(pc) =	sbr.abs _section_cstart, $3  }
0x38: {  	[dreg:$0x1] =	wrdreg $0xFFFFFFFF  }
0x39: {  	_ =	task.clear_ibuf [dreg:s7], $0x2FFFF;
	_ =	strace $0x9FFFFFFF  }
0x3a: {  	(tm) =	ssettm $0x7FFFFFFF  }
0x3b: {  	_ =	shalt  }
tec
execute0_lowered:
.L_overlay_start_1:
0x0: {  	(tag) =	ssettag $0x1  }
0x1: {  	s0 =	stileid.u32;
	s6 =	rddreg [dreg:$0x0]  }
0x2: {  	s2 =	rddreg [dreg:$0x1];
	s5 =	srdreg.scid  }
0x3: {  	s31 =	simm.s32 $0x2;
	s13 =	simm.s32 $0x0;
	s1 =	sshll.u32 s0, $0x7  }
0x4: {  	s14 =	simm.s32 $0x0;
	s12 =	simm.s32 $0x0;
	s3 =	sand.u32 $0x380, s1  }
0x5: {  	s5 =	sshll.u32 s5, $0x4;
	s6 =	sadd.s32 $0xA00, s6;
	s4 =	ssub.s32 $0x400, s3  }
0x6: {  	s1 =	rddreg [dreg:$0x2];
	_ =	strace $0x8000004A;
	s7 =	sand.u32 $0x380, s4  }
0x7: {  	s5 =	sand.u32 $0x10, s5;
	p0 =	sne.s32 s7, $0x0;
	s7 =	simm.s32 $0x1  }
.Ltmp0:
0x8: {  	s8 =	sshrl.u32 s4, $0xA;
	s7 =	simm.s32 @!p0 $0x0;
	(pc) =	sbr.rel .LBB1_1-.Ltmp0, $4  }
0x9: {  	s9 =	sor.u32 s0, s5;
	s4 =	simm.s32 $0x1;
	s30 =	sadd.s32 s7, s8  }
0xa: {  	s11 =	smov.u32 s3;
	[sflag:s4] =	ssyncpa.u1 $0x0;
	s5 =	smul.u32 $0x32, s30  }
0xb: {  	[sflag:s31] =	ssyncpa.u1 $0x0;
	p0 =	por $0x0, $0x0;
	s7 =	sshrl.u32 s9, $0x3  }
0xc: {  	s9 =	simm.s32 $0x2000;
	s10 =	smov.u32 s7;
	s8 =	sor.u32 $0x1, s5  }
.LBB1_4:
0xd: {  	s17 =	sand.u32 $0x1F80, s14;
	s13 =	sshll.u32 s13, $0xD  }
0xe: {  	[tilespmem:s16+$0x810 ss:$0x81] =	vst.msk $0xffff, v2;
	s18 =	sshrl.u32 s14, $0x3;
	s31 =	sand.u32 $0x7, s14;
	s17 =	sadd.s32 s2, s17  }
0xf: {  	[tilespmem:s16+$0x1020 ss:$0x81] =	vst.msk $0xffff, v0;
	s18 =	sand.u32 $0xF, s18;
	s14 =	sshll.u32 s31, $0x12;
	s13 =	sadd.s32 s13, s17  }
0x10: {  	[tilespmem:s16+$0x0 ss:$0x81] =	vst.msk $0xffff, v1;
	s14 =	sor.u32 $0x400, s14;
	s13 =	sadd.s32 s18, s13  }
0x11: {  	[hbm4b:s13+s14] =	stream.strided.scatter [tilespmem:s15], [sflag:$0x2], $0x2000, s9, s14, $0x20;
	[tilespmem:$0x8080] =	vst v63  }
.LBB1_5:
0x12: {  	s15 =	sadd.s32 $0x4, s10  }
0x13: {  	s13 =	sadd.s32 $0x400, s11;
	s17 =	smov.u32 s11;
	p2 =	sgt.s32 s15, $0xC7  }
0x14: {  	s17 =	smov.u32 @p2 s13  }
0x15: {  	s15 =	smov.u32 @p2 s7;
	p2 =	sgt.s32 s17, $0x3FF  }
0x16: {  	s17 =	smov.u32 @p2 s3;
	p2 =	sne.s32 s12, s8  }
.Ltmp1:
0x17: {  	p1 =	slt.u32 s12, $0x2;
	(pc) =	sbr.rel @!p2 .LBB1_6-.Ltmp1, $4  }
0x18: {  	s16 =	simm.s32 @!p1 $0x2  }
0x19: {  	s14 =	smov.u32 s11;
	p0 =	por !p0, !p0;
	_ =	swait.ge @!p1 [sflag:s16], $0x2000  }
0x1a: {  	s13 =	smov.u32 s10;
	[sflag:s16] =	ssyncset.done @!p1 $0x0;
	s10 =	smov.u32 s15  }
0x1b: {  	s12 =	sadd.s32 $0x1, s12;
	[sflag:s16] =	ssyncadd.s32 @!p1 $0xFFFFE000;
	s11 =	smov.u32 s17  }
.LBB1_1:
0x1c: {  	p1 =	sge.u32 s12, s5  }
0x1d: {  	s15 =	sand.u32 @!p1 $0x1FFFFFF, s10  }
0x1e: {  	s16 =	smulhi.u32 @!p1 $0x147AE15, s15;
	_ =	sdelay $0x1  }
0x1f: {  	s16 =	smul.u32 @!p1 $0xC8, s16  }
0x20: {  	s17 =	sxor.u32 @!p1 $0xFFFFFFFF, s12;
	s18 =	smul.u32 @!p1 $0xC80, s11  }
0x21: {  	s31 =	sadd.s32 $0xFFFFFFFF, s12;
	s17 =	sshll.u32 @!p1 s17, $0xD;
	s15 =	ssub.s32 @!p1 s15, s16  }
0x22: {  	s16 =	sand.u32 @!p1 $0x2000, s17;
	s17 =	sadd.s32 @!p1 s6, s18;
	s15 =	sshll.u32 @!p1 s15, $0x4  }
0x23: {  	s18 =	simm.s32 @!p1 $0x6400;
	s15 =	sadd.s32 @!p1 s15, s17;
	s17 =	simm.s32 @!p1 $0x40  }
0x24: {  	[tilespmem:s16], [sflag:$0x1] =	stream.strided.gather @!p1 [hbm4b:s15+s17], $0x2000, s18, s17, $0x38;
	[tilespmem:$0x8080] =	vst v63  }
0x25: {  	p1 =	sge.u32 s31, s5  }
.Ltmp2:
0x26: {  	_ = 	snop;
	(pc) =	sbr.rel @p1 .LBB1_5-.Ltmp2, $1  }
0x27: {  	_ =	sdelay $0x3  }
0x28: {  	s15 =	simm.s32 $0x1  }
0x29: {  	_ =	swait.ge [sflag:s4], $0x2000;
	s15 =	simm.s32 @!p0 $0x0  }
0x2a: {  	[sflag:s4] =	ssyncset.done $0x0;
	s16 =	sshll.u32 s15, $0xD  }
0x2b: {  	[sflag:s4] =	ssyncadd.s32 $0xFFFFE000;
	s19 =	sor.u32 $0x20, s16  }
0x2c: {  	s15 =	smul.u32 $0x8100, s15;
	v3 =	vld [tilespmem:s19+$0x10]  }
0x2d: {  	s30 =	sand.u32 $0x1, s12;
	v2 =	vld [tilespmem:s19+$0xFFFFFFF0]  }
0x2e: {  	s16 =	smul.u32 $0x8100, s30;
	s15 =	sshrl.u32 s15, $0x2;
	v0 =	vld [tilespmem:s19+$0x0]  }
0x2f: {  	v1 =	vld [tilespmem:s19+$0xFFFFFFE0];
	s17 =	sor.u32 $0x4000, s15  }
0x30: {  	s31 =	sshrl.u32 s16, $0x2;
	s16 =	sadd.s32 $0x0, s17  }
0x31: {  	s18 =	simm.s32 $0x4;
	s19 =	sadd.s32 $0x40, s19;
	s15 =	sor.u32 $0x4000, s31;
	[tilespmem:s16+$0x1830 ss:$0x81] =	vst.msk $0xffff, v3  }
.LBB1_3:
0x32: {  	v3 =	vld [tilespmem:s19+$0x10];
	p1 =	sne.s32 s18, $0x1FC;
	[tilespmem:s16+$0x810 ss:$0x81] =	vst.msk $0xffff, v2;
	s20 =	smov.u32 s18;
	s18 =	sadd.s32 $0x4, s18  }
.Ltmp3:
0x33: {  	v2 =	vld [tilespmem:s19+$0xFFFFFFF0];
	[tilespmem:s16+$0x1020 ss:$0x81] =	vst.msk $0xffff, v0;
	(pc) =	sbr.rel @p1 .LBB1_3-.Ltmp3, $4  }
0x34: {  	v0 =	vld [tilespmem:s19+$0x0];
	[tilespmem:s16+$0x0 ss:$0x81] =	vst.msk $0xffff, v1  }
0x35: {  	s16 =	sshra.s32 s20, $0x2;
	v1 =	vld [tilespmem:s19+$0xFFFFFFE0]  }
0x36: {  	s16 =	sadd.s32 s16, s17  }
0x37: {  	s19 =	sadd.s32 $0x40, s19;
	[tilespmem:s16+$0x1830 ss:$0x81] =	vst.msk $0xffff, v3  }
.Ltmp4:
0x38: {  	_ = 	snop;
	(pc) =	sbr.rel .LBB1_4-.Ltmp4, $1  }
0x39: {  	_ =	sdelay $0x3  }
.LBB1_6:
0x3a: {  	_ =	sfence.sel $0x180000  }
0x3b: {  	s2 =	simm.s32 $0x1;
	[bflag:$0x0] =	sbarrier.arrive $0xFFFF  }
0x3c: {  	s31 =	simm.s32 $0x2;
	[sflag:s2] =	ssyncpa.u1 $0x1  }
0x3d: {  	[sflag:s31] =	ssyncpa.u1 $0x1  }
0x3e: {  	p0 =	sne.s32 s0, $0x0;
	_ =	strace $0x9000004A  }
0x3f: {  	s0 =	sadd.s32 @!p0 $0x100000, s1;
	[bflag:$0x2] =	sbarrier.arrive $0xFFFF  }
0x40: {  	[sflag:s0] =	ssyncadd.tile.s32 @!p0 $0x1;
	_ =	shalt  }
.Lfunc_end1:
_tile_overlayer_lowered:
.L_overlay_start_2:
0x41: {  	(tag) =	ssettag $0x2  }
0x42: {  	s0 =	rddreg [dreg:$0x0];
	s2 =	stileid.u32  }
0x43: {  	s1 =	rddreg [dreg:$0x1];
	p0 =	sne.s32 s2, $0x0  }
0x44: {  	s3 =	rddreg [dreg:$0x2];
	[bflag:$0x3] =	sbarrier.arrive $0xFFFF;
	s2 =	simm.s32 @!p0 $0x1C01  }
0x45: {  	[timem:s3], [sflag:s2] =	dma.local @!p0 [hbm:s0], s1  }
0x46: {  	s0 =	simm.s32 @!p0 $0x1  }
0x47: {  	_ =	swait.ge @!p0 [sflag:s0], s1  }
0x48: {  	s1 =	ssub.s32 @!p0 $0x0, s1;
	[sflag:s0] =	ssyncset.done @!p0 $0x0  }
0x49: {  	[sflag:s0] =	ssyncadd.s32 @!p0 s1  }
0x4a: {  	[bflag:$0x3] =	sbarrier.arrive $0xFFFF  }
0x4b: {  	_ =	shalt  }

</sc_bundles>
